<compile_context>
chip_gen: v7x
topology: tpu7x:2x2x1
jax: 0.10.2.dev20260603
libtpu: 0.0.44.dev20260713+nightly
codegen_flags: <defaults>
</compile_context>

<pallas_src>
import functools

import jax
import jax.numpy as jnp
from jax import lax
from jax.experimental import pallas as pl
from jax.experimental.pallas import tpu as pltpu
from jax.experimental.pallas import tpu_sc as plsc

N_NODES = 10000
N_EDGES = 320000
D_IN = 128
D_HID = 64
D_OUT = 40
D_OUT_PAD = 48

NC = 2
NS = 16
NW = NC * NS
CHUNK = 128
N_CHUNKS = 81
EDGES_PER_W_PAD = N_CHUNKS * CHUNK
E_PAD = EDGES_PER_W_PAD * NW
N_ROWS_IDX = E_PAD // CHUNK
N_ACC = 10240
ROWS_PER_SUB = N_ACC // NS
TBL_PER_SUB = N_NODES // NS

_mesh = plsc.VectorSubcoreMesh(core_axis_name="c", subcore_axis_name="s")
_sc_params = pltpu.CompilerParams(use_tc_tiling_on_sc=False)


def _wid():
    return lax.axis_index("s") * NC + lax.axis_index("c")



def _deg_body(idx_hbm, ones_hbm, zeros_hbm, out_hbm, col_v, ones_v, acc,
              dsem):
    cid = lax.axis_index("c")
    sid = lax.axis_index("s")
    base = sid * ROWS_PER_SUB
    pltpu.sync_copy(idx_hbm.at[1, pl.ds(_wid() * N_CHUNKS, N_CHUNKS)], col_v)
    pltpu.sync_copy(ones_hbm, ones_v)
    pltpu.sync_copy(zeros_hbm, acc.at[pl.ds(base, ROWS_PER_SUB)])
    plsc.subcore_barrier()

    def _ds(c):
        pltpu.async_copy(ones_v, acc.at[col_v.at[c]], dsem.at[c % 3],
                         add=True)

    def _dw(c):
        pltpu.make_async_copy(ones_v, acc.at[col_v.at[c]],
                              dsem.at[c % 3]).wait()

    _ds(0); _ds(1); _ds(2)

    @pl.loop(3, N_CHUNKS, step=3)
    def _(j):
        for boff in range(3):
            c = j + boff
            pltpu.make_async_copy(ones_v, acc.at[col_v.at[c - 2]],
                                  dsem.at[(c - 2) % 3]).wait()
            pltpu.async_copy(ones_v, acc.at[col_v.at[c]], dsem.at[c % 3],
                             add=True)

    _dw(0)
    _dw(N_CHUNKS - 2)
    _dw(N_CHUNKS - 1)

    plsc.subcore_barrier()
    pltpu.sync_copy(acc.at[pl.ds(base, ROWS_PER_SUB)],
                    out_hbm.at[cid, pl.ds(base, ROWS_PER_SUB)])


def _make_deg_kernel():
    return pl.kernel(
        _deg_body,
        out_type=jax.ShapeDtypeStruct((NC, N_ACC, 16), jnp.float32),
        mesh=_mesh,
        scratch_types=[
            pltpu.VMEM((N_CHUNKS, CHUNK), jnp.int32),
            pltpu.VMEM((CHUNK, 16), jnp.float32),
            pltpu.VMEM_SHARED((N_ACC, 16), jnp.float32),
            pltpu.SemaphoreType.DMA((3,)),
        ],
        compiler_params=_sc_params,
    )


def _agg_body(d, h_hbm, idx_hbm, zeros_hbm, out_hbm,
              row_v, col_v, msg_v, acc, tbl, gsem, ssem):
    cid = lax.axis_index("c")
    sid = lax.axis_index("s")
    base = sid * ROWS_PER_SUB
    wbase = _wid() * N_CHUNKS
    pltpu.sync_copy(idx_hbm.at[0, pl.ds(wbase, N_CHUNKS)], row_v)
    pltpu.sync_copy(idx_hbm.at[1, pl.ds(wbase, N_CHUNKS)], col_v)
    pltpu.sync_copy(zeros_hbm, acc.at[pl.ds(base, ROWS_PER_SUB)])
    tbase = sid * TBL_PER_SUB
    pltpu.sync_copy(h_hbm.at[pl.ds(tbase, TBL_PER_SUB)],
                    tbl.at[pl.ds(tbase, TBL_PER_SUB)])
    plsc.subcore_barrier()

    def _g(c):
        pltpu.async_copy(tbl.at[row_v.at[c]], msg_v.at[c % 3],
                         gsem.at[c % 3])

    def _gw(c):
        pltpu.make_async_copy(tbl.at[row_v.at[c]], msg_v.at[c % 3],
                              gsem.at[c % 3]).wait()

    def _s(c):
        pltpu.async_copy(msg_v.at[c % 3], acc.at[col_v.at[c]],
                         ssem.at[c % 3], add=True)

    def _sw(c):
        pltpu.make_async_copy(msg_v.at[c % 3], acc.at[col_v.at[c]],
                              ssem.at[c % 3]).wait()

    _g(0)
    _g(1); _gw(0); _s(0)
    _g(2); _gw(1); _s(1)
    _sw(0); _g(3); _gw(2); _s(2)

    @pl.loop(3, N_CHUNKS - 3, step=3)
    def _(j):
        for boff in range(3):
            c = j + boff
            pltpu.make_async_copy(msg_v.at[(c - 2) % 3],
                                  acc.at[col_v.at[c - 2]],
                                  ssem.at[(c - 2) % 3]).wait()
            pltpu.async_copy(tbl.at[row_v.at[c + 1]], msg_v.at[(c + 1) % 3],
                             gsem.at[(c + 1) % 3])
            pltpu.make_async_copy(tbl.at[row_v.at[c]], msg_v.at[c % 3],
                                  gsem.at[c % 3]).wait()
            pltpu.async_copy(msg_v.at[c % 3], acc.at[col_v.at[c]],
                             ssem.at[c % 3], add=True)

    _sw(N_CHUNKS - 5); _g(N_CHUNKS - 2); _gw(N_CHUNKS - 3); _s(N_CHUNKS - 3)
    _sw(N_CHUNKS - 4); _g(N_CHUNKS - 1); _gw(N_CHUNKS - 2); _s(N_CHUNKS - 2)
    _sw(N_CHUNKS - 3); _gw(N_CHUNKS - 1); _s(N_CHUNKS - 1)
    _sw(N_CHUNKS - 2)
    _sw(N_CHUNKS - 1)

    plsc.subcore_barrier()
    pltpu.sync_copy(acc.at[pl.ds(base, ROWS_PER_SUB)],
                    out_hbm.at[cid, pl.ds(base, ROWS_PER_SUB)])


def _make_agg_kernel(d):
    return pl.kernel(
        functools.partial(_agg_body, d),
        out_type=jax.ShapeDtypeStruct((NC, N_ACC, d), jnp.float32),
        mesh=_mesh,
        scratch_types=[
            pltpu.VMEM((N_CHUNKS, CHUNK), jnp.int32),
            pltpu.VMEM((N_CHUNKS, CHUNK), jnp.int32),
            pltpu.VMEM((3, CHUNK, d), jnp.float32),
            pltpu.VMEM_SHARED((N_ACC, d), jnp.float32),
            pltpu.VMEM_SHARED((N_NODES, d), jnp.float32),
            pltpu.SemaphoreType.DMA((3,)),
            pltpu.SemaphoreType.DMA((3,)),
        ],
        compiler_params=_sc_params,
    )



_BLK = 2000
_NPREP = 9
_EBLK = E_PAD // _NPREP


def _prep_body(ei_ref, idx_ref):
    i = pl.program_id(0)
    eb = ei_ref[...]
    nr = _EBLK // CHUNK
    row2 = jnp.reshape(eb[0], (nr, CHUNK))
    col2 = jnp.reshape(eb[1], (nr, CHUNK))
    eid = (i * _EBLK
           + lax.broadcasted_iota(jnp.int32, (nr, CHUNK), 0) * CHUNK
           + lax.broadcasted_iota(jnp.int32, (nr, CHUNK), 1))
    idx_ref[0] = row2
    idx_ref[1] = jnp.where(eid >= N_EDGES, N_NODES, col2)


def _dis_from_cnt(cnt_ref):
    c = cnt_ref[...]
    cnt = c[0, :, 0:1] + c[1, :, 0:1]
    return lax.rsqrt(cnt + 1.0)


def _mm_body(x_ref, w_ref, out_ref):
    out_ref[...] = jnp.dot(x_ref[...], w_ref[...],
                           preferred_element_type=jnp.float32)


def _scale_body(mm_ref, cnt_ref, out_ref):
    out_ref[...] = mm_ref[...] * _dis_from_cnt(cnt_ref)


def _mid_body(agg_ref, h1_ref, cnt_ref, b1_ref, w2_ref, out_ref):
    dis = _dis_from_cnt(cnt_ref)
    a = agg_ref[...]
    z = dis * (a[0] + a[1] + h1_ref[...]) + b1_ref[...]
    z = jnp.maximum(z, 0.0)
    h2 = jnp.dot(z, w2_ref[...], preferred_element_type=jnp.float32)
    out_ref[...] = h2 * dis


def _post_body(agg_ref, h2_ref, cnt_ref, b2_ref, out_ref):
    dis = _dis_from_cnt(cnt_ref)
    a = agg_ref[...]
    z = dis * (a[0] + a[1] + h2_ref[...]) + b2_ref[...]
    z = z[:, :D_OUT]
    m = jnp.max(z, axis=1, keepdims=True)
    e = jnp.exp(z - m)
    out_ref[...] = (z - m) - jnp.log(jnp.sum(e, axis=1, keepdims=True))


def _row_spec(d):
    return pl.BlockSpec((_BLK, d), lambda i: (i, 0))


def _full_spec(shape):
    return pl.BlockSpec(shape, lambda i: tuple(0 for _ in shape))


def _acc_spec(d):
    return pl.BlockSpec((NC, _BLK, d), lambda i: (0, i, 0))



def kernel(x, edge_index, W1, b1, W2, b2):
    ei = jnp.pad(edge_index.astype(jnp.int32), ((0, 0), (0, E_PAD - N_EDGES)))

    idx = pl.pallas_call(
        _prep_body,
        grid=(_NPREP,),
        in_specs=[pl.BlockSpec((2, _EBLK), lambda i: (0, i))],
        out_specs=pl.BlockSpec((2, _EBLK // CHUNK, CHUNK), lambda i: (0, i, 0)),
        out_shape=jax.ShapeDtypeStruct((2, N_ROWS_IDX, CHUNK), jnp.int32),
    )(ei)

    ones16 = jnp.ones((CHUNK, 16), jnp.float32)
    zeros16 = jnp.zeros((ROWS_PER_SUB, 16), jnp.float32)
    zeros_hid = jnp.zeros((ROWS_PER_SUB, D_HID), jnp.float32)
    zeros_out = jnp.zeros((ROWS_PER_SUB, D_OUT_PAD), jnp.float32)

    cnt = _make_deg_kernel()(idx, ones16, zeros16)

    grid = N_NODES // _BLK

    mm1 = pl.pallas_call(
        _mm_body,
        grid=(grid,),
        in_specs=[_row_spec(D_IN), _full_spec((D_IN, D_HID))],
        out_specs=_row_spec(D_HID),
        out_shape=jax.ShapeDtypeStruct((N_NODES, D_HID), jnp.float32),
    )(x, W1)

    h1 = pl.pallas_call(
        _scale_body,
        grid=(grid,),
        in_specs=[_row_spec(D_HID), _acc_spec(16)],
        out_specs=_row_spec(D_HID),
        out_shape=jax.ShapeDtypeStruct((N_NODES, D_HID), jnp.float32),
    )(mm1, cnt)

    agg1 = _make_agg_kernel(D_HID)(h1, idx, zeros_hid)

    W2p = jnp.zeros((D_HID, D_OUT_PAD), jnp.float32).at[:, :D_OUT].set(W2)
    b2p = jnp.zeros((1, D_OUT_PAD), jnp.float32).at[0, :D_OUT].set(b2)
    b1r = b1.reshape(1, D_HID)

    h2 = pl.pallas_call(
        _mid_body,
        grid=(grid,),
        in_specs=[_acc_spec(D_HID), _row_spec(D_HID), _acc_spec(16),
                  _full_spec((1, D_HID)), _full_spec((D_HID, D_OUT_PAD))],
        out_specs=_row_spec(D_OUT_PAD),
        out_shape=jax.ShapeDtypeStruct((N_NODES, D_OUT_PAD), jnp.float32),
    )(agg1, h1, cnt, b1r, W2p)

    agg2 = _make_agg_kernel(D_OUT_PAD)(h2, idx, zeros_out)

    out = pl.pallas_call(
        _post_body,
        grid=(grid,),
        in_specs=[_acc_spec(D_OUT_PAD), _row_spec(D_OUT_PAD), _acc_spec(16),
                  _full_spec((1, D_OUT_PAD))],
        out_specs=_row_spec(D_OUT),
        out_shape=jax.ShapeDtypeStruct((N_NODES, D_OUT), jnp.float32),
    )(agg2, h2, cnt, b2p)

    return out

# --- scband reference (transcript-rebuilt; emitter-appended) ---
"""Pipeline reference for scband-gcn-16922171146360 (READ-ONLY COPY).

The authoritative reference and input builder live on the scoring server;
editing this copy changes nothing except your own understanding.
"""

import jax, jax.numpy as jnp
import numpy as np

N_NODES = 10000
N_EDGES = 320000
D_IN = 128
D_HID = 64
D_OUT = 40


def setup_inputs(seed: int = 0) -> dict:
    key = jax.random.key(seed)
    k1, k2, k3, k4, k5, k6 = jax.random.split(key, 6)
    x = jax.random.normal(k1, (N_NODES, D_IN), dtype=jnp.float32)
    edge_index = jax.random.randint(k2, (2, N_EDGES), 0, N_NODES, dtype=jnp.int64)
    # Glorot-initialized weights like PyG GCNConv, zero bias
    s1 = (6.0 / (D_IN + D_HID)) ** 0.5
    W1 = jax.random.uniform(k3, (D_IN, D_HID), dtype=jnp.float32, minval=-s1, maxval=s1)
    b1 = jnp.zeros((D_HID,), dtype=jnp.float32)
    s2 = (6.0 / (D_HID + D_OUT)) ** 0.5
    W2 = jax.random.uniform(k4, (D_HID, D_OUT), dtype=jnp.float32, minval=-s2, maxval=s2)
    b2 = jnp.zeros((D_OUT,), dtype=jnp.float32)
    return {"x": x, "edge_index": edge_index, "W1": W1, "b1": b1, "W2": W2, "b2": b2}


def _gcn_conv(x, edge_index, W, b):
    # Faithful PyG GCNConv: add self-loops, symmetric normalization, linear, scatter-add aggregate, bias
    N = x.shape[0]
    loop = jnp.arange(N, dtype=edge_index.dtype)
    row = jnp.concatenate([edge_index[0], loop])  # source
    col = jnp.concatenate([edge_index[1], loop])  # target (aggregation)
    deg = jax.ops.segment_sum(jnp.ones_like(col, dtype=x.dtype), col, num_segments=N)
    deg_inv_sqrt = jnp.where(deg > 0, deg ** -0.5, 0.0)
    norm = deg_inv_sqrt[row] * deg_inv_sqrt[col]
    h = x @ W
    msg = jnp.take(h, row, axis=0) * norm[:, None]
    out = jax.ops.segment_sum(msg, col, num_segments=N)
    return out + b


def reference(x, edge_index, W1, b1, W2, b2):
    h = _gcn_conv(x, edge_index, W1, b1)
    h = jax.nn.relu(h)
    # dropout is identity in eval mode
    h = _gcn_conv(h, edge_index, W2, b2)
    return jax.nn.log_softmax(h, axis=1)

if __name__ == "__main__":
    import jax
    _d = setup_inputs()
    print(jax.jit(kernel)(*tuple(_d.values())))

</pallas_src>

<mosaic_0001>
#map = affine_map<(d0, d1) -> (0, 0)>
#map1 = affine_map<(d0, d1) -> (0, 0, 0)>
module attributes {stable_mosaic.version = 14 : i64} {
  func.func @_agg_body(%arg0: i32, %arg1: i32, %arg2: memref<10000x48xf32, #tpu.memory_space<hbm>>, %arg3: memref<2x2592x128xi32, #tpu.memory_space<hbm>>, %arg4: memref<640x48xf32, #tpu.memory_space<hbm>>, %arg5: memref<2x10240x48xf32, #tpu.memory_space<hbm>>, %arg6: memref<81x128xi32, #tpu.memory_space<vmem>>, %arg7: memref<81x128xi32, #tpu.memory_space<vmem>>, %arg8: memref<3x128x48xf32, #tpu.memory_space<vmem>>, %arg9: memref<10240x48xf32, #tpu.memory_space<vmem_shared>>, %arg10: memref<10000x48xf32, #tpu.memory_space<vmem_shared>>, %arg11: memref<3x!tpu.dma_semaphore, #tpu.memory_space<semaphore_mem>>, %arg12: memref<3x!tpu.dma_semaphore, #tpu.memory_space<semaphore_mem>>) attributes {dimension_semantics = [#tpu.dimension_semantics<core_parallel>, #tpu.dimension_semantics<subcore_parallel>], iteration_bounds = array<i64: 2, 16>, scalar_prefetch = 0 : i64, scratch_operands = 7 : i64, tpu.core_type = #tpu.core_type<sc_vector_subcore>, window_params = [{transform_indices = #map}, {transform_indices = #map1}, {transform_indices = #map}, {transform_indices = #map1}]} {
    %mul3A = arith.constant 640 : i32
    %mul3A_0 = arith.muli %arg1, %mul3A : i32
    %mul3A_1 = arith.constant 2 : i32
    %mul3A_2 = arith.muli %arg1, %mul3A_1 : i32
    %add3A = arith.addi %mul3A_2, %arg0 : i32
    %mul3A_3 = arith.constant 81 : i32
    %mul3A_4 = arith.muli %add3A, %mul3A_3 : i32
    %run_scoped3A = arith.constant 0 : i32
    "tpu.region"() ({
      %run_scoped3A_371 = tpu.sem_alloc : memref<!tpu.dma_semaphore, #tpu.memory_space<semaphore_mem>>
      %dma_start3A_372 = arith.constant 0 : i32
      %dma_start3A_373 = tpu.memref_slice %arg3[%run_scoped3A, %mul3A_4, %dma_start3A_372] : memref<2x2592x128xi32, #tpu.memory_space<hbm>> -> memref<1x81x128xi32, #tpu.memory_space<hbm>>
      %dma_start3A_374 = tpu.memref_squeeze %dma_start3A_373 : memref<1x81x128xi32, #tpu.memory_space<hbm>> -> memref<81x128xi32, #tpu.memory_space<hbm>>
      %dma_start3A_375 = arith.constant 0 : i32
      %dma_start3A_376 = tpu.memref_slice %arg3[%run_scoped3A, %mul3A_4, %dma_start3A_375] : memref<2x2592x128xi32, #tpu.memory_space<hbm>> -> memref<1x81x128xi32, #tpu.memory_space<hbm>>
      %dma_start3A_377 = tpu.memref_squeeze %dma_start3A_376 : memref<1x81x128xi32, #tpu.memory_space<hbm>> -> memref<81x128xi32, #tpu.memory_space<hbm>>
      tpu.enqueue_dma source(%dma_start3A_377 : memref<81x128xi32, #tpu.memory_space<hbm>>) target(%arg6 : memref<81x128xi32, #tpu.memory_space<vmem>>) target_semaphore(%run_scoped3A_371 : memref<!tpu.dma_semaphore, #tpu.memory_space<semaphore_mem>>)
      %dma_wait3A_378 = arith.constant 0 : i32
      %dma_wait3A_379 = tpu.memref_slice %arg3[%run_scoped3A, %mul3A_4, %dma_wait3A_378] : memref<2x2592x128xi32, #tpu.memory_space<hbm>> -> memref<1x81x128xi32, #tpu.memory_space<hbm>>
      %dma_wait3A_380 = tpu.memref_squeeze %dma_wait3A_379 : memref<1x81x128xi32, #tpu.memory_space<hbm>> -> memref<81x128xi32, #tpu.memory_space<hbm>>
      %dma_wait3A_381 = arith.constant 0 : i32
      %dma_wait3A_382 = tpu.memref_slice %arg3[%run_scoped3A, %mul3A_4, %dma_wait3A_381] : memref<2x2592x128xi32, #tpu.memory_space<hbm>> -> memref<1x81x128xi32, #tpu.memory_space<hbm>>
      %dma_wait3A_383 = tpu.memref_squeeze %dma_wait3A_382 : memref<1x81x128xi32, #tpu.memory_space<hbm>> -> memref<81x128xi32, #tpu.memory_space<hbm>>
      tpu.wait_dma2 semaphore(%run_scoped3A_371 : memref<!tpu.dma_semaphore, #tpu.memory_space<semaphore_mem>>) src(%dma_wait3A_383 : memref<81x128xi32, #tpu.memory_space<hbm>>) dst(%arg6 : memref<81x128xi32, #tpu.memory_space<vmem>>)
      tpu.yield
    }) : () -> ()
    %run_scoped3A_5 = arith.constant 1 : i32
    "tpu.region"() ({
      %run_scoped3A_371 = tpu.sem_alloc : memref<!tpu.dma_semaphore, #tpu.memory_space<semaphore_mem>>
      %dma_start3A_372 = arith.constant 0 : i32
      %dma_start3A_373 = tpu.memref_slice %arg3[%run_scoped3A_5, %mul3A_4, %dma_start3A_372] : memref<2x2592x128xi32, #tpu.memory_space<hbm>> -> memref<1x81x128xi32, #tpu.memory_space<hbm>>
      %dma_start3A_374 = tpu.memref_squeeze %dma_start3A_373 : memref<1x81x128xi32, #tpu.memory_space<hbm>> -> memref<81x128xi32, #tpu.memory_space<hbm>>
      %dma_start3A_375 = arith.constant 0 : i32
      %dma_start3A_376 = tpu.memref_slice %arg3[%run_scoped3A_5, %mul3A_4, %dma_start3A_375] : memref<2x2592x128xi32, #tpu.memory_space<hbm>> -> memref<1x81x128xi32, #tpu.memory_space<hbm>>
      %dma_start3A_377 = tpu.memref_squeeze %dma_start3A_376 : memref<1x81x128xi32, #tpu.memory_space<hbm>> -> memref<81x128xi32, #tpu.memory_space<hbm>>
      tpu.enqueue_dma source(%dma_start3A_377 : memref<81x128xi32, #tpu.memory_space<hbm>>) target(%arg7 : memref<81x128xi32, #tpu.memory_space<vmem>>) target_semaphore(%run_scoped3A_371 : memref<!tpu.dma_semaphore, #tpu.memory_space<semaphore_mem>>)
      %dma_wait3A_378 = arith.constant 0 : i32
      %dma_wait3A_379 = tpu.memref_slice %arg3[%run_scoped3A_5, %mul3A_4, %dma_wait3A_378] : memref<2x2592x128xi32, #tpu.memory_space<hbm>> -> memref<1x81x128xi32, #tpu.memory_space<hbm>>
      %dma_wait3A_380 = tpu.memref_squeeze %dma_wait3A_379 : memref<1x81x128xi32, #tpu.memory_space<hbm>> -> memref<81x128xi32, #tpu.memory_space<hbm>>
      %dma_wait3A_381 = arith.constant 0 : i32
      %dma_wait3A_382 = tpu.memref_slice %arg3[%run_scoped3A_5, %mul3A_4, %dma_wait3A_381] : memref<2x2592x128xi32, #tpu.memory_space<hbm>> -> memref<1x81x128xi32, #tpu.memory_space<hbm>>
      %dma_wait3A_383 = tpu.memref_squeeze %dma_wait3A_382 : memref<1x81x128xi32, #tpu.memory_space<hbm>> -> memref<81x128xi32, #tpu.memory_space<hbm>>
      tpu.wait_dma2 semaphore(%run_scoped3A_371 : memref<!tpu.dma_semaphore, #tpu.memory_space<semaphore_mem>>) src(%dma_wait3A_383 : memref<81x128xi32, #tpu.memory_space<hbm>>) dst(%arg7 : memref<81x128xi32, #tpu.memory_space<vmem>>)
      tpu.yield
    }) : () -> ()
    "tpu.region"() ({
      %run_scoped3A_371 = tpu.sem_alloc : memref<!tpu.dma_semaphore, #tpu.memory_space<semaphore_mem>>
      %dma_start3A_372 = arith.constant 0 : i32
      %dma_start3A_373 = tpu.memref_slice %arg9[%mul3A_0, %dma_start3A_372] : memref<10240x48xf32, #tpu.memory_space<vmem_shared>> -> memref<640x48xf32, #tpu.memory_space<vmem_shared>>
      tpu.enqueue_dma source(%arg4 : memref<640x48xf32, #tpu.memory_space<hbm>>) target(%dma_start3A_373 : memref<640x48xf32, #tpu.memory_space<vmem_shared>>) target_semaphore(%run_scoped3A_371 : memref<!tpu.dma_semaphore, #tpu.memory_space<semaphore_mem>>)
      %dma_wait3A_374 = arith.constant 0 : i32
      %dma_wait3A_375 = tpu.memref_slice %arg9[%mul3A_0, %dma_wait3A_374] : memref<10240x48xf32, #tpu.memory_space<vmem_shared>> -> memref<640x48xf32, #tpu.memory_space<vmem_shared>>
      tpu.wait_dma2 semaphore(%run_scoped3A_371 : memref<!tpu.dma_semaphore, #tpu.memory_space<semaphore_mem>>) src(%arg4 : memref<640x48xf32, #tpu.memory_space<hbm>>) dst(%dma_wait3A_375 : memref<640x48xf32, #tpu.memory_space<vmem_shared>>)
      tpu.yield
    }) : () -> ()
    %mul3A_6 = arith.constant 625 : i32
    %mul3A_7 = arith.muli %arg1, %mul3A_6 : i32
    "tpu.region"() ({
      %run_scoped3A_371 = tpu.sem_alloc : memref<!tpu.dma_semaphore, #tpu.memory_space<semaphore_mem>>
      %dma_start3A_372 = arith.constant 0 : i32
      %dma_start3A_373 = tpu.memref_slice %arg10[%mul3A_7, %dma_start3A_372] : memref<10000x48xf32, #tpu.memory_space<vmem_shared>> -> memref<625x48xf32, #tpu.memory_space<vmem_shared>>
      %dma_start3A_374 = arith.constant 0 : i32
      %dma_start3A_375 = tpu.memref_slice %arg2[%mul3A_7, %dma_start3A_374] : memref<10000x48xf32, #tpu.memory_space<hbm>> -> memref<625x48xf32, #tpu.memory_space<hbm>>
      tpu.enqueue_dma source(%dma_start3A_375 : memref<625x48xf32, #tpu.memory_space<hbm>>) target(%dma_start3A_373 : memref<625x48xf32, #tpu.memory_space<vmem_shared>>) target_semaphore(%run_scoped3A_371 : memref<!tpu.dma_semaphore, #tpu.memory_space<semaphore_mem>>)
      %dma_wait3A_376 = arith.constant 0 : i32
      %dma_wait3A_377 = tpu.memref_slice %arg10[%mul3A_7, %dma_wait3A_376] : memref<10000x48xf32, #tpu.memory_space<vmem_shared>> -> memref<625x48xf32, #tpu.memory_space<vmem_shared>>
      %dma_wait3A_378 = arith.constant 0 : i32
      %dma_wait3A_379 = tpu.memref_slice %arg2[%mul3A_7, %dma_wait3A_378] : memref<10000x48xf32, #tpu.memory_space<hbm>> -> memref<625x48xf32, #tpu.memory_space<hbm>>
      tpu.wait_dma2 semaphore(%run_scoped3A_371 : memref<!tpu.dma_semaphore, #tpu.memory_space<semaphore_mem>>) src(%dma_wait3A_379 : memref<625x48xf32, #tpu.memory_space<hbm>>) dst(%dma_wait3A_377 : memref<625x48xf32, #tpu.memory_space<vmem_shared>>)
      tpu.yield
    }) : () -> ()
    %barrier3A = arith.constant 0 : index
    tpu.barrier barrier_id(%barrier3A)
    %dma_start3A = arith.constant 0 : i32
    %dma_start3A_8 = arith.constant 0 : i32
    %dma_start3A_9 = arith.constant 0 : i32
    %dma_start3A_10 = arith.constant 0 : i32
    %dma_start3A_11 = arith.constant 0 : i32
    %dma_start3A_12 = tpu.memref_slice %arg8[%dma_start3A_8, %dma_start3A_10, %dma_start3A_11] : memref<3x128x48xf32, #tpu.memory_space<vmem>> -> memref<1x128x48xf32, #tpu.memory_space<vmem>>
    %dma_start3A_13 = tpu.memref_squeeze %dma_start3A_12 : memref<1x128x48xf32, #tpu.memory_space<vmem>> -> memref<128x48xf32, #tpu.memory_space<vmem>>
    %dma_start3A_14 = arith.constant 0 : i32
    %dma_start3A_15 = tpu.memref_slice %arg6[%dma_start3A, %dma_start3A_14] : memref<81x128xi32, #tpu.memory_space<vmem>> -> memref<1x128xi32, #tpu.memory_space<vmem>>
    %dma_start3A_16 = tpu.memref_squeeze %dma_start3A_15 : memref<1x128xi32, #tpu.memory_space<vmem>> -> memref<128xi32, #tpu.memory_space<vmem>>
    %dma_start3A_17 = arith.constant 0 : i32
    %dma_start3A_18 = arith.constant 0 : i32
    %dma_start3A_19 = tpu.memref_slice %arg10[%dma_start3A_17, %dma_start3A_18] : memref<10000x48xf32, #tpu.memory_space<vmem_shared>> -> memref<10000x48xf32, #tpu.memory_space<vmem_shared>>
    %dma_start3A_20 = tpu.memref_slice %arg11[%dma_start3A_9] : memref<3x!tpu.dma_semaphore, #tpu.memory_space<semaphore_mem>> -> memref<1x!tpu.dma_semaphore, #tpu.memory_space<semaphore_mem>>
    %dma_start3A_21 = tpu.memref_squeeze %dma_start3A_20 : memref<1x!tpu.dma_semaphore, #tpu.memory_space<semaphore_mem>> -> memref<!tpu.dma_semaphore, #tpu.memory_space<semaphore_mem>>
    tpu.enqueue_indirect_dma source(%dma_start3A_19 : memref<10000x48xf32, #tpu.memory_space<vmem_shared>>) target(%dma_start3A_13 : memref<128x48xf32, #tpu.memory_space<vmem>>) offsets(%dma_start3A_16 : memref<128xi32, #tpu.memory_space<vmem>>) semaphore(%dma_start3A_21 : memref<!tpu.dma_semaphore, #tpu.memory_space<semaphore_mem>>)
    %dma_start3A_22 = arith.constant 1 : i32
    %dma_start3A_23 = arith.constant 1 : i32
    %dma_start3A_24 = arith.constant 1 : i32
    %dma_start3A_25 = arith.constant 0 : i32
    %dma_start3A_26 = arith.constant 0 : i32
    %dma_start3A_27 = tpu.memref_slice %arg8[%dma_start3A_23, %dma_start3A_25, %dma_start3A_26] : memref<3x128x48xf32, #tpu.memory_space<vmem>> -> memref<1x128x48xf32, #tpu.memory_space<vmem>>
    %dma_start3A_28 = tpu.memref_squeeze %dma_start3A_27 : memref<1x128x48xf32, #tpu.memory_space<vmem>> -> memref<128x48xf32, #tpu.memory_space<vmem>>
    %dma_start3A_29 = arith.constant 0 : i32
    %dma_start3A_30 = tpu.memref_slice %arg6[%dma_start3A_22, %dma_start3A_29] : memref<81x128xi32, #tpu.memory_space<vmem>> -> memref<1x128xi32, #tpu.memory_space<vmem>>
    %dma_start3A_31 = tpu.memref_squeeze %dma_start3A_30 : memref<1x128xi32, #tpu.memory_space<vmem>> -> memref<128xi32, #tpu.memory_space<vmem>>
    %dma_start3A_32 = arith.constant 0 : i32
    %dma_start3A_33 = arith.constant 0 : i32
    %dma_start3A_34 = tpu.memref_slice %arg10[%dma_start3A_32, %dma_start3A_33] : memref<10000x48xf32, #tpu.memory_space<vmem_shared>> -> memref<10000x48xf32, #tpu.memory_space<vmem_shared>>
    %dma_start3A_35 = tpu.memref_slice %arg11[%dma_start3A_24] : memref<3x!tpu.dma_semaphore, #tpu.memory_space<semaphore_mem>> -> memref<1x!tpu.dma_semaphore, #tpu.memory_space<semaphore_mem>>
    %dma_start3A_36 = tpu.memref_squeeze %dma_start3A_35 : memref<1x!tpu.dma_semaphore, #tpu.memory_space<semaphore_mem>> -> memref<!tpu.dma_semaphore, #tpu.memory_space<semaphore_mem>>
    tpu.enqueue_indirect_dma source(%dma_start3A_34 : memref<10000x48xf32, #tpu.memory_space<vmem_shared>>) target(%dma_start3A_28 : memref<128x48xf32, #tpu.memory_space<vmem>>) offsets(%dma_start3A_31 : memref<128xi32, #tpu.memory_space<vmem>>) semaphore(%dma_start3A_36 : memref<!tpu.dma_semaphore, #tpu.memory_space<semaphore_mem>>)
    %dma_wait3A = arith.constant 0 : i32
    %dma_wait3A_37 = arith.constant 0 : i32
    %dma_wait3A_38 = arith.constant 0 : i32
    %dma_wait3A_39 = arith.constant 0 : i32
    %dma_wait3A_40 = arith.constant 0 : i32
    %dma_wait3A_41 = tpu.memref_slice %arg8[%dma_wait3A_37, %dma_wait3A_39, %dma_wait3A_40] : memref<3x128x48xf32, #tpu.memory_space<vmem>> -> memref<1x128x48xf32, #tpu.memory_space<vmem>>
    %dma_wait3A_42 = tpu.memref_squeeze %dma_wait3A_41 : memref<1x128x48xf32, #tpu.memory_space<vmem>> -> memref<128x48xf32, #tpu.memory_space<vmem>>
    %dma_wait3A_43 = arith.constant 0 : i32
    %dma_wait3A_44 = tpu.memref_slice %arg6[%dma_wait3A, %dma_wait3A_43] : memref<81x128xi32, #tpu.memory_space<vmem>> -> memref<1x128xi32, #tpu.memory_space<vmem>>
    %dma_wait3A_45 = tpu.memref_squeeze %dma_wait3A_44 : memref<1x128xi32, #tpu.memory_space<vmem>> -> memref<128xi32, #tpu.memory_space<vmem>>
    %dma_wait3A_46 = arith.constant 0 : i32
    %dma_wait3A_47 = arith.constant 0 : i32
    %dma_wait3A_48 = tpu.memref_slice %arg10[%dma_wait3A_46, %dma_wait3A_47] : memref<10000x48xf32, #tpu.memory_space<vmem_shared>> -> memref<10000x48xf32, #tpu.memory_space<vmem_shared>>
    %dma_wait3A_49 = tpu.memref_slice %arg11[%dma_wait3A_38] : memref<3x!tpu.dma_semaphore, #tpu.memory_space<semaphore_mem>> -> memref<1x!tpu.dma_semaphore, #tpu.memory_space<semaphore_mem>>
    %dma_wait3A_50 = tpu.memref_squeeze %dma_wait3A_49 : memref<1x!tpu.dma_semaphore, #tpu.memory_space<semaphore_mem>> -> memref<!tpu.dma_semaphore, #tpu.memory_space<semaphore_mem>>
    tpu.wait_indirect_dma semaphore(%dma_wait3A_50 : memref<!tpu.dma_semaphore, #tpu.memory_space<semaphore_mem>>) src(%dma_wait3A_48 : memref<10000x48xf32, #tpu.memory_space<vmem_shared>>) dst(%dma_wait3A_42 : memref<128x48xf32, #tpu.memory_space<vmem>>)
    %dma_start3A_51 = arith.constant 0 : i32
    %dma_start3A_52 = arith.constant 0 : i32
    %dma_start3A_53 = arith.constant 0 : i32
    %dma_start3A_54 = arith.constant 0 : i32
    %dma_start3A_55 = arith.constant 0 : i32
    %dma_start3A_56 = tpu.memref_slice %arg8[%dma_start3A_51, %dma_start3A_54, %dma_start3A_55] : memref<3x128x48xf32, #tpu.memory_space<vmem>> -> memref<1x128x48xf32, #tpu.memory_space<vmem>>
    %dma_start3A_57 = tpu.memref_squeeze %dma_start3A_56 : memref<1x128x48xf32, #tpu.memory_space<vmem>> -> memref<128x48xf32, #tpu.memory_space<vmem>>
    %dma_start3A_58 = arith.constant 0 : i32
    %dma_start3A_59 = tpu.memref_slice %arg7[%dma_start3A_52, %dma_start3A_58] : memref<81x128xi32, #tpu.memory_space<vmem>> -> memref<1x128xi32, #tpu.memory_space<vmem>>
    %dma_start3A_60 = tpu.memref_squeeze %dma_start3A_59 : memref<1x128xi32, #tpu.memory_space<vmem>> -> memref<128xi32, #tpu.memory_space<vmem>>
    %dma_start3A_61 = arith.constant 0 : i32
    %dma_start3A_62 = arith.constant 0 : i32
    %dma_start3A_63 = tpu.memref_slice %arg9[%dma_start3A_61, %dma_start3A_62] : memref<10240x48xf32, #tpu.memory_space<vmem_shared>> -> memref<10240x48xf32, #tpu.memory_space<vmem_shared>>
    %dma_start3A_64 = tpu.memref_slice %arg12[%dma_start3A_53] : memref<3x!tpu.dma_semaphore, #tpu.memory_space<semaphore_mem>> -> memref<1x!tpu.dma_semaphore, #tpu.memory_space<semaphore_mem>>
    %dma_start3A_65 = tpu.memref_squeeze %dma_start3A_64 : memref<1x!tpu.dma_semaphore, #tpu.memory_space<semaphore_mem>> -> memref<!tpu.dma_semaphore, #tpu.memory_space<semaphore_mem>>
    tpu.enqueue_indirect_dma source(%dma_start3A_57 : memref<128x48xf32, #tpu.memory_space<vmem>>) target(%dma_start3A_63 : memref<10240x48xf32, #tpu.memory_space<vmem_shared>>) offsets(%dma_start3A_60 : memref<128xi32, #tpu.memory_space<vmem>>) semaphore(%dma_start3A_65 : memref<!tpu.dma_semaphore, #tpu.memory_space<semaphore_mem>>) {add = true}
    %dma_start3A_66 = arith.constant 2 : i32
    %dma_start3A_67 = arith.constant 2 : i32
    %dma_start3A_68 = arith.constant 2 : i32
    %dma_start3A_69 = arith.constant 0 : i32
    %dma_start3A_70 = arith.constant 0 : i32
    %dma_start3A_71 = tpu.memref_slice %arg8[%dma_start3A_67, %dma_start3A_69, %dma_start3A_70] : memref<3x128x48xf32, #tpu.memory_space<vmem>> -> memref<1x128x48xf32, #tpu.memory_space<vmem>>
    %dma_start3A_72 = tpu.memref_squeeze %dma_start3A_71 : memref<1x128x48xf32, #tpu.memory_space<vmem>> -> memref<128x48xf32, #tpu.memory_space<vmem>>
    %dma_start3A_73 = arith.constant 0 : i32
    %dma_start3A_74 = tpu.memref_slice %arg6[%dma_start3A_66, %dma_start3A_73] : memref<81x128xi32, #tpu.memory_space<vmem>> -> memref<1x128xi32, #tpu.memory_space<vmem>>
    %dma_start3A_75 = tpu.memref_squeeze %dma_start3A_74 : memref<1x128xi32, #tpu.memory_space<vmem>> -> memref<128xi32, #tpu.memory_space<vmem>>
    %dma_start3A_76 = arith.constant 0 : i32
    %dma_start3A_77 = arith.constant 0 : i32
    %dma_start3A_78 = tpu.memref_slice %arg10[%dma_start3A_76, %dma_start3A_77] : memref<10000x48xf32, #tpu.memory_space<vmem_shared>> -> memref<10000x48xf32, #tpu.memory_space<vmem_shared>>
    %dma_start3A_79 = tpu.memref_slice %arg11[%dma_start3A_68] : memref<3x!tpu.dma_semaphore, #tpu.memory_space<semaphore_mem>> -> memref<1x!tpu.dma_semaphore, #tpu.memory_space<semaphore_mem>>
    %dma_start3A_80 = tpu.memref_squeeze %dma_start3A_79 : memref<1x!tpu.dma_semaphore, #tpu.memory_space<semaphore_mem>> -> memref<!tpu.dma_semaphore, #tpu.memory_space<semaphore_mem>>
    tpu.enqueue_indirect_dma source(%dma_start3A_78 : memref<10000x48xf32, #tpu.memory_space<vmem_shared>>) target(%dma_start3A_72 : memref<128x48xf32, #tpu.memory_space<vmem>>) offsets(%dma_start3A_75 : memref<128xi32, #tpu.memory_space<vmem>>) semaphore(%dma_start3A_80 : memref<!tpu.dma_semaphore, #tpu.memory_space<semaphore_mem>>)
    %dma_wait3A_81 = arith.constant 1 : i32
    %dma_wait3A_82 = arith.constant 1 : i32
    %dma_wait3A_83 = arith.constant 1 : i32
    %dma_wait3A_84 = arith.constant 0 : i32
    %dma_wait3A_85 = arith.constant 0 : i32
    %dma_wait3A_86 = tpu.memref_slice %arg8[%dma_wait3A_82, %dma_wait3A_84, %dma_wait3A_85] : memref<3x128x48xf32, #tpu.memory_space<vmem>> -> memref<1x128x48xf32, #tpu.memory_space<vmem>>
    %dma_wait3A_87 = tpu.memref_squeeze %dma_wait3A_86 : memref<1x128x48xf32, #tpu.memory_space<vmem>> -> memref<128x48xf32, #tpu.memory_space<vmem>>
    %dma_wait3A_88 = arith.constant 0 : i32
    %dma_wait3A_89 = tpu.memref_slice %arg6[%dma_wait3A_81, %dma_wait3A_88] : memref<81x128xi32, #tpu.memory_space<vmem>> -> memref<1x128xi32, #tpu.memory_space<vmem>>
    %dma_wait3A_90 = tpu.memref_squeeze %dma_wait3A_89 : memref<1x128xi32, #tpu.memory_space<vmem>> -> memref<128xi32, #tpu.memory_space<vmem>>
    %dma_wait3A_91 = arith.constant 0 : i32
    %dma_wait3A_92 = arith.constant 0 : i32
    %dma_wait3A_93 = tpu.memref_slice %arg10[%dma_wait3A_91, %dma_wait3A_92] : memref<10000x48xf32, #tpu.memory_space<vmem_shared>> -> memref<10000x48xf32, #tpu.memory_space<vmem_shared>>
    %dma_wait3A_94 = tpu.memref_slice %arg11[%dma_wait3A_83] : memref<3x!tpu.dma_semaphore, #tpu.memory_space<semaphore_mem>> -> memref<1x!tpu.dma_semaphore, #tpu.memory_space<semaphore_mem>>
    %dma_wait3A_95 = tpu.memref_squeeze %dma_wait3A_94 : memref<1x!tpu.dma_semaphore, #tpu.memory_space<semaphore_mem>> -> memref<!tpu.dma_semaphore, #tpu.memory_space<semaphore_mem>>
    tpu.wait_indirect_dma semaphore(%dma_wait3A_95 : memref<!tpu.dma_semaphore, #tpu.memory_space<semaphore_mem>>) src(%dma_wait3A_93 : memref<10000x48xf32, #tpu.memory_space<vmem_shared>>) dst(%dma_wait3A_87 : memref<128x48xf32, #tpu.memory_space<vmem>>)
    %dma_start3A_96 = arith.constant 1 : i32
    %dma_start3A_97 = arith.constant 1 : i32
    %dma_start3A_98 = arith.constant 1 : i32
    %dma_start3A_99 = arith.constant 0 : i32
    %dma_start3A_100 = arith.constant 0 : i32
    %dma_start3A_101 = tpu.memref_slice %arg8[%dma_start3A_96, %dma_start3A_99, %dma_start3A_100] : memref<3x128x48xf32, #tpu.memory_space<vmem>> -> memref<1x128x48xf32, #tpu.memory_space<vmem>>
    %dma_start3A_102 = tpu.memref_squeeze %dma_start3A_101 : memref<1x128x48xf32, #tpu.memory_space<vmem>> -> memref<128x48xf32, #tpu.memory_space<vmem>>
    %dma_start3A_103 = arith.constant 0 : i32
    %dma_start3A_104 = tpu.memref_slice %arg7[%dma_start3A_97, %dma_start3A_103] : memref<81x128xi32, #tpu.memory_space<vmem>> -> memref<1x128xi32, #tpu.memory_space<vmem>>
    %dma_start3A_105 = tpu.memref_squeeze %dma_start3A_104 : memref<1x128xi32, #tpu.memory_space<vmem>> -> memref<128xi32, #tpu.memory_space<vmem>>
    %dma_start3A_106 = arith.constant 0 : i32
    %dma_start3A_107 = arith.constant 0 : i32
    %dma_start3A_108 = tpu.memref_slice %arg9[%dma_start3A_106, %dma_start3A_107] : memref<10240x48xf32, #tpu.memory_space<vmem_shared>> -> memref<10240x48xf32, #tpu.memory_space<vmem_shared>>
    %dma_start3A_109 = tpu.memref_slice %arg12[%dma_start3A_98] : memref<3x!tpu.dma_semaphore, #tpu.memory_space<semaphore_mem>> -> memref<1x!tpu.dma_semaphore, #tpu.memory_space<semaphore_mem>>
    %dma_start3A_110 = tpu.memref_squeeze %dma_start3A_109 : memref<1x!tpu.dma_semaphore, #tpu.memory_space<semaphore_mem>> -> memref<!tpu.dma_semaphore, #tpu.memory_space<semaphore_mem>>
    tpu.enqueue_indirect_dma source(%dma_start3A_102 : memref<128x48xf32, #tpu.memory_space<vmem>>) target(%dma_start3A_108 : memref<10240x48xf32, #tpu.memory_space<vmem_shared>>) offsets(%dma_start3A_105 : memref<128xi32, #tpu.memory_space<vmem>>) semaphore(%dma_start3A_110 : memref<!tpu.dma_semaphore, #tpu.memory_space<semaphore_mem>>) {add = true}
    %dma_wait3A_111 = arith.constant 0 : i32
    %dma_wait3A_112 = arith.constant 0 : i32
    %dma_wait3A_113 = arith.constant 0 : i32
    %dma_wait3A_114 = arith.constant 0 : i32
    %dma_wait3A_115 = arith.constant 0 : i32
    %dma_wait3A_116 = tpu.memref_slice %arg8[%dma_wait3A_111, %dma_wait3A_114, %dma_wait3A_115] : memref<3x128x48xf32, #tpu.memory_space<vmem>> -> memref<1x128x48xf32, #tpu.memory_space<vmem>>
    %dma_wait3A_117 = tpu.memref_squeeze %dma_wait3A_116 : memref<1x128x48xf32, #tpu.memory_space<vmem>> -> memref<128x48xf32, #tpu.memory_space<vmem>>
    %dma_wait3A_118 = arith.constant 0 : i32
    %dma_wait3A_119 = tpu.memref_slice %arg7[%dma_wait3A_112, %dma_wait3A_118] : memref<81x128xi32, #tpu.memory_space<vmem>> -> memref<1x128xi32, #tpu.memory_space<vmem>>
    %dma_wait3A_120 = tpu.memref_squeeze %dma_wait3A_119 : memref<1x128xi32, #tpu.memory_space<vmem>> -> memref<128xi32, #tpu.memory_space<vmem>>
    %dma_wait3A_121 = arith.constant 0 : i32
    %dma_wait3A_122 = arith.constant 0 : i32
    %dma_wait3A_123 = tpu.memref_slice %arg9[%dma_wait3A_121, %dma_wait3A_122] : memref<10240x48xf32, #tpu.memory_space<vmem_shared>> -> memref<10240x48xf32, #tpu.memory_space<vmem_shared>>
    %dma_wait3A_124 = tpu.memref_slice %arg12[%dma_wait3A_113] : memref<3x!tpu.dma_semaphore, #tpu.memory_space<semaphore_mem>> -> memref<1x!tpu.dma_semaphore, #tpu.memory_space<semaphore_mem>>
    %dma_wait3A_125 = tpu.memref_squeeze %dma_wait3A_124 : memref<1x!tpu.dma_semaphore, #tpu.memory_space<semaphore_mem>> -> memref<!tpu.dma_semaphore, #tpu.memory_space<semaphore_mem>>
    tpu.wait_indirect_dma semaphore(%dma_wait3A_125 : memref<!tpu.dma_semaphore, #tpu.memory_space<semaphore_mem>>) src(%dma_wait3A_117 : memref<128x48xf32, #tpu.memory_space<vmem>>) dst(%dma_wait3A_123 : memref<10240x48xf32, #tpu.memory_space<vmem_shared>>)
    %dma_start3A_126 = arith.constant 3 : i32
    %dma_start3A_127 = arith.constant 0 : i32
    %dma_start3A_128 = arith.constant 0 : i32
    %dma_start3A_129 = arith.constant 0 : i32
    %dma_start3A_130 = arith.constant 0 : i32
    %dma_start3A_131 = tpu.memref_slice %arg8[%dma_start3A_127, %dma_start3A_129, %dma_start3A_130] : memref<3x128x48xf32, #tpu.memory_space<vmem>> -> memref<1x128x48xf32, #tpu.memory_space<vmem>>
    %dma_start3A_132 = tpu.memref_squeeze %dma_start3A_131 : memref<1x128x48xf32, #tpu.memory_space<vmem>> -> memref<128x48xf32, #tpu.memory_space<vmem>>
    %dma_start3A_133 = arith.constant 0 : i32
    %dma_start3A_134 = tpu.memref_slice %arg6[%dma_start3A_126, %dma_start3A_133] : memref<81x128xi32, #tpu.memory_space<vmem>> -> memref<1x128xi32, #tpu.memory_space<vmem>>
    %dma_start3A_135 = tpu.memref_squeeze %dma_start3A_134 : memref<1x128xi32, #tpu.memory_space<vmem>> -> memref<128xi32, #tpu.memory_space<vmem>>
    %dma_start3A_136 = arith.constant 0 : i32
    %dma_start3A_137 = arith.constant 0 : i32
    %dma_start3A_138 = tpu.memref_slice %arg10[%dma_start3A_136, %dma_start3A_137] : memref<10000x48xf32, #tpu.memory_space<vmem_shared>> -> memref<10000x48xf32, #tpu.memory_space<vmem_shared>>
    %dma_start3A_139 = tpu.memref_slice %arg11[%dma_start3A_128] : memref<3x!tpu.dma_semaphore, #tpu.memory_space<semaphore_mem>> -> memref<1x!tpu.dma_semaphore, #tpu.memory_space<semaphore_mem>>
    %dma_start3A_140 = tpu.memref_squeeze %dma_start3A_139 : memref<1x!tpu.dma_semaphore, #tpu.memory_space<semaphore_mem>> -> memref<!tpu.dma_semaphore, #tpu.memory_space<semaphore_mem>>
    tpu.enqueue_indirect_dma source(%dma_start3A_138 : memref<10000x48xf32, #tpu.memory_space<vmem_shared>>) target(%dma_start3A_132 : memref<128x48xf32, #tpu.memory_space<vmem>>) offsets(%dma_start3A_135 : memref<128xi32, #tpu.memory_space<vmem>>) semaphore(%dma_start3A_140 : memref<!tpu.dma_semaphore, #tpu.memory_space<semaphore_mem>>)
    %dma_wait3A_141 = arith.constant 2 : i32
    %dma_wait3A_142 = arith.constant 2 : i32
    %dma_wait3A_143 = arith.constant 2 : i32
    %dma_wait3A_144 = arith.constant 0 : i32
    %dma_wait3A_145 = arith.constant 0 : i32
    %dma_wait3A_146 = tpu.memref_slice %arg8[%dma_wait3A_142, %dma_wait3A_144, %dma_wait3A_145] : memref<3x128x48xf32, #tpu.memory_space<vmem>> -> memref<1x128x48xf32, #tpu.memory_space<vmem>>
    %dma_wait3A_147 = tpu.memref_squeeze %dma_wait3A_146 : memref<1x128x48xf32, #tpu.memory_space<vmem>> -> memref<128x48xf32, #tpu.memory_space<vmem>>
    %dma_wait3A_148 = arith.constant 0 : i32
    %dma_wait3A_149 = tpu.memref_slice %arg6[%dma_wait3A_141, %dma_wait3A_148] : memref<81x128xi32, #tpu.memory_space<vmem>> -> memref<1x128xi32, #tpu.memory_space<vmem>>
    %dma_wait3A_150 = tpu.memref_squeeze %dma_wait3A_149 : memref<1x128xi32, #tpu.memory_space<vmem>> -> memref<128xi32, #tpu.memory_space<vmem>>
    %dma_wait3A_151 = arith.constant 0 : i32
    %dma_wait3A_152 = arith.constant 0 : i32
    %dma_wait3A_153 = tpu.memref_slice %arg10[%dma_wait3A_151, %dma_wait3A_152] : memref<10000x48xf32, #tpu.memory_space<vmem_shared>> -> memref<10000x48xf32, #tpu.memory_space<vmem_shared>>
    %dma_wait3A_154 = tpu.memref_slice %arg11[%dma_wait3A_143] : memref<3x!tpu.dma_semaphore, #tpu.memory_space<semaphore_mem>> -> memref<1x!tpu.dma_semaphore, #tpu.memory_space<semaphore_mem>>
    %dma_wait3A_155 = tpu.memref_squeeze %dma_wait3A_154 : memref<1x!tpu.dma_semaphore, #tpu.memory_space<semaphore_mem>> -> memref<!tpu.dma_semaphore, #tpu.memory_space<semaphore_mem>>
    tpu.wait_indirect_dma semaphore(%dma_wait3A_155 : memref<!tpu.dma_semaphore, #tpu.memory_space<semaphore_mem>>) src(%dma_wait3A_153 : memref<10000x48xf32, #tpu.memory_space<vmem_shared>>) dst(%dma_wait3A_147 : memref<128x48xf32, #tpu.memory_space<vmem>>)
    %dma_start3A_156 = arith.constant 2 : i32
    %dma_start3A_157 = arith.constant 2 : i32
    %dma_start3A_158 = arith.constant 2 : i32
    %dma_start3A_159 = arith.constant 0 : i32
    %dma_start3A_160 = arith.constant 0 : i32
    %dma_start3A_161 = tpu.memref_slice %arg8[%dma_start3A_156, %dma_start3A_159, %dma_start3A_160] : memref<3x128x48xf32, #tpu.memory_space<vmem>> -> memref<1x128x48xf32, #tpu.memory_space<vmem>>
    %dma_start3A_162 = tpu.memref_squeeze %dma_start3A_161 : memref<1x128x48xf32, #tpu.memory_space<vmem>> -> memref<128x48xf32, #tpu.memory_space<vmem>>
    %dma_start3A_163 = arith.constant 0 : i32
    %dma_start3A_164 = tpu.memref_slice %arg7[%dma_start3A_157, %dma_start3A_163] : memref<81x128xi32, #tpu.memory_space<vmem>> -> memref<1x128xi32, #tpu.memory_space<vmem>>
    %dma_start3A_165 = tpu.memref_squeeze %dma_start3A_164 : memref<1x128xi32, #tpu.memory_space<vmem>> -> memref<128xi32, #tpu.memory_space<vmem>>
    %dma_start3A_166 = arith.constant 0 : i32
    %dma_start3A_167 = arith.constant 0 : i32
    %dma_start3A_168 = tpu.memref_slice %arg9[%dma_start3A_166, %dma_start3A_167] : memref<10240x48xf32, #tpu.memory_space<vmem_shared>> -> memref<10240x48xf32, #tpu.memory_space<vmem_shared>>
    %dma_start3A_169 = tpu.memref_slice %arg12[%dma_start3A_158] : memref<3x!tpu.dma_semaphore, #tpu.memory_space<semaphore_mem>> -> memref<1x!tpu.dma_semaphore, #tpu.memory_space<semaphore_mem>>
    %dma_start3A_170 = tpu.memref_squeeze %dma_start3A_169 : memref<1x!tpu.dma_semaphore, #tpu.memory_space<semaphore_mem>> -> memref<!tpu.dma_semaphore, #tpu.memory_space<semaphore_mem>>
    tpu.enqueue_indirect_dma source(%dma_start3A_162 : memref<128x48xf32, #tpu.memory_space<vmem>>) target(%dma_start3A_168 : memref<10240x48xf32, #tpu.memory_space<vmem_shared>>) offsets(%dma_start3A_165 : memref<128xi32, #tpu.memory_space<vmem>>) semaphore(%dma_start3A_170 : memref<!tpu.dma_semaphore, #tpu.memory_space<semaphore_mem>>) {add = true}
    %scan3A = arith.constant 0 : i32
    %scan3A_171 = arith.constant 25 : i32
    %scan3A_172 = arith.addi %scan3A, %scan3A_171 : i32
    %scan3A_173 = arith.constant 1 : i32
    scf.for %scan3A_371 = %scan3A to %scan3A_172 step %scan3A_173  : i32 {
      %mul3A_372 = arith.constant 3 : i32
      %mul3A_373 = arith.muli %scan3A_371, %mul3A_372 : i32
      %add3A_374 = arith.constant 3 : i32
      %add3A_375 = arith.addi %add3A_374, %mul3A_373 : i32
      %add3A_376 = arith.constant 0 : i32
      %add3A_377 = arith.addi %add3A_375, %add3A_376 : i32
      %sub3A = arith.constant 2 : i32
      %sub3A_378 = arith.subi %add3A_377, %sub3A : i32
      %jit3A = arith.constant 3 : i32
      %eq3A = arith.constant 0 : i32
      %eq3A_379 = arith.cmpi eq, %jit3A, %eq3A : i32
      %jit3A_380 = arith.constant 1 : i32
      %select_n3A = arith.select %eq3A_379, %jit3A_380, %jit3A : i32
      %rem3A = arith.remsi %sub3A_378, %select_n3A : i32
      %ne3A = arith.constant 0 : i32
      %ne3A_381 = arith.cmpi ne, %rem3A, %ne3A : i32
      %lt3A = arith.constant 0 : i32
      %lt3A_382 = arith.cmpi slt, %rem3A, %lt3A : i32
      %lt3A_383 = arith.constant 0 : i32
      %lt3A_384 = arith.cmpi slt, %select_n3A, %lt3A_383 : i32
      %ne3A_385 = arith.xori %lt3A_382, %lt3A_384 : i1
      %and3A = arith.andi %ne3A_385, %ne3A_381 : i1
      %add3A_386 = arith.addi %rem3A, %select_n3A : i32
      %select_n3A_387 = arith.select %and3A, %add3A_386, %rem3A : i32
      %sub3A_388 = arith.constant 2 : i32
      %sub3A_389 = arith.subi %add3A_377, %sub3A_388 : i32
      %sub3A_390 = arith.constant 2 : i32
      %sub3A_391 = arith.subi %add3A_377, %sub3A_390 : i32
      %jit3A_392 = arith.constant 3 : i32
      %eq3A_393 = arith.constant 0 : i32
      %eq3A_394 = arith.cmpi eq, %jit3A_392, %eq3A_393 : i32
      %jit3A_395 = arith.constant 1 : i32
      %select_n3A_396 = arith.select %eq3A_394, %jit3A_395, %jit3A_392 : i32
      %rem3A_397 = arith.remsi %sub3A_391, %select_n3A_396 : i32
      %ne3A_398 = arith.constant 0 : i32
      %ne3A_399 = arith.cmpi ne, %rem3A_397, %ne3A_398 : i32
      %lt3A_400 = arith.constant 0 : i32
      %lt3A_401 = arith.cmpi slt, %rem3A_397, %lt3A_400 : i32
      %lt3A_402 = arith.constant 0 : i32
      %lt3A_403 = arith.cmpi slt, %select_n3A_396, %lt3A_402 : i32
      %ne3A_404 = arith.xori %lt3A_401, %lt3A_403 : i1
      %and3A_405 = arith.andi %ne3A_404, %ne3A_399 : i1
      %add3A_406 = arith.addi %rem3A_397, %select_n3A_396 : i32
      %select_n3A_407 = arith.select %and3A_405, %add3A_406, %rem3A_397 : i32
      %dma_wait3A_408 = arith.constant 0 : i32
      %dma_wait3A_409 = arith.constant 0 : i32
      %dma_wait3A_410 = tpu.memref_slice %arg8[%select_n3A_387, %dma_wait3A_408, %dma_wait3A_409] : memref<3x128x48xf32, #tpu.memory_space<vmem>> -> memref<1x128x48xf32, #tpu.memory_space<vmem>>
      %dma_wait3A_411 = tpu.memref_squeeze %dma_wait3A_410 : memref<1x128x48xf32, #tpu.memory_space<vmem>> -> memref<128x48xf32, #tpu.memory_space<vmem>>
      %dma_wait3A_412 = arith.constant 0 : i32
      %dma_wait3A_413 = tpu.memref_slice %arg7[%sub3A_389, %dma_wait3A_412] : memref<81x128xi32, #tpu.memory_space<vmem>> -> memref<1x128xi32, #tpu.memory_space<vmem>>
      %dma_wait3A_414 = tpu.memref_squeeze %dma_wait3A_413 : memref<1x128xi32, #tpu.memory_space<vmem>> -> memref<128xi32, #tpu.memory_space<vmem>>
      %dma_wait3A_415 = arith.constant 0 : i32
      %dma_wait3A_416 = arith.constant 0 : i32
      %dma_wait3A_417 = tpu.memref_slice %arg9[%dma_wait3A_415, %dma_wait3A_416] : memref<10240x48xf32, #tpu.memory_space<vmem_shared>> -> memref<10240x48xf32, #tpu.memory_space<vmem_shared>>
      %dma_wait3A_418 = tpu.memref_slice %arg12[%select_n3A_407] : memref<3x!tpu.dma_semaphore, #tpu.memory_space<semaphore_mem>> -> memref<1x!tpu.dma_semaphore, #tpu.memory_space<semaphore_mem>>
      %dma_wait3A_419 = tpu.memref_squeeze %dma_wait3A_418 : memref<1x!tpu.dma_semaphore, #tpu.memory_space<semaphore_mem>> -> memref<!tpu.dma_semaphore, #tpu.memory_space<semaphore_mem>>
      tpu.wait_indirect_dma semaphore(%dma_wait3A_419 : memref<!tpu.dma_semaphore, #tpu.memory_space<semaphore_mem>>) src(%dma_wait3A_411 : memref<128x48xf32, #tpu.memory_space<vmem>>) dst(%dma_wait3A_417 : memref<10240x48xf32, #tpu.memory_space<vmem_shared>>)
      %add3A_420 = arith.constant 1 : i32
      %add3A_421 = arith.addi %add3A_377, %add3A_420 : i32
      %add3A_422 = arith.constant 1 : i32
      %add3A_423 = arith.addi %add3A_377, %add3A_422 : i32
      %jit3A_424 = arith.constant 3 : i32
      %eq3A_425 = arith.constant 0 : i32
      %eq3A_426 = arith.cmpi eq, %jit3A_424, %eq3A_425 : i32
      %jit3A_427 = arith.constant 1 : i32
      %select_n3A_428 = arith.select %eq3A_426, %jit3A_427, %jit3A_424 : i32
      %rem3A_429 = arith.remsi %add3A_423, %select_n3A_428 : i32
      %ne3A_430 = arith.constant 0 : i32
      %ne3A_431 = arith.cmpi ne, %rem3A_429, %ne3A_430 : i32
      %lt3A_432 = arith.constant 0 : i32
      %lt3A_433 = arith.cmpi slt, %rem3A_429, %lt3A_432 : i32
      %lt3A_434 = arith.constant 0 : i32
      %lt3A_435 = arith.cmpi slt, %select_n3A_428, %lt3A_434 : i32
      %ne3A_436 = arith.xori %lt3A_433, %lt3A_435 : i1
      %and3A_437 = arith.andi %ne3A_436, %ne3A_431 : i1
      %add3A_438 = arith.addi %rem3A_429, %select_n3A_428 : i32
      %select_n3A_439 = arith.select %and3A_437, %add3A_438, %rem3A_429 : i32
      %add3A_440 = arith.constant 1 : i32
      %add3A_441 = arith.addi %add3A_377, %add3A_440 : i32
      %jit3A_442 = arith.constant 3 : i32
      %eq3A_443 = arith.constant 0 : i32
      %eq3A_444 = arith.cmpi eq, %jit3A_442, %eq3A_443 : i32
      %jit3A_445 = arith.constant 1 : i32
      %select_n3A_446 = arith.select %eq3A_444, %jit3A_445, %jit3A_442 : i32
      %rem3A_447 = arith.remsi %add3A_441, %select_n3A_446 : i32
      %ne3A_448 = arith.constant 0 : i32
      %ne3A_449 = arith.cmpi ne, %rem3A_447, %ne3A_448 : i32
      %lt3A_450 = arith.constant 0 : i32
      %lt3A_451 = arith.cmpi slt, %rem3A_447, %lt3A_450 : i32
      %lt3A_452 = arith.constant 0 : i32
      %lt3A_453 = arith.cmpi slt, %select_n3A_446, %lt3A_452 : i32
      %ne3A_454 = arith.xori %lt3A_451, %lt3A_453 : i1
      %and3A_455 = arith.andi %ne3A_454, %ne3A_449 : i1
      %add3A_456 = arith.addi %rem3A_447, %select_n3A_446 : i32
      %select_n3A_457 = arith.select %and3A_455, %add3A_456, %rem3A_447 : i32
      %dma_start3A_458 = arith.constant 0 : i32
      %dma_start3A_459 = arith.constant 0 : i32
      %dma_start3A_460 = tpu.memref_slice %arg8[%select_n3A_439, %dma_start3A_458, %dma_start3A_459] : memref<3x128x48xf32, #tpu.memory_space<vmem>> -> memref<1x128x48xf32, #tpu.memory_space<vmem>>
      %dma_start3A_461 = tpu.memref_squeeze %dma_start3A_460 : memref<1x128x48xf32, #tpu.memory_space<vmem>> -> memref<128x48xf32, #tpu.memory_space<vmem>>
      %dma_start3A_462 = arith.constant 0 : i32
      %dma_start3A_463 = tpu.memref_slice %arg6[%add3A_421, %dma_start3A_462] : memref<81x128xi32, #tpu.memory_space<vmem>> -> memref<1x128xi32, #tpu.memory_space<vmem>>
      %dma_start3A_464 = tpu.memref_squeeze %dma_start3A_463 : memref<1x128xi32, #tpu.memory_space<vmem>> -> memref<128xi32, #tpu.memory_space<vmem>>
      %dma_start3A_465 = arith.constant 0 : i32
      %dma_start3A_466 = arith.constant 0 : i32
      %dma_start3A_467 = tpu.memref_slice %arg10[%dma_start3A_465, %dma_start3A_466] : memref<10000x48xf32, #tpu.memory_space<vmem_shared>> -> memref<10000x48xf32, #tpu.memory_space<vmem_shared>>
      %dma_start3A_468 = tpu.memref_slice %arg11[%select_n3A_457] : memref<3x!tpu.dma_semaphore, #tpu.memory_space<semaphore_mem>> -> memref<1x!tpu.dma_semaphore, #tpu.memory_space<semaphore_mem>>
      %dma_start3A_469 = tpu.memref_squeeze %dma_start3A_468 : memref<1x!tpu.dma_semaphore, #tpu.memory_space<semaphore_mem>> -> memref<!tpu.dma_semaphore, #tpu.memory_space<semaphore_mem>>
      tpu.enqueue_indirect_dma source(%dma_start3A_467 : memref<10000x48xf32, #tpu.memory_space<vmem_shared>>) target(%dma_start3A_461 : memref<128x48xf32, #tpu.memory_space<vmem>>) offsets(%dma_start3A_464 : memref<128xi32, #tpu.memory_space<vmem>>) semaphore(%dma_start3A_469 : memref<!tpu.dma_semaphore, #tpu.memory_space<semaphore_mem>>)
      %jit3A_470 = arith.constant 3 : i32
      %eq3A_471 = arith.constant 0 : i32
      %eq3A_472 = arith.cmpi eq, %jit3A_470, %eq3A_471 : i32
      %jit3A_473 = arith.constant 1 : i32
      %select_n3A_474 = arith.select %eq3A_472, %jit3A_473, %jit3A_470 : i32
      %rem3A_475 = arith.remsi %add3A_377, %select_n3A_474 : i32
      %ne3A_476 = arith.constant 0 : i32
      %ne3A_477 = arith.cmpi ne, %rem3A_475, %ne3A_476 : i32
      %lt3A_478 = arith.constant 0 : i32
      %lt3A_479 = arith.cmpi slt, %rem3A_475, %lt3A_478 : i32
      %lt3A_480 = arith.constant 0 : i32
      %lt3A_481 = arith.cmpi slt, %select_n3A_474, %lt3A_480 : i32
      %ne3A_482 = arith.xori %lt3A_479, %lt3A_481 : i1
      %and3A_483 = arith.andi %ne3A_482, %ne3A_477 : i1
      %add3A_484 = arith.addi %rem3A_475, %select_n3A_474 : i32
      %select_n3A_485 = arith.select %and3A_483, %add3A_484, %rem3A_475 : i32
      %jit3A_486 = arith.constant 3 : i32
      %eq3A_487 = arith.constant 0 : i32
      %eq3A_488 = arith.cmpi eq, %jit3A_486, %eq3A_487 : i32
      %jit3A_489 = arith.constant 1 : i32
      %select_n3A_490 = arith.select %eq3A_488, %jit3A_489, %jit3A_486 : i32
      %rem3A_491 = arith.remsi %add3A_377, %select_n3A_490 : i32
      %ne3A_492 = arith.constant 0 : i32
      %ne3A_493 = arith.cmpi ne, %rem3A_491, %ne3A_492 : i32
      %lt3A_494 = arith.constant 0 : i32
      %lt3A_495 = arith.cmpi slt, %rem3A_491, %lt3A_494 : i32
      %lt3A_496 = arith.constant 0 : i32
      %lt3A_497 = arith.cmpi slt, %select_n3A_490, %lt3A_496 : i32
      %ne3A_498 = arith.xori %lt3A_495, %lt3A_497 : i1
      %and3A_499 = arith.andi %ne3A_498, %ne3A_493 : i1
      %add3A_500 = arith.addi %rem3A_491, %select_n3A_490 : i32
      %select_n3A_501 = arith.select %and3A_499, %add3A_500, %rem3A_491 : i32
      %dma_wait3A_502 = arith.constant 0 : i32
      %dma_wait3A_503 = arith.constant 0 : i32
      %dma_wait3A_504 = tpu.memref_slice %arg8[%select_n3A_485, %dma_wait3A_502, %dma_wait3A_503] : memref<3x128x48xf32, #tpu.memory_space<vmem>> -> memref<1x128x48xf32, #tpu.memory_space<vmem>>
      %dma_wait3A_505 = tpu.memref_squeeze %dma_wait3A_504 : memref<1x128x48xf32, #tpu.memory_space<vmem>> -> memref<128x48xf32, #tpu.memory_space<vmem>>
      %dma_wait3A_506 = arith.constant 0 : i32
      %dma_wait3A_507 = tpu.memref_slice %arg6[%add3A_377, %dma_wait3A_506] : memref<81x128xi32, #tpu.memory_space<vmem>> -> memref<1x128xi32, #tpu.memory_space<vmem>>
      %dma_wait3A_508 = tpu.memref_squeeze %dma_wait3A_507 : memref<1x128xi32, #tpu.memory_space<vmem>> -> memref<128xi32, #tpu.memory_space<vmem>>
      %dma_wait3A_509 = arith.constant 0 : i32
      %dma_wait3A_510 = arith.constant 0 : i32
      %dma_wait3A_511 = tpu.memref_slice %arg10[%dma_wait3A_509, %dma_wait3A_510] : memref<10000x48xf32, #tpu.memory_space<vmem_shared>> -> memref<10000x48xf32, #tpu.memory_space<vmem_shared>>
      %dma_wait3A_512 = tpu.memref_slice %arg11[%select_n3A_501] : memref<3x!tpu.dma_semaphore, #tpu.memory_space<semaphore_mem>> -> memref<1x!tpu.dma_semaphore, #tpu.memory_space<semaphore_mem>>
      %dma_wait3A_513 = tpu.memref_squeeze %dma_wait3A_512 : memref<1x!tpu.dma_semaphore, #tpu.memory_space<semaphore_mem>> -> memref<!tpu.dma_semaphore, #tpu.memory_space<semaphore_mem>>
      tpu.wait_indirect_dma semaphore(%dma_wait3A_513 : memref<!tpu.dma_semaphore, #tpu.memory_space<semaphore_mem>>) src(%dma_wait3A_511 : memref<10000x48xf32, #tpu.memory_space<vmem_shared>>) dst(%dma_wait3A_505 : memref<128x48xf32, #tpu.memory_space<vmem>>)
      %jit3A_514 = arith.constant 3 : i32
      %eq3A_515 = arith.constant 0 : i32
      %eq3A_516 = arith.cmpi eq, %jit3A_514, %eq3A_515 : i32
      %jit3A_517 = arith.constant 1 : i32
      %select_n3A_518 = arith.select %eq3A_516, %jit3A_517, %jit3A_514 : i32
      %rem3A_519 = arith.remsi %add3A_377, %select_n3A_518 : i32
      %ne3A_520 = arith.constant 0 : i32
      %ne3A_521 = arith.cmpi ne, %rem3A_519, %ne3A_520 : i32
      %lt3A_522 = arith.constant 0 : i32
      %lt3A_523 = arith.cmpi slt, %rem3A_519, %lt3A_522 : i32
      %lt3A_524 = arith.constant 0 : i32
      %lt3A_525 = arith.cmpi slt, %select_n3A_518, %lt3A_524 : i32
      %ne3A_526 = arith.xori %lt3A_523, %lt3A_525 : i1
      %and3A_527 = arith.andi %ne3A_526, %ne3A_521 : i1
      %add3A_528 = arith.addi %rem3A_519, %select_n3A_518 : i32
      %select_n3A_529 = arith.select %and3A_527, %add3A_528, %rem3A_519 : i32
      %jit3A_530 = arith.constant 3 : i32
      %eq3A_531 = arith.constant 0 : i32
      %eq3A_532 = arith.cmpi eq, %jit3A_530, %eq3A_531 : i32
      %jit3A_533 = arith.constant 1 : i32
      %select_n3A_534 = arith.select %eq3A_532, %jit3A_533, %jit3A_530 : i32
      %rem3A_535 = arith.remsi %add3A_377, %select_n3A_534 : i32
      %ne3A_536 = arith.constant 0 : i32
      %ne3A_537 = arith.cmpi ne, %rem3A_535, %ne3A_536 : i32
      %lt3A_538 = arith.constant 0 : i32
      %lt3A_539 = arith.cmpi slt, %rem3A_535, %lt3A_538 : i32
      %lt3A_540 = arith.constant 0 : i32
      %lt3A_541 = arith.cmpi slt, %select_n3A_534, %lt3A_540 : i32
      %ne3A_542 = arith.xori %lt3A_539, %lt3A_541 : i1
      %and3A_543 = arith.andi %ne3A_542, %ne3A_537 : i1
      %add3A_544 = arith.addi %rem3A_535, %select_n3A_534 : i32
      %select_n3A_545 = arith.select %and3A_543, %add3A_544, %rem3A_535 : i32
      %dma_start3A_546 = arith.constant 0 : i32
      %dma_start3A_547 = arith.constant 0 : i32
      %dma_start3A_548 = tpu.memref_slice %arg8[%select_n3A_529, %dma_start3A_546, %dma_start3A_547] : memref<3x128x48xf32, #tpu.memory_space<vmem>> -> memref<1x128x48xf32, #tpu.memory_space<vmem>>
      %dma_start3A_549 = tpu.memref_squeeze %dma_start3A_548 : memref<1x128x48xf32, #tpu.memory_space<vmem>> -> memref<128x48xf32, #tpu.memory_space<vmem>>
      %dma_start3A_550 = arith.constant 0 : i32
      %dma_start3A_551 = tpu.memref_slice %arg7[%add3A_377, %dma_start3A_550] : memref<81x128xi32, #tpu.memory_space<vmem>> -> memref<1x128xi32, #tpu.memory_space<vmem>>
      %dma_start3A_552 = tpu.memref_squeeze %dma_start3A_551 : memref<1x128xi32, #tpu.memory_space<vmem>> -> memref<128xi32, #tpu.memory_space<vmem>>
      %dma_start3A_553 = arith.constant 0 : i32
      %dma_start3A_554 = arith.constant 0 : i32
      %dma_start3A_555 = tpu.memref_slice %arg9[%dma_start3A_553, %dma_start3A_554] : memref<10240x48xf32, #tpu.memory_space<vmem_shared>> -> memref<10240x48xf32, #tpu.memory_space<vmem_shared>>
      %dma_start3A_556 = tpu.memref_slice %arg12[%select_n3A_545] : memref<3x!tpu.dma_semaphore, #tpu.memory_space<semaphore_mem>> -> memref<1x!tpu.dma_semaphore, #tpu.memory_space<semaphore_mem>>
      %dma_start3A_557 = tpu.memref_squeeze %dma_start3A_556 : memref<1x!tpu.dma_semaphore, #tpu.memory_space<semaphore_mem>> -> memref<!tpu.dma_semaphore, #tpu.memory_space<semaphore_mem>>
      tpu.enqueue_indirect_dma source(%dma_start3A_549 : memref<128x48xf32, #tpu.memory_space<vmem>>) target(%dma_start3A_555 : memref<10240x48xf32, #tpu.memory_space<vmem_shared>>) offsets(%dma_start3A_552 : memref<128xi32, #tpu.memory_space<vmem>>) semaphore(%dma_start3A_557 : memref<!tpu.dma_semaphore, #tpu.memory_space<semaphore_mem>>) {add = true}
      %add3A_558 = arith.constant 1 : i32
      %add3A_559 = arith.addi %add3A_375, %add3A_558 : i32
      %sub3A_560 = arith.constant 2 : i32
      %sub3A_561 = arith.subi %add3A_559, %sub3A_560 : i32
      %jit3A_562 = arith.constant 3 : i32
      %eq3A_563 = arith.constant 0 : i32
      %eq3A_564 = arith.cmpi eq, %jit3A_562, %eq3A_563 : i32
      %jit3A_565 = arith.constant 1 : i32
      %select_n3A_566 = arith.select %eq3A_564, %jit3A_565, %jit3A_562 : i32
      %rem3A_567 = arith.remsi %sub3A_561, %select_n3A_566 : i32
      %ne3A_568 = arith.constant 0 : i32
      %ne3A_569 = arith.cmpi ne, %rem3A_567, %ne3A_568 : i32
      %lt3A_570 = arith.constant 0 : i32
      %lt3A_571 = arith.cmpi slt, %rem3A_567, %lt3A_570 : i32
      %lt3A_572 = arith.constant 0 : i32
      %lt3A_573 = arith.cmpi slt, %select_n3A_566, %lt3A_572 : i32
      %ne3A_574 = arith.xori %lt3A_571, %lt3A_573 : i1
      %and3A_575 = arith.andi %ne3A_574, %ne3A_569 : i1
      %add3A_576 = arith.addi %rem3A_567, %select_n3A_566 : i32
      %select_n3A_577 = arith.select %and3A_575, %add3A_576, %rem3A_567 : i32
      %sub3A_578 = arith.constant 2 : i32
      %sub3A_579 = arith.subi %add3A_559, %sub3A_578 : i32
      %sub3A_580 = arith.constant 2 : i32
      %sub3A_581 = arith.subi %add3A_559, %sub3A_580 : i32
      %jit3A_582 = arith.constant 3 : i32
      %eq3A_583 = arith.constant 0 : i32
      %eq3A_584 = arith.cmpi eq, %jit3A_582, %eq3A_583 : i32
      %jit3A_585 = arith.constant 1 : i32
      %select_n3A_586 = arith.select %eq3A_584, %jit3A_585, %jit3A_582 : i32
      %rem3A_587 = arith.remsi %sub3A_581, %select_n3A_586 : i32
      %ne3A_588 = arith.constant 0 : i32
      %ne3A_589 = arith.cmpi ne, %rem3A_587, %ne3A_588 : i32
      %lt3A_590 = arith.constant 0 : i32
      %lt3A_591 = arith.cmpi slt, %rem3A_587, %lt3A_590 : i32
      %lt3A_592 = arith.constant 0 : i32
      %lt3A_593 = arith.cmpi slt, %select_n3A_586, %lt3A_592 : i32
      %ne3A_594 = arith.xori %lt3A_591, %lt3A_593 : i1
      %and3A_595 = arith.andi %ne3A_594, %ne3A_589 : i1
      %add3A_596 = arith.addi %rem3A_587, %select_n3A_586 : i32
      %select_n3A_597 = arith.select %and3A_595, %add3A_596, %rem3A_587 : i32
      %dma_wait3A_598 = arith.constant 0 : i32
      %dma_wait3A_599 = arith.constant 0 : i32
      %dma_wait3A_600 = tpu.memref_slice %arg8[%select_n3A_577, %dma_wait3A_598, %dma_wait3A_599] : memref<3x128x48xf32, #tpu.memory_space<vmem>> -> memref<1x128x48xf32, #tpu.memory_space<vmem>>
      %dma_wait3A_601 = tpu.memref_squeeze %dma_wait3A_600 : memref<1x128x48xf32, #tpu.memory_space<vmem>> -> memref<128x48xf32, #tpu.memory_space<vmem>>
      %dma_wait3A_602 = arith.constant 0 : i32
      %dma_wait3A_603 = tpu.memref_slice %arg7[%sub3A_579, %dma_wait3A_602] : memref<81x128xi32, #tpu.memory_space<vmem>> -> memref<1x128xi32, #tpu.memory_space<vmem>>
      %dma_wait3A_604 = tpu.memref_squeeze %dma_wait3A_603 : memref<1x128xi32, #tpu.memory_space<vmem>> -> memref<128xi32, #tpu.memory_space<vmem>>
      %dma_wait3A_605 = arith.constant 0 : i32
      %dma_wait3A_606 = arith.constant 0 : i32
      %dma_wait3A_607 = tpu.memref_slice %arg9[%dma_wait3A_605, %dma_wait3A_606] : memref<10240x48xf32, #tpu.memory_space<vmem_shared>> -> memref<10240x48xf32, #tpu.memory_space<vmem_shared>>
      %dma_wait3A_608 = tpu.memref_slice %arg12[%select_n3A_597] : memref<3x!tpu.dma_semaphore, #tpu.memory_space<semaphore_mem>> -> memref<1x!tpu.dma_semaphore, #tpu.memory_space<semaphore_mem>>
      %dma_wait3A_609 = tpu.memref_squeeze %dma_wait3A_608 : memref<1x!tpu.dma_semaphore, #tpu.memory_space<semaphore_mem>> -> memref<!tpu.dma_semaphore, #tpu.memory_space<semaphore_mem>>
      tpu.wait_indirect_dma semaphore(%dma_wait3A_609 : memref<!tpu.dma_semaphore, #tpu.memory_space<semaphore_mem>>) src(%dma_wait3A_601 : memref<128x48xf32, #tpu.memory_space<vmem>>) dst(%dma_wait3A_607 : memref<10240x48xf32, #tpu.memory_space<vmem_shared>>)
      %add3A_610 = arith.constant 1 : i32
      %add3A_611 = arith.addi %add3A_559, %add3A_610 : i32
      %add3A_612 = arith.constant 1 : i32
      %add3A_613 = arith.addi %add3A_559, %add3A_612 : i32
      %jit3A_614 = arith.constant 3 : i32
      %eq3A_615 = arith.constant 0 : i32
      %eq3A_616 = arith.cmpi eq, %jit3A_614, %eq3A_615 : i32
      %jit3A_617 = arith.constant 1 : i32
      %select_n3A_618 = arith.select %eq3A_616, %jit3A_617, %jit3A_614 : i32
      %rem3A_619 = arith.remsi %add3A_613, %select_n3A_618 : i32
      %ne3A_620 = arith.constant 0 : i32
      %ne3A_621 = arith.cmpi ne, %rem3A_619, %ne3A_620 : i32
      %lt3A_622 = arith.constant 0 : i32
      %lt3A_623 = arith.cmpi slt, %rem3A_619, %lt3A_622 : i32
      %lt3A_624 = arith.constant 0 : i32
      %lt3A_625 = arith.cmpi slt, %select_n3A_618, %lt3A_624 : i32
      %ne3A_626 = arith.xori %lt3A_623, %lt3A_625 : i1
      %and3A_627 = arith.andi %ne3A_626, %ne3A_621 : i1
      %add3A_628 = arith.addi %rem3A_619, %select_n3A_618 : i32
      %select_n3A_629 = arith.select %and3A_627, %add3A_628, %rem3A_619 : i32
      %add3A_630 = arith.constant 1 : i32
      %add3A_631 = arith.addi %add3A_559, %add3A_630 : i32
      %jit3A_632 = arith.constant 3 : i32
      %eq3A_633 = arith.constant 0 : i32
      %eq3A_634 = arith.cmpi eq, %jit3A_632, %eq3A_633 : i32
      %jit3A_635 = arith.constant 1 : i32
      %select_n3A_636 = arith.select %eq3A_634, %jit3A_635, %jit3A_632 : i32
      %rem3A_637 = arith.remsi %add3A_631, %select_n3A_636 : i32
      %ne3A_638 = arith.constant 0 : i32
      %ne3A_639 = arith.cmpi ne, %rem3A_637, %ne3A_638 : i32
      %lt3A_640 = arith.constant 0 : i32
      %lt3A_641 = arith.cmpi slt, %rem3A_637, %lt3A_640 : i32
      %lt3A_642 = arith.constant 0 : i32
      %lt3A_643 = arith.cmpi slt, %select_n3A_636, %lt3A_642 : i32
      %ne3A_644 = arith.xori %lt3A_641, %lt3A_643 : i1
      %and3A_645 = arith.andi %ne3A_644, %ne3A_639 : i1
      %add3A_646 = arith.addi %rem3A_637, %select_n3A_636 : i32
      %select_n3A_647 = arith.select %and3A_645, %add3A_646, %rem3A_637 : i32
      %dma_start3A_648 = arith.constant 0 : i32
      %dma_start3A_649 = arith.constant 0 : i32
      %dma_start3A_650 = tpu.memref_slice %arg8[%select_n3A_629, %dma_start3A_648, %dma_start3A_649] : memref<3x128x48xf32, #tpu.memory_space<vmem>> -> memref<1x128x48xf32, #tpu.memory_space<vmem>>
      %dma_start3A_651 = tpu.memref_squeeze %dma_start3A_650 : memref<1x128x48xf32, #tpu.memory_space<vmem>> -> memref<128x48xf32, #tpu.memory_space<vmem>>
      %dma_start3A_652 = arith.constant 0 : i32
      %dma_start3A_653 = tpu.memref_slice %arg6[%add3A_611, %dma_start3A_652] : memref<81x128xi32, #tpu.memory_space<vmem>> -> memref<1x128xi32, #tpu.memory_space<vmem>>
      %dma_start3A_654 = tpu.memref_squeeze %dma_start3A_653 : memref<1x128xi32, #tpu.memory_space<vmem>> -> memref<128xi32, #tpu.memory_space<vmem>>
      %dma_start3A_655 = arith.constant 0 : i32
      %dma_start3A_656 = arith.constant 0 : i32
      %dma_start3A_657 = tpu.memref_slice %arg10[%dma_start3A_655, %dma_start3A_656] : memref<10000x48xf32, #tpu.memory_space<vmem_shared>> -> memref<10000x48xf32, #tpu.memory_space<vmem_shared>>
      %dma_start3A_658 = tpu.memref_slice %arg11[%select_n3A_647] : memref<3x!tpu.dma_semaphore, #tpu.memory_space<semaphore_mem>> -> memref<1x!tpu.dma_semaphore, #tpu.memory_space<semaphore_mem>>
      %dma_start3A_659 = tpu.memref_squeeze %dma_start3A_658 : memref<1x!tpu.dma_semaphore, #tpu.memory_space<semaphore_mem>> -> memref<!tpu.dma_semaphore, #tpu.memory_space<semaphore_mem>>
      tpu.enqueue_indirect_dma source(%dma_start3A_657 : memref<10000x48xf32, #tpu.memory_space<vmem_shared>>) target(%dma_start3A_651 : memref<128x48xf32, #tpu.memory_space<vmem>>) offsets(%dma_start3A_654 : memref<128xi32, #tpu.memory_space<vmem>>) semaphore(%dma_start3A_659 : memref<!tpu.dma_semaphore, #tpu.memory_space<semaphore_mem>>)
      %jit3A_660 = arith.constant 3 : i32
      %eq3A_661 = arith.constant 0 : i32
      %eq3A_662 = arith.cmpi eq, %jit3A_660, %eq3A_661 : i32
      %jit3A_663 = arith.constant 1 : i32
      %select_n3A_664 = arith.select %eq3A_662, %jit3A_663, %jit3A_660 : i32
      %rem3A_665 = arith.remsi %add3A_559, %select_n3A_664 : i32
      %ne3A_666 = arith.constant 0 : i32
      %ne3A_667 = arith.cmpi ne, %rem3A_665, %ne3A_666 : i32
      %lt3A_668 = arith.constant 0 : i32
      %lt3A_669 = arith.cmpi slt, %rem3A_665, %lt3A_668 : i32
      %lt3A_670 = arith.constant 0 : i32
      %lt3A_671 = arith.cmpi slt, %select_n3A_664, %lt3A_670 : i32
      %ne3A_672 = arith.xori %lt3A_669, %lt3A_671 : i1
      %and3A_673 = arith.andi %ne3A_672, %ne3A_667 : i1
      %add3A_674 = arith.addi %rem3A_665, %select_n3A_664 : i32
      %select_n3A_675 = arith.select %and3A_673, %add3A_674, %rem3A_665 : i32
      %jit3A_676 = arith.constant 3 : i32
      %eq3A_677 = arith.constant 0 : i32
      %eq3A_678 = arith.cmpi eq, %jit3A_676, %eq3A_677 : i32
      %jit3A_679 = arith.constant 1 : i32
      %select_n3A_680 = arith.select %eq3A_678, %jit3A_679, %jit3A_676 : i32
      %rem3A_681 = arith.remsi %add3A_559, %select_n3A_680 : i32
      %ne3A_682 = arith.constant 0 : i32
      %ne3A_683 = arith.cmpi ne, %rem3A_681, %ne3A_682 : i32
      %lt3A_684 = arith.constant 0 : i32
      %lt3A_685 = arith.cmpi slt, %rem3A_681, %lt3A_684 : i32
      %lt3A_686 = arith.constant 0 : i32
      %lt3A_687 = arith.cmpi slt, %select_n3A_680, %lt3A_686 : i32
      %ne3A_688 = arith.xori %lt3A_685, %lt3A_687 : i1
      %and3A_689 = arith.andi %ne3A_688, %ne3A_683 : i1
      %add3A_690 = arith.addi %rem3A_681, %select_n3A_680 : i32
      %select_n3A_691 = arith.select %and3A_689, %add3A_690, %rem3A_681 : i32
      %dma_wait3A_692 = arith.constant 0 : i32
      %dma_wait3A_693 = arith.constant 0 : i32
      %dma_wait3A_694 = tpu.memref_slice %arg8[%select_n3A_675, %dma_wait3A_692, %dma_wait3A_693] : memref<3x128x48xf32, #tpu.memory_space<vmem>> -> memref<1x128x48xf32, #tpu.memory_space<vmem>>
      %dma_wait3A_695 = tpu.memref_squeeze %dma_wait3A_694 : memref<1x128x48xf32, #tpu.memory_space<vmem>> -> memref<128x48xf32, #tpu.memory_space<vmem>>
      %dma_wait3A_696 = arith.constant 0 : i32
      %dma_wait3A_697 = tpu.memref_slice %arg6[%add3A_559, %dma_wait3A_696] : memref<81x128xi32, #tpu.memory_space<vmem>> -> memref<1x128xi32, #tpu.memory_space<vmem>>
      %dma_wait3A_698 = tpu.memref_squeeze %dma_wait3A_697 : memref<1x128xi32, #tpu.memory_space<vmem>> -> memref<128xi32, #tpu.memory_space<vmem>>
      %dma_wait3A_699 = arith.constant 0 : i32
      %dma_wait3A_700 = arith.constant 0 : i32
      %dma_wait3A_701 = tpu.memref_slice %arg10[%dma_wait3A_699, %dma_wait3A_700] : memref<10000x48xf32, #tpu.memory_space<vmem_shared>> -> memref<10000x48xf32, #tpu.memory_space<vmem_shared>>
      %dma_wait3A_702 = tpu.memref_slice %arg11[%select_n3A_691] : memref<3x!tpu.dma_semaphore, #tpu.memory_space<semaphore_mem>> -> memref<1x!tpu.dma_semaphore, #tpu.memory_space<semaphore_mem>>
      %dma_wait3A_703 = tpu.memref_squeeze %dma_wait3A_702 : memref<1x!tpu.dma_semaphore, #tpu.memory_space<semaphore_mem>> -> memref<!tpu.dma_semaphore, #tpu.memory_space<semaphore_mem>>
      tpu.wait_indirect_dma semaphore(%dma_wait3A_703 : memref<!tpu.dma_semaphore, #tpu.memory_space<semaphore_mem>>) src(%dma_wait3A_701 : memref<10000x48xf32, #tpu.memory_space<vmem_shared>>) dst(%dma_wait3A_695 : memref<128x48xf32, #tpu.memory_space<vmem>>)
      %jit3A_704 = arith.constant 3 : i32
      %eq3A_705 = arith.constant 0 : i32
      %eq3A_706 = arith.cmpi eq, %jit3A_704, %eq3A_705 : i32
      %jit3A_707 = arith.constant 1 : i32
      %select_n3A_708 = arith.select %eq3A_706, %jit3A_707, %jit3A_704 : i32
      %rem3A_709 = arith.remsi %add3A_559, %select_n3A_708 : i32
      %ne3A_710 = arith.constant 0 : i32
      %ne3A_711 = arith.cmpi ne, %rem3A_709, %ne3A_710 : i32
      %lt3A_712 = arith.constant 0 : i32
      %lt3A_713 = arith.cmpi slt, %rem3A_709, %lt3A_712 : i32
      %lt3A_714 = arith.constant 0 : i32
      %lt3A_715 = arith.cmpi slt, %select_n3A_708, %lt3A_714 : i32
      %ne3A_716 = arith.xori %lt3A_713, %lt3A_715 : i1
      %and3A_717 = arith.andi %ne3A_716, %ne3A_711 : i1
      %add3A_718 = arith.addi %rem3A_709, %select_n3A_708 : i32
      %select_n3A_719 = arith.select %and3A_717, %add3A_718, %rem3A_709 : i32
      %jit3A_720 = arith.constant 3 : i32
      %eq3A_721 = arith.constant 0 : i32
      %eq3A_722 = arith.cmpi eq, %jit3A_720, %eq3A_721 : i32
      %jit3A_723 = arith.constant 1 : i32
      %select_n3A_724 = arith.select %eq3A_722, %jit3A_723, %jit3A_720 : i32
      %rem3A_725 = arith.remsi %add3A_559, %select_n3A_724 : i32
      %ne3A_726 = arith.constant 0 : i32
      %ne3A_727 = arith.cmpi ne, %rem3A_725, %ne3A_726 : i32
      %lt3A_728 = arith.constant 0 : i32
      %lt3A_729 = arith.cmpi slt, %rem3A_725, %lt3A_728 : i32
      %lt3A_730 = arith.constant 0 : i32
      %lt3A_731 = arith.cmpi slt, %select_n3A_724, %lt3A_730 : i32
      %ne3A_732 = arith.xori %lt3A_729, %lt3A_731 : i1
      %and3A_733 = arith.andi %ne3A_732, %ne3A_727 : i1
      %add3A_734 = arith.addi %rem3A_725, %select_n3A_724 : i32
      %select_n3A_735 = arith.select %and3A_733, %add3A_734, %rem3A_725 : i32
      %dma_start3A_736 = arith.constant 0 : i32
      %dma_start3A_737 = arith.constant 0 : i32
      %dma_start3A_738 = tpu.memref_slice %arg8[%select_n3A_719, %dma_start3A_736, %dma_start3A_737] : memref<3x128x48xf32, #tpu.memory_space<vmem>> -> memref<1x128x48xf32, #tpu.memory_space<vmem>>
      %dma_start3A_739 = tpu.memref_squeeze %dma_start3A_738 : memref<1x128x48xf32, #tpu.memory_space<vmem>> -> memref<128x48xf32, #tpu.memory_space<vmem>>
      %dma_start3A_740 = arith.constant 0 : i32
      %dma_start3A_741 = tpu.memref_slice %arg7[%add3A_559, %dma_start3A_740] : memref<81x128xi32, #tpu.memory_space<vmem>> -> memref<1x128xi32, #tpu.memory_space<vmem>>
      %dma_start3A_742 = tpu.memref_squeeze %dma_start3A_741 : memref<1x128xi32, #tpu.memory_space<vmem>> -> memref<128xi32, #tpu.memory_space<vmem>>
      %dma_start3A_743 = arith.constant 0 : i32
      %dma_start3A_744 = arith.constant 0 : i32
      %dma_start3A_745 = tpu.memref_slice %arg9[%dma_start3A_743, %dma_start3A_744] : memref<10240x48xf32, #tpu.memory_space<vmem_shared>> -> memref<10240x48xf32, #tpu.memory_space<vmem_shared>>
      %dma_start3A_746 = tpu.memref_slice %arg12[%select_n3A_735] : memref<3x!tpu.dma_semaphore, #tpu.memory_space<semaphore_mem>> -> memref<1x!tpu.dma_semaphore, #tpu.memory_space<semaphore_mem>>
      %dma_start3A_747 = tpu.memref_squeeze %dma_start3A_746 : memref<1x!tpu.dma_semaphore, #tpu.memory_space<semaphore_mem>> -> memref<!tpu.dma_semaphore, #tpu.memory_space<semaphore_mem>>
      tpu.enqueue_indirect_dma source(%dma_start3A_739 : memref<128x48xf32, #tpu.memory_space<vmem>>) target(%dma_start3A_745 : memref<10240x48xf32, #tpu.memory_space<vmem_shared>>) offsets(%dma_start3A_742 : memref<128xi32, #tpu.memory_space<vmem>>) semaphore(%dma_start3A_747 : memref<!tpu.dma_semaphore, #tpu.memory_space<semaphore_mem>>) {add = true}
      %add3A_748 = arith.constant 2 : i32
      %add3A_749 = arith.addi %add3A_375, %add3A_748 : i32
      %sub3A_750 = arith.constant 2 : i32
      %sub3A_751 = arith.subi %add3A_749, %sub3A_750 : i32
      %jit3A_752 = arith.constant 3 : i32
      %eq3A_753 = arith.constant 0 : i32
      %eq3A_754 = arith.cmpi eq, %jit3A_752, %eq3A_753 : i32
      %jit3A_755 = arith.constant 1 : i32
      %select_n3A_756 = arith.select %eq3A_754, %jit3A_755, %jit3A_752 : i32
      %rem3A_757 = arith.remsi %sub3A_751, %select_n3A_756 : i32
      %ne3A_758 = arith.constant 0 : i32
      %ne3A_759 = arith.cmpi ne, %rem3A_757, %ne3A_758 : i32
      %lt3A_760 = arith.constant 0 : i32
      %lt3A_761 = arith.cmpi slt, %rem3A_757, %lt3A_760 : i32
      %lt3A_762 = arith.constant 0 : i32
      %lt3A_763 = arith.cmpi slt, %select_n3A_756, %lt3A_762 : i32
      %ne3A_764 = arith.xori %lt3A_761, %lt3A_763 : i1
      %and3A_765 = arith.andi %ne3A_764, %ne3A_759 : i1
      %add3A_766 = arith.addi %rem3A_757, %select_n3A_756 : i32
      %select_n3A_767 = arith.select %and3A_765, %add3A_766, %rem3A_757 : i32
      %sub3A_768 = arith.constant 2 : i32
      %sub3A_769 = arith.subi %add3A_749, %sub3A_768 : i32
      %sub3A_770 = arith.constant 2 : i32
      %sub3A_771 = arith.subi %add3A_749, %sub3A_770 : i32
      %jit3A_772 = arith.constant 3 : i32
      %eq3A_773 = arith.constant 0 : i32
      %eq3A_774 = arith.cmpi eq, %jit3A_772, %eq3A_773 : i32
      %jit3A_775 = arith.constant 1 : i32
      %select_n3A_776 = arith.select %eq3A_774, %jit3A_775, %jit3A_772 : i32
      %rem3A_777 = arith.remsi %sub3A_771, %select_n3A_776 : i32
      %ne3A_778 = arith.constant 0 : i32
      %ne3A_779 = arith.cmpi ne, %rem3A_777, %ne3A_778 : i32
      %lt3A_780 = arith.constant 0 : i32
      %lt3A_781 = arith.cmpi slt, %rem3A_777, %lt3A_780 : i32
      %lt3A_782 = arith.constant 0 : i32
      %lt3A_783 = arith.cmpi slt, %select_n3A_776, %lt3A_782 : i32
      %ne3A_784 = arith.xori %lt3A_781, %lt3A_783 : i1
      %and3A_785 = arith.andi %ne3A_784, %ne3A_779 : i1
      %add3A_786 = arith.addi %rem3A_777, %select_n3A_776 : i32
      %select_n3A_787 = arith.select %and3A_785, %add3A_786, %rem3A_777 : i32
      %dma_wait3A_788 = arith.constant 0 : i32
      %dma_wait3A_789 = arith.constant 0 : i32
      %dma_wait3A_790 = tpu.memref_slice %arg8[%select_n3A_767, %dma_wait3A_788, %dma_wait3A_789] : memref<3x128x48xf32, #tpu.memory_space<vmem>> -> memref<1x128x48xf32, #tpu.memory_space<vmem>>
      %dma_wait3A_791 = tpu.memref_squeeze %dma_wait3A_790 : memref<1x128x48xf32, #tpu.memory_space<vmem>> -> memref<128x48xf32, #tpu.memory_space<vmem>>
      %dma_wait3A_792 = arith.constant 0 : i32
      %dma_wait3A_793 = tpu.memref_slice %arg7[%sub3A_769, %dma_wait3A_792] : memref<81x128xi32, #tpu.memory_space<vmem>> -> memref<1x128xi32, #tpu.memory_space<vmem>>
      %dma_wait3A_794 = tpu.memref_squeeze %dma_wait3A_793 : memref<1x128xi32, #tpu.memory_space<vmem>> -> memref<128xi32, #tpu.memory_space<vmem>>
      %dma_wait3A_795 = arith.constant 0 : i32
      %dma_wait3A_796 = arith.constant 0 : i32
      %dma_wait3A_797 = tpu.memref_slice %arg9[%dma_wait3A_795, %dma_wait3A_796] : memref<10240x48xf32, #tpu.memory_space<vmem_shared>> -> memref<10240x48xf32, #tpu.memory_space<vmem_shared>>
      %dma_wait3A_798 = tpu.memref_slice %arg12[%select_n3A_787] : memref<3x!tpu.dma_semaphore, #tpu.memory_space<semaphore_mem>> -> memref<1x!tpu.dma_semaphore, #tpu.memory_space<semaphore_mem>>
      %dma_wait3A_799 = tpu.memref_squeeze %dma_wait3A_798 : memref<1x!tpu.dma_semaphore, #tpu.memory_space<semaphore_mem>> -> memref<!tpu.dma_semaphore, #tpu.memory_space<semaphore_mem>>
      tpu.wait_indirect_dma semaphore(%dma_wait3A_799 : memref<!tpu.dma_semaphore, #tpu.memory_space<semaphore_mem>>) src(%dma_wait3A_791 : memref<128x48xf32, #tpu.memory_space<vmem>>) dst(%dma_wait3A_797 : memref<10240x48xf32, #tpu.memory_space<vmem_shared>>)
      %add3A_800 = arith.constant 1 : i32
      %add3A_801 = arith.addi %add3A_749, %add3A_800 : i32
      %add3A_802 = arith.constant 1 : i32
      %add3A_803 = arith.addi %add3A_749, %add3A_802 : i32
      %jit3A_804 = arith.constant 3 : i32
      %eq3A_805 = arith.constant 0 : i32
      %eq3A_806 = arith.cmpi eq, %jit3A_804, %eq3A_805 : i32
      %jit3A_807 = arith.constant 1 : i32
      %select_n3A_808 = arith.select %eq3A_806, %jit3A_807, %jit3A_804 : i32
      %rem3A_809 = arith.remsi %add3A_803, %select_n3A_808 : i32
      %ne3A_810 = arith.constant 0 : i32
      %ne3A_811 = arith.cmpi ne, %rem3A_809, %ne3A_810 : i32
      %lt3A_812 = arith.constant 0 : i32
      %lt3A_813 = arith.cmpi slt, %rem3A_809, %lt3A_812 : i32
      %lt3A_814 = arith.constant 0 : i32
      %lt3A_815 = arith.cmpi slt, %select_n3A_808, %lt3A_814 : i32
      %ne3A_816 = arith.xori %lt3A_813, %lt3A_815 : i1
      %and3A_817 = arith.andi %ne3A_816, %ne3A_811 : i1
      %add3A_818 = arith.addi %rem3A_809, %select_n3A_808 : i32
      %select_n3A_819 = arith.select %and3A_817, %add3A_818, %rem3A_809 : i32
      %add3A_820 = arith.constant 1 : i32
      %add3A_821 = arith.addi %add3A_749, %add3A_820 : i32
      %jit3A_822 = arith.constant 3 : i32
      %eq3A_823 = arith.constant 0 : i32
      %eq3A_824 = arith.cmpi eq, %jit3A_822, %eq3A_823 : i32
      %jit3A_825 = arith.constant 1 : i32
      %select_n3A_826 = arith.select %eq3A_824, %jit3A_825, %jit3A_822 : i32
      %rem3A_827 = arith.remsi %add3A_821, %select_n3A_826 : i32
      %ne3A_828 = arith.constant 0 : i32
      %ne3A_829 = arith.cmpi ne, %rem3A_827, %ne3A_828 : i32
      %lt3A_830 = arith.constant 0 : i32
      %lt3A_831 = arith.cmpi slt, %rem3A_827, %lt3A_830 : i32
      %lt3A_832 = arith.constant 0 : i32
      %lt3A_833 = arith.cmpi slt, %select_n3A_826, %lt3A_832 : i32
      %ne3A_834 = arith.xori %lt3A_831, %lt3A_833 : i1
      %and3A_835 = arith.andi %ne3A_834, %ne3A_829 : i1
      %add3A_836 = arith.addi %rem3A_827, %select_n3A_826 : i32
      %select_n3A_837 = arith.select %and3A_835, %add3A_836, %rem3A_827 : i32
      %dma_start3A_838 = arith.constant 0 : i32
      %dma_start3A_839 = arith.constant 0 : i32
      %dma_start3A_840 = tpu.memref_slice %arg8[%select_n3A_819, %dma_start3A_838, %dma_start3A_839] : memref<3x128x48xf32, #tpu.memory_space<vmem>> -> memref<1x128x48xf32, #tpu.memory_space<vmem>>
      %dma_start3A_841 = tpu.memref_squeeze %dma_start3A_840 : memref<1x128x48xf32, #tpu.memory_space<vmem>> -> memref<128x48xf32, #tpu.memory_space<vmem>>
      %dma_start3A_842 = arith.constant 0 : i32
      %dma_start3A_843 = tpu.memref_slice %arg6[%add3A_801, %dma_start3A_842] : memref<81x128xi32, #tpu.memory_space<vmem>> -> memref<1x128xi32, #tpu.memory_space<vmem>>
      %dma_start3A_844 = tpu.memref_squeeze %dma_start3A_843 : memref<1x128xi32, #tpu.memory_space<vmem>> -> memref<128xi32, #tpu.memory_space<vmem>>
      %dma_start3A_845 = arith.constant 0 : i32
      %dma_start3A_846 = arith.constant 0 : i32
      %dma_start3A_847 = tpu.memref_slice %arg10[%dma_start3A_845, %dma_start3A_846] : memref<10000x48xf32, #tpu.memory_space<vmem_shared>> -> memref<10000x48xf32, #tpu.memory_space<vmem_shared>>
      %dma_start3A_848 = tpu.memref_slice %arg11[%select_n3A_837] : memref<3x!tpu.dma_semaphore, #tpu.memory_space<semaphore_mem>> -> memref<1x!tpu.dma_semaphore, #tpu.memory_space<semaphore_mem>>
      %dma_start3A_849 = tpu.memref_squeeze %dma_start3A_848 : memref<1x!tpu.dma_semaphore, #tpu.memory_space<semaphore_mem>> -> memref<!tpu.dma_semaphore, #tpu.memory_space<semaphore_mem>>
      tpu.enqueue_indirect_dma source(%dma_start3A_847 : memref<10000x48xf32, #tpu.memory_space<vmem_shared>>) target(%dma_start3A_841 : memref<128x48xf32, #tpu.memory_space<vmem>>) offsets(%dma_start3A_844 : memref<128xi32, #tpu.memory_space<vmem>>) semaphore(%dma_start3A_849 : memref<!tpu.dma_semaphore, #tpu.memory_space<semaphore_mem>>)
      %jit3A_850 = arith.constant 3 : i32
      %eq3A_851 = arith.constant 0 : i32
      %eq3A_852 = arith.cmpi eq, %jit3A_850, %eq3A_851 : i32
      %jit3A_853 = arith.constant 1 : i32
      %select_n3A_854 = arith.select %eq3A_852, %jit3A_853, %jit3A_850 : i32
      %rem3A_855 = arith.remsi %add3A_749, %select_n3A_854 : i32
      %ne3A_856 = arith.constant 0 : i32
      %ne3A_857 = arith.cmpi ne, %rem3A_855, %ne3A_856 : i32
      %lt3A_858 = arith.constant 0 : i32
      %lt3A_859 = arith.cmpi slt, %rem3A_855, %lt3A_858 : i32
      %lt3A_860 = arith.constant 0 : i32
      %lt3A_861 = arith.cmpi slt, %select_n3A_854, %lt3A_860 : i32
      %ne3A_862 = arith.xori %lt3A_859, %lt3A_861 : i1
      %and3A_863 = arith.andi %ne3A_862, %ne3A_857 : i1
      %add3A_864 = arith.addi %rem3A_855, %select_n3A_854 : i32
      %select_n3A_865 = arith.select %and3A_863, %add3A_864, %rem3A_855 : i32
      %jit3A_866 = arith.constant 3 : i32
      %eq3A_867 = arith.constant 0 : i32
      %eq3A_868 = arith.cmpi eq, %jit3A_866, %eq3A_867 : i32
      %jit3A_869 = arith.constant 1 : i32
      %select_n3A_870 = arith.select %eq3A_868, %jit3A_869, %jit3A_866 : i32
      %rem3A_871 = arith.remsi %add3A_749, %select_n3A_870 : i32
      %ne3A_872 = arith.constant 0 : i32
      %ne3A_873 = arith.cmpi ne, %rem3A_871, %ne3A_872 : i32
      %lt3A_874 = arith.constant 0 : i32
      %lt3A_875 = arith.cmpi slt, %rem3A_871, %lt3A_874 : i32
      %lt3A_876 = arith.constant 0 : i32
      %lt3A_877 = arith.cmpi slt, %select_n3A_870, %lt3A_876 : i32
      %ne3A_878 = arith.xori %lt3A_875, %lt3A_877 : i1
      %and3A_879 = arith.andi %ne3A_878, %ne3A_873 : i1
      %add3A_880 = arith.addi %rem3A_871, %select_n3A_870 : i32
      %select_n3A_881 = arith.select %and3A_879, %add3A_880, %rem3A_871 : i32
      %dma_wait3A_882 = arith.constant 0 : i32
      %dma_wait3A_883 = arith.constant 0 : i32
      %dma_wait3A_884 = tpu.memref_slice %arg8[%select_n3A_865, %dma_wait3A_882, %dma_wait3A_883] : memref<3x128x48xf32, #tpu.memory_space<vmem>> -> memref<1x128x48xf32, #tpu.memory_space<vmem>>
      %dma_wait3A_885 = tpu.memref_squeeze %dma_wait3A_884 : memref<1x128x48xf32, #tpu.memory_space<vmem>> -> memref<128x48xf32, #tpu.memory_space<vmem>>
      %dma_wait3A_886 = arith.constant 0 : i32
      %dma_wait3A_887 = tpu.memref_slice %arg6[%add3A_749, %dma_wait3A_886] : memref<81x128xi32, #tpu.memory_space<vmem>> -> memref<1x128xi32, #tpu.memory_space<vmem>>
      %dma_wait3A_888 = tpu.memref_squeeze %dma_wait3A_887 : memref<1x128xi32, #tpu.memory_space<vmem>> -> memref<128xi32, #tpu.memory_space<vmem>>
      %dma_wait3A_889 = arith.constant 0 : i32
      %dma_wait3A_890 = arith.constant 0 : i32
      %dma_wait3A_891 = tpu.memref_slice %arg10[%dma_wait3A_889, %dma_wait3A_890] : memref<10000x48xf32, #tpu.memory_space<vmem_shared>> -> memref<10000x48xf32, #tpu.memory_space<vmem_shared>>
      %dma_wait3A_892 = tpu.memref_slice %arg11[%select_n3A_881] : memref<3x!tpu.dma_semaphore, #tpu.memory_space<semaphore_mem>> -> memref<1x!tpu.dma_semaphore, #tpu.memory_space<semaphore_mem>>
      %dma_wait3A_893 = tpu.memref_squeeze %dma_wait3A_892 : memref<1x!tpu.dma_semaphore, #tpu.memory_space<semaphore_mem>> -> memref<!tpu.dma_semaphore, #tpu.memory_space<semaphore_mem>>
      tpu.wait_indirect_dma semaphore(%dma_wait3A_893 : memref<!tpu.dma_semaphore, #tpu.memory_space<semaphore_mem>>) src(%dma_wait3A_891 : memref<10000x48xf32, #tpu.memory_space<vmem_shared>>) dst(%dma_wait3A_885 : memref<128x48xf32, #tpu.memory_space<vmem>>)
      %jit3A_894 = arith.constant 3 : i32
      %eq3A_895 = arith.constant 0 : i32
      %eq3A_896 = arith.cmpi eq, %jit3A_894, %eq3A_895 : i32
      %jit3A_897 = arith.constant 1 : i32
      %select_n3A_898 = arith.select %eq3A_896, %jit3A_897, %jit3A_894 : i32
      %rem3A_899 = arith.remsi %add3A_749, %select_n3A_898 : i32
      %ne3A_900 = arith.constant 0 : i32
      %ne3A_901 = arith.cmpi ne, %rem3A_899, %ne3A_900 : i32
      %lt3A_902 = arith.constant 0 : i32
      %lt3A_903 = arith.cmpi slt, %rem3A_899, %lt3A_902 : i32
      %lt3A_904 = arith.constant 0 : i32
      %lt3A_905 = arith.cmpi slt, %select_n3A_898, %lt3A_904 : i32
      %ne3A_906 = arith.xori %lt3A_903, %lt3A_905 : i1
      %and3A_907 = arith.andi %ne3A_906, %ne3A_901 : i1
      %add3A_908 = arith.addi %rem3A_899, %select_n3A_898 : i32
      %select_n3A_909 = arith.select %and3A_907, %add3A_908, %rem3A_899 : i32
      %jit3A_910 = arith.constant 3 : i32
      %eq3A_911 = arith.constant 0 : i32
      %eq3A_912 = arith.cmpi eq, %jit3A_910, %eq3A_911 : i32
      %jit3A_913 = arith.constant 1 : i32
      %select_n3A_914 = arith.select %eq3A_912, %jit3A_913, %jit3A_910 : i32
      %rem3A_915 = arith.remsi %add3A_749, %select_n3A_914 : i32
      %ne3A_916 = arith.constant 0 : i32
      %ne3A_917 = arith.cmpi ne, %rem3A_915, %ne3A_916 : i32
      %lt3A_918 = arith.constant 0 : i32
      %lt3A_919 = arith.cmpi slt, %rem3A_915, %lt3A_918 : i32
      %lt3A_920 = arith.constant 0 : i32
      %lt3A_921 = arith.cmpi slt, %select_n3A_914, %lt3A_920 : i32
      %ne3A_922 = arith.xori %lt3A_919, %lt3A_921 : i1
      %and3A_923 = arith.andi %ne3A_922, %ne3A_917 : i1
      %add3A_924 = arith.addi %rem3A_915, %select_n3A_914 : i32
      %select_n3A_925 = arith.select %and3A_923, %add3A_924, %rem3A_915 : i32
      %dma_start3A_926 = arith.constant 0 : i32
      %dma_start3A_927 = arith.constant 0 : i32
      %dma_start3A_928 = tpu.memref_slice %arg8[%select_n3A_909, %dma_start3A_926, %dma_start3A_927] : memref<3x128x48xf32, #tpu.memory_space<vmem>> -> memref<1x128x48xf32, #tpu.memory_space<vmem>>
      %dma_start3A_929 = tpu.memref_squeeze %dma_start3A_928 : memref<1x128x48xf32, #tpu.memory_space<vmem>> -> memref<128x48xf32, #tpu.memory_space<vmem>>
      %dma_start3A_930 = arith.constant 0 : i32
      %dma_start3A_931 = tpu.memref_slice %arg7[%add3A_749, %dma_start3A_930] : memref<81x128xi32, #tpu.memory_space<vmem>> -> memref<1x128xi32, #tpu.memory_space<vmem>>
      %dma_start3A_932 = tpu.memref_squeeze %dma_start3A_931 : memref<1x128xi32, #tpu.memory_space<vmem>> -> memref<128xi32, #tpu.memory_space<vmem>>
      %dma_start3A_933 = arith.constant 0 : i32
      %dma_start3A_934 = arith.constant 0 : i32
      %dma_start3A_935 = tpu.memref_slice %arg9[%dma_start3A_933, %dma_start3A_934] : memref<10240x48xf32, #tpu.memory_space<vmem_shared>> -> memref<10240x48xf32, #tpu.memory_space<vmem_shared>>
      %dma_start3A_936 = tpu.memref_slice %arg12[%select_n3A_925] : memref<3x!tpu.dma_semaphore, #tpu.memory_space<semaphore_mem>> -> memref<1x!tpu.dma_semaphore, #tpu.memory_space<semaphore_mem>>
      %dma_start3A_937 = tpu.memref_squeeze %dma_start3A_936 : memref<1x!tpu.dma_semaphore, #tpu.memory_space<semaphore_mem>> -> memref<!tpu.dma_semaphore, #tpu.memory_space<semaphore_mem>>
      tpu.enqueue_indirect_dma source(%dma_start3A_929 : memref<128x48xf32, #tpu.memory_space<vmem>>) target(%dma_start3A_935 : memref<10240x48xf32, #tpu.memory_space<vmem_shared>>) offsets(%dma_start3A_932 : memref<128xi32, #tpu.memory_space<vmem>>) semaphore(%dma_start3A_937 : memref<!tpu.dma_semaphore, #tpu.memory_space<semaphore_mem>>) {add = true}
    }
    %scan3A_174 = arith.constant 25 : i32
    %dma_wait3A_175 = arith.constant 1 : i32
    %dma_wait3A_176 = arith.constant 76 : i32
    %dma_wait3A_177 = arith.constant 1 : i32
    %dma_wait3A_178 = arith.constant 0 : i32
    %dma_wait3A_179 = arith.constant 0 : i32
    %dma_wait3A_180 = tpu.memref_slice %arg8[%dma_wait3A_175, %dma_wait3A_178, %dma_wait3A_179] : memref<3x128x48xf32, #tpu.memory_space<vmem>> -> memref<1x128x48xf32, #tpu.memory_space<vmem>>
    %dma_wait3A_181 = tpu.memref_squeeze %dma_wait3A_180 : memref<1x128x48xf32, #tpu.memory_space<vmem>> -> memref<128x48xf32, #tpu.memory_space<vmem>>
    %dma_wait3A_182 = arith.constant 0 : i32
    %dma_wait3A_183 = tpu.memref_slice %arg7[%dma_wait3A_176, %dma_wait3A_182] : memref<81x128xi32, #tpu.memory_space<vmem>> -> memref<1x128xi32, #tpu.memory_space<vmem>>
    %dma_wait3A_184 = tpu.memref_squeeze %dma_wait3A_183 : memref<1x128xi32, #tpu.memory_space<vmem>> -> memref<128xi32, #tpu.memory_space<vmem>>
    %dma_wait3A_185 = arith.constant 0 : i32
    %dma_wait3A_186 = arith.constant 0 : i32
    %dma_wait3A_187 = tpu.memref_slice %arg9[%dma_wait3A_185, %dma_wait3A_186] : memref<10240x48xf32, #tpu.memory_space<vmem_shared>> -> memref<10240x48xf32, #tpu.memory_space<vmem_shared>>
    %dma_wait3A_188 = tpu.memref_slice %arg12[%dma_wait3A_177] : memref<3x!tpu.dma_semaphore, #tpu.memory_space<semaphore_mem>> -> memref<1x!tpu.dma_semaphore, #tpu.memory_space<semaphore_mem>>
    %dma_wait3A_189 = tpu.memref_squeeze %dma_wait3A_188 : memref<1x!tpu.dma_semaphore, #tpu.memory_space<semaphore_mem>> -> memref<!tpu.dma_semaphore, #tpu.memory_space<semaphore_mem>>
    tpu.wait_indirect_dma semaphore(%dma_wait3A_189 : memref<!tpu.dma_semaphore, #tpu.memory_space<semaphore_mem>>) src(%dma_wait3A_181 : memref<128x48xf32, #tpu.memory_space<vmem>>) dst(%dma_wait3A_187 : memref<10240x48xf32, #tpu.memory_space<vmem_shared>>)
    %dma_start3A_190 = arith.constant 79 : i32
    %dma_start3A_191 = arith.constant 1 : i32
    %dma_start3A_192 = arith.constant 1 : i32
    %dma_start3A_193 = arith.constant 0 : i32
    %dma_start3A_194 = arith.constant 0 : i32
    %dma_start3A_195 = tpu.memref_slice %arg8[%dma_start3A_191, %dma_start3A_193, %dma_start3A_194] : memref<3x128x48xf32, #tpu.memory_space<vmem>> -> memref<1x128x48xf32, #tpu.memory_space<vmem>>
    %dma_start3A_196 = tpu.memref_squeeze %dma_start3A_195 : memref<1x128x48xf32, #tpu.memory_space<vmem>> -> memref<128x48xf32, #tpu.memory_space<vmem>>
    %dma_start3A_197 = arith.constant 0 : i32
    %dma_start3A_198 = tpu.memref_slice %arg6[%dma_start3A_190, %dma_start3A_197] : memref<81x128xi32, #tpu.memory_space<vmem>> -> memref<1x128xi32, #tpu.memory_space<vmem>>
    %dma_start3A_199 = tpu.memref_squeeze %dma_start3A_198 : memref<1x128xi32, #tpu.memory_space<vmem>> -> memref<128xi32, #tpu.memory_space<vmem>>
    %dma_start3A_200 = arith.constant 0 : i32
    %dma_start3A_201 = arith.constant 0 : i32
    %dma_start3A_202 = tpu.memref_slice %arg10[%dma_start3A_200, %dma_start3A_201] : memref<10000x48xf32, #tpu.memory_space<vmem_shared>> -> memref<10000x48xf32, #tpu.memory_space<vmem_shared>>
    %dma_start3A_203 = tpu.memref_slice %arg11[%dma_start3A_192] : memref<3x!tpu.dma_semaphore, #tpu.memory_space<semaphore_mem>> -> memref<1x!tpu.dma_semaphore, #tpu.memory_space<semaphore_mem>>
    %dma_start3A_204 = tpu.memref_squeeze %dma_start3A_203 : memref<1x!tpu.dma_semaphore, #tpu.memory_space<semaphore_mem>> -> memref<!tpu.dma_semaphore, #tpu.memory_space<semaphore_mem>>
    tpu.enqueue_indirect_dma source(%dma_start3A_202 : memref<10000x48xf32, #tpu.memory_space<vmem_shared>>) target(%dma_start3A_196 : memref<128x48xf32, #tpu.memory_space<vmem>>) offsets(%dma_start3A_199 : memref<128xi32, #tpu.memory_space<vmem>>) semaphore(%dma_start3A_204 : memref<!tpu.dma_semaphore, #tpu.memory_space<semaphore_mem>>)
    %dma_wait3A_205 = arith.constant 78 : i32
    %dma_wait3A_206 = arith.constant 0 : i32
    %dma_wait3A_207 = arith.constant 0 : i32
    %dma_wait3A_208 = arith.constant 0 : i32
    %dma_wait3A_209 = arith.constant 0 : i32
    %dma_wait3A_210 = tpu.memref_slice %arg8[%dma_wait3A_206, %dma_wait3A_208, %dma_wait3A_209] : memref<3x128x48xf32, #tpu.memory_space<vmem>> -> memref<1x128x48xf32, #tpu.memory_space<vmem>>
    %dma_wait3A_211 = tpu.memref_squeeze %dma_wait3A_210 : memref<1x128x48xf32, #tpu.memory_space<vmem>> -> memref<128x48xf32, #tpu.memory_space<vmem>>
    %dma_wait3A_212 = arith.constant 0 : i32
    %dma_wait3A_213 = tpu.memref_slice %arg6[%dma_wait3A_205, %dma_wait3A_212] : memref<81x128xi32, #tpu.memory_space<vmem>> -> memref<1x128xi32, #tpu.memory_space<vmem>>
    %dma_wait3A_214 = tpu.memref_squeeze %dma_wait3A_213 : memref<1x128xi32, #tpu.memory_space<vmem>> -> memref<128xi32, #tpu.memory_space<vmem>>
    %dma_wait3A_215 = arith.constant 0 : i32
    %dma_wait3A_216 = arith.constant 0 : i32
    %dma_wait3A_217 = tpu.memref_slice %arg10[%dma_wait3A_215, %dma_wait3A_216] : memref<10000x48xf32, #tpu.memory_space<vmem_shared>> -> memref<10000x48xf32, #tpu.memory_space<vmem_shared>>
    %dma_wait3A_218 = tpu.memref_slice %arg11[%dma_wait3A_207] : memref<3x!tpu.dma_semaphore, #tpu.memory_space<semaphore_mem>> -> memref<1x!tpu.dma_semaphore, #tpu.memory_space<semaphore_mem>>
    %dma_wait3A_219 = tpu.memref_squeeze %dma_wait3A_218 : memref<1x!tpu.dma_semaphore, #tpu.memory_space<semaphore_mem>> -> memref<!tpu.dma_semaphore, #tpu.memory_space<semaphore_mem>>
    tpu.wait_indirect_dma semaphore(%dma_wait3A_219 : memref<!tpu.dma_semaphore, #tpu.memory_space<semaphore_mem>>) src(%dma_wait3A_217 : memref<10000x48xf32, #tpu.memory_space<vmem_shared>>) dst(%dma_wait3A_211 : memref<128x48xf32, #tpu.memory_space<vmem>>)
    %dma_start3A_220 = arith.constant 0 : i32
    %dma_start3A_221 = arith.constant 78 : i32
    %dma_start3A_222 = arith.constant 0 : i32
    %dma_start3A_223 = arith.constant 0 : i32
    %dma_start3A_224 = arith.constant 0 : i32
    %dma_start3A_225 = tpu.memref_slice %arg8[%dma_start3A_220, %dma_start3A_223, %dma_start3A_224] : memref<3x128x48xf32, #tpu.memory_space<vmem>> -> memref<1x128x48xf32, #tpu.memory_space<vmem>>
    %dma_start3A_226 = tpu.memref_squeeze %dma_start3A_225 : memref<1x128x48xf32, #tpu.memory_space<vmem>> -> memref<128x48xf32, #tpu.memory_space<vmem>>
    %dma_start3A_227 = arith.constant 0 : i32
    %dma_start3A_228 = tpu.memref_slice %arg7[%dma_start3A_221, %dma_start3A_227] : memref<81x128xi32, #tpu.memory_space<vmem>> -> memref<1x128xi32, #tpu.memory_space<vmem>>
    %dma_start3A_229 = tpu.memref_squeeze %dma_start3A_228 : memref<1x128xi32, #tpu.memory_space<vmem>> -> memref<128xi32, #tpu.memory_space<vmem>>
    %dma_start3A_230 = arith.constant 0 : i32
    %dma_start3A_231 = arith.constant 0 : i32
    %dma_start3A_232 = tpu.memref_slice %arg9[%dma_start3A_230, %dma_start3A_231] : memref<10240x48xf32, #tpu.memory_space<vmem_shared>> -> memref<10240x48xf32, #tpu.memory_space<vmem_shared>>
    %dma_start3A_233 = tpu.memref_slice %arg12[%dma_start3A_222] : memref<3x!tpu.dma_semaphore, #tpu.memory_space<semaphore_mem>> -> memref<1x!tpu.dma_semaphore, #tpu.memory_space<semaphore_mem>>
    %dma_start3A_234 = tpu.memref_squeeze %dma_start3A_233 : memref<1x!tpu.dma_semaphore, #tpu.memory_space<semaphore_mem>> -> memref<!tpu.dma_semaphore, #tpu.memory_space<semaphore_mem>>
    tpu.enqueue_indirect_dma source(%dma_start3A_226 : memref<128x48xf32, #tpu.memory_space<vmem>>) target(%dma_start3A_232 : memref<10240x48xf32, #tpu.memory_space<vmem_shared>>) offsets(%dma_start3A_229 : memref<128xi32, #tpu.memory_space<vmem>>) semaphore(%dma_start3A_234 : memref<!tpu.dma_semaphore, #tpu.memory_space<semaphore_mem>>) {add = true}
    %dma_wait3A_235 = arith.constant 2 : i32
    %dma_wait3A_236 = arith.constant 77 : i32
    %dma_wait3A_237 = arith.constant 2 : i32
    %dma_wait3A_238 = arith.constant 0 : i32
    %dma_wait3A_239 = arith.constant 0 : i32
    %dma_wait3A_240 = tpu.memref_slice %arg8[%dma_wait3A_235, %dma_wait3A_238, %dma_wait3A_239] : memref<3x128x48xf32, #tpu.memory_space<vmem>> -> memref<1x128x48xf32, #tpu.memory_space<vmem>>
    %dma_wait3A_241 = tpu.memref_squeeze %dma_wait3A_240 : memref<1x128x48xf32, #tpu.memory_space<vmem>> -> memref<128x48xf32, #tpu.memory_space<vmem>>
    %dma_wait3A_242 = arith.constant 0 : i32
    %dma_wait3A_243 = tpu.memref_slice %arg7[%dma_wait3A_236, %dma_wait3A_242] : memref<81x128xi32, #tpu.memory_space<vmem>> -> memref<1x128xi32, #tpu.memory_space<vmem>>
    %dma_wait3A_244 = tpu.memref_squeeze %dma_wait3A_243 : memref<1x128xi32, #tpu.memory_space<vmem>> -> memref<128xi32, #tpu.memory_space<vmem>>
    %dma_wait3A_245 = arith.constant 0 : i32
    %dma_wait3A_246 = arith.constant 0 : i32
    %dma_wait3A_247 = tpu.memref_slice %arg9[%dma_wait3A_245, %dma_wait3A_246] : memref<10240x48xf32, #tpu.memory_space<vmem_shared>> -> memref<10240x48xf32, #tpu.memory_space<vmem_shared>>
    %dma_wait3A_248 = tpu.memref_slice %arg12[%dma_wait3A_237] : memref<3x!tpu.dma_semaphore, #tpu.memory_space<semaphore_mem>> -> memref<1x!tpu.dma_semaphore, #tpu.memory_space<semaphore_mem>>
    %dma_wait3A_249 = tpu.memref_squeeze %dma_wait3A_248 : memref<1x!tpu.dma_semaphore, #tpu.memory_space<semaphore_mem>> -> memref<!tpu.dma_semaphore, #tpu.memory_space<semaphore_mem>>
    tpu.wait_indirect_dma semaphore(%dma_wait3A_249 : memref<!tpu.dma_semaphore, #tpu.memory_space<semaphore_mem>>) src(%dma_wait3A_241 : memref<128x48xf32, #tpu.memory_space<vmem>>) dst(%dma_wait3A_247 : memref<10240x48xf32, #tpu.memory_space<vmem_shared>>)
    %dma_start3A_250 = arith.constant 80 : i32
    %dma_start3A_251 = arith.constant 2 : i32
    %dma_start3A_252 = arith.constant 2 : i32
    %dma_start3A_253 = arith.constant 0 : i32
    %dma_start3A_254 = arith.constant 0 : i32
    %dma_start3A_255 = tpu.memref_slice %arg8[%dma_start3A_251, %dma_start3A_253, %dma_start3A_254] : memref<3x128x48xf32, #tpu.memory_space<vmem>> -> memref<1x128x48xf32, #tpu.memory_space<vmem>>
    %dma_start3A_256 = tpu.memref_squeeze %dma_start3A_255 : memref<1x128x48xf32, #tpu.memory_space<vmem>> -> memref<128x48xf32, #tpu.memory_space<vmem>>
    %dma_start3A_257 = arith.constant 0 : i32
    %dma_start3A_258 = tpu.memref_slice %arg6[%dma_start3A_250, %dma_start3A_257] : memref<81x128xi32, #tpu.memory_space<vmem>> -> memref<1x128xi32, #tpu.memory_space<vmem>>
    %dma_start3A_259 = tpu.memref_squeeze %dma_start3A_258 : memref<1x128xi32, #tpu.memory_space<vmem>> -> memref<128xi32, #tpu.memory_space<vmem>>
    %dma_start3A_260 = arith.constant 0 : i32
    %dma_start3A_261 = arith.constant 0 : i32
    %dma_start3A_262 = tpu.memref_slice %arg10[%dma_start3A_260, %dma_start3A_261] : memref<10000x48xf32, #tpu.memory_space<vmem_shared>> -> memref<10000x48xf32, #tpu.memory_space<vmem_shared>>
    %dma_start3A_263 = tpu.memref_slice %arg11[%dma_start3A_252] : memref<3x!tpu.dma_semaphore, #tpu.memory_space<semaphore_mem>> -> memref<1x!tpu.dma_semaphore, #tpu.memory_space<semaphore_mem>>
    %dma_start3A_264 = tpu.memref_squeeze %dma_start3A_263 : memref<1x!tpu.dma_semaphore, #tpu.memory_space<semaphore_mem>> -> memref<!tpu.dma_semaphore, #tpu.memory_space<semaphore_mem>>
    tpu.enqueue_indirect_dma source(%dma_start3A_262 : memref<10000x48xf32, #tpu.memory_space<vmem_shared>>) target(%dma_start3A_256 : memref<128x48xf32, #tpu.memory_space<vmem>>) offsets(%dma_start3A_259 : memref<128xi32, #tpu.memory_space<vmem>>) semaphore(%dma_start3A_264 : memref<!tpu.dma_semaphore, #tpu.memory_space<semaphore_mem>>)
    %dma_wait3A_265 = arith.constant 79 : i32
    %dma_wait3A_266 = arith.constant 1 : i32
    %dma_wait3A_267 = arith.constant 1 : i32
    %dma_wait3A_268 = arith.constant 0 : i32
    %dma_wait3A_269 = arith.constant 0 : i32
    %dma_wait3A_270 = tpu.memref_slice %arg8[%dma_wait3A_266, %dma_wait3A_268, %dma_wait3A_269] : memref<3x128x48xf32, #tpu.memory_space<vmem>> -> memref<1x128x48xf32, #tpu.memory_space<vmem>>
    %dma_wait3A_271 = tpu.memref_squeeze %dma_wait3A_270 : memref<1x128x48xf32, #tpu.memory_space<vmem>> -> memref<128x48xf32, #tpu.memory_space<vmem>>
    %dma_wait3A_272 = arith.constant 0 : i32
    %dma_wait3A_273 = tpu.memref_slice %arg6[%dma_wait3A_265, %dma_wait3A_272] : memref<81x128xi32, #tpu.memory_space<vmem>> -> memref<1x128xi32, #tpu.memory_space<vmem>>
    %dma_wait3A_274 = tpu.memref_squeeze %dma_wait3A_273 : memref<1x128xi32, #tpu.memory_space<vmem>> -> memref<128xi32, #tpu.memory_space<vmem>>
    %dma_wait3A_275 = arith.constant 0 : i32
    %dma_wait3A_276 = arith.constant 0 : i32
    %dma_wait3A_277 = tpu.memref_slice %arg10[%dma_wait3A_275, %dma_wait3A_276] : memref<10000x48xf32, #tpu.memory_space<vmem_shared>> -> memref<10000x48xf32, #tpu.memory_space<vmem_shared>>
    %dma_wait3A_278 = tpu.memref_slice %arg11[%dma_wait3A_267] : memref<3x!tpu.dma_semaphore, #tpu.memory_space<semaphore_mem>> -> memref<1x!tpu.dma_semaphore, #tpu.memory_space<semaphore_mem>>
    %dma_wait3A_279 = tpu.memref_squeeze %dma_wait3A_278 : memref<1x!tpu.dma_semaphore, #tpu.memory_space<semaphore_mem>> -> memref<!tpu.dma_semaphore, #tpu.memory_space<semaphore_mem>>
    tpu.wait_indirect_dma semaphore(%dma_wait3A_279 : memref<!tpu.dma_semaphore, #tpu.memory_space<semaphore_mem>>) src(%dma_wait3A_277 : memref<10000x48xf32, #tpu.memory_space<vmem_shared>>) dst(%dma_wait3A_271 : memref<128x48xf32, #tpu.memory_space<vmem>>)
    %dma_start3A_280 = arith.constant 1 : i32
    %dma_start3A_281 = arith.constant 79 : i32
    %dma_start3A_282 = arith.constant 1 : i32
    %dma_start3A_283 = arith.constant 0 : i32
    %dma_start3A_284 = arith.constant 0 : i32
    %dma_start3A_285 = tpu.memref_slice %arg8[%dma_start3A_280, %dma_start3A_283, %dma_start3A_284] : memref<3x128x48xf32, #tpu.memory_space<vmem>> -> memref<1x128x48xf32, #tpu.memory_space<vmem>>
    %dma_start3A_286 = tpu.memref_squeeze %dma_start3A_285 : memref<1x128x48xf32, #tpu.memory_space<vmem>> -> memref<128x48xf32, #tpu.memory_space<vmem>>
    %dma_start3A_287 = arith.constant 0 : i32
    %dma_start3A_288 = tpu.memref_slice %arg7[%dma_start3A_281, %dma_start3A_287] : memref<81x128xi32, #tpu.memory_space<vmem>> -> memref<1x128xi32, #tpu.memory_space<vmem>>
    %dma_start3A_289 = tpu.memref_squeeze %dma_start3A_288 : memref<1x128xi32, #tpu.memory_space<vmem>> -> memref<128xi32, #tpu.memory_space<vmem>>
    %dma_start3A_290 = arith.constant 0 : i32
    %dma_start3A_291 = arith.constant 0 : i32
    %dma_start3A_292 = tpu.memref_slice %arg9[%dma_start3A_290, %dma_start3A_291] : memref<10240x48xf32, #tpu.memory_space<vmem_shared>> -> memref<10240x48xf32, #tpu.memory_space<vmem_shared>>
    %dma_start3A_293 = tpu.memref_slice %arg12[%dma_start3A_282] : memref<3x!tpu.dma_semaphore, #tpu.memory_space<semaphore_mem>> -> memref<1x!tpu.dma_semaphore, #tpu.memory_space<semaphore_mem>>
    %dma_start3A_294 = tpu.memref_squeeze %dma_start3A_293 : memref<1x!tpu.dma_semaphore, #tpu.memory_space<semaphore_mem>> -> memref<!tpu.dma_semaphore, #tpu.memory_space<semaphore_mem>>
    tpu.enqueue_indirect_dma source(%dma_start3A_286 : memref<128x48xf32, #tpu.memory_space<vmem>>) target(%dma_start3A_292 : memref<10240x48xf32, #tpu.memory_space<vmem_shared>>) offsets(%dma_start3A_289 : memref<128xi32, #tpu.memory_space<vmem>>) semaphore(%dma_start3A_294 : memref<!tpu.dma_semaphore, #tpu.memory_space<semaphore_mem>>) {add = true}
    %dma_wait3A_295 = arith.constant 0 : i32
    %dma_wait3A_296 = arith.constant 78 : i32
    %dma_wait3A_297 = arith.constant 0 : i32
    %dma_wait3A_298 = arith.constant 0 : i32
    %dma_wait3A_299 = arith.constant 0 : i32
    %dma_wait3A_300 = tpu.memref_slice %arg8[%dma_wait3A_295, %dma_wait3A_298, %dma_wait3A_299] : memref<3x128x48xf32, #tpu.memory_space<vmem>> -> memref<1x128x48xf32, #tpu.memory_space<vmem>>
    %dma_wait3A_301 = tpu.memref_squeeze %dma_wait3A_300 : memref<1x128x48xf32, #tpu.memory_space<vmem>> -> memref<128x48xf32, #tpu.memory_space<vmem>>
    %dma_wait3A_302 = arith.constant 0 : i32
    %dma_wait3A_303 = tpu.memref_slice %arg7[%dma_wait3A_296, %dma_wait3A_302] : memref<81x128xi32, #tpu.memory_space<vmem>> -> memref<1x128xi32, #tpu.memory_space<vmem>>
    %dma_wait3A_304 = tpu.memref_squeeze %dma_wait3A_303 : memref<1x128xi32, #tpu.memory_space<vmem>> -> memref<128xi32, #tpu.memory_space<vmem>>
    %dma_wait3A_305 = arith.constant 0 : i32
    %dma_wait3A_306 = arith.constant 0 : i32
    %dma_wait3A_307 = tpu.memref_slice %arg9[%dma_wait3A_305, %dma_wait3A_306] : memref<10240x48xf32, #tpu.memory_space<vmem_shared>> -> memref<10240x48xf32, #tpu.memory_space<vmem_shared>>
    %dma_wait3A_308 = tpu.memref_slice %arg12[%dma_wait3A_297] : memref<3x!tpu.dma_semaphore, #tpu.memory_space<semaphore_mem>> -> memref<1x!tpu.dma_semaphore, #tpu.memory_space<semaphore_mem>>
    %dma_wait3A_309 = tpu.memref_squeeze %dma_wait3A_308 : memref<1x!tpu.dma_semaphore, #tpu.memory_space<semaphore_mem>> -> memref<!tpu.dma_semaphore, #tpu.memory_space<semaphore_mem>>
    tpu.wait_indirect_dma semaphore(%dma_wait3A_309 : memref<!tpu.dma_semaphore, #tpu.memory_space<semaphore_mem>>) src(%dma_wait3A_301 : memref<128x48xf32, #tpu.memory_space<vmem>>) dst(%dma_wait3A_307 : memref<10240x48xf32, #tpu.memory_space<vmem_shared>>)
    %dma_wait3A_310 = arith.constant 80 : i32
    %dma_wait3A_311 = arith.constant 2 : i32
    %dma_wait3A_312 = arith.constant 2 : i32
    %dma_wait3A_313 = arith.constant 0 : i32
    %dma_wait3A_314 = arith.constant 0 : i32
    %dma_wait3A_315 = tpu.memref_slice %arg8[%dma_wait3A_311, %dma_wait3A_313, %dma_wait3A_314] : memref<3x128x48xf32, #tpu.memory_space<vmem>> -> memref<1x128x48xf32, #tpu.memory_space<vmem>>
    %dma_wait3A_316 = tpu.memref_squeeze %dma_wait3A_315 : memref<1x128x48xf32, #tpu.memory_space<vmem>> -> memref<128x48xf32, #tpu.memory_space<vmem>>
    %dma_wait3A_317 = arith.constant 0 : i32
    %dma_wait3A_318 = tpu.memref_slice %arg6[%dma_wait3A_310, %dma_wait3A_317] : memref<81x128xi32, #tpu.memory_space<vmem>> -> memref<1x128xi32, #tpu.memory_space<vmem>>
    %dma_wait3A_319 = tpu.memref_squeeze %dma_wait3A_318 : memref<1x128xi32, #tpu.memory_space<vmem>> -> memref<128xi32, #tpu.memory_space<vmem>>
    %dma_wait3A_320 = arith.constant 0 : i32
    %dma_wait3A_321 = arith.constant 0 : i32
    %dma_wait3A_322 = tpu.memref_slice %arg10[%dma_wait3A_320, %dma_wait3A_321] : memref<10000x48xf32, #tpu.memory_space<vmem_shared>> -> memref<10000x48xf32, #tpu.memory_space<vmem_shared>>
    %dma_wait3A_323 = tpu.memref_slice %arg11[%dma_wait3A_312] : memref<3x!tpu.dma_semaphore, #tpu.memory_space<semaphore_mem>> -> memref<1x!tpu.dma_semaphore, #tpu.memory_space<semaphore_mem>>
    %dma_wait3A_324 = tpu.memref_squeeze %dma_wait3A_323 : memref<1x!tpu.dma_semaphore, #tpu.memory_space<semaphore_mem>> -> memref<!tpu.dma_semaphore, #tpu.memory_space<semaphore_mem>>
    tpu.wait_indirect_dma semaphore(%dma_wait3A_324 : memref<!tpu.dma_semaphore, #tpu.memory_space<semaphore_mem>>) src(%dma_wait3A_322 : memref<10000x48xf32, #tpu.memory_space<vmem_shared>>) dst(%dma_wait3A_316 : memref<128x48xf32, #tpu.memory_space<vmem>>)
    %dma_start3A_325 = arith.constant 2 : i32
    %dma_start3A_326 = arith.constant 80 : i32
    %dma_start3A_327 = arith.constant 2 : i32
    %dma_start3A_328 = arith.constant 0 : i32
    %dma_start3A_329 = arith.constant 0 : i32
    %dma_start3A_330 = tpu.memref_slice %arg8[%dma_start3A_325, %dma_start3A_328, %dma_start3A_329] : memref<3x128x48xf32, #tpu.memory_space<vmem>> -> memref<1x128x48xf32, #tpu.memory_space<vmem>>
    %dma_start3A_331 = tpu.memref_squeeze %dma_start3A_330 : memref<1x128x48xf32, #tpu.memory_space<vmem>> -> memref<128x48xf32, #tpu.memory_space<vmem>>
    %dma_start3A_332 = arith.constant 0 : i32
    %dma_start3A_333 = tpu.memref_slice %arg7[%dma_start3A_326, %dma_start3A_332] : memref<81x128xi32, #tpu.memory_space<vmem>> -> memref<1x128xi32, #tpu.memory_space<vmem>>
    %dma_start3A_334 = tpu.memref_squeeze %dma_start3A_333 : memref<1x128xi32, #tpu.memory_space<vmem>> -> memref<128xi32, #tpu.memory_space<vmem>>
    %dma_start3A_335 = arith.constant 0 : i32
    %dma_start3A_336 = arith.constant 0 : i32
    %dma_start3A_337 = tpu.memref_slice %arg9[%dma_start3A_335, %dma_start3A_336] : memref<10240x48xf32, #tpu.memory_space<vmem_shared>> -> memref<10240x48xf32, #tpu.memory_space<vmem_shared>>
    %dma_start3A_338 = tpu.memref_slice %arg12[%dma_start3A_327] : memref<3x!tpu.dma_semaphore, #tpu.memory_space<semaphore_mem>> -> memref<1x!tpu.dma_semaphore, #tpu.memory_space<semaphore_mem>>
    %dma_start3A_339 = tpu.memref_squeeze %dma_start3A_338 : memref<1x!tpu.dma_semaphore, #tpu.memory_space<semaphore_mem>> -> memref<!tpu.dma_semaphore, #tpu.memory_space<semaphore_mem>>
    tpu.enqueue_indirect_dma source(%dma_start3A_331 : memref<128x48xf32, #tpu.memory_space<vmem>>) target(%dma_start3A_337 : memref<10240x48xf32, #tpu.memory_space<vmem_shared>>) offsets(%dma_start3A_334 : memref<128xi32, #tpu.memory_space<vmem>>) semaphore(%dma_start3A_339 : memref<!tpu.dma_semaphore, #tpu.memory_space<semaphore_mem>>) {add = true}
    %dma_wait3A_340 = arith.constant 1 : i32
    %dma_wait3A_341 = arith.constant 79 : i32
    %dma_wait3A_342 = arith.constant 1 : i32
    %dma_wait3A_343 = arith.constant 0 : i32
    %dma_wait3A_344 = arith.constant 0 : i32
    %dma_wait3A_345 = tpu.memref_slice %arg8[%dma_wait3A_340, %dma_wait3A_343, %dma_wait3A_344] : memref<3x128x48xf32, #tpu.memory_space<vmem>> -> memref<1x128x48xf32, #tpu.memory_space<vmem>>
    %dma_wait3A_346 = tpu.memref_squeeze %dma_wait3A_345 : memref<1x128x48xf32, #tpu.memory_space<vmem>> -> memref<128x48xf32, #tpu.memory_space<vmem>>
    %dma_wait3A_347 = arith.constant 0 : i32
    %dma_wait3A_348 = tpu.memref_slice %arg7[%dma_wait3A_341, %dma_wait3A_347] : memref<81x128xi32, #tpu.memory_space<vmem>> -> memref<1x128xi32, #tpu.memory_space<vmem>>
    %dma_wait3A_349 = tpu.memref_squeeze %dma_wait3A_348 : memref<1x128xi32, #tpu.memory_space<vmem>> -> memref<128xi32, #tpu.memory_space<vmem>>
    %dma_wait3A_350 = arith.constant 0 : i32
    %dma_wait3A_351 = arith.constant 0 : i32
    %dma_wait3A_352 = tpu.memref_slice %arg9[%dma_wait3A_350, %dma_wait3A_351] : memref<10240x48xf32, #tpu.memory_space<vmem_shared>> -> memref<10240x48xf32, #tpu.memory_space<vmem_shared>>
    %dma_wait3A_353 = tpu.memref_slice %arg12[%dma_wait3A_342] : memref<3x!tpu.dma_semaphore, #tpu.memory_space<semaphore_mem>> -> memref<1x!tpu.dma_semaphore, #tpu.memory_space<semaphore_mem>>
    %dma_wait3A_354 = tpu.memref_squeeze %dma_wait3A_353 : memref<1x!tpu.dma_semaphore, #tpu.memory_space<semaphore_mem>> -> memref<!tpu.dma_semaphore, #tpu.memory_space<semaphore_mem>>
    tpu.wait_indirect_dma semaphore(%dma_wait3A_354 : memref<!tpu.dma_semaphore, #tpu.memory_space<semaphore_mem>>) src(%dma_wait3A_346 : memref<128x48xf32, #tpu.memory_space<vmem>>) dst(%dma_wait3A_352 : memref<10240x48xf32, #tpu.memory_space<vmem_shared>>)
    %dma_wait3A_355 = arith.constant 2 : i32
    %dma_wait3A_356 = arith.constant 80 : i32
    %dma_wait3A_357 = arith.constant 2 : i32
    %dma_wait3A_358 = arith.constant 0 : i32
    %dma_wait3A_359 = arith.constant 0 : i32
    %dma_wait3A_360 = tpu.memref_slice %arg8[%dma_wait3A_355, %dma_wait3A_358, %dma_wait3A_359] : memref<3x128x48xf32, #tpu.memory_space<vmem>> -> memref<1x128x48xf32, #tpu.memory_space<vmem>>
    %dma_wait3A_361 = tpu.memref_squeeze %dma_wait3A_360 : memref<1x128x48xf32, #tpu.memory_space<vmem>> -> memref<128x48xf32, #tpu.memory_space<vmem>>
    %dma_wait3A_362 = arith.constant 0 : i32
    %dma_wait3A_363 = tpu.memref_slice %arg7[%dma_wait3A_356, %dma_wait3A_362] : memref<81x128xi32, #tpu.memory_space<vmem>> -> memref<1x128xi32, #tpu.memory_space<vmem>>
    %dma_wait3A_364 = tpu.memref_squeeze %dma_wait3A_363 : memref<1x128xi32, #tpu.memory_space<vmem>> -> memref<128xi32, #tpu.memory_space<vmem>>
    %dma_wait3A_365 = arith.constant 0 : i32
    %dma_wait3A_366 = arith.constant 0 : i32
    %dma_wait3A_367 = tpu.memref_slice %arg9[%dma_wait3A_365, %dma_wait3A_366] : memref<10240x48xf32, #tpu.memory_space<vmem_shared>> -> memref<10240x48xf32, #tpu.memory_space<vmem_shared>>
    %dma_wait3A_368 = tpu.memref_slice %arg12[%dma_wait3A_357] : memref<3x!tpu.dma_semaphore, #tpu.memory_space<semaphore_mem>> -> memref<1x!tpu.dma_semaphore, #tpu.memory_space<semaphore_mem>>
    %dma_wait3A_369 = tpu.memref_squeeze %dma_wait3A_368 : memref<1x!tpu.dma_semaphore, #tpu.memory_space<semaphore_mem>> -> memref<!tpu.dma_semaphore, #tpu.memory_space<semaphore_mem>>
    tpu.wait_indirect_dma semaphore(%dma_wait3A_369 : memref<!tpu.dma_semaphore, #tpu.memory_space<semaphore_mem>>) src(%dma_wait3A_361 : memref<128x48xf32, #tpu.memory_space<vmem>>) dst(%dma_wait3A_367 : memref<10240x48xf32, #tpu.memory_space<vmem_shared>>)
    %barrier3A_370 = arith.constant 0 : index
    tpu.barrier barrier_id(%barrier3A_370)
    "tpu.region"() ({
      %run_scoped3A_371 = tpu.sem_alloc : memref<!tpu.dma_semaphore, #tpu.memory_space<semaphore_mem>>
      %dma_start3A_372 = arith.constant 0 : i32
      %dma_start3A_373 = tpu.memref_slice %arg5[%arg0, %mul3A_0, %dma_start3A_372] : memref<2x10240x48xf32, #tpu.memory_space<hbm>> -> memref<1x640x48xf32, #tpu.memory_space<hbm>>
      %dma_start3A_374 = tpu.memref_squeeze %dma_start3A_373 : memref<1x640x48xf32, #tpu.memory_space<hbm>> -> memref<640x48xf32, #tpu.memory_space<hbm>>
      %dma_start3A_375 = arith.constant 0 : i32
      %dma_start3A_376 = tpu.memref_slice %arg9[%mul3A_0, %dma_start3A_375] : memref<10240x48xf32, #tpu.memory_space<vmem_shared>> -> memref<640x48xf32, #tpu.memory_space<vmem_shared>>
      tpu.enqueue_dma source(%dma_start3A_376 : memref<640x48xf32, #tpu.memory_space<vmem_shared>>) target(%dma_start3A_374 : memref<640x48xf32, #tpu.memory_space<hbm>>) target_semaphore(%run_scoped3A_371 : memref<!tpu.dma_semaphore, #tpu.memory_space<semaphore_mem>>)
      %dma_wait3A_377 = arith.constant 0 : i32
      %dma_wait3A_378 = tpu.memref_slice %arg5[%arg0, %mul3A_0, %dma_wait3A_377] : memref<2x10240x48xf32, #tpu.memory_space<hbm>> -> memref<1x640x48xf32, #tpu.memory_space<hbm>>
      %dma_wait3A_379 = tpu.memref_squeeze %dma_wait3A_378 : memref<1x640x48xf32, #tpu.memory_space<hbm>> -> memref<640x48xf32, #tpu.memory_space<hbm>>
      %dma_wait3A_380 = arith.constant 0 : i32
      %dma_wait3A_381 = tpu.memref_slice %arg9[%mul3A_0, %dma_wait3A_380] : memref<10240x48xf32, #tpu.memory_space<vmem_shared>> -> memref<640x48xf32, #tpu.memory_space<vmem_shared>>
      tpu.wait_dma2 semaphore(%run_scoped3A_371 : memref<!tpu.dma_semaphore, #tpu.memory_space<semaphore_mem>>) src(%dma_wait3A_381 : memref<640x48xf32, #tpu.memory_space<vmem_shared>>) dst(%dma_wait3A_379 : memref<640x48xf32, #tpu.memory_space<hbm>>)
      tpu.yield
    }) : () -> ()
    return
  }
}

#map = affine_map<(d0, d1) -> (0, 0)>
#map1 = affine_map<(d0, d1) -> (0, 0, 0)>
module attributes {stable_mosaic.version = 14 : i64} {
  func.func @_agg_body(%arg0: i32, %arg1: i32, %arg2: memref<10000x64xf32, #tpu.memory_space<hbm>>, %arg3: memref<2x2592x128xi32, #tpu.memory_space<hbm>>, %arg4: memref<640x64xf32, #tpu.memory_space<hbm>>, %arg5: memref<2x10240x64xf32, #tpu.memory_space<hbm>>, %arg6: memref<81x128xi32, #tpu.memory_space<vmem>>, %arg7: memref<81x128xi32, #tpu.memory_space<vmem>>, %arg8: memref<3x128x64xf32, #tpu.memory_space<vmem>>, %arg9: memref<10240x64xf32, #tpu.memory_space<vmem_shared>>, %arg10: memref<10000x64xf32, #tpu.memory_space<vmem_shared>>, %arg11: memref<3x!tpu.dma_semaphore, #tpu.memory_space<semaphore_mem>>, %arg12: memref<3x!tpu.dma_semaphore, #tpu.memory_space<semaphore_mem>>) attributes {dimension_semantics = [#tpu.dimension_semantics<core_parallel>, #tpu.dimension_semantics<subcore_parallel>], iteration_bounds = array<i64: 2, 16>, scalar_prefetch = 0 : i64, scratch_operands = 7 : i64, tpu.core_type = #tpu.core_type<sc_vector_subcore>, window_params = [{transform_indices = #map}, {transform_indices = #map1}, {transform_indices = #map}, {transform_indices = #map1}]} {
    %mul3A = arith.constant 640 : i32
    %mul3A_0 = arith.muli %arg1, %mul3A : i32
    %mul3A_1 = arith.constant 2 : i32
    %mul3A_2 = arith.muli %arg1, %mul3A_1 : i32
    %add3A = arith.addi %mul3A_2, %arg0 : i32
    %mul3A_3 = arith.constant 81 : i32
    %mul3A_4 = arith.muli %add3A, %mul3A_3 : i32
    %run_scoped3A = arith.constant 0 : i32
    "tpu.region"() ({
      %run_scoped3A_371 = tpu.sem_alloc : memref<!tpu.dma_semaphore, #tpu.memory_space<semaphore_mem>>
      %dma_start3A_372 = arith.constant 0 : i32
      %dma_start3A_373 = tpu.memref_slice %arg3[%run_scoped3A, %mul3A_4, %dma_start3A_372] : memref<2x2592x128xi32, #tpu.memory_space<hbm>> -> memref<1x81x128xi32, #tpu.memory_space<hbm>>
      %dma_start3A_374 = tpu.memref_squeeze %dma_start3A_373 : memref<1x81x128xi32, #tpu.memory_space<hbm>> -> memref<81x128xi32, #tpu.memory_space<hbm>>
      %dma_start3A_375 = arith.constant 0 : i32
      %dma_start3A_376 = tpu.memref_slice %arg3[%run_scoped3A, %mul3A_4, %dma_start3A_375] : memref<2x2592x128xi32, #tpu.memory_space<hbm>> -> memref<1x81x128xi32, #tpu.memory_space<hbm>>
      %dma_start3A_377 = tpu.memref_squeeze %dma_start3A_376 : memref<1x81x128xi32, #tpu.memory_space<hbm>> -> memref<81x128xi32, #tpu.memory_space<hbm>>
      tpu.enqueue_dma source(%dma_start3A_377 : memref<81x128xi32, #tpu.memory_space<hbm>>) target(%arg6 : memref<81x128xi32, #tpu.memory_space<vmem>>) target_semaphore(%run_scoped3A_371 : memref<!tpu.dma_semaphore, #tpu.memory_space<semaphore_mem>>)
      %dma_wait3A_378 = arith.constant 0 : i32
      %dma_wait3A_379 = tpu.memref_slice %arg3[%run_scoped3A, %mul3A_4, %dma_wait3A_378] : memref<2x2592x128xi32, #tpu.memory_space<hbm>> -> memref<1x81x128xi32, #tpu.memory_space<hbm>>
      %dma_wait3A_380 = tpu.memref_squeeze %dma_wait3A_379 : memref<1x81x128xi32, #tpu.memory_space<hbm>> -> memref<81x128xi32, #tpu.memory_space<hbm>>
      %dma_wait3A_381 = arith.constant 0 : i32
      %dma_wait3A_382 = tpu.memref_slice %arg3[%run_scoped3A, %mul3A_4, %dma_wait3A_381] : memref<2x2592x128xi32, #tpu.memory_space<hbm>> -> memref<1x81x128xi32, #tpu.memory_space<hbm>>
      %dma_wait3A_383 = tpu.memref_squeeze %dma_wait3A_382 : memref<1x81x128xi32, #tpu.memory_space<hbm>> -> memref<81x128xi32, #tpu.memory_space<hbm>>
      tpu.wait_dma2 semaphore(%run_scoped3A_371 : memref<!tpu.dma_semaphore, #tpu.memory_space<semaphore_mem>>) src(%dma_wait3A_383 : memref<81x128xi32, #tpu.memory_space<hbm>>) dst(%arg6 : memref<81x128xi32, #tpu.memory_space<vmem>>)
      tpu.yield
    }) : () -> ()
    %run_scoped3A_5 = arith.constant 1 : i32
    "tpu.region"() ({
      %run_scoped3A_371 = tpu.sem_alloc : memref<!tpu.dma_semaphore, #tpu.memory_space<semaphore_mem>>
      %dma_start3A_372 = arith.constant 0 : i32
      %dma_start3A_373 = tpu.memref_slice %arg3[%run_scoped3A_5, %mul3A_4, %dma_start3A_372] : memref<2x2592x128xi32, #tpu.memory_space<hbm>> -> memref<1x81x128xi32, #tpu.memory_space<hbm>>
      %dma_start3A_374 = tpu.memref_squeeze %dma_start3A_373 : memref<1x81x128xi32, #tpu.memory_space<hbm>> -> memref<81x128xi32, #tpu.memory_space<hbm>>
      %dma_start3A_375 = arith.constant 0 : i32
      %dma_start3A_376 = tpu.memref_slice %arg3[%run_scoped3A_5, %mul3A_4, %dma_start3A_375] : memref<2x2592x128xi32, #tpu.memory_space<hbm>> -> memref<1x81x128xi32, #tpu.memory_space<hbm>>
      %dma_start3A_377 = tpu.memref_squeeze %dma_start3A_376 : memref<1x81x128xi32, #tpu.memory_space<hbm>> -> memref<81x128xi32, #tpu.memory_space<hbm>>
      tpu.enqueue_dma source(%dma_start3A_377 : memref<81x128xi32, #tpu.memory_space<hbm>>) target(%arg7 : memref<81x128xi32, #tpu.memory_space<vmem>>) target_semaphore(%run_scoped3A_371 : memref<!tpu.dma_semaphore, #tpu.memory_space<semaphore_mem>>)
      %dma_wait3A_378 = arith.constant 0 : i32
      %dma_wait3A_379 = tpu.memref_slice %arg3[%run_scoped3A_5, %mul3A_4, %dma_wait3A_378] : memref<2x2592x128xi32, #tpu.memory_space<hbm>> -> memref<1x81x128xi32, #tpu.memory_space<hbm>>
      %dma_wait3A_380 = tpu.memref_squeeze %dma_wait3A_379 : memref<1x81x128xi32, #tpu.memory_space<hbm>> -> memref<81x128xi32, #tpu.memory_space<hbm>>
      %dma_wait3A_381 = arith.constant 0 : i32
      %dma_wait3A_382 = tpu.memref_slice %arg3[%run_scoped3A_5, %mul3A_4, %dma_wait3A_381] : memref<2x2592x128xi32, #tpu.memory_space<hbm>> -> memref<1x81x128xi32, #tpu.memory_space<hbm>>
      %dma_wait3A_383 = tpu.memref_squeeze %dma_wait3A_382 : memref<1x81x128xi32, #tpu.memory_space<hbm>> -> memref<81x128xi32, #tpu.memory_space<hbm>>
      tpu.wait_dma2 semaphore(%run_scoped3A_371 : memref<!tpu.dma_semaphore, #tpu.memory_space<semaphore_mem>>) src(%dma_wait3A_383 : memref<81x128xi32, #tpu.memory_space<hbm>>) dst(%arg7 : memref<81x128xi32, #tpu.memory_space<vmem>>)
      tpu.yield
    }) : () -> ()
    "tpu.region"() ({
      %run_scoped3A_371 = tpu.sem_alloc : memref<!tpu.dma_semaphore, #tpu.memory_space<semaphore_mem>>
      %dma_start3A_372 = arith.constant 0 : i32
      %dma_start3A_373 = tpu.memref_slice %arg9[%mul3A_0, %dma_start3A_372] : memref<10240x64xf32, #tpu.memory_space<vmem_shared>> -> memref<640x64xf32, #tpu.memory_space<vmem_shared>>
      tpu.enqueue_dma source(%arg4 : memref<640x64xf32, #tpu.memory_space<hbm>>) target(%dma_start3A_373 : memref<640x64xf32, #tpu.memory_space<vmem_shared>>) target_semaphore(%run_scoped3A_371 : memref<!tpu.dma_semaphore, #tpu.memory_space<semaphore_mem>>)
      %dma_wait3A_374 = arith.constant 0 : i32
      %dma_wait3A_375 = tpu.memref_slice %arg9[%mul3A_0, %dma_wait3A_374] : memref<10240x64xf32, #tpu.memory_space<vmem_shared>> -> memref<640x64xf32, #tpu.memory_space<vmem_shared>>
      tpu.wait_dma2 semaphore(%run_scoped3A_371 : memref<!tpu.dma_semaphore, #tpu.memory_space<semaphore_mem>>) src(%arg4 : memref<640x64xf32, #tpu.memory_space<hbm>>) dst(%dma_wait3A_375 : memref<640x64xf32, #tpu.memory_space<vmem_shared>>)
      tpu.yield
    }) : () -> ()
    %mul3A_6 = arith.constant 625 : i32
    %mul3A_7 = arith.muli %arg1, %mul3A_6 : i32
    "tpu.region"() ({
      %run_scoped3A_371 = tpu.sem_alloc : memref<!tpu.dma_semaphore, #tpu.memory_space<semaphore_mem>>
      %dma_start3A_372 = arith.constant 0 : i32
      %dma_start3A_373 = tpu.memref_slice %arg10[%mul3A_7, %dma_start3A_372] : memref<10000x64xf32, #tpu.memory_space<vmem_shared>> -> memref<625x64xf32, #tpu.memory_space<vmem_shared>>
      %dma_start3A_374 = arith.constant 0 : i32
      %dma_start3A_375 = tpu.memref_slice %arg2[%mul3A_7, %dma_start3A_374] : memref<10000x64xf32, #tpu.memory_space<hbm>> -> memref<625x64xf32, #tpu.memory_space<hbm>>
      tpu.enqueue_dma source(%dma_start3A_375 : memref<625x64xf32, #tpu.memory_space<hbm>>) target(%dma_start3A_373 : memref<625x64xf32, #tpu.memory_space<vmem_shared>>) target_semaphore(%run_scoped3A_371 : memref<!tpu.dma_semaphore, #tpu.memory_space<semaphore_mem>>)
      %dma_wait3A_376 = arith.constant 0 : i32
      %dma_wait3A_377 = tpu.memref_slice %arg10[%mul3A_7, %dma_wait3A_376] : memref<10000x64xf32, #tpu.memory_space<vmem_shared>> -> memref<625x64xf32, #tpu.memory_space<vmem_shared>>
      %dma_wait3A_378 = arith.constant 0 : i32
      %dma_wait3A_379 = tpu.memref_slice %arg2[%mul3A_7, %dma_wait3A_378] : memref<10000x64xf32, #tpu.memory_space<hbm>> -> memref<625x64xf32, #tpu.memory_space<hbm>>
      tpu.wait_dma2 semaphore(%run_scoped3A_371 : memref<!tpu.dma_semaphore, #tpu.memory_space<semaphore_mem>>) src(%dma_wait3A_379 : memref<625x64xf32, #tpu.memory_space<hbm>>) dst(%dma_wait3A_377 : memref<625x64xf32, #tpu.memory_space<vmem_shared>>)
      tpu.yield
    }) : () -> ()
    %barrier3A = arith.constant 0 : index
    tpu.barrier barrier_id(%barrier3A)
    %dma_start3A = arith.constant 0 : i32
    %dma_start3A_8 = arith.constant 0 : i32
    %dma_start3A_9 = arith.constant 0 : i32
    %dma_start3A_10 = arith.constant 0 : i32
    %dma_start3A_11 = arith.constant 0 : i32
    %dma_start3A_12 = tpu.memref_slice %arg8[%dma_start3A_8, %dma_start3A_10, %dma_start3A_11] : memref<3x128x64xf32, #tpu.memory_space<vmem>> -> memref<1x128x64xf32, #tpu.memory_space<vmem>>
    %dma_start3A_13 = tpu.memref_squeeze %dma_start3A_12 : memref<1x128x64xf32, #tpu.memory_space<vmem>> -> memref<128x64xf32, #tpu.memory_space<vmem>>
    %dma_start3A_14 = arith.constant 0 : i32
    %dma_start3A_15 = tpu.memref_slice %arg6[%dma_start3A, %dma_start3A_14] : memref<81x128xi32, #tpu.memory_space<vmem>> -> memref<1x128xi32, #tpu.memory_space<vmem>>
    %dma_start3A_16 = tpu.memref_squeeze %dma_start3A_15 : memref<1x128xi32, #tpu.memory_space<vmem>> -> memref<128xi32, #tpu.memory_space<vmem>>
    %dma_start3A_17 = arith.constant 0 : i32
    %dma_start3A_18 = arith.constant 0 : i32
    %dma_start3A_19 = tpu.memref_slice %arg10[%dma_start3A_17, %dma_start3A_18] : memref<10000x64xf32, #tpu.memory_space<vmem_shared>> -> memref<10000x64xf32, #tpu.memory_space<vmem_shared>>
    %dma_start3A_20 = tpu.memref_slice %arg11[%dma_start3A_9] : memref<3x!tpu.dma_semaphore, #tpu.memory_space<semaphore_mem>> -> memref<1x!tpu.dma_semaphore, #tpu.memory_space<semaphore_mem>>
    %dma_start3A_21 = tpu.memref_squeeze %dma_start3A_20 : memref<1x!tpu.dma_semaphore, #tpu.memory_space<semaphore_mem>> -> memref<!tpu.dma_semaphore, #tpu.memory_space<semaphore_mem>>
    tpu.enqueue_indirect_dma source(%dma_start3A_19 : memref<10000x64xf32, #tpu.memory_space<vmem_shared>>) target(%dma_start3A_13 : memref<128x64xf32, #tpu.memory_space<vmem>>) offsets(%dma_start3A_16 : memref<128xi32, #tpu.memory_space<vmem>>) semaphore(%dma_start3A_21 : memref<!tpu.dma_semaphore, #tpu.memory_space<semaphore_mem>>)
    %dma_start3A_22 = arith.constant 1 : i32
    %dma_start3A_23 = arith.constant 1 : i32
    %dma_start3A_24 = arith.constant 1 : i32
    %dma_start3A_25 = arith.constant 0 : i32
    %dma_start3A_26 = arith.constant 0 : i32
    %dma_start3A_27 = tpu.memref_slice %arg8[%dma_start3A_23, %dma_start3A_25, %dma_start3A_26] : memref<3x128x64xf32, #tpu.memory_space<vmem>> -> memref<1x128x64xf32, #tpu.memory_space<vmem>>
    %dma_start3A_28 = tpu.memref_squeeze %dma_start3A_27 : memref<1x128x64xf32, #tpu.memory_space<vmem>> -> memref<128x64xf32, #tpu.memory_space<vmem>>
    %dma_start3A_29 = arith.constant 0 : i32
    %dma_start3A_30 = tpu.memref_slice %arg6[%dma_start3A_22, %dma_start3A_29] : memref<81x128xi32, #tpu.memory_space<vmem>> -> memref<1x128xi32, #tpu.memory_space<vmem>>
    %dma_start3A_31 = tpu.memref_squeeze %dma_start3A_30 : memref<1x128xi32, #tpu.memory_space<vmem>> -> memref<128xi32, #tpu.memory_space<vmem>>
    %dma_start3A_32 = arith.constant 0 : i32
    %dma_start3A_33 = arith.constant 0 : i32
    %dma_start3A_34 = tpu.memref_slice %arg10[%dma_start3A_32, %dma_start3A_33] : memref<10000x64xf32, #tpu.memory_space<vmem_shared>> -> memref<10000x64xf32, #tpu.memory_space<vmem_shared>>
    %dma_start3A_35 = tpu.memref_slice %arg11[%dma_start3A_24] : memref<3x!tpu.dma_semaphore, #tpu.memory_space<semaphore_mem>> -> memref<1x!tpu.dma_semaphore, #tpu.memory_space<semaphore_mem>>
    %dma_start3A_36 = tpu.memref_squeeze %dma_start3A_35 : memref<1x!tpu.dma_semaphore, #tpu.memory_space<semaphore_mem>> -> memref<!tpu.dma_semaphore, #tpu.memory_space<semaphore_mem>>
    tpu.enqueue_indirect_dma source(%dma_start3A_34 : memref<10000x64xf32, #tpu.memory_space<vmem_shared>>) target(%dma_start3A_28 : memref<128x64xf32, #tpu.memory_space<vmem>>) offsets(%dma_start3A_31 : memref<128xi32, #tpu.memory_space<vmem>>) semaphore(%dma_start3A_36 : memref<!tpu.dma_semaphore, #tpu.memory_space<semaphore_mem>>)
    %dma_wait3A = arith.constant 0 : i32
    %dma_wait3A_37 = arith.constant 0 : i32
    %dma_wait3A_38 = arith.constant 0 : i32
    %dma_wait3A_39 = arith.constant 0 : i32
    %dma_wait3A_40 = arith.constant 0 : i32
    %dma_wait3A_41 = tpu.memref_slice %arg8[%dma_wait3A_37, %dma_wait3A_39, %dma_wait3A_40] : memref<3x128x64xf32, #tpu.memory_space<vmem>> -> memref<1x128x64xf32, #tpu.memory_space<vmem>>
    %dma_wait3A_42 = tpu.memref_squeeze %dma_wait3A_41 : memref<1x128x64xf32, #tpu.memory_space<vmem>> -> memref<128x64xf32, #tpu.memory_space<vmem>>
    %dma_wait3A_43 = arith.constant 0 : i32
    %dma_wait3A_44 = tpu.memref_slice %arg6[%dma_wait3A, %dma_wait3A_43] : memref<81x128xi32, #tpu.memory_space<vmem>> -> memref<1x128xi32, #tpu.memory_space<vmem>>
    %dma_wait3A_45 = tpu.memref_squeeze %dma_wait3A_44 : memref<1x128xi32, #tpu.memory_space<vmem>> -> memref<128xi32, #tpu.memory_space<vmem>>
    %dma_wait3A_46 = arith.constant 0 : i32
    %dma_wait3A_47 = arith.constant 0 : i32
    %dma_wait3A_48 = tpu.memref_slice %arg10[%dma_wait3A_46, %dma_wait3A_47] : memref<10000x64xf32, #tpu.memory_space<vmem_shared>> -> memref<10000x64xf32, #tpu.memory_space<vmem_shared>>
    %dma_wait3A_49 = tpu.memref_slice %arg11[%dma_wait3A_38] : memref<3x!tpu.dma_semaphore, #tpu.memory_space<semaphore_mem>> -> memref<1x!tpu.dma_semaphore, #tpu.memory_space<semaphore_mem>>
    %dma_wait3A_50 = tpu.memref_squeeze %dma_wait3A_49 : memref<1x!tpu.dma_semaphore, #tpu.memory_space<semaphore_mem>> -> memref<!tpu.dma_semaphore, #tpu.memory_space<semaphore_mem>>
    tpu.wait_indirect_dma semaphore(%dma_wait3A_50 : memref<!tpu.dma_semaphore, #tpu.memory_space<semaphore_mem>>) src(%dma_wait3A_48 : memref<10000x64xf32, #tpu.memory_space<vmem_shared>>) dst(%dma_wait3A_42 : memref<128x64xf32, #tpu.memory_space<vmem>>)
    %dma_start3A_51 = arith.constant 0 : i32
    %dma_start3A_52 = arith.constant 0 : i32
    %dma_start3A_53 = arith.constant 0 : i32
    %dma_start3A_54 = arith.constant 0 : i32
    %dma_start3A_55 = arith.constant 0 : i32
    %dma_start3A_56 = tpu.memref_slice %arg8[%dma_start3A_51, %dma_start3A_54, %dma_start3A_55] : memref<3x128x64xf32, #tpu.memory_space<vmem>> -> memref<1x128x64xf32, #tpu.memory_space<vmem>>
    %dma_start3A_57 = tpu.memref_squeeze %dma_start3A_56 : memref<1x128x64xf32, #tpu.memory_space<vmem>> -> memref<128x64xf32, #tpu.memory_space<vmem>>
    %dma_start3A_58 = arith.constant 0 : i32
    %dma_start3A_59 = tpu.memref_slice %arg7[%dma_start3A_52, %dma_start3A_58] : memref<81x128xi32, #tpu.memory_space<vmem>> -> memref<1x128xi32, #tpu.memory_space<vmem>>
    %dma_start3A_60 = tpu.memref_squeeze %dma_start3A_59 : memref<1x128xi32, #tpu.memory_space<vmem>> -> memref<128xi32, #tpu.memory_space<vmem>>
    %dma_start3A_61 = arith.constant 0 : i32
    %dma_start3A_62 = arith.constant 0 : i32
    %dma_start3A_63 = tpu.memref_slice %arg9[%dma_start3A_61, %dma_start3A_62] : memref<10240x64xf32, #tpu.memory_space<vmem_shared>> -> memref<10240x64xf32, #tpu.memory_space<vmem_shared>>
    %dma_start3A_64 = tpu.memref_slice %arg12[%dma_start3A_53] : memref<3x!tpu.dma_semaphore, #tpu.memory_space<semaphore_mem>> -> memref<1x!tpu.dma_semaphore, #tpu.memory_space<semaphore_mem>>
    %dma_start3A_65 = tpu.memref_squeeze %dma_start3A_64 : memref<1x!tpu.dma_semaphore, #tpu.memory_space<semaphore_mem>> -> memref<!tpu.dma_semaphore, #tpu.memory_space<semaphore_mem>>
    tpu.enqueue_indirect_dma source(%dma_start3A_57 : memref<128x64xf32, #tpu.memory_space<vmem>>) target(%dma_start3A_63 : memref<10240x64xf32, #tpu.memory_space<vmem_shared>>) offsets(%dma_start3A_60 : memref<128xi32, #tpu.memory_space<vmem>>) semaphore(%dma_start3A_65 : memref<!tpu.dma_semaphore, #tpu.memory_space<semaphore_mem>>) {add = true}
    %dma_start3A_66 = arith.constant 2 : i32
    %dma_start3A_67 = arith.constant 2 : i32
    %dma_start3A_68 = arith.constant 2 : i32
    %dma_start3A_69 = arith.constant 0 : i32
    %dma_start3A_70 = arith.constant 0 : i32
    %dma_start3A_71 = tpu.memref_slice %arg8[%dma_start3A_67, %dma_start3A_69, %dma_start3A_70] : memref<3x128x64xf32, #tpu.memory_space<vmem>> -> memref<1x128x64xf32, #tpu.memory_space<vmem>>
    %dma_start3A_72 = tpu.memref_squeeze %dma_start3A_71 : memref<1x128x64xf32, #tpu.memory_space<vmem>> -> memref<128x64xf32, #tpu.memory_space<vmem>>
    %dma_start3A_73 = arith.constant 0 : i32
    %dma_start3A_74 = tpu.memref_slice %arg6[%dma_start3A_66, %dma_start3A_73] : memref<81x128xi32, #tpu.memory_space<vmem>> -> memref<1x128xi32, #tpu.memory_space<vmem>>
    %dma_start3A_75 = tpu.memref_squeeze %dma_start3A_74 : memref<1x128xi32, #tpu.memory_space<vmem>> -> memref<128xi32, #tpu.memory_space<vmem>>
    %dma_start3A_76 = arith.constant 0 : i32
    %dma_start3A_77 = arith.constant 0 : i32
    %dma_start3A_78 = tpu.memref_slice %arg10[%dma_start3A_76, %dma_start3A_77] : memref<10000x64xf32, #tpu.memory_space<vmem_shared>> -> memref<10000x64xf32, #tpu.memory_space<vmem_shared>>
    %dma_start3A_79 = tpu.memref_slice %arg11[%dma_start3A_68] : memref<3x!tpu.dma_semaphore, #tpu.memory_space<semaphore_mem>> -> memref<1x!tpu.dma_semaphore, #tpu.memory_space<semaphore_mem>>
    %dma_start3A_80 = tpu.memref_squeeze %dma_start3A_79 : memref<1x!tpu.dma_semaphore, #tpu.memory_space<semaphore_mem>> -> memref<!tpu.dma_semaphore, #tpu.memory_space<semaphore_mem>>
    tpu.enqueue_indirect_dma source(%dma_start3A_78 : memref<10000x64xf32, #tpu.memory_space<vmem_shared>>) target(%dma_start3A_72 : memref<128x64xf32, #tpu.memory_space<vmem>>) offsets(%dma_start3A_75 : memref<128xi32, #tpu.memory_space<vmem>>) semaphore(%dma_start3A_80 : memref<!tpu.dma_semaphore, #tpu.memory_space<semaphore_mem>>)
    %dma_wait3A_81 = arith.constant 1 : i32
    %dma_wait3A_82 = arith.constant 1 : i32
    %dma_wait3A_83 = arith.constant 1 : i32
    %dma_wait3A_84 = arith.constant 0 : i32
    %dma_wait3A_85 = arith.constant 0 : i32
    %dma_wait3A_86 = tpu.memref_slice %arg8[%dma_wait3A_82, %dma_wait3A_84, %dma_wait3A_85] : memref<3x128x64xf32, #tpu.memory_space<vmem>> -> memref<1x128x64xf32, #tpu.memory_space<vmem>>
    %dma_wait3A_87 = tpu.memref_squeeze %dma_wait3A_86 : memref<1x128x64xf32, #tpu.memory_space<vmem>> -> memref<128x64xf32, #tpu.memory_space<vmem>>
    %dma_wait3A_88 = arith.constant 0 : i32
    %dma_wait3A_89 = tpu.memref_slice %arg6[%dma_wait3A_81, %dma_wait3A_88] : memref<81x128xi32, #tpu.memory_space<vmem>> -> memref<1x128xi32, #tpu.memory_space<vmem>>
    %dma_wait3A_90 = tpu.memref_squeeze %dma_wait3A_89 : memref<1x128xi32, #tpu.memory_space<vmem>> -> memref<128xi32, #tpu.memory_space<vmem>>
    %dma_wait3A_91 = arith.constant 0 : i32
    %dma_wait3A_92 = arith.constant 0 : i32
    %dma_wait3A_93 = tpu.memref_slice %arg10[%dma_wait3A_91, %dma_wait3A_92] : memref<10000x64xf32, #tpu.memory_space<vmem_shared>> -> memref<10000x64xf32, #tpu.memory_space<vmem_shared>>
    %dma_wait3A_94 = tpu.memref_slice %arg11[%dma_wait3A_83] : memref<3x!tpu.dma_semaphore, #tpu.memory_space<semaphore_mem>> -> memref<1x!tpu.dma_semaphore, #tpu.memory_space<semaphore_mem>>
    %dma_wait3A_95 = tpu.memref_squeeze %dma_wait3A_94 : memref<1x!tpu.dma_semaphore, #tpu.memory_space<semaphore_mem>> -> memref<!tpu.dma_semaphore, #tpu.memory_space<semaphore_mem>>
    tpu.wait_indirect_dma semaphore(%dma_wait3A_95 : memref<!tpu.dma_semaphore, #tpu.memory_space<semaphore_mem>>) src(%dma_wait3A_93 : memref<10000x64xf32, #tpu.memory_space<vmem_shared>>) dst(%dma_wait3A_87 : memref<128x64xf32, #tpu.memory_space<vmem>>)
    %dma_start3A_96 = arith.constant 1 : i32
    %dma_start3A_97 = arith.constant 1 : i32
    %dma_start3A_98 = arith.constant 1 : i32
    %dma_start3A_99 = arith.constant 0 : i32
    %dma_start3A_100 = arith.constant 0 : i32
    %dma_start3A_101 = tpu.memref_slice %arg8[%dma_start3A_96, %dma_start3A_99, %dma_start3A_100] : memref<3x128x64xf32, #tpu.memory_space<vmem>> -> memref<1x128x64xf32, #tpu.memory_space<vmem>>
    %dma_start3A_102 = tpu.memref_squeeze %dma_start3A_101 : memref<1x128x64xf32, #tpu.memory_space<vmem>> -> memref<128x64xf32, #tpu.memory_space<vmem>>
    %dma_start3A_103 = arith.constant 0 : i32
    %dma_start3A_104 = tpu.memref_slice %arg7[%dma_start3A_97, %dma_start3A_103] : memref<81x128xi32, #tpu.memory_space<vmem>> -> memref<1x128xi32, #tpu.memory_space<vmem>>
    %dma_start3A_105 = tpu.memref_squeeze %dma_start3A_104 : memref<1x128xi32, #tpu.memory_space<vmem>> -> memref<128xi32, #tpu.memory_space<vmem>>
    %dma_start3A_106 = arith.constant 0 : i32
    %dma_start3A_107 = arith.constant 0 : i32
    %dma_start3A_108 = tpu.memref_slice %arg9[%dma_start3A_106, %dma_start3A_107] : memref<10240x64xf32, #tpu.memory_space<vmem_shared>> -> memref<10240x64xf32, #tpu.memory_space<vmem_shared>>
    %dma_start3A_109 = tpu.memref_slice %arg12[%dma_start3A_98] : memref<3x!tpu.dma_semaphore, #tpu.memory_space<semaphore_mem>> -> memref<1x!tpu.dma_semaphore, #tpu.memory_space<semaphore_mem>>
    %dma_start3A_110 = tpu.memref_squeeze %dma_start3A_109 : memref<1x!tpu.dma_semaphore, #tpu.memory_space<semaphore_mem>> -> memref<!tpu.dma_semaphore, #tpu.memory_space<semaphore_mem>>
    tpu.enqueue_indirect_dma source(%dma_start3A_102 : memref<128x64xf32, #tpu.memory_space<vmem>>) target(%dma_start3A_108 : memref<10240x64xf32, #tpu.memory_space<vmem_shared>>) offsets(%dma_start3A_105 : memref<128xi32, #tpu.memory_space<vmem>>) semaphore(%dma_start3A_110 : memref<!tpu.dma_semaphore, #tpu.memory_space<semaphore_mem>>) {add = true}
    %dma_wait3A_111 = arith.constant 0 : i32
    %dma_wait3A_112 = arith.constant 0 : i32
    %dma_wait3A_113 = arith.constant 0 : i32
    %dma_wait3A_114 = arith.constant 0 : i32
    %dma_wait3A_115 = arith.constant 0 : i32
    %dma_wait3A_116 = tpu.memref_slice %arg8[%dma_wait3A_111, %dma_wait3A_114, %dma_wait3A_115] : memref<3x128x64xf32, #tpu.memory_space<vmem>> -> memref<1x128x64xf32, #tpu.memory_space<vmem>>
    %dma_wait3A_117 = tpu.memref_squeeze %dma_wait3A_116 : memref<1x128x64xf32, #tpu.memory_space<vmem>> -> memref<128x64xf32, #tpu.memory_space<vmem>>
    %dma_wait3A_118 = arith.constant 0 : i32
    %dma_wait3A_119 = tpu.memref_slice %arg7[%dma_wait3A_112, %dma_wait3A_118] : memref<81x128xi32, #tpu.memory_space<vmem>> -> memref<1x128xi32, #tpu.memory_space<vmem>>
    %dma_wait3A_120 = tpu.memref_squeeze %dma_wait3A_119 : memref<1x128xi32, #tpu.memory_space<vmem>> -> memref<128xi32, #tpu.memory_space<vmem>>
    %dma_wait3A_121 = arith.constant 0 : i32
    %dma_wait3A_122 = arith.constant 0 : i32
    %dma_wait3A_123 = tpu.memref_slice %arg9[%dma_wait3A_121, %dma_wait3A_122] : memref<10240x64xf32, #tpu.memory_space<vmem_shared>> -> memref<10240x64xf32, #tpu.memory_space<vmem_shared>>
    %dma_wait3A_124 = tpu.memref_slice %arg12[%dma_wait3A_113] : memref<3x!tpu.dma_semaphore, #tpu.memory_space<semaphore_mem>> -> memref<1x!tpu.dma_semaphore, #tpu.memory_space<semaphore_mem>>
    %dma_wait3A_125 = tpu.memref_squeeze %dma_wait3A_124 : memref<1x!tpu.dma_semaphore, #tpu.memory_space<semaphore_mem>> -> memref<!tpu.dma_semaphore, #tpu.memory_space<semaphore_mem>>
    tpu.wait_indirect_dma semaphore(%dma_wait3A_125 : memref<!tpu.dma_semaphore, #tpu.memory_space<semaphore_mem>>) src(%dma_wait3A_117 : memref<128x64xf32, #tpu.memory_space<vmem>>) dst(%dma_wait3A_123 : memref<10240x64xf32, #tpu.memory_space<vmem_shared>>)
    %dma_start3A_126 = arith.constant 3 : i32
    %dma_start3A_127 = arith.constant 0 : i32
    %dma_start3A_128 = arith.constant 0 : i32
    %dma_start3A_129 = arith.constant 0 : i32
    %dma_start3A_130 = arith.constant 0 : i32
    %dma_start3A_131 = tpu.memref_slice %arg8[%dma_start3A_127, %dma_start3A_129, %dma_start3A_130] : memref<3x128x64xf32, #tpu.memory_space<vmem>> -> memref<1x128x64xf32, #tpu.memory_space<vmem>>
    %dma_start3A_132 = tpu.memref_squeeze %dma_start3A_131 : memref<1x128x64xf32, #tpu.memory_space<vmem>> -> memref<128x64xf32, #tpu.memory_space<vmem>>
    %dma_start3A_133 = arith.constant 0 : i32
    %dma_start3A_134 = tpu.memref_slice %arg6[%dma_start3A_126, %dma_start3A_133] : memref<81x128xi32, #tpu.memory_space<vmem>> -> memref<1x128xi32, #tpu.memory_space<vmem>>
    %dma_start3A_135 = tpu.memref_squeeze %dma_start3A_134 : memref<1x128xi32, #tpu.memory_space<vmem>> -> memref<128xi32, #tpu.memory_space<vmem>>
    %dma_start3A_136 = arith.constant 0 : i32
    %dma_start3A_137 = arith.constant 0 : i32
    %dma_start3A_138 = tpu.memref_slice %arg10[%dma_start3A_136, %dma_start3A_137] : memref<10000x64xf32, #tpu.memory_space<vmem_shared>> -> memref<10000x64xf32, #tpu.memory_space<vmem_shared>>
    %dma_start3A_139 = tpu.memref_slice %arg11[%dma_start3A_128] : memref<3x!tpu.dma_semaphore, #tpu.memory_space<semaphore_mem>> -> memref<1x!tpu.dma_semaphore, #tpu.memory_space<semaphore_mem>>
    %dma_start3A_140 = tpu.memref_squeeze %dma_start3A_139 : memref<1x!tpu.dma_semaphore, #tpu.memory_space<semaphore_mem>> -> memref<!tpu.dma_semaphore, #tpu.memory_space<semaphore_mem>>
    tpu.enqueue_indirect_dma source(%dma_start3A_138 : memref<10000x64xf32, #tpu.memory_space<vmem_shared>>) target(%dma_start3A_132 : memref<128x64xf32, #tpu.memory_space<vmem>>) offsets(%dma_start3A_135 : memref<128xi32, #tpu.memory_space<vmem>>) semaphore(%dma_start3A_140 : memref<!tpu.dma_semaphore, #tpu.memory_space<semaphore_mem>>)
    %dma_wait3A_141 = arith.constant 2 : i32
    %dma_wait3A_142 = arith.constant 2 : i32
    %dma_wait3A_143 = arith.constant 2 : i32
    %dma_wait3A_144 = arith.constant 0 : i32
    %dma_wait3A_145 = arith.constant 0 : i32
    %dma_wait3A_146 = tpu.memref_slice %arg8[%dma_wait3A_142, %dma_wait3A_144, %dma_wait3A_145] : memref<3x128x64xf32, #tpu.memory_space<vmem>> -> memref<1x128x64xf32, #tpu.memory_space<vmem>>
    %dma_wait3A_147 = tpu.memref_squeeze %dma_wait3A_146 : memref<1x128x64xf32, #tpu.memory_space<vmem>> -> memref<128x64xf32, #tpu.memory_space<vmem>>
    %dma_wait3A_148 = arith.constant 0 : i32
    %dma_wait3A_149 = tpu.memref_slice %arg6[%dma_wait3A_141, %dma_wait3A_148] : memref<81x128xi32, #tpu.memory_space<vmem>> -> memref<1x128xi32, #tpu.memory_space<vmem>>
    %dma_wait3A_150 = tpu.memref_squeeze %dma_wait3A_149 : memref<1x128xi32, #tpu.memory_space<vmem>> -> memref<128xi32, #tpu.memory_space<vmem>>
    %dma_wait3A_151 = arith.constant 0 : i32
    %dma_wait3A_152 = arith.constant 0 : i32
    %dma_wait3A_153 = tpu.memref_slice %arg10[%dma_wait3A_151, %dma_wait3A_152] : memref<10000x64xf32, #tpu.memory_space<vmem_shared>> -> memref<10000x64xf32, #tpu.memory_space<vmem_shared>>
    %dma_wait3A_154 = tpu.memref_slice %arg11[%dma_wait3A_143] : memref<3x!tpu.dma_semaphore, #tpu.memory_space<semaphore_mem>> -> memref<1x!tpu.dma_semaphore, #tpu.memory_space<semaphore_mem>>
    %dma_wait3A_155 = tpu.memref_squeeze %dma_wait3A_154 : memref<1x!tpu.dma_semaphore, #tpu.memory_space<semaphore_mem>> -> memref<!tpu.dma_semaphore, #tpu.memory_space<semaphore_mem>>
    tpu.wait_indirect_dma semaphore(%dma_wait3A_155 : memref<!tpu.dma_semaphore, #tpu.memory_space<semaphore_mem>>) src(%dma_wait3A_153 : memref<10000x64xf32, #tpu.memory_space<vmem_shared>>) dst(%dma_wait3A_147 : memref<128x64xf32, #tpu.memory_space<vmem>>)
    %dma_start3A_156 = arith.constant 2 : i32
    %dma_start3A_157 = arith.constant 2 : i32
    %dma_start3A_158 = arith.constant 2 : i32
    %dma_start3A_159 = arith.constant 0 : i32
    %dma_start3A_160 = arith.constant 0 : i32
    %dma_start3A_161 = tpu.memref_slice %arg8[%dma_start3A_156, %dma_start3A_159, %dma_start3A_160] : memref<3x128x64xf32, #tpu.memory_space<vmem>> -> memref<1x128x64xf32, #tpu.memory_space<vmem>>
    %dma_start3A_162 = tpu.memref_squeeze %dma_start3A_161 : memref<1x128x64xf32, #tpu.memory_space<vmem>> -> memref<128x64xf32, #tpu.memory_space<vmem>>
    %dma_start3A_163 = arith.constant 0 : i32
    %dma_start3A_164 = tpu.memref_slice %arg7[%dma_start3A_157, %dma_start3A_163] : memref<81x128xi32, #tpu.memory_space<vmem>> -> memref<1x128xi32, #tpu.memory_space<vmem>>
    %dma_start3A_165 = tpu.memref_squeeze %dma_start3A_164 : memref<1x128xi32, #tpu.memory_space<vmem>> -> memref<128xi32, #tpu.memory_space<vmem>>
    %dma_start3A_166 = arith.constant 0 : i32
    %dma_start3A_167 = arith.constant 0 : i32
    %dma_start3A_168 = tpu.memref_slice %arg9[%dma_start3A_166, %dma_start3A_167] : memref<10240x64xf32, #tpu.memory_space<vmem_shared>> -> memref<10240x64xf32, #tpu.memory_space<vmem_shared>>
    %dma_start3A_169 = tpu.memref_slice %arg12[%dma_start3A_158] : memref<3x!tpu.dma_semaphore, #tpu.memory_space<semaphore_mem>> -> memref<1x!tpu.dma_semaphore, #tpu.memory_space<semaphore_mem>>
    %dma_start3A_170 = tpu.memref_squeeze %dma_start3A_169 : memref<1x!tpu.dma_semaphore, #tpu.memory_space<semaphore_mem>> -> memref<!tpu.dma_semaphore, #tpu.memory_space<semaphore_mem>>
    tpu.enqueue_indirect_dma source(%dma_start3A_162 : memref<128x64xf32, #tpu.memory_space<vmem>>) target(%dma_start3A_168 : memref<10240x64xf32, #tpu.memory_space<vmem_shared>>) offsets(%dma_start3A_165 : memref<128xi32, #tpu.memory_space<vmem>>) semaphore(%dma_start3A_170 : memref<!tpu.dma_semaphore, #tpu.memory_space<semaphore_mem>>) {add = true}
    %scan3A = arith.constant 0 : i32
    %scan3A_171 = arith.constant 25 : i32
    %scan3A_172 = arith.addi %scan3A, %scan3A_171 : i32
    %scan3A_173 = arith.constant 1 : i32
    scf.for %scan3A_371 = %scan3A to %scan3A_172 step %scan3A_173  : i32 {
      %mul3A_372 = arith.constant 3 : i32
      %mul3A_373 = arith.muli %scan3A_371, %mul3A_372 : i32
      %add3A_374 = arith.constant 3 : i32
      %add3A_375 = arith.addi %add3A_374, %mul3A_373 : i32
      %add3A_376 = arith.constant 0 : i32
      %add3A_377 = arith.addi %add3A_375, %add3A_376 : i32
      %sub3A = arith.constant 2 : i32
      %sub3A_378 = arith.subi %add3A_377, %sub3A : i32
      %jit3A = arith.constant 3 : i32
      %eq3A = arith.constant 0 : i32
      %eq3A_379 = arith.cmpi eq, %jit3A, %eq3A : i32
      %jit3A_380 = arith.constant 1 : i32
      %select_n3A = arith.select %eq3A_379, %jit3A_380, %jit3A : i32
      %rem3A = arith.remsi %sub3A_378, %select_n3A : i32
      %ne3A = arith.constant 0 : i32
      %ne3A_381 = arith.cmpi ne, %rem3A, %ne3A : i32
      %lt3A = arith.constant 0 : i32
      %lt3A_382 = arith.cmpi slt, %rem3A, %lt3A : i32
      %lt3A_383 = arith.constant 0 : i32
      %lt3A_384 = arith.cmpi slt, %select_n3A, %lt3A_383 : i32
      %ne3A_385 = arith.xori %lt3A_382, %lt3A_384 : i1
      %and3A = arith.andi %ne3A_385, %ne3A_381 : i1
      %add3A_386 = arith.addi %rem3A, %select_n3A : i32
      %select_n3A_387 = arith.select %and3A, %add3A_386, %rem3A : i32
      %sub3A_388 = arith.constant 2 : i32
      %sub3A_389 = arith.subi %add3A_377, %sub3A_388 : i32
      %sub3A_390 = arith.constant 2 : i32
      %sub3A_391 = arith.subi %add3A_377, %sub3A_390 : i32
      %jit3A_392 = arith.constant 3 : i32
      %eq3A_393 = arith.constant 0 : i32
      %eq3A_394 = arith.cmpi eq, %jit3A_392, %eq3A_393 : i32
      %jit3A_395 = arith.constant 1 : i32
      %select_n3A_396 = arith.select %eq3A_394, %jit3A_395, %jit3A_392 : i32
      %rem3A_397 = arith.remsi %sub3A_391, %select_n3A_396 : i32
      %ne3A_398 = arith.constant 0 : i32
      %ne3A_399 = arith.cmpi ne, %rem3A_397, %ne3A_398 : i32
      %lt3A_400 = arith.constant 0 : i32
      %lt3A_401 = arith.cmpi slt, %rem3A_397, %lt3A_400 : i32
      %lt3A_402 = arith.constant 0 : i32
      %lt3A_403 = arith.cmpi slt, %select_n3A_396, %lt3A_402 : i32
      %ne3A_404 = arith.xori %lt3A_401, %lt3A_403 : i1
      %and3A_405 = arith.andi %ne3A_404, %ne3A_399 : i1
      %add3A_406 = arith.addi %rem3A_397, %select_n3A_396 : i32
      %select_n3A_407 = arith.select %and3A_405, %add3A_406, %rem3A_397 : i32
      %dma_wait3A_408 = arith.constant 0 : i32
      %dma_wait3A_409 = arith.constant 0 : i32
      %dma_wait3A_410 = tpu.memref_slice %arg8[%select_n3A_387, %dma_wait3A_408, %dma_wait3A_409] : memref<3x128x64xf32, #tpu.memory_space<vmem>> -> memref<1x128x64xf32, #tpu.memory_space<vmem>>
      %dma_wait3A_411 = tpu.memref_squeeze %dma_wait3A_410 : memref<1x128x64xf32, #tpu.memory_space<vmem>> -> memref<128x64xf32, #tpu.memory_space<vmem>>
      %dma_wait3A_412 = arith.constant 0 : i32
      %dma_wait3A_413 = tpu.memref_slice %arg7[%sub3A_389, %dma_wait3A_412] : memref<81x128xi32, #tpu.memory_space<vmem>> -> memref<1x128xi32, #tpu.memory_space<vmem>>
      %dma_wait3A_414 = tpu.memref_squeeze %dma_wait3A_413 : memref<1x128xi32, #tpu.memory_space<vmem>> -> memref<128xi32, #tpu.memory_space<vmem>>
      %dma_wait3A_415 = arith.constant 0 : i32
      %dma_wait3A_416 = arith.constant 0 : i32
      %dma_wait3A_417 = tpu.memref_slice %arg9[%dma_wait3A_415, %dma_wait3A_416] : memref<10240x64xf32, #tpu.memory_space<vmem_shared>> -> memref<10240x64xf32, #tpu.memory_space<vmem_shared>>
      %dma_wait3A_418 = tpu.memref_slice %arg12[%select_n3A_407] : memref<3x!tpu.dma_semaphore, #tpu.memory_space<semaphore_mem>> -> memref<1x!tpu.dma_semaphore, #tpu.memory_space<semaphore_mem>>
      %dma_wait3A_419 = tpu.memref_squeeze %dma_wait3A_418 : memref<1x!tpu.dma_semaphore, #tpu.memory_space<semaphore_mem>> -> memref<!tpu.dma_semaphore, #tpu.memory_space<semaphore_mem>>
      tpu.wait_indirect_dma semaphore(%dma_wait3A_419 : memref<!tpu.dma_semaphore, #tpu.memory_space<semaphore_mem>>) src(%dma_wait3A_411 : memref<128x64xf32, #tpu.memory_space<vmem>>) dst(%dma_wait3A_417 : memref<10240x64xf32, #tpu.memory_space<vmem_shared>>)
      %add3A_420 = arith.constant 1 : i32
      %add3A_421 = arith.addi %add3A_377, %add3A_420 : i32
      %add3A_422 = arith.constant 1 : i32
      %add3A_423 = arith.addi %add3A_377, %add3A_422 : i32
      %jit3A_424 = arith.constant 3 : i32
      %eq3A_425 = arith.constant 0 : i32
      %eq3A_426 = arith.cmpi eq, %jit3A_424, %eq3A_425 : i32
      %jit3A_427 = arith.constant 1 : i32
      %select_n3A_428 = arith.select %eq3A_426, %jit3A_427, %jit3A_424 : i32
      %rem3A_429 = arith.remsi %add3A_423, %select_n3A_428 : i32
      %ne3A_430 = arith.constant 0 : i32
      %ne3A_431 = arith.cmpi ne, %rem3A_429, %ne3A_430 : i32
      %lt3A_432 = arith.constant 0 : i32
      %lt3A_433 = arith.cmpi slt, %rem3A_429, %lt3A_432 : i32
      %lt3A_434 = arith.constant 0 : i32
      %lt3A_435 = arith.cmpi slt, %select_n3A_428, %lt3A_434 : i32
      %ne3A_436 = arith.xori %lt3A_433, %lt3A_435 : i1
      %and3A_437 = arith.andi %ne3A_436, %ne3A_431 : i1
      %add3A_438 = arith.addi %rem3A_429, %select_n3A_428 : i32
      %select_n3A_439 = arith.select %and3A_437, %add3A_438, %rem3A_429 : i32
      %add3A_440 = arith.constant 1 : i32
      %add3A_441 = arith.addi %add3A_377, %add3A_440 : i32
      %jit3A_442 = arith.constant 3 : i32
      %eq3A_443 = arith.constant 0 : i32
      %eq3A_444 = arith.cmpi eq, %jit3A_442, %eq3A_443 : i32
      %jit3A_445 = arith.constant 1 : i32
      %select_n3A_446 = arith.select %eq3A_444, %jit3A_445, %jit3A_442 : i32
      %rem3A_447 = arith.remsi %add3A_441, %select_n3A_446 : i32
      %ne3A_448 = arith.constant 0 : i32
      %ne3A_449 = arith.cmpi ne, %rem3A_447, %ne3A_448 : i32
      %lt3A_450 = arith.constant 0 : i32
      %lt3A_451 = arith.cmpi slt, %rem3A_447, %lt3A_450 : i32
      %lt3A_452 = arith.constant 0 : i32
      %lt3A_453 = arith.cmpi slt, %select_n3A_446, %lt3A_452 : i32
      %ne3A_454 = arith.xori %lt3A_451, %lt3A_453 : i1
      %and3A_455 = arith.andi %ne3A_454, %ne3A_449 : i1
      %add3A_456 = arith.addi %rem3A_447, %select_n3A_446 : i32
      %select_n3A_457 = arith.select %and3A_455, %add3A_456, %rem3A_447 : i32
      %dma_start3A_458 = arith.constant 0 : i32
      %dma_start3A_459 = arith.constant 0 : i32
      %dma_start3A_460 = tpu.memref_slice %arg8[%select_n3A_439, %dma_start3A_458, %dma_start3A_459] : memref<3x128x64xf32, #tpu.memory_space<vmem>> -> memref<1x128x64xf32, #tpu.memory_space<vmem>>
      %dma_start3A_461 = tpu.memref_squeeze %dma_start3A_460 : memref<1x128x64xf32, #tpu.memory_space<vmem>> -> memref<128x64xf32, #tpu.memory_space<vmem>>
      %dma_start3A_462 = arith.constant 0 : i32
      %dma_start3A_463 = tpu.memref_slice %arg6[%add3A_421, %dma_start3A_462] : memref<81x128xi32, #tpu.memory_space<vmem>> -> memref<1x128xi32, #tpu.memory_space<vmem>>
      %dma_start3A_464 = tpu.memref_squeeze %dma_start3A_463 : memref<1x128xi32, #tpu.memory_space<vmem>> -> memref<128xi32, #tpu.memory_space<vmem>>
      %dma_start3A_465 = arith.constant 0 : i32
      %dma_start3A_466 = arith.constant 0 : i32
      %dma_start3A_467 = tpu.memref_slice %arg10[%dma_start3A_465, %dma_start3A_466] : memref<10000x64xf32, #tpu.memory_space<vmem_shared>> -> memref<10000x64xf32, #tpu.memory_space<vmem_shared>>
      %dma_start3A_468 = tpu.memref_slice %arg11[%select_n3A_457] : memref<3x!tpu.dma_semaphore, #tpu.memory_space<semaphore_mem>> -> memref<1x!tpu.dma_semaphore, #tpu.memory_space<semaphore_mem>>
      %dma_start3A_469 = tpu.memref_squeeze %dma_start3A_468 : memref<1x!tpu.dma_semaphore, #tpu.memory_space<semaphore_mem>> -> memref<!tpu.dma_semaphore, #tpu.memory_space<semaphore_mem>>
      tpu.enqueue_indirect_dma source(%dma_start3A_467 : memref<10000x64xf32, #tpu.memory_space<vmem_shared>>) target(%dma_start3A_461 : memref<128x64xf32, #tpu.memory_space<vmem>>) offsets(%dma_start3A_464 : memref<128xi32, #tpu.memory_space<vmem>>) semaphore(%dma_start3A_469 : memref<!tpu.dma_semaphore, #tpu.memory_space<semaphore_mem>>)
      %jit3A_470 = arith.constant 3 : i32
      %eq3A_471 = arith.constant 0 : i32
      %eq3A_472 = arith.cmpi eq, %jit3A_470, %eq3A_471 : i32
      %jit3A_473 = arith.constant 1 : i32
      %select_n3A_474 = arith.select %eq3A_472, %jit3A_473, %jit3A_470 : i32
      %rem3A_475 = arith.remsi %add3A_377, %select_n3A_474 : i32
      %ne3A_476 = arith.constant 0 : i32
      %ne3A_477 = arith.cmpi ne, %rem3A_475, %ne3A_476 : i32
      %lt3A_478 = arith.constant 0 : i32
      %lt3A_479 = arith.cmpi slt, %rem3A_475, %lt3A_478 : i32
      %lt3A_480 = arith.constant 0 : i32
      %lt3A_481 = arith.cmpi slt, %select_n3A_474, %lt3A_480 : i32
      %ne3A_482 = arith.xori %lt3A_479, %lt3A_481 : i1
      %and3A_483 = arith.andi %ne3A_482, %ne3A_477 : i1
      %add3A_484 = arith.addi %rem3A_475, %select_n3A_474 : i32
      %select_n3A_485 = arith.select %and3A_483, %add3A_484, %rem3A_475 : i32
      %jit3A_486 = arith.constant 3 : i32
      %eq3A_487 = arith.constant 0 : i32
      %eq3A_488 = arith.cmpi eq, %jit3A_486, %eq3A_487 : i32
      %jit3A_489 = arith.constant 1 : i32
      %select_n3A_490 = arith.select %eq3A_488, %jit3A_489, %jit3A_486 : i32
      %rem3A_491 = arith.remsi %add3A_377, %select_n3A_490 : i32
      %ne3A_492 = arith.constant 0 : i32
      %ne3A_493 = arith.cmpi ne, %rem3A_491, %ne3A_492 : i32
      %lt3A_494 = arith.constant 0 : i32
      %lt3A_495 = arith.cmpi slt, %rem3A_491, %lt3A_494 : i32
      %lt3A_496 = arith.constant 0 : i32
      %lt3A_497 = arith.cmpi slt, %select_n3A_490, %lt3A_496 : i32
      %ne3A_498 = arith.xori %lt3A_495, %lt3A_497 : i1
      %and3A_499 = arith.andi %ne3A_498, %ne3A_493 : i1
      %add3A_500 = arith.addi %rem3A_491, %select_n3A_490 : i32
      %select_n3A_501 = arith.select %and3A_499, %add3A_500, %rem3A_491 : i32
      %dma_wait3A_502 = arith.constant 0 : i32
      %dma_wait3A_503 = arith.constant 0 : i32
      %dma_wait3A_504 = tpu.memref_slice %arg8[%select_n3A_485, %dma_wait3A_502, %dma_wait3A_503] : memref<3x128x64xf32, #tpu.memory_space<vmem>> -> memref<1x128x64xf32, #tpu.memory_space<vmem>>
      %dma_wait3A_505 = tpu.memref_squeeze %dma_wait3A_504 : memref<1x128x64xf32, #tpu.memory_space<vmem>> -> memref<128x64xf32, #tpu.memory_space<vmem>>
      %dma_wait3A_506 = arith.constant 0 : i32
      %dma_wait3A_507 = tpu.memref_slice %arg6[%add3A_377, %dma_wait3A_506] : memref<81x128xi32, #tpu.memory_space<vmem>> -> memref<1x128xi32, #tpu.memory_space<vmem>>
      %dma_wait3A_508 = tpu.memref_squeeze %dma_wait3A_507 : memref<1x128xi32, #tpu.memory_space<vmem>> -> memref<128xi32, #tpu.memory_space<vmem>>
      %dma_wait3A_509 = arith.constant 0 : i32
      %dma_wait3A_510 = arith.constant 0 : i32
      %dma_wait3A_511 = tpu.memref_slice %arg10[%dma_wait3A_509, %dma_wait3A_510] : memref<10000x64xf32, #tpu.memory_space<vmem_shared>> -> memref<10000x64xf32, #tpu.memory_space<vmem_shared>>
      %dma_wait3A_512 = tpu.memref_slice %arg11[%select_n3A_501] : memref<3x!tpu.dma_semaphore, #tpu.memory_space<semaphore_mem>> -> memref<1x!tpu.dma_semaphore, #tpu.memory_space<semaphore_mem>>
      %dma_wait3A_513 = tpu.memref_squeeze %dma_wait3A_512 : memref<1x!tpu.dma_semaphore, #tpu.memory_space<semaphore_mem>> -> memref<!tpu.dma_semaphore, #tpu.memory_space<semaphore_mem>>
      tpu.wait_indirect_dma semaphore(%dma_wait3A_513 : memref<!tpu.dma_semaphore, #tpu.memory_space<semaphore_mem>>) src(%dma_wait3A_511 : memref<10000x64xf32, #tpu.memory_space<vmem_shared>>) dst(%dma_wait3A_505 : memref<128x64xf32, #tpu.memory_space<vmem>>)
      %jit3A_514 = arith.constant 3 : i32
      %eq3A_515 = arith.constant 0 : i32
      %eq3A_516 = arith.cmpi eq, %jit3A_514, %eq3A_515 : i32
      %jit3A_517 = arith.constant 1 : i32
      %select_n3A_518 = arith.select %eq3A_516, %jit3A_517, %jit3A_514 : i32
      %rem3A_519 = arith.remsi %add3A_377, %select_n3A_518 : i32
      %ne3A_520 = arith.constant 0 : i32
      %ne3A_521 = arith.cmpi ne, %rem3A_519, %ne3A_520 : i32
      %lt3A_522 = arith.constant 0 : i32
      %lt3A_523 = arith.cmpi slt, %rem3A_519, %lt3A_522 : i32
      %lt3A_524 = arith.constant 0 : i32
      %lt3A_525 = arith.cmpi slt, %select_n3A_518, %lt3A_524 : i32
      %ne3A_526 = arith.xori %lt3A_523, %lt3A_525 : i1
      %and3A_527 = arith.andi %ne3A_526, %ne3A_521 : i1
      %add3A_528 = arith.addi %rem3A_519, %select_n3A_518 : i32
      %select_n3A_529 = arith.select %and3A_527, %add3A_528, %rem3A_519 : i32
      %jit3A_530 = arith.constant 3 : i32
      %eq3A_531 = arith.constant 0 : i32
      %eq3A_532 = arith.cmpi eq, %jit3A_530, %eq3A_531 : i32
      %jit3A_533 = arith.constant 1 : i32
      %select_n3A_534 = arith.select %eq3A_532, %jit3A_533, %jit3A_530 : i32
      %rem3A_535 = arith.remsi %add3A_377, %select_n3A_534 : i32
      %ne3A_536 = arith.constant 0 : i32
      %ne3A_537 = arith.cmpi ne, %rem3A_535, %ne3A_536 : i32
      %lt3A_538 = arith.constant 0 : i32
      %lt3A_539 = arith.cmpi slt, %rem3A_535, %lt3A_538 : i32
      %lt3A_540 = arith.constant 0 : i32
      %lt3A_541 = arith.cmpi slt, %select_n3A_534, %lt3A_540 : i32
      %ne3A_542 = arith.xori %lt3A_539, %lt3A_541 : i1
      %and3A_543 = arith.andi %ne3A_542, %ne3A_537 : i1
      %add3A_544 = arith.addi %rem3A_535, %select_n3A_534 : i32
      %select_n3A_545 = arith.select %and3A_543, %add3A_544, %rem3A_535 : i32
      %dma_start3A_546 = arith.constant 0 : i32
      %dma_start3A_547 = arith.constant 0 : i32
      %dma_start3A_548 = tpu.memref_slice %arg8[%select_n3A_529, %dma_start3A_546, %dma_start3A_547] : memref<3x128x64xf32, #tpu.memory_space<vmem>> -> memref<1x128x64xf32, #tpu.memory_space<vmem>>
      %dma_start3A_549 = tpu.memref_squeeze %dma_start3A_548 : memref<1x128x64xf32, #tpu.memory_space<vmem>> -> memref<128x64xf32, #tpu.memory_space<vmem>>
      %dma_start3A_550 = arith.constant 0 : i32
      %dma_start3A_551 = tpu.memref_slice %arg7[%add3A_377, %dma_start3A_550] : memref<81x128xi32, #tpu.memory_space<vmem>> -> memref<1x128xi32, #tpu.memory_space<vmem>>
      %dma_start3A_552 = tpu.memref_squeeze %dma_start3A_551 : memref<1x128xi32, #tpu.memory_space<vmem>> -> memref<128xi32, #tpu.memory_space<vmem>>
      %dma_start3A_553 = arith.constant 0 : i32
      %dma_start3A_554 = arith.constant 0 : i32
      %dma_start3A_555 = tpu.memref_slice %arg9[%dma_start3A_553, %dma_start3A_554] : memref<10240x64xf32, #tpu.memory_space<vmem_shared>> -> memref<10240x64xf32, #tpu.memory_space<vmem_shared>>
      %dma_start3A_556 = tpu.memref_slice %arg12[%select_n3A_545] : memref<3x!tpu.dma_semaphore, #tpu.memory_space<semaphore_mem>> -> memref<1x!tpu.dma_semaphore, #tpu.memory_space<semaphore_mem>>
      %dma_start3A_557 = tpu.memref_squeeze %dma_start3A_556 : memref<1x!tpu.dma_semaphore, #tpu.memory_space<semaphore_mem>> -> memref<!tpu.dma_semaphore, #tpu.memory_space<semaphore_mem>>
      tpu.enqueue_indirect_dma source(%dma_start3A_549 : memref<128x64xf32, #tpu.memory_space<vmem>>) target(%dma_start3A_555 : memref<10240x64xf32, #tpu.memory_space<vmem_shared>>) offsets(%dma_start3A_552 : memref<128xi32, #tpu.memory_space<vmem>>) semaphore(%dma_start3A_557 : memref<!tpu.dma_semaphore, #tpu.memory_space<semaphore_mem>>) {add = true}
      %add3A_558 = arith.constant 1 : i32
      %add3A_559 = arith.addi %add3A_375, %add3A_558 : i32
      %sub3A_560 = arith.constant 2 : i32
      %sub3A_561 = arith.subi %add3A_559, %sub3A_560 : i32
      %jit3A_562 = arith.constant 3 : i32
      %eq3A_563 = arith.constant 0 : i32
      %eq3A_564 = arith.cmpi eq, %jit3A_562, %eq3A_563 : i32
      %jit3A_565 = arith.constant 1 : i32
      %select_n3A_566 = arith.select %eq3A_564, %jit3A_565, %jit3A_562 : i32
      %rem3A_567 = arith.remsi %sub3A_561, %select_n3A_566 : i32
      %ne3A_568 = arith.constant 0 : i32
      %ne3A_569 = arith.cmpi ne, %rem3A_567, %ne3A_568 : i32
      %lt3A_570 = arith.constant 0 : i32
      %lt3A_571 = arith.cmpi slt, %rem3A_567, %lt3A_570 : i32
      %lt3A_572 = arith.constant 0 : i32
      %lt3A_573 = arith.cmpi slt, %select_n3A_566, %lt3A_572 : i32
      %ne3A_574 = arith.xori %lt3A_571, %lt3A_573 : i1
      %and3A_575 = arith.andi %ne3A_574, %ne3A_569 : i1
      %add3A_576 = arith.addi %rem3A_567, %select_n3A_566 : i32
      %select_n3A_577 = arith.select %and3A_575, %add3A_576, %rem3A_567 : i32
      %sub3A_578 = arith.constant 2 : i32
      %sub3A_579 = arith.subi %add3A_559, %sub3A_578 : i32
      %sub3A_580 = arith.constant 2 : i32
      %sub3A_581 = arith.subi %add3A_559, %sub3A_580 : i32
      %jit3A_582 = arith.constant 3 : i32
      %eq3A_583 = arith.constant 0 : i32
      %eq3A_584 = arith.cmpi eq, %jit3A_582, %eq3A_583 : i32
      %jit3A_585 = arith.constant 1 : i32
      %select_n3A_586 = arith.select %eq3A_584, %jit3A_585, %jit3A_582 : i32
      %rem3A_587 = arith.remsi %sub3A_581, %select_n3A_586 : i32
      %ne3A_588 = arith.constant 0 : i32
      %ne3A_589 = arith.cmpi ne, %rem3A_587, %ne3A_588 : i32
      %lt3A_590 = arith.constant 0 : i32
      %lt3A_591 = arith.cmpi slt, %rem3A_587, %lt3A_590 : i32
      %lt3A_592 = arith.constant 0 : i32
      %lt3A_593 = arith.cmpi slt, %select_n3A_586, %lt3A_592 : i32
      %ne3A_594 = arith.xori %lt3A_591, %lt3A_593 : i1
      %and3A_595 = arith.andi %ne3A_594, %ne3A_589 : i1
      %add3A_596 = arith.addi %rem3A_587, %select_n3A_586 : i32
      %select_n3A_597 = arith.select %and3A_595, %add3A_596, %rem3A_587 : i32
      %dma_wait3A_598 = arith.constant 0 : i32
      %dma_wait3A_599 = arith.constant 0 : i32
      %dma_wait3A_600 = tpu.memref_slice %arg8[%select_n3A_577, %dma_wait3A_598, %dma_wait3A_599] : memref<3x128x64xf32, #tpu.memory_space<vmem>> -> memref<1x128x64xf32, #tpu.memory_space<vmem>>
      %dma_wait3A_601 = tpu.memref_squeeze %dma_wait3A_600 : memref<1x128x64xf32, #tpu.memory_space<vmem>> -> memref<128x64xf32, #tpu.memory_space<vmem>>
      %dma_wait3A_602 = arith.constant 0 : i32
      %dma_wait3A_603 = tpu.memref_slice %arg7[%sub3A_579, %dma_wait3A_602] : memref<81x128xi32, #tpu.memory_space<vmem>> -> memref<1x128xi32, #tpu.memory_space<vmem>>
      %dma_wait3A_604 = tpu.memref_squeeze %dma_wait3A_603 : memref<1x128xi32, #tpu.memory_space<vmem>> -> memref<128xi32, #tpu.memory_space<vmem>>
      %dma_wait3A_605 = arith.constant 0 : i32
      %dma_wait3A_606 = arith.constant 0 : i32
      %dma_wait3A_607 = tpu.memref_slice %arg9[%dma_wait3A_605, %dma_wait3A_606] : memref<10240x64xf32, #tpu.memory_space<vmem_shared>> -> memref<10240x64xf32, #tpu.memory_space<vmem_shared>>
      %dma_wait3A_608 = tpu.memref_slice %arg12[%select_n3A_597] : memref<3x!tpu.dma_semaphore, #tpu.memory_space<semaphore_mem>> -> memref<1x!tpu.dma_semaphore, #tpu.memory_space<semaphore_mem>>
      %dma_wait3A_609 = tpu.memref_squeeze %dma_wait3A_608 : memref<1x!tpu.dma_semaphore, #tpu.memory_space<semaphore_mem>> -> memref<!tpu.dma_semaphore, #tpu.memory_space<semaphore_mem>>
      tpu.wait_indirect_dma semaphore(%dma_wait3A_609 : memref<!tpu.dma_semaphore, #tpu.memory_space<semaphore_mem>>) src(%dma_wait3A_601 : memref<128x64xf32, #tpu.memory_space<vmem>>) dst(%dma_wait3A_607 : memref<10240x64xf32, #tpu.memory_space<vmem_shared>>)
      %add3A_610 = arith.constant 1 : i32
      %add3A_611 = arith.addi %add3A_559, %add3A_610 : i32
      %add3A_612 = arith.constant 1 : i32
      %add3A_613 = arith.addi %add3A_559, %add3A_612 : i32
      %jit3A_614 = arith.constant 3 : i32
      %eq3A_615 = arith.constant 0 : i32
      %eq3A_616 = arith.cmpi eq, %jit3A_614, %eq3A_615 : i32
      %jit3A_617 = arith.constant 1 : i32
      %select_n3A_618 = arith.select %eq3A_616, %jit3A_617, %jit3A_614 : i32
      %rem3A_619 = arith.remsi %add3A_613, %select_n3A_618 : i32
      %ne3A_620 = arith.constant 0 : i32
      %ne3A_621 = arith.cmpi ne, %rem3A_619, %ne3A_620 : i32
      %lt3A_622 = arith.constant 0 : i32
      %lt3A_623 = arith.cmpi slt, %rem3A_619, %lt3A_622 : i32
      %lt3A_624 = arith.constant 0 : i32
      %lt3A_625 = arith.cmpi slt, %select_n3A_618, %lt3A_624 : i32
      %ne3A_626 = arith.xori %lt3A_623, %lt3A_625 : i1
      %and3A_627 = arith.andi %ne3A_626, %ne3A_621 : i1
      %add3A_628 = arith.addi %rem3A_619, %select_n3A_618 : i32
      %select_n3A_629 = arith.select %and3A_627, %add3A_628, %rem3A_619 : i32
      %add3A_630 = arith.constant 1 : i32
      %add3A_631 = arith.addi %add3A_559, %add3A_630 : i32
      %jit3A_632 = arith.constant 3 : i32
      %eq3A_633 = arith.constant 0 : i32
      %eq3A_634 = arith.cmpi eq, %jit3A_632, %eq3A_633 : i32
      %jit3A_635 = arith.constant 1 : i32
      %select_n3A_636 = arith.select %eq3A_634, %jit3A_635, %jit3A_632 : i32
      %rem3A_637 = arith.remsi %add3A_631, %select_n3A_636 : i32
      %ne3A_638 = arith.constant 0 : i32
      %ne3A_639 = arith.cmpi ne, %rem3A_637, %ne3A_638 : i32
      %lt3A_640 = arith.constant 0 : i32
      %lt3A_641 = arith.cmpi slt, %rem3A_637, %lt3A_640 : i32
      %lt3A_642 = arith.constant 0 : i32
      %lt3A_643 = arith.cmpi slt, %select_n3A_636, %lt3A_642 : i32
      %ne3A_644 = arith.xori %lt3A_641, %lt3A_643 : i1
      %and3A_645 = arith.andi %ne3A_644, %ne3A_639 : i1
      %add3A_646 = arith.addi %rem3A_637, %select_n3A_636 : i32
      %select_n3A_647 = arith.select %and3A_645, %add3A_646, %rem3A_637 : i32
      %dma_start3A_648 = arith.constant 0 : i32
      %dma_start3A_649 = arith.constant 0 : i32
      %dma_start3A_650 = tpu.memref_slice %arg8[%select_n3A_629, %dma_start3A_648, %dma_start3A_649] : memref<3x128x64xf32, #tpu.memory_space<vmem>> -> memref<1x128x64xf32, #tpu.memory_space<vmem>>
      %dma_start3A_651 = tpu.memref_squeeze %dma_start3A_650 : memref<1x128x64xf32, #tpu.memory_space<vmem>> -> memref<128x64xf32, #tpu.memory_space<vmem>>
      %dma_start3A_652 = arith.constant 0 : i32
      %dma_start3A_653 = tpu.memref_slice %arg6[%add3A_611, %dma_start3A_652] : memref<81x128xi32, #tpu.memory_space<vmem>> -> memref<1x128xi32, #tpu.memory_space<vmem>>
      %dma_start3A_654 = tpu.memref_squeeze %dma_start3A_653 : memref<1x128xi32, #tpu.memory_space<vmem>> -> memref<128xi32, #tpu.memory_space<vmem>>
      %dma_start3A_655 = arith.constant 0 : i32
      %dma_start3A_656 = arith.constant 0 : i32
      %dma_start3A_657 = tpu.memref_slice %arg10[%dma_start3A_655, %dma_start3A_656] : memref<10000x64xf32, #tpu.memory_space<vmem_shared>> -> memref<10000x64xf32, #tpu.memory_space<vmem_shared>>
      %dma_start3A_658 = tpu.memref_slice %arg11[%select_n3A_647] : memref<3x!tpu.dma_semaphore, #tpu.memory_space<semaphore_mem>> -> memref<1x!tpu.dma_semaphore, #tpu.memory_space<semaphore_mem>>
      %dma_start3A_659 = tpu.memref_squeeze %dma_start3A_658 : memref<1x!tpu.dma_semaphore, #tpu.memory_space<semaphore_mem>> -> memref<!tpu.dma_semaphore, #tpu.memory_space<semaphore_mem>>
      tpu.enqueue_indirect_dma source(%dma_start3A_657 : memref<10000x64xf32, #tpu.memory_space<vmem_shared>>) target(%dma_start3A_651 : memref<128x64xf32, #tpu.memory_space<vmem>>) offsets(%dma_start3A_654 : memref<128xi32, #tpu.memory_space<vmem>>) semaphore(%dma_start3A_659 : memref<!tpu.dma_semaphore, #tpu.memory_space<semaphore_mem>>)
      %jit3A_660 = arith.constant 3 : i32
      %eq3A_661 = arith.constant 0 : i32
      %eq3A_662 = arith.cmpi eq, %jit3A_660, %eq3A_661 : i32
      %jit3A_663 = arith.constant 1 : i32
      %select_n3A_664 = arith.select %eq3A_662, %jit3A_663, %jit3A_660 : i32
      %rem3A_665 = arith.remsi %add3A_559, %select_n3A_664 : i32
      %ne3A_666 = arith.constant 0 : i32
      %ne3A_667 = arith.cmpi ne, %rem3A_665, %ne3A_666 : i32
      %lt3A_668 = arith.constant 0 : i32
      %lt3A_669 = arith.cmpi slt, %rem3A_665, %lt3A_668 : i32
      %lt3A_670 = arith.constant 0 : i32
      %lt3A_671 = arith.cmpi slt, %select_n3A_664, %lt3A_670 : i32
      %ne3A_672 = arith.xori %lt3A_669, %lt3A_671 : i1
      %and3A_673 = arith.andi %ne3A_672, %ne3A_667 : i1
      %add3A_674 = arith.addi %rem3A_665, %select_n3A_664 : i32
      %select_n3A_675 = arith.select %and3A_673, %add3A_674, %rem3A_665 : i32
      %jit3A_676 = arith.constant 3 : i32
      %eq3A_677 = arith.constant 0 : i32
      %eq3A_678 = arith.cmpi eq, %jit3A_676, %eq3A_677 : i32
      %jit3A_679 = arith.constant 1 : i32
      %select_n3A_680 = arith.select %eq3A_678, %jit3A_679, %jit3A_676 : i32
      %rem3A_681 = arith.remsi %add3A_559, %select_n3A_680 : i32
      %ne3A_682 = arith.constant 0 : i32
      %ne3A_683 = arith.cmpi ne, %rem3A_681, %ne3A_682 : i32
      %lt3A_684 = arith.constant 0 : i32
      %lt3A_685 = arith.cmpi slt, %rem3A_681, %lt3A_684 : i32
      %lt3A_686 = arith.constant 0 : i32
      %lt3A_687 = arith.cmpi slt, %select_n3A_680, %lt3A_686 : i32
      %ne3A_688 = arith.xori %lt3A_685, %lt3A_687 : i1
      %and3A_689 = arith.andi %ne3A_688, %ne3A_683 : i1
      %add3A_690 = arith.addi %rem3A_681, %select_n3A_680 : i32
      %select_n3A_691 = arith.select %and3A_689, %add3A_690, %rem3A_681 : i32
      %dma_wait3A_692 = arith.constant 0 : i32
      %dma_wait3A_693 = arith.constant 0 : i32
      %dma_wait3A_694 = tpu.memref_slice %arg8[%select_n3A_675, %dma_wait3A_692, %dma_wait3A_693] : memref<3x128x64xf32, #tpu.memory_space<vmem>> -> memref<1x128x64xf32, #tpu.memory_space<vmem>>
      %dma_wait3A_695 = tpu.memref_squeeze %dma_wait3A_694 : memref<1x128x64xf32, #tpu.memory_space<vmem>> -> memref<128x64xf32, #tpu.memory_space<vmem>>
      %dma_wait3A_696 = arith.constant 0 : i32
      %dma_wait3A_697 = tpu.memref_slice %arg6[%add3A_559, %dma_wait3A_696] : memref<81x128xi32, #tpu.memory_space<vmem>> -> memref<1x128xi32, #tpu.memory_space<vmem>>
      %dma_wait3A_698 = tpu.memref_squeeze %dma_wait3A_697 : memref<1x128xi32, #tpu.memory_space<vmem>> -> memref<128xi32, #tpu.memory_space<vmem>>
      %dma_wait3A_699 = arith.constant 0 : i32
      %dma_wait3A_700 = arith.constant 0 : i32
      %dma_wait3A_701 = tpu.memref_slice %arg10[%dma_wait3A_699, %dma_wait3A_700] : memref<10000x64xf32, #tpu.memory_space<vmem_shared>> -> memref<10000x64xf32, #tpu.memory_space<vmem_shared>>
      %dma_wait3A_702 = tpu.memref_slice %arg11[%select_n3A_691] : memref<3x!tpu.dma_semaphore, #tpu.memory_space<semaphore_mem>> -> memref<1x!tpu.dma_semaphore, #tpu.memory_space<semaphore_mem>>
      %dma_wait3A_703 = tpu.memref_squeeze %dma_wait3A_702 : memref<1x!tpu.dma_semaphore, #tpu.memory_space<semaphore_mem>> -> memref<!tpu.dma_semaphore, #tpu.memory_space<semaphore_mem>>
      tpu.wait_indirect_dma semaphore(%dma_wait3A_703 : memref<!tpu.dma_semaphore, #tpu.memory_space<semaphore_mem>>) src(%dma_wait3A_701 : memref<10000x64xf32, #tpu.memory_space<vmem_shared>>) dst(%dma_wait3A_695 : memref<128x64xf32, #tpu.memory_space<vmem>>)
      %jit3A_704 = arith.constant 3 : i32
      %eq3A_705 = arith.constant 0 : i32
      %eq3A_706 = arith.cmpi eq, %jit3A_704, %eq3A_705 : i32
      %jit3A_707 = arith.constant 1 : i32
      %select_n3A_708 = arith.select %eq3A_706, %jit3A_707, %jit3A_704 : i32
      %rem3A_709 = arith.remsi %add3A_559, %select_n3A_708 : i32
      %ne3A_710 = arith.constant 0 : i32
      %ne3A_711 = arith.cmpi ne, %rem3A_709, %ne3A_710 : i32
      %lt3A_712 = arith.constant 0 : i32
      %lt3A_713 = arith.cmpi slt, %rem3A_709, %lt3A_712 : i32
      %lt3A_714 = arith.constant 0 : i32
      %lt3A_715 = arith.cmpi slt, %select_n3A_708, %lt3A_714 : i32
      %ne3A_716 = arith.xori %lt3A_713, %lt3A_715 : i1
      %and3A_717 = arith.andi %ne3A_716, %ne3A_711 : i1
      %add3A_718 = arith.addi %rem3A_709, %select_n3A_708 : i32
      %select_n3A_719 = arith.select %and3A_717, %add3A_718, %rem3A_709 : i32
      %jit3A_720 = arith.constant 3 : i32
      %eq3A_721 = arith.constant 0 : i32
      %eq3A_722 = arith.cmpi eq, %jit3A_720, %eq3A_721 : i32
      %jit3A_723 = arith.constant 1 : i32
      %select_n3A_724 = arith.select %eq3A_722, %jit3A_723, %jit3A_720 : i32
      %rem3A_725 = arith.remsi %add3A_559, %select_n3A_724 : i32
      %ne3A_726 = arith.constant 0 : i32
      %ne3A_727 = arith.cmpi ne, %rem3A_725, %ne3A_726 : i32
      %lt3A_728 = arith.constant 0 : i32
      %lt3A_729 = arith.cmpi slt, %rem3A_725, %lt3A_728 : i32
      %lt3A_730 = arith.constant 0 : i32
      %lt3A_731 = arith.cmpi slt, %select_n3A_724, %lt3A_730 : i32
      %ne3A_732 = arith.xori %lt3A_729, %lt3A_731 : i1
      %and3A_733 = arith.andi %ne3A_732, %ne3A_727 : i1
      %add3A_734 = arith.addi %rem3A_725, %select_n3A_724 : i32
      %select_n3A_735 = arith.select %and3A_733, %add3A_734, %rem3A_725 : i32
      %dma_start3A_736 = arith.constant 0 : i32
      %dma_start3A_737 = arith.constant 0 : i32
      %dma_start3A_738 = tpu.memref_slice %arg8[%select_n3A_719, %dma_start3A_736, %dma_start3A_737] : memref<3x128x64xf32, #tpu.memory_space<vmem>> -> memref<1x128x64xf32, #tpu.memory_space<vmem>>
      %dma_start3A_739 = tpu.memref_squeeze %dma_start3A_738 : memref<1x128x64xf32, #tpu.memory_space<vmem>> -> memref<128x64xf32, #tpu.memory_space<vmem>>
      %dma_start3A_740 = arith.constant 0 : i32
      %dma_start3A_741 = tpu.memref_slice %arg7[%add3A_559, %dma_start3A_740] : memref<81x128xi32, #tpu.memory_space<vmem>> -> memref<1x128xi32, #tpu.memory_space<vmem>>
      %dma_start3A_742 = tpu.memref_squeeze %dma_start3A_741 : memref<1x128xi32, #tpu.memory_space<vmem>> -> memref<128xi32, #tpu.memory_space<vmem>>
      %dma_start3A_743 = arith.constant 0 : i32
      %dma_start3A_744 = arith.constant 0 : i32
      %dma_start3A_745 = tpu.memref_slice %arg9[%dma_start3A_743, %dma_start3A_744] : memref<10240x64xf32, #tpu.memory_space<vmem_shared>> -> memref<10240x64xf32, #tpu.memory_space<vmem_shared>>
      %dma_start3A_746 = tpu.memref_slice %arg12[%select_n3A_735] : memref<3x!tpu.dma_semaphore, #tpu.memory_space<semaphore_mem>> -> memref<1x!tpu.dma_semaphore, #tpu.memory_space<semaphore_mem>>
      %dma_start3A_747 = tpu.memref_squeeze %dma_start3A_746 : memref<1x!tpu.dma_semaphore, #tpu.memory_space<semaphore_mem>> -> memref<!tpu.dma_semaphore, #tpu.memory_space<semaphore_mem>>
      tpu.enqueue_indirect_dma source(%dma_start3A_739 : memref<128x64xf32, #tpu.memory_space<vmem>>) target(%dma_start3A_745 : memref<10240x64xf32, #tpu.memory_space<vmem_shared>>) offsets(%dma_start3A_742 : memref<128xi32, #tpu.memory_space<vmem>>) semaphore(%dma_start3A_747 : memref<!tpu.dma_semaphore, #tpu.memory_space<semaphore_mem>>) {add = true}
      %add3A_748 = arith.constant 2 : i32
      %add3A_749 = arith.addi %add3A_375, %add3A_748 : i32
      %sub3A_750 = arith.constant 2 : i32
      %sub3A_751 = arith.subi %add3A_749, %sub3A_750 : i32
      %jit3A_752 = arith.constant 3 : i32
      %eq3A_753 = arith.constant 0 : i32
      %eq3A_754 = arith.cmpi eq, %jit3A_752, %eq3A_753 : i32
      %jit3A_755 = arith.constant 1 : i32
      %select_n3A_756 = arith.select %eq3A_754, %jit3A_755, %jit3A_752 : i32
      %rem3A_757 = arith.remsi %sub3A_751, %select_n3A_756 : i32
      %ne3A_758 = arith.constant 0 : i32
      %ne3A_759 = arith.cmpi ne, %rem3A_757, %ne3A_758 : i32
      %lt3A_760 = arith.constant 0 : i32
      %lt3A_761 = arith.cmpi slt, %rem3A_757, %lt3A_760 : i32
      %lt3A_762 = arith.constant 0 : i32
      %lt3A_763 = arith.cmpi slt, %select_n3A_756, %lt3A_762 : i32
      %ne3A_764 = arith.xori %lt3A_761, %lt3A_763 : i1
      %and3A_765 = arith.andi %ne3A_764, %ne3A_759 : i1
      %add3A_766 = arith.addi %rem3A_757, %select_n3A_756 : i32
      %select_n3A_767 = arith.select %and3A_765, %add3A_766, %rem3A_757 : i32
      %sub3A_768 = arith.constant 2 : i32
      %sub3A_769 = arith.subi %add3A_749, %sub3A_768 : i32
      %sub3A_770 = arith.constant 2 : i32
      %sub3A_771 = arith.subi %add3A_749, %sub3A_770 : i32
      %jit3A_772 = arith.constant 3 : i32
      %eq3A_773 = arith.constant 0 : i32
      %eq3A_774 = arith.cmpi eq, %jit3A_772, %eq3A_773 : i32
      %jit3A_775 = arith.constant 1 : i32
      %select_n3A_776 = arith.select %eq3A_774, %jit3A_775, %jit3A_772 : i32
      %rem3A_777 = arith.remsi %sub3A_771, %select_n3A_776 : i32
      %ne3A_778 = arith.constant 0 : i32
      %ne3A_779 = arith.cmpi ne, %rem3A_777, %ne3A_778 : i32
      %lt3A_780 = arith.constant 0 : i32
      %lt3A_781 = arith.cmpi slt, %rem3A_777, %lt3A_780 : i32
      %lt3A_782 = arith.constant 0 : i32
      %lt3A_783 = arith.cmpi slt, %select_n3A_776, %lt3A_782 : i32
      %ne3A_784 = arith.xori %lt3A_781, %lt3A_783 : i1
      %and3A_785 = arith.andi %ne3A_784, %ne3A_779 : i1
      %add3A_786 = arith.addi %rem3A_777, %select_n3A_776 : i32
      %select_n3A_787 = arith.select %and3A_785, %add3A_786, %rem3A_777 : i32
      %dma_wait3A_788 = arith.constant 0 : i32
      %dma_wait3A_789 = arith.constant 0 : i32
      %dma_wait3A_790 = tpu.memref_slice %arg8[%select_n3A_767, %dma_wait3A_788, %dma_wait3A_789] : memref<3x128x64xf32, #tpu.memory_space<vmem>> -> memref<1x128x64xf32, #tpu.memory_space<vmem>>
      %dma_wait3A_791 = tpu.memref_squeeze %dma_wait3A_790 : memref<1x128x64xf32, #tpu.memory_space<vmem>> -> memref<128x64xf32, #tpu.memory_space<vmem>>
      %dma_wait3A_792 = arith.constant 0 : i32
      %dma_wait3A_793 = tpu.memref_slice %arg7[%sub3A_769, %dma_wait3A_792] : memref<81x128xi32, #tpu.memory_space<vmem>> -> memref<1x128xi32, #tpu.memory_space<vmem>>
      %dma_wait3A_794 = tpu.memref_squeeze %dma_wait3A_793 : memref<1x128xi32, #tpu.memory_space<vmem>> -> memref<128xi32, #tpu.memory_space<vmem>>
      %dma_wait3A_795 = arith.constant 0 : i32
      %dma_wait3A_796 = arith.constant 0 : i32
      %dma_wait3A_797 = tpu.memref_slice %arg9[%dma_wait3A_795, %dma_wait3A_796] : memref<10240x64xf32, #tpu.memory_space<vmem_shared>> -> memref<10240x64xf32, #tpu.memory_space<vmem_shared>>
      %dma_wait3A_798 = tpu.memref_slice %arg12[%select_n3A_787] : memref<3x!tpu.dma_semaphore, #tpu.memory_space<semaphore_mem>> -> memref<1x!tpu.dma_semaphore, #tpu.memory_space<semaphore_mem>>
      %dma_wait3A_799 = tpu.memref_squeeze %dma_wait3A_798 : memref<1x!tpu.dma_semaphore, #tpu.memory_space<semaphore_mem>> -> memref<!tpu.dma_semaphore, #tpu.memory_space<semaphore_mem>>
      tpu.wait_indirect_dma semaphore(%dma_wait3A_799 : memref<!tpu.dma_semaphore, #tpu.memory_space<semaphore_mem>>) src(%dma_wait3A_791 : memref<128x64xf32, #tpu.memory_space<vmem>>) dst(%dma_wait3A_797 : memref<10240x64xf32, #tpu.memory_space<vmem_shared>>)
      %add3A_800 = arith.constant 1 : i32
      %add3A_801 = arith.addi %add3A_749, %add3A_800 : i32
      %add3A_802 = arith.constant 1 : i32
      %add3A_803 = arith.addi %add3A_749, %add3A_802 : i32
      %jit3A_804 = arith.constant 3 : i32
      %eq3A_805 = arith.constant 0 : i32
      %eq3A_806 = arith.cmpi eq, %jit3A_804, %eq3A_805 : i32
      %jit3A_807 = arith.constant 1 : i32
      %select_n3A_808 = arith.select %eq3A_806, %jit3A_807, %jit3A_804 : i32
      %rem3A_809 = arith.remsi %add3A_803, %select_n3A_808 : i32
      %ne3A_810 = arith.constant 0 : i32
      %ne3A_811 = arith.cmpi ne, %rem3A_809, %ne3A_810 : i32
      %lt3A_812 = arith.constant 0 : i32
      %lt3A_813 = arith.cmpi slt, %rem3A_809, %lt3A_812 : i32
      %lt3A_814 = arith.constant 0 : i32
      %lt3A_815 = arith.cmpi slt, %select_n3A_808, %lt3A_814 : i32
      %ne3A_816 = arith.xori %lt3A_813, %lt3A_815 : i1
      %and3A_817 = arith.andi %ne3A_816, %ne3A_811 : i1
      %add3A_818 = arith.addi %rem3A_809, %select_n3A_808 : i32
      %select_n3A_819 = arith.select %and3A_817, %add3A_818, %rem3A_809 : i32
      %add3A_820 = arith.constant 1 : i32
      %add3A_821 = arith.addi %add3A_749, %add3A_820 : i32
      %jit3A_822 = arith.constant 3 : i32
      %eq3A_823 = arith.constant 0 : i32
      %eq3A_824 = arith.cmpi eq, %jit3A_822, %eq3A_823 : i32
      %jit3A_825 = arith.constant 1 : i32
      %select_n3A_826 = arith.select %eq3A_824, %jit3A_825, %jit3A_822 : i32
      %rem3A_827 = arith.remsi %add3A_821, %select_n3A_826 : i32
      %ne3A_828 = arith.constant 0 : i32
      %ne3A_829 = arith.cmpi ne, %rem3A_827, %ne3A_828 : i32
      %lt3A_830 = arith.constant 0 : i32
      %lt3A_831 = arith.cmpi slt, %rem3A_827, %lt3A_830 : i32
      %lt3A_832 = arith.constant 0 : i32
      %lt3A_833 = arith.cmpi slt, %select_n3A_826, %lt3A_832 : i32
      %ne3A_834 = arith.xori %lt3A_831, %lt3A_833 : i1
      %and3A_835 = arith.andi %ne3A_834, %ne3A_829 : i1
      %add3A_836 = arith.addi %rem3A_827, %select_n3A_826 : i32
      %select_n3A_837 = arith.select %and3A_835, %add3A_836, %rem3A_827 : i32
      %dma_start3A_838 = arith.constant 0 : i32
      %dma_start3A_839 = arith.constant 0 : i32
      %dma_start3A_840 = tpu.memref_slice %arg8[%select_n3A_819, %dma_start3A_838, %dma_start3A_839] : memref<3x128x64xf32, #tpu.memory_space<vmem>> -> memref<1x128x64xf32, #tpu.memory_space<vmem>>
      %dma_start3A_841 = tpu.memref_squeeze %dma_start3A_840 : memref<1x128x64xf32, #tpu.memory_space<vmem>> -> memref<128x64xf32, #tpu.memory_space<vmem>>
      %dma_start3A_842 = arith.constant 0 : i32
      %dma_start3A_843 = tpu.memref_slice %arg6[%add3A_801, %dma_start3A_842] : memref<81x128xi32, #tpu.memory_space<vmem>> -> memref<1x128xi32, #tpu.memory_space<vmem>>
      %dma_start3A_844 = tpu.memref_squeeze %dma_start3A_843 : memref<1x128xi32, #tpu.memory_space<vmem>> -> memref<128xi32, #tpu.memory_space<vmem>>
      %dma_start3A_845 = arith.constant 0 : i32
      %dma_start3A_846 = arith.constant 0 : i32
      %dma_start3A_847 = tpu.memref_slice %arg10[%dma_start3A_845, %dma_start3A_846] : memref<10000x64xf32, #tpu.memory_space<vmem_shared>> -> memref<10000x64xf32, #tpu.memory_space<vmem_shared>>
      %dma_start3A_848 = tpu.memref_slice %arg11[%select_n3A_837] : memref<3x!tpu.dma_semaphore, #tpu.memory_space<semaphore_mem>> -> memref<1x!tpu.dma_semaphore, #tpu.memory_space<semaphore_mem>>
      %dma_start3A_849 = tpu.memref_squeeze %dma_start3A_848 : memref<1x!tpu.dma_semaphore, #tpu.memory_space<semaphore_mem>> -> memref<!tpu.dma_semaphore, #tpu.memory_space<semaphore_mem>>
      tpu.enqueue_indirect_dma source(%dma_start3A_847 : memref<10000x64xf32, #tpu.memory_space<vmem_shared>>) target(%dma_start3A_841 : memref<128x64xf32, #tpu.memory_space<vmem>>) offsets(%dma_start3A_844 : memref<128xi32, #tpu.memory_space<vmem>>) semaphore(%dma_start3A_849 : memref<!tpu.dma_semaphore, #tpu.memory_space<semaphore_mem>>)
      %jit3A_850 = arith.constant 3 : i32
      %eq3A_851 = arith.constant 0 : i32
      %eq3A_852 = arith.cmpi eq, %jit3A_850, %eq3A_851 : i32
      %jit3A_853 = arith.constant 1 : i32
      %select_n3A_854 = arith.select %eq3A_852, %jit3A_853, %jit3A_850 : i32
      %rem3A_855 = arith.remsi %add3A_749, %select_n3A_854 : i32
      %ne3A_856 = arith.constant 0 : i32
      %ne3A_857 = arith.cmpi ne, %rem3A_855, %ne3A_856 : i32
      %lt3A_858 = arith.constant 0 : i32
      %lt3A_859 = arith.cmpi slt, %rem3A_855, %lt3A_858 : i32
      %lt3A_860 = arith.constant 0 : i32
      %lt3A_861 = arith.cmpi slt, %select_n3A_854, %lt3A_860 : i32
      %ne3A_862 = arith.xori %lt3A_859, %lt3A_861 : i1
      %and3A_863 = arith.andi %ne3A_862, %ne3A_857 : i1
      %add3A_864 = arith.addi %rem3A_855, %select_n3A_854 : i32
      %select_n3A_865 = arith.select %and3A_863, %add3A_864, %rem3A_855 : i32
      %jit3A_866 = arith.constant 3 : i32
      %eq3A_867 = arith.constant 0 : i32
      %eq3A_868 = arith.cmpi eq, %jit3A_866, %eq3A_867 : i32
      %jit3A_869 = arith.constant 1 : i32
      %select_n3A_870 = arith.select %eq3A_868, %jit3A_869, %jit3A_866 : i32
      %rem3A_871 = arith.remsi %add3A_749, %select_n3A_870 : i32
      %ne3A_872 = arith.constant 0 : i32
      %ne3A_873 = arith.cmpi ne, %rem3A_871, %ne3A_872 : i32
      %lt3A_874 = arith.constant 0 : i32
      %lt3A_875 = arith.cmpi slt, %rem3A_871, %lt3A_874 : i32
      %lt3A_876 = arith.constant 0 : i32
      %lt3A_877 = arith.cmpi slt, %select_n3A_870, %lt3A_876 : i32
      %ne3A_878 = arith.xori %lt3A_875, %lt3A_877 : i1
      %and3A_879 = arith.andi %ne3A_878, %ne3A_873 : i1
      %add3A_880 = arith.addi %rem3A_871, %select_n3A_870 : i32
      %select_n3A_881 = arith.select %and3A_879, %add3A_880, %rem3A_871 : i32
      %dma_wait3A_882 = arith.constant 0 : i32
      %dma_wait3A_883 = arith.constant 0 : i32
      %dma_wait3A_884 = tpu.memref_slice %arg8[%select_n3A_865, %dma_wait3A_882, %dma_wait3A_883] : memref<3x128x64xf32, #tpu.memory_space<vmem>> -> memref<1x128x64xf32, #tpu.memory_space<vmem>>
      %dma_wait3A_885 = tpu.memref_squeeze %dma_wait3A_884 : memref<1x128x64xf32, #tpu.memory_space<vmem>> -> memref<128x64xf32, #tpu.memory_space<vmem>>
      %dma_wait3A_886 = arith.constant 0 : i32
      %dma_wait3A_887 = tpu.memref_slice %arg6[%add3A_749, %dma_wait3A_886] : memref<81x128xi32, #tpu.memory_space<vmem>> -> memref<1x128xi32, #tpu.memory_space<vmem>>
      %dma_wait3A_888 = tpu.memref_squeeze %dma_wait3A_887 : memref<1x128xi32, #tpu.memory_space<vmem>> -> memref<128xi32, #tpu.memory_space<vmem>>
      %dma_wait3A_889 = arith.constant 0 : i32
      %dma_wait3A_890 = arith.constant 0 : i32
      %dma_wait3A_891 = tpu.memref_slice %arg10[%dma_wait3A_889, %dma_wait3A_890] : memref<10000x64xf32, #tpu.memory_space<vmem_shared>> -> memref<10000x64xf32, #tpu.memory_space<vmem_shared>>
      %dma_wait3A_892 = tpu.memref_slice %arg11[%select_n3A_881] : memref<3x!tpu.dma_semaphore, #tpu.memory_space<semaphore_mem>> -> memref<1x!tpu.dma_semaphore, #tpu.memory_space<semaphore_mem>>
      %dma_wait3A_893 = tpu.memref_squeeze %dma_wait3A_892 : memref<1x!tpu.dma_semaphore, #tpu.memory_space<semaphore_mem>> -> memref<!tpu.dma_semaphore, #tpu.memory_space<semaphore_mem>>
      tpu.wait_indirect_dma semaphore(%dma_wait3A_893 : memref<!tpu.dma_semaphore, #tpu.memory_space<semaphore_mem>>) src(%dma_wait3A_891 : memref<10000x64xf32, #tpu.memory_space<vmem_shared>>) dst(%dma_wait3A_885 : memref<128x64xf32, #tpu.memory_space<vmem>>)
      %jit3A_894 = arith.constant 3 : i32
      %eq3A_895 = arith.constant 0 : i32
      %eq3A_896 = arith.cmpi eq, %jit3A_894, %eq3A_895 : i32
      %jit3A_897 = arith.constant 1 : i32
      %select_n3A_898 = arith.select %eq3A_896, %jit3A_897, %jit3A_894 : i32
      %rem3A_899 = arith.remsi %add3A_749, %select_n3A_898 : i32
      %ne3A_900 = arith.constant 0 : i32
      %ne3A_901 = arith.cmpi ne, %rem3A_899, %ne3A_900 : i32
      %lt3A_902 = arith.constant 0 : i32
      %lt3A_903 = arith.cmpi slt, %rem3A_899, %lt3A_902 : i32
      %lt3A_904 = arith.constant 0 : i32
      %lt3A_905 = arith.cmpi slt, %select_n3A_898, %lt3A_904 : i32
      %ne3A_906 = arith.xori %lt3A_903, %lt3A_905 : i1
      %and3A_907 = arith.andi %ne3A_906, %ne3A_901 : i1
      %add3A_908 = arith.addi %rem3A_899, %select_n3A_898 : i32
      %select_n3A_909 = arith.select %and3A_907, %add3A_908, %rem3A_899 : i32
      %jit3A_910 = arith.constant 3 : i32
      %eq3A_911 = arith.constant 0 : i32
      %eq3A_912 = arith.cmpi eq, %jit3A_910, %eq3A_911 : i32
      %jit3A_913 = arith.constant 1 : i32
      %select_n3A_914 = arith.select %eq3A_912, %jit3A_913, %jit3A_910 : i32
      %rem3A_915 = arith.remsi %add3A_749, %select_n3A_914 : i32
      %ne3A_916 = arith.constant 0 : i32
      %ne3A_917 = arith.cmpi ne, %rem3A_915, %ne3A_916 : i32
      %lt3A_918 = arith.constant 0 : i32
      %lt3A_919 = arith.cmpi slt, %rem3A_915, %lt3A_918 : i32
      %lt3A_920 = arith.constant 0 : i32
      %lt3A_921 = arith.cmpi slt, %select_n3A_914, %lt3A_920 : i32
      %ne3A_922 = arith.xori %lt3A_919, %lt3A_921 : i1
      %and3A_923 = arith.andi %ne3A_922, %ne3A_917 : i1
      %add3A_924 = arith.addi %rem3A_915, %select_n3A_914 : i32
      %select_n3A_925 = arith.select %and3A_923, %add3A_924, %rem3A_915 : i32
      %dma_start3A_926 = arith.constant 0 : i32
      %dma_start3A_927 = arith.constant 0 : i32
      %dma_start3A_928 = tpu.memref_slice %arg8[%select_n3A_909, %dma_start3A_926, %dma_start3A_927] : memref<3x128x64xf32, #tpu.memory_space<vmem>> -> memref<1x128x64xf32, #tpu.memory_space<vmem>>
      %dma_start3A_929 = tpu.memref_squeeze %dma_start3A_928 : memref<1x128x64xf32, #tpu.memory_space<vmem>> -> memref<128x64xf32, #tpu.memory_space<vmem>>
      %dma_start3A_930 = arith.constant 0 : i32
      %dma_start3A_931 = tpu.memref_slice %arg7[%add3A_749, %dma_start3A_930] : memref<81x128xi32, #tpu.memory_space<vmem>> -> memref<1x128xi32, #tpu.memory_space<vmem>>
      %dma_start3A_932 = tpu.memref_squeeze %dma_start3A_931 : memref<1x128xi32, #tpu.memory_space<vmem>> -> memref<128xi32, #tpu.memory_space<vmem>>
      %dma_start3A_933 = arith.constant 0 : i32
      %dma_start3A_934 = arith.constant 0 : i32
      %dma_start3A_935 = tpu.memref_slice %arg9[%dma_start3A_933, %dma_start3A_934] : memref<10240x64xf32, #tpu.memory_space<vmem_shared>> -> memref<10240x64xf32, #tpu.memory_space<vmem_shared>>
      %dma_start3A_936 = tpu.memref_slice %arg12[%select_n3A_925] : memref<3x!tpu.dma_semaphore, #tpu.memory_space<semaphore_mem>> -> memref<1x!tpu.dma_semaphore, #tpu.memory_space<semaphore_mem>>
      %dma_start3A_937 = tpu.memref_squeeze %dma_start3A_936 : memref<1x!tpu.dma_semaphore, #tpu.memory_space<semaphore_mem>> -> memref<!tpu.dma_semaphore, #tpu.memory_space<semaphore_mem>>
      tpu.enqueue_indirect_dma source(%dma_start3A_929 : memref<128x64xf32, #tpu.memory_space<vmem>>) target(%dma_start3A_935 : memref<10240x64xf32, #tpu.memory_space<vmem_shared>>) offsets(%dma_start3A_932 : memref<128xi32, #tpu.memory_space<vmem>>) semaphore(%dma_start3A_937 : memref<!tpu.dma_semaphore, #tpu.memory_space<semaphore_mem>>) {add = true}
    }
    %scan3A_174 = arith.constant 25 : i32
    %dma_wait3A_175 = arith.constant 1 : i32
    %dma_wait3A_176 = arith.constant 76 : i32
    %dma_wait3A_177 = arith.constant 1 : i32
    %dma_wait3A_178 = arith.constant 0 : i32
    %dma_wait3A_179 = arith.constant 0 : i32
    %dma_wait3A_180 = tpu.memref_slice %arg8[%dma_wait3A_175, %dma_wait3A_178, %dma_wait3A_179] : memref<3x128x64xf32, #tpu.memory_space<vmem>> -> memref<1x128x64xf32, #tpu.memory_space<vmem>>
    %dma_wait3A_181 = tpu.memref_squeeze %dma_wait3A_180 : memref<1x128x64xf32, #tpu.memory_space<vmem>> -> memref<128x64xf32, #tpu.memory_space<vmem>>
    %dma_wait3A_182 = arith.constant 0 : i32
    %dma_wait3A_183 = tpu.memref_slice %arg7[%dma_wait3A_176, %dma_wait3A_182] : memref<81x128xi32, #tpu.memory_space<vmem>> -> memref<1x128xi32, #tpu.memory_space<vmem>>
    %dma_wait3A_184 = tpu.memref_squeeze %dma_wait3A_183 : memref<1x128xi32, #tpu.memory_space<vmem>> -> memref<128xi32, #tpu.memory_space<vmem>>
    %dma_wait3A_185 = arith.constant 0 : i32
    %dma_wait3A_186 = arith.constant 0 : i32
    %dma_wait3A_187 = tpu.memref_slice %arg9[%dma_wait3A_185, %dma_wait3A_186] : memref<10240x64xf32, #tpu.memory_space<vmem_shared>> -> memref<10240x64xf32, #tpu.memory_space<vmem_shared>>
    %dma_wait3A_188 = tpu.memref_slice %arg12[%dma_wait3A_177] : memref<3x!tpu.dma_semaphore, #tpu.memory_space<semaphore_mem>> -> memref<1x!tpu.dma_semaphore, #tpu.memory_space<semaphore_mem>>
    %dma_wait3A_189 = tpu.memref_squeeze %dma_wait3A_188 : memref<1x!tpu.dma_semaphore, #tpu.memory_space<semaphore_mem>> -> memref<!tpu.dma_semaphore, #tpu.memory_space<semaphore_mem>>
    tpu.wait_indirect_dma semaphore(%dma_wait3A_189 : memref<!tpu.dma_semaphore, #tpu.memory_space<semaphore_mem>>) src(%dma_wait3A_181 : memref<128x64xf32, #tpu.memory_space<vmem>>) dst(%dma_wait3A_187 : memref<10240x64xf32, #tpu.memory_space<vmem_shared>>)
    %dma_start3A_190 = arith.constant 79 : i32
    %dma_start3A_191 = arith.constant 1 : i32
    %dma_start3A_192 = arith.constant 1 : i32
    %dma_start3A_193 = arith.constant 0 : i32
    %dma_start3A_194 = arith.constant 0 : i32
    %dma_start3A_195 = tpu.memref_slice %arg8[%dma_start3A_191, %dma_start3A_193, %dma_start3A_194] : memref<3x128x64xf32, #tpu.memory_space<vmem>> -> memref<1x128x64xf32, #tpu.memory_space<vmem>>
    %dma_start3A_196 = tpu.memref_squeeze %dma_start3A_195 : memref<1x128x64xf32, #tpu.memory_space<vmem>> -> memref<128x64xf32, #tpu.memory_space<vmem>>
    %dma_start3A_197 = arith.constant 0 : i32
    %dma_start3A_198 = tpu.memref_slice %arg6[%dma_start3A_190, %dma_start3A_197] : memref<81x128xi32, #tpu.memory_space<vmem>> -> memref<1x128xi32, #tpu.memory_space<vmem>>
    %dma_start3A_199 = tpu.memref_squeeze %dma_start3A_198 : memref<1x128xi32, #tpu.memory_space<vmem>> -> memref<128xi32, #tpu.memory_space<vmem>>
    %dma_start3A_200 = arith.constant 0 : i32
    %dma_start3A_201 = arith.constant 0 : i32
    %dma_start3A_202 = tpu.memref_slice %arg10[%dma_start3A_200, %dma_start3A_201] : memref<10000x64xf32, #tpu.memory_space<vmem_shared>> -> memref<10000x64xf32, #tpu.memory_space<vmem_shared>>
    %dma_start3A_203 = tpu.memref_slice %arg11[%dma_start3A_192] : memref<3x!tpu.dma_semaphore, #tpu.memory_space<semaphore_mem>> -> memref<1x!tpu.dma_semaphore, #tpu.memory_space<semaphore_mem>>
    %dma_start3A_204 = tpu.memref_squeeze %dma_start3A_203 : memref<1x!tpu.dma_semaphore, #tpu.memory_space<semaphore_mem>> -> memref<!tpu.dma_semaphore, #tpu.memory_space<semaphore_mem>>
    tpu.enqueue_indirect_dma source(%dma_start3A_202 : memref<10000x64xf32, #tpu.memory_space<vmem_shared>>) target(%dma_start3A_196 : memref<128x64xf32, #tpu.memory_space<vmem>>) offsets(%dma_start3A_199 : memref<128xi32, #tpu.memory_space<vmem>>) semaphore(%dma_start3A_204 : memref<!tpu.dma_semaphore, #tpu.memory_space<semaphore_mem>>)
    %dma_wait3A_205 = arith.constant 78 : i32
    %dma_wait3A_206 = arith.constant 0 : i32
    %dma_wait3A_207 = arith.constant 0 : i32
    %dma_wait3A_208 = arith.constant 0 : i32
    %dma_wait3A_209 = arith.constant 0 : i32
    %dma_wait3A_210 = tpu.memref_slice %arg8[%dma_wait3A_206, %dma_wait3A_208, %dma_wait3A_209] : memref<3x128x64xf32, #tpu.memory_space<vmem>> -> memref<1x128x64xf32, #tpu.memory_space<vmem>>
    %dma_wait3A_211 = tpu.memref_squeeze %dma_wait3A_210 : memref<1x128x64xf32, #tpu.memory_space<vmem>> -> memref<128x64xf32, #tpu.memory_space<vmem>>
    %dma_wait3A_212 = arith.constant 0 : i32
    %dma_wait3A_213 = tpu.memref_slice %arg6[%dma_wait3A_205, %dma_wait3A_212] : memref<81x128xi32, #tpu.memory_space<vmem>> -> memref<1x128xi32, #tpu.memory_space<vmem>>
    %dma_wait3A_214 = tpu.memref_squeeze %dma_wait3A_213 : memref<1x128xi32, #tpu.memory_space<vmem>> -> memref<128xi32, #tpu.memory_space<vmem>>
    %dma_wait3A_215 = arith.constant 0 : i32
    %dma_wait3A_216 = arith.constant 0 : i32
    %dma_wait3A_217 = tpu.memref_slice %arg10[%dma_wait3A_215, %dma_wait3A_216] : memref<10000x64xf32, #tpu.memory_space<vmem_shared>> -> memref<10000x64xf32, #tpu.memory_space<vmem_shared>>
    %dma_wait3A_218 = tpu.memref_slice %arg11[%dma_wait3A_207] : memref<3x!tpu.dma_semaphore, #tpu.memory_space<semaphore_mem>> -> memref<1x!tpu.dma_semaphore, #tpu.memory_space<semaphore_mem>>
    %dma_wait3A_219 = tpu.memref_squeeze %dma_wait3A_218 : memref<1x!tpu.dma_semaphore, #tpu.memory_space<semaphore_mem>> -> memref<!tpu.dma_semaphore, #tpu.memory_space<semaphore_mem>>
    tpu.wait_indirect_dma semaphore(%dma_wait3A_219 : memref<!tpu.dma_semaphore, #tpu.memory_space<semaphore_mem>>) src(%dma_wait3A_217 : memref<10000x64xf32, #tpu.memory_space<vmem_shared>>) dst(%dma_wait3A_211 : memref<128x64xf32, #tpu.memory_space<vmem>>)
    %dma_start3A_220 = arith.constant 0 : i32
    %dma_start3A_221 = arith.constant 78 : i32
    %dma_start3A_222 = arith.constant 0 : i32
    %dma_start3A_223 = arith.constant 0 : i32
    %dma_start3A_224 = arith.constant 0 : i32
    %dma_start3A_225 = tpu.memref_slice %arg8[%dma_start3A_220, %dma_start3A_223, %dma_start3A_224] : memref<3x128x64xf32, #tpu.memory_space<vmem>> -> memref<1x128x64xf32, #tpu.memory_space<vmem>>
    %dma_start3A_226 = tpu.memref_squeeze %dma_start3A_225 : memref<1x128x64xf32, #tpu.memory_space<vmem>> -> memref<128x64xf32, #tpu.memory_space<vmem>>
    %dma_start3A_227 = arith.constant 0 : i32
    %dma_start3A_228 = tpu.memref_slice %arg7[%dma_start3A_221, %dma_start3A_227] : memref<81x128xi32, #tpu.memory_space<vmem>> -> memref<1x128xi32, #tpu.memory_space<vmem>>
    %dma_start3A_229 = tpu.memref_squeeze %dma_start3A_228 : memref<1x128xi32, #tpu.memory_space<vmem>> -> memref<128xi32, #tpu.memory_space<vmem>>
    %dma_start3A_230 = arith.constant 0 : i32
    %dma_start3A_231 = arith.constant 0 : i32
    %dma_start3A_232 = tpu.memref_slice %arg9[%dma_start3A_230, %dma_start3A_231] : memref<10240x64xf32, #tpu.memory_space<vmem_shared>> -> memref<10240x64xf32, #tpu.memory_space<vmem_shared>>
    %dma_start3A_233 = tpu.memref_slice %arg12[%dma_start3A_222] : memref<3x!tpu.dma_semaphore, #tpu.memory_space<semaphore_mem>> -> memref<1x!tpu.dma_semaphore, #tpu.memory_space<semaphore_mem>>
    %dma_start3A_234 = tpu.memref_squeeze %dma_start3A_233 : memref<1x!tpu.dma_semaphore, #tpu.memory_space<semaphore_mem>> -> memref<!tpu.dma_semaphore, #tpu.memory_space<semaphore_mem>>
    tpu.enqueue_indirect_dma source(%dma_start3A_226 : memref<128x64xf32, #tpu.memory_space<vmem>>) target(%dma_start3A_232 : memref<10240x64xf32, #tpu.memory_space<vmem_shared>>) offsets(%dma_start3A_229 : memref<128xi32, #tpu.memory_space<vmem>>) semaphore(%dma_start3A_234 : memref<!tpu.dma_semaphore, #tpu.memory_space<semaphore_mem>>) {add = true}
    %dma_wait3A_235 = arith.constant 2 : i32
    %dma_wait3A_236 = arith.constant 77 : i32
    %dma_wait3A_237 = arith.constant 2 : i32
    %dma_wait3A_238 = arith.constant 0 : i32
    %dma_wait3A_239 = arith.constant 0 : i32
    %dma_wait3A_240 = tpu.memref_slice %arg8[%dma_wait3A_235, %dma_wait3A_238, %dma_wait3A_239] : memref<3x128x64xf32, #tpu.memory_space<vmem>> -> memref<1x128x64xf32, #tpu.memory_space<vmem>>
    %dma_wait3A_241 = tpu.memref_squeeze %dma_wait3A_240 : memref<1x128x64xf32, #tpu.memory_space<vmem>> -> memref<128x64xf32, #tpu.memory_space<vmem>>
    %dma_wait3A_242 = arith.constant 0 : i32
    %dma_wait3A_243 = tpu.memref_slice %arg7[%dma_wait3A_236, %dma_wait3A_242] : memref<81x128xi32, #tpu.memory_space<vmem>> -> memref<1x128xi32, #tpu.memory_space<vmem>>
    %dma_wait3A_244 = tpu.memref_squeeze %dma_wait3A_243 : memref<1x128xi32, #tpu.memory_space<vmem>> -> memref<128xi32, #tpu.memory_space<vmem>>
    %dma_wait3A_245 = arith.constant 0 : i32
    %dma_wait3A_246 = arith.constant 0 : i32
    %dma_wait3A_247 = tpu.memref_slice %arg9[%dma_wait3A_245, %dma_wait3A_246] : memref<10240x64xf32, #tpu.memory_space<vmem_shared>> -> memref<10240x64xf32, #tpu.memory_space<vmem_shared>>
    %dma_wait3A_248 = tpu.memref_slice %arg12[%dma_wait3A_237] : memref<3x!tpu.dma_semaphore, #tpu.memory_space<semaphore_mem>> -> memref<1x!tpu.dma_semaphore, #tpu.memory_space<semaphore_mem>>
    %dma_wait3A_249 = tpu.memref_squeeze %dma_wait3A_248 : memref<1x!tpu.dma_semaphore, #tpu.memory_space<semaphore_mem>> -> memref<!tpu.dma_semaphore, #tpu.memory_space<semaphore_mem>>
    tpu.wait_indirect_dma semaphore(%dma_wait3A_249 : memref<!tpu.dma_semaphore, #tpu.memory_space<semaphore_mem>>) src(%dma_wait3A_241 : memref<128x64xf32, #tpu.memory_space<vmem>>) dst(%dma_wait3A_247 : memref<10240x64xf32, #tpu.memory_space<vmem_shared>>)
    %dma_start3A_250 = arith.constant 80 : i32
    %dma_start3A_251 = arith.constant 2 : i32
    %dma_start3A_252 = arith.constant 2 : i32
    %dma_start3A_253 = arith.constant 0 : i32
    %dma_start3A_254 = arith.constant 0 : i32
    %dma_start3A_255 = tpu.memref_slice %arg8[%dma_start3A_251, %dma_start3A_253, %dma_start3A_254] : memref<3x128x64xf32, #tpu.memory_space<vmem>> -> memref<1x128x64xf32, #tpu.memory_space<vmem>>
    %dma_start3A_256 = tpu.memref_squeeze %dma_start3A_255 : memref<1x128x64xf32, #tpu.memory_space<vmem>> -> memref<128x64xf32, #tpu.memory_space<vmem>>
    %dma_start3A_257 = arith.constant 0 : i32
    %dma_start3A_258 = tpu.memref_slice %arg6[%dma_start3A_250, %dma_start3A_257] : memref<81x128xi32, #tpu.memory_space<vmem>> -> memref<1x128xi32, #tpu.memory_space<vmem>>
    %dma_start3A_259 = tpu.memref_squeeze %dma_start3A_258 : memref<1x128xi32, #tpu.memory_space<vmem>> -> memref<128xi32, #tpu.memory_space<vmem>>
    %dma_start3A_260 = arith.constant 0 : i32
    %dma_start3A_261 = arith.constant 0 : i32
    %dma_start3A_262 = tpu.memref_slice %arg10[%dma_start3A_260, %dma_start3A_261] : memref<10000x64xf32, #tpu.memory_space<vmem_shared>> -> memref<10000x64xf32, #tpu.memory_space<vmem_shared>>
    %dma_start3A_263 = tpu.memref_slice %arg11[%dma_start3A_252] : memref<3x!tpu.dma_semaphore, #tpu.memory_space<semaphore_mem>> -> memref<1x!tpu.dma_semaphore, #tpu.memory_space<semaphore_mem>>
    %dma_start3A_264 = tpu.memref_squeeze %dma_start3A_263 : memref<1x!tpu.dma_semaphore, #tpu.memory_space<semaphore_mem>> -> memref<!tpu.dma_semaphore, #tpu.memory_space<semaphore_mem>>
    tpu.enqueue_indirect_dma source(%dma_start3A_262 : memref<10000x64xf32, #tpu.memory_space<vmem_shared>>) target(%dma_start3A_256 : memref<128x64xf32, #tpu.memory_space<vmem>>) offsets(%dma_start3A_259 : memref<128xi32, #tpu.memory_space<vmem>>) semaphore(%dma_start3A_264 : memref<!tpu.dma_semaphore, #tpu.memory_space<semaphore_mem>>)
    %dma_wait3A_265 = arith.constant 79 : i32
    %dma_wait3A_266 = arith.constant 1 : i32
    %dma_wait3A_267 = arith.constant 1 : i32
    %dma_wait3A_268 = arith.constant 0 : i32
    %dma_wait3A_269 = arith.constant 0 : i32
    %dma_wait3A_270 = tpu.memref_slice %arg8[%dma_wait3A_266, %dma_wait3A_268, %dma_wait3A_269] : memref<3x128x64xf32, #tpu.memory_space<vmem>> -> memref<1x128x64xf32, #tpu.memory_space<vmem>>
    %dma_wait3A_271 = tpu.memref_squeeze %dma_wait3A_270 : memref<1x128x64xf32, #tpu.memory_space<vmem>> -> memref<128x64xf32, #tpu.memory_space<vmem>>
    %dma_wait3A_272 = arith.constant 0 : i32
    %dma_wait3A_273 = tpu.memref_slice %arg6[%dma_wait3A_265, %dma_wait3A_272] : memref<81x128xi32, #tpu.memory_space<vmem>> -> memref<1x128xi32, #tpu.memory_space<vmem>>
    %dma_wait3A_274 = tpu.memref_squeeze %dma_wait3A_273 : memref<1x128xi32, #tpu.memory_space<vmem>> -> memref<128xi32, #tpu.memory_space<vmem>>
    %dma_wait3A_275 = arith.constant 0 : i32
    %dma_wait3A_276 = arith.constant 0 : i32
    %dma_wait3A_277 = tpu.memref_slice %arg10[%dma_wait3A_275, %dma_wait3A_276] : memref<10000x64xf32, #tpu.memory_space<vmem_shared>> -> memref<10000x64xf32, #tpu.memory_space<vmem_shared>>
    %dma_wait3A_278 = tpu.memref_slice %arg11[%dma_wait3A_267] : memref<3x!tpu.dma_semaphore, #tpu.memory_space<semaphore_mem>> -> memref<1x!tpu.dma_semaphore, #tpu.memory_space<semaphore_mem>>
    %dma_wait3A_279 = tpu.memref_squeeze %dma_wait3A_278 : memref<1x!tpu.dma_semaphore, #tpu.memory_space<semaphore_mem>> -> memref<!tpu.dma_semaphore, #tpu.memory_space<semaphore_mem>>
    tpu.wait_indirect_dma semaphore(%dma_wait3A_279 : memref<!tpu.dma_semaphore, #tpu.memory_space<semaphore_mem>>) src(%dma_wait3A_277 : memref<10000x64xf32, #tpu.memory_space<vmem_shared>>) dst(%dma_wait3A_271 : memref<128x64xf32, #tpu.memory_space<vmem>>)
    %dma_start3A_280 = arith.constant 1 : i32
    %dma_start3A_281 = arith.constant 79 : i32
    %dma_start3A_282 = arith.constant 1 : i32
    %dma_start3A_283 = arith.constant 0 : i32
    %dma_start3A_284 = arith.constant 0 : i32
    %dma_start3A_285 = tpu.memref_slice %arg8[%dma_start3A_280, %dma_start3A_283, %dma_start3A_284] : memref<3x128x64xf32, #tpu.memory_space<vmem>> -> memref<1x128x64xf32, #tpu.memory_space<vmem>>
    %dma_start3A_286 = tpu.memref_squeeze %dma_start3A_285 : memref<1x128x64xf32, #tpu.memory_space<vmem>> -> memref<128x64xf32, #tpu.memory_space<vmem>>
    %dma_start3A_287 = arith.constant 0 : i32
    %dma_start3A_288 = tpu.memref_slice %arg7[%dma_start3A_281, %dma_start3A_287] : memref<81x128xi32, #tpu.memory_space<vmem>> -> memref<1x128xi32, #tpu.memory_space<vmem>>
    %dma_start3A_289 = tpu.memref_squeeze %dma_start3A_288 : memref<1x128xi32, #tpu.memory_space<vmem>> -> memref<128xi32, #tpu.memory_space<vmem>>
    %dma_start3A_290 = arith.constant 0 : i32
    %dma_start3A_291 = arith.constant 0 : i32
    %dma_start3A_292 = tpu.memref_slice %arg9[%dma_start3A_290, %dma_start3A_291] : memref<10240x64xf32, #tpu.memory_space<vmem_shared>> -> memref<10240x64xf32, #tpu.memory_space<vmem_shared>>
    %dma_start3A_293 = tpu.memref_slice %arg12[%dma_start3A_282] : memref<3x!tpu.dma_semaphore, #tpu.memory_space<semaphore_mem>> -> memref<1x!tpu.dma_semaphore, #tpu.memory_space<semaphore_mem>>
    %dma_start3A_294 = tpu.memref_squeeze %dma_start3A_293 : memref<1x!tpu.dma_semaphore, #tpu.memory_space<semaphore_mem>> -> memref<!tpu.dma_semaphore, #tpu.memory_space<semaphore_mem>>
    tpu.enqueue_indirect_dma source(%dma_start3A_286 : memref<128x64xf32, #tpu.memory_space<vmem>>) target(%dma_start3A_292 : memref<10240x64xf32, #tpu.memory_space<vmem_shared>>) offsets(%dma_start3A_289 : memref<128xi32, #tpu.memory_space<vmem>>) semaphore(%dma_start3A_294 : memref<!tpu.dma_semaphore, #tpu.memory_space<semaphore_mem>>) {add = true}
    %dma_wait3A_295 = arith.constant 0 : i32
    %dma_wait3A_296 = arith.constant 78 : i32
    %dma_wait3A_297 = arith.constant 0 : i32
    %dma_wait3A_298 = arith.constant 0 : i32
    %dma_wait3A_299 = arith.constant 0 : i32
    %dma_wait3A_300 = tpu.memref_slice %arg8[%dma_wait3A_295, %dma_wait3A_298, %dma_wait3A_299] : memref<3x128x64xf32, #tpu.memory_space<vmem>> -> memref<1x128x64xf32, #tpu.memory_space<vmem>>
    %dma_wait3A_301 = tpu.memref_squeeze %dma_wait3A_300 : memref<1x128x64xf32, #tpu.memory_space<vmem>> -> memref<128x64xf32, #tpu.memory_space<vmem>>
    %dma_wait3A_302 = arith.constant 0 : i32
    %dma_wait3A_303 = tpu.memref_slice %arg7[%dma_wait3A_296, %dma_wait3A_302] : memref<81x128xi32, #tpu.memory_space<vmem>> -> memref<1x128xi32, #tpu.memory_space<vmem>>
    %dma_wait3A_304 = tpu.memref_squeeze %dma_wait3A_303 : memref<1x128xi32, #tpu.memory_space<vmem>> -> memref<128xi32, #tpu.memory_space<vmem>>
    %dma_wait3A_305 = arith.constant 0 : i32
    %dma_wait3A_306 = arith.constant 0 : i32
    %dma_wait3A_307 = tpu.memref_slice %arg9[%dma_wait3A_305, %dma_wait3A_306] : memref<10240x64xf32, #tpu.memory_space<vmem_shared>> -> memref<10240x64xf32, #tpu.memory_space<vmem_shared>>
    %dma_wait3A_308 = tpu.memref_slice %arg12[%dma_wait3A_297] : memref<3x!tpu.dma_semaphore, #tpu.memory_space<semaphore_mem>> -> memref<1x!tpu.dma_semaphore, #tpu.memory_space<semaphore_mem>>
    %dma_wait3A_309 = tpu.memref_squeeze %dma_wait3A_308 : memref<1x!tpu.dma_semaphore, #tpu.memory_space<semaphore_mem>> -> memref<!tpu.dma_semaphore, #tpu.memory_space<semaphore_mem>>
    tpu.wait_indirect_dma semaphore(%dma_wait3A_309 : memref<!tpu.dma_semaphore, #tpu.memory_space<semaphore_mem>>) src(%dma_wait3A_301 : memref<128x64xf32, #tpu.memory_space<vmem>>) dst(%dma_wait3A_307 : memref<10240x64xf32, #tpu.memory_space<vmem_shared>>)
    %dma_wait3A_310 = arith.constant 80 : i32
    %dma_wait3A_311 = arith.constant 2 : i32
    %dma_wait3A_312 = arith.constant 2 : i32
    %dma_wait3A_313 = arith.constant 0 : i32
    %dma_wait3A_314 = arith.constant 0 : i32
    %dma_wait3A_315 = tpu.memref_slice %arg8[%dma_wait3A_311, %dma_wait3A_313, %dma_wait3A_314] : memref<3x128x64xf32, #tpu.memory_space<vmem>> -> memref<1x128x64xf32, #tpu.memory_space<vmem>>
    %dma_wait3A_316 = tpu.memref_squeeze %dma_wait3A_315 : memref<1x128x64xf32, #tpu.memory_space<vmem>> -> memref<128x64xf32, #tpu.memory_space<vmem>>
    %dma_wait3A_317 = arith.constant 0 : i32
    %dma_wait3A_318 = tpu.memref_slice %arg6[%dma_wait3A_310, %dma_wait3A_317] : memref<81x128xi32, #tpu.memory_space<vmem>> -> memref<1x128xi32, #tpu.memory_space<vmem>>
    %dma_wait3A_319 = tpu.memref_squeeze %dma_wait3A_318 : memref<1x128xi32, #tpu.memory_space<vmem>> -> memref<128xi32, #tpu.memory_space<vmem>>
    %dma_wait3A_320 = arith.constant 0 : i32
    %dma_wait3A_321 = arith.constant 0 : i32
    %dma_wait3A_322 = tpu.memref_slice %arg10[%dma_wait3A_320, %dma_wait3A_321] : memref<10000x64xf32, #tpu.memory_space<vmem_shared>> -> memref<10000x64xf32, #tpu.memory_space<vmem_shared>>
    %dma_wait3A_323 = tpu.memref_slice %arg11[%dma_wait3A_312] : memref<3x!tpu.dma_semaphore, #tpu.memory_space<semaphore_mem>> -> memref<1x!tpu.dma_semaphore, #tpu.memory_space<semaphore_mem>>
    %dma_wait3A_324 = tpu.memref_squeeze %dma_wait3A_323 : memref<1x!tpu.dma_semaphore, #tpu.memory_space<semaphore_mem>> -> memref<!tpu.dma_semaphore, #tpu.memory_space<semaphore_mem>>
    tpu.wait_indirect_dma semaphore(%dma_wait3A_324 : memref<!tpu.dma_semaphore, #tpu.memory_space<semaphore_mem>>) src(%dma_wait3A_322 : memref<10000x64xf32, #tpu.memory_space<vmem_shared>>) dst(%dma_wait3A_316 : memref<128x64xf32, #tpu.memory_space<vmem>>)
    %dma_start3A_325 = arith.constant 2 : i32
    %dma_start3A_326 = arith.constant 80 : i32
    %dma_start3A_327 = arith.constant 2 : i32
    %dma_start3A_328 = arith.constant 0 : i32
    %dma_start3A_329 = arith.constant 0 : i32
    %dma_start3A_330 = tpu.memref_slice %arg8[%dma_start3A_325, %dma_start3A_328, %dma_start3A_329] : memref<3x128x64xf32, #tpu.memory_space<vmem>> -> memref<1x128x64xf32, #tpu.memory_space<vmem>>
    %dma_start3A_331 = tpu.memref_squeeze %dma_start3A_330 : memref<1x128x64xf32, #tpu.memory_space<vmem>> -> memref<128x64xf32, #tpu.memory_space<vmem>>
    %dma_start3A_332 = arith.constant 0 : i32
    %dma_start3A_333 = tpu.memref_slice %arg7[%dma_start3A_326, %dma_start3A_332] : memref<81x128xi32, #tpu.memory_space<vmem>> -> memref<1x128xi32, #tpu.memory_space<vmem>>
    %dma_start3A_334 = tpu.memref_squeeze %dma_start3A_333 : memref<1x128xi32, #tpu.memory_space<vmem>> -> memref<128xi32, #tpu.memory_space<vmem>>
    %dma_start3A_335 = arith.constant 0 : i32
    %dma_start3A_336 = arith.constant 0 : i32
    %dma_start3A_337 = tpu.memref_slice %arg9[%dma_start3A_335, %dma_start3A_336] : memref<10240x64xf32, #tpu.memory_space<vmem_shared>> -> memref<10240x64xf32, #tpu.memory_space<vmem_shared>>
    %dma_start3A_338 = tpu.memref_slice %arg12[%dma_start3A_327] : memref<3x!tpu.dma_semaphore, #tpu.memory_space<semaphore_mem>> -> memref<1x!tpu.dma_semaphore, #tpu.memory_space<semaphore_mem>>
    %dma_start3A_339 = tpu.memref_squeeze %dma_start3A_338 : memref<1x!tpu.dma_semaphore, #tpu.memory_space<semaphore_mem>> -> memref<!tpu.dma_semaphore, #tpu.memory_space<semaphore_mem>>
    tpu.enqueue_indirect_dma source(%dma_start3A_331 : memref<128x64xf32, #tpu.memory_space<vmem>>) target(%dma_start3A_337 : memref<10240x64xf32, #tpu.memory_space<vmem_shared>>) offsets(%dma_start3A_334 : memref<128xi32, #tpu.memory_space<vmem>>) semaphore(%dma_start3A_339 : memref<!tpu.dma_semaphore, #tpu.memory_space<semaphore_mem>>) {add = true}
    %dma_wait3A_340 = arith.constant 1 : i32
    %dma_wait3A_341 = arith.constant 79 : i32
    %dma_wait3A_342 = arith.constant 1 : i32
    %dma_wait3A_343 = arith.constant 0 : i32
    %dma_wait3A_344 = arith.constant 0 : i32
    %dma_wait3A_345 = tpu.memref_slice %arg8[%dma_wait3A_340, %dma_wait3A_343, %dma_wait3A_344] : memref<3x128x64xf32, #tpu.memory_space<vmem>> -> memref<1x128x64xf32, #tpu.memory_space<vmem>>
    %dma_wait3A_346 = tpu.memref_squeeze %dma_wait3A_345 : memref<1x128x64xf32, #tpu.memory_space<vmem>> -> memref<128x64xf32, #tpu.memory_space<vmem>>
    %dma_wait3A_347 = arith.constant 0 : i32
    %dma_wait3A_348 = tpu.memref_slice %arg7[%dma_wait3A_341, %dma_wait3A_347] : memref<81x128xi32, #tpu.memory_space<vmem>> -> memref<1x128xi32, #tpu.memory_space<vmem>>
    %dma_wait3A_349 = tpu.memref_squeeze %dma_wait3A_348 : memref<1x128xi32, #tpu.memory_space<vmem>> -> memref<128xi32, #tpu.memory_space<vmem>>
    %dma_wait3A_350 = arith.constant 0 : i32
    %dma_wait3A_351 = arith.constant 0 : i32
    %dma_wait3A_352 = tpu.memref_slice %arg9[%dma_wait3A_350, %dma_wait3A_351] : memref<10240x64xf32, #tpu.memory_space<vmem_shared>> -> memref<10240x64xf32, #tpu.memory_space<vmem_shared>>
    %dma_wait3A_353 = tpu.memref_slice %arg12[%dma_wait3A_342] : memref<3x!tpu.dma_semaphore, #tpu.memory_space<semaphore_mem>> -> memref<1x!tpu.dma_semaphore, #tpu.memory_space<semaphore_mem>>
    %dma_wait3A_354 = tpu.memref_squeeze %dma_wait3A_353 : memref<1x!tpu.dma_semaphore, #tpu.memory_space<semaphore_mem>> -> memref<!tpu.dma_semaphore, #tpu.memory_space<semaphore_mem>>
    tpu.wait_indirect_dma semaphore(%dma_wait3A_354 : memref<!tpu.dma_semaphore, #tpu.memory_space<semaphore_mem>>) src(%dma_wait3A_346 : memref<128x64xf32, #tpu.memory_space<vmem>>) dst(%dma_wait3A_352 : memref<10240x64xf32, #tpu.memory_space<vmem_shared>>)
    %dma_wait3A_355 = arith.constant 2 : i32
    %dma_wait3A_356 = arith.constant 80 : i32
    %dma_wait3A_357 = arith.constant 2 : i32
    %dma_wait3A_358 = arith.constant 0 : i32
    %dma_wait3A_359 = arith.constant 0 : i32
    %dma_wait3A_360 = tpu.memref_slice %arg8[%dma_wait3A_355, %dma_wait3A_358, %dma_wait3A_359] : memref<3x128x64xf32, #tpu.memory_space<vmem>> -> memref<1x128x64xf32, #tpu.memory_space<vmem>>
    %dma_wait3A_361 = tpu.memref_squeeze %dma_wait3A_360 : memref<1x128x64xf32, #tpu.memory_space<vmem>> -> memref<128x64xf32, #tpu.memory_space<vmem>>
    %dma_wait3A_362 = arith.constant 0 : i32
    %dma_wait3A_363 = tpu.memref_slice %arg7[%dma_wait3A_356, %dma_wait3A_362] : memref<81x128xi32, #tpu.memory_space<vmem>> -> memref<1x128xi32, #tpu.memory_space<vmem>>
    %dma_wait3A_364 = tpu.memref_squeeze %dma_wait3A_363 : memref<1x128xi32, #tpu.memory_space<vmem>> -> memref<128xi32, #tpu.memory_space<vmem>>
    %dma_wait3A_365 = arith.constant 0 : i32
    %dma_wait3A_366 = arith.constant 0 : i32
    %dma_wait3A_367 = tpu.memref_slice %arg9[%dma_wait3A_365, %dma_wait3A_366] : memref<10240x64xf32, #tpu.memory_space<vmem_shared>> -> memref<10240x64xf32, #tpu.memory_space<vmem_shared>>
    %dma_wait3A_368 = tpu.memref_slice %arg12[%dma_wait3A_357] : memref<3x!tpu.dma_semaphore, #tpu.memory_space<semaphore_mem>> -> memref<1x!tpu.dma_semaphore, #tpu.memory_space<semaphore_mem>>
    %dma_wait3A_369 = tpu.memref_squeeze %dma_wait3A_368 : memref<1x!tpu.dma_semaphore, #tpu.memory_space<semaphore_mem>> -> memref<!tpu.dma_semaphore, #tpu.memory_space<semaphore_mem>>
    tpu.wait_indirect_dma semaphore(%dma_wait3A_369 : memref<!tpu.dma_semaphore, #tpu.memory_space<semaphore_mem>>) src(%dma_wait3A_361 : memref<128x64xf32, #tpu.memory_space<vmem>>) dst(%dma_wait3A_367 : memref<10240x64xf32, #tpu.memory_space<vmem_shared>>)
    %barrier3A_370 = arith.constant 0 : index
    tpu.barrier barrier_id(%barrier3A_370)
    "tpu.region"() ({
      %run_scoped3A_371 = tpu.sem_alloc : memref<!tpu.dma_semaphore, #tpu.memory_space<semaphore_mem>>
      %dma_start3A_372 = arith.constant 0 : i32
      %dma_start3A_373 = tpu.memref_slice %arg5[%arg0, %mul3A_0, %dma_start3A_372] : memref<2x10240x64xf32, #tpu.memory_space<hbm>> -> memref<1x640x64xf32, #tpu.memory_space<hbm>>
      %dma_start3A_374 = tpu.memref_squeeze %dma_start3A_373 : memref<1x640x64xf32, #tpu.memory_space<hbm>> -> memref<640x64xf32, #tpu.memory_space<hbm>>
      %dma_start3A_375 = arith.constant 0 : i32
      %dma_start3A_376 = tpu.memref_slice %arg9[%mul3A_0, %dma_start3A_375] : memref<10240x64xf32, #tpu.memory_space<vmem_shared>> -> memref<640x64xf32, #tpu.memory_space<vmem_shared>>
      tpu.enqueue_dma source(%dma_start3A_376 : memref<640x64xf32, #tpu.memory_space<vmem_shared>>) target(%dma_start3A_374 : memref<640x64xf32, #tpu.memory_space<hbm>>) target_semaphore(%run_scoped3A_371 : memref<!tpu.dma_semaphore, #tpu.memory_space<semaphore_mem>>)
      %dma_wait3A_377 = arith.constant 0 : i32
      %dma_wait3A_378 = tpu.memref_slice %arg5[%arg0, %mul3A_0, %dma_wait3A_377] : memref<2x10240x64xf32, #tpu.memory_space<hbm>> -> memref<1x640x64xf32, #tpu.memory_space<hbm>>
      %dma_wait3A_379 = tpu.memref_squeeze %dma_wait3A_378 : memref<1x640x64xf32, #tpu.memory_space<hbm>> -> memref<640x64xf32, #tpu.memory_space<hbm>>
      %dma_wait3A_380 = arith.constant 0 : i32
      %dma_wait3A_381 = tpu.memref_slice %arg9[%mul3A_0, %dma_wait3A_380] : memref<10240x64xf32, #tpu.memory_space<vmem_shared>> -> memref<640x64xf32, #tpu.memory_space<vmem_shared>>
      tpu.wait_dma2 semaphore(%run_scoped3A_371 : memref<!tpu.dma_semaphore, #tpu.memory_space<semaphore_mem>>) src(%dma_wait3A_381 : memref<640x64xf32, #tpu.memory_space<vmem_shared>>) dst(%dma_wait3A_379 : memref<640x64xf32, #tpu.memory_space<hbm>>)
      tpu.yield
    }) : () -> ()
    return
  }
}

#map = affine_map<(d0, d1) -> (0, 0, 0)>
#map1 = affine_map<(d0, d1) -> (0, 0)>
module attributes {stable_mosaic.version = 14 : i64} {
  func.func @_deg_body(%arg0: i32, %arg1: i32, %arg2: memref<2x2592x128xi32, #tpu.memory_space<hbm>>, %arg3: memref<128x16xf32, #tpu.memory_space<hbm>>, %arg4: memref<640x16xf32, #tpu.memory_space<hbm>>, %arg5: memref<2x10240x16xf32, #tpu.memory_space<hbm>>, %arg6: memref<81x128xi32, #tpu.memory_space<vmem>>, %arg7: memref<128x16xf32, #tpu.memory_space<vmem>>, %arg8: memref<10240x16xf32, #tpu.memory_space<vmem_shared>>, %arg9: memref<3x!tpu.dma_semaphore, #tpu.memory_space<semaphore_mem>>) attributes {dimension_semantics = [#tpu.dimension_semantics<core_parallel>, #tpu.dimension_semantics<subcore_parallel>], iteration_bounds = array<i64: 2, 16>, scalar_prefetch = 0 : i64, scratch_operands = 4 : i64, tpu.core_type = #tpu.core_type<sc_vector_subcore>, window_params = [{transform_indices = #map}, {transform_indices = #map1}, {transform_indices = #map1}, {transform_indices = #map}]} {
    %mul3A = arith.constant 640 : i32
    %mul3A_0 = arith.muli %arg1, %mul3A : i32
    %mul3A_1 = arith.constant 2 : i32
    %mul3A_2 = arith.muli %arg1, %mul3A_1 : i32
    %add3A = arith.addi %mul3A_2, %arg0 : i32
    %mul3A_3 = arith.constant 81 : i32
    %mul3A_4 = arith.muli %add3A, %mul3A_3 : i32
    %run_scoped3A = arith.constant 1 : i32
    "tpu.region"() ({
      %run_scoped3A_68 = tpu.sem_alloc : memref<!tpu.dma_semaphore, #tpu.memory_space<semaphore_mem>>
      %dma_start3A_69 = arith.constant 0 : i32
      %dma_start3A_70 = tpu.memref_slice %arg2[%run_scoped3A, %mul3A_4, %dma_start3A_69] : memref<2x2592x128xi32, #tpu.memory_space<hbm>> -> memref<1x81x128xi32, #tpu.memory_space<hbm>>
      %dma_start3A_71 = tpu.memref_squeeze %dma_start3A_70 : memref<1x81x128xi32, #tpu.memory_space<hbm>> -> memref<81x128xi32, #tpu.memory_space<hbm>>
      %dma_start3A_72 = arith.constant 0 : i32
      %dma_start3A_73 = tpu.memref_slice %arg2[%run_scoped3A, %mul3A_4, %dma_start3A_72] : memref<2x2592x128xi32, #tpu.memory_space<hbm>> -> memref<1x81x128xi32, #tpu.memory_space<hbm>>
      %dma_start3A_74 = tpu.memref_squeeze %dma_start3A_73 : memref<1x81x128xi32, #tpu.memory_space<hbm>> -> memref<81x128xi32, #tpu.memory_space<hbm>>
      tpu.enqueue_dma source(%dma_start3A_74 : memref<81x128xi32, #tpu.memory_space<hbm>>) target(%arg6 : memref<81x128xi32, #tpu.memory_space<vmem>>) target_semaphore(%run_scoped3A_68 : memref<!tpu.dma_semaphore, #tpu.memory_space<semaphore_mem>>)
      %dma_wait3A_75 = arith.constant 0 : i32
      %dma_wait3A_76 = tpu.memref_slice %arg2[%run_scoped3A, %mul3A_4, %dma_wait3A_75] : memref<2x2592x128xi32, #tpu.memory_space<hbm>> -> memref<1x81x128xi32, #tpu.memory_space<hbm>>
      %dma_wait3A_77 = tpu.memref_squeeze %dma_wait3A_76 : memref<1x81x128xi32, #tpu.memory_space<hbm>> -> memref<81x128xi32, #tpu.memory_space<hbm>>
      %dma_wait3A_78 = arith.constant 0 : i32
      %dma_wait3A_79 = tpu.memref_slice %arg2[%run_scoped3A, %mul3A_4, %dma_wait3A_78] : memref<2x2592x128xi32, #tpu.memory_space<hbm>> -> memref<1x81x128xi32, #tpu.memory_space<hbm>>
      %dma_wait3A_80 = tpu.memref_squeeze %dma_wait3A_79 : memref<1x81x128xi32, #tpu.memory_space<hbm>> -> memref<81x128xi32, #tpu.memory_space<hbm>>
      tpu.wait_dma2 semaphore(%run_scoped3A_68 : memref<!tpu.dma_semaphore, #tpu.memory_space<semaphore_mem>>) src(%dma_wait3A_80 : memref<81x128xi32, #tpu.memory_space<hbm>>) dst(%arg6 : memref<81x128xi32, #tpu.memory_space<vmem>>)
      tpu.yield
    }) : () -> ()
    "tpu.region"() ({
      %run_scoped3A_68 = tpu.sem_alloc : memref<!tpu.dma_semaphore, #tpu.memory_space<semaphore_mem>>
      tpu.enqueue_dma source(%arg3 : memref<128x16xf32, #tpu.memory_space<hbm>>) target(%arg7 : memref<128x16xf32, #tpu.memory_space<vmem>>) target_semaphore(%run_scoped3A_68 : memref<!tpu.dma_semaphore, #tpu.memory_space<semaphore_mem>>)
      tpu.wait_dma2 semaphore(%run_scoped3A_68 : memref<!tpu.dma_semaphore, #tpu.memory_space<semaphore_mem>>) src(%arg3 : memref<128x16xf32, #tpu.memory_space<hbm>>) dst(%arg7 : memref<128x16xf32, #tpu.memory_space<vmem>>)
      tpu.yield
    }) : () -> ()
    "tpu.region"() ({
      %run_scoped3A_68 = tpu.sem_alloc : memref<!tpu.dma_semaphore, #tpu.memory_space<semaphore_mem>>
      %dma_start3A_69 = arith.constant 0 : i32
      %dma_start3A_70 = tpu.memref_slice %arg8[%mul3A_0, %dma_start3A_69] : memref<10240x16xf32, #tpu.memory_space<vmem_shared>> -> memref<640x16xf32, #tpu.memory_space<vmem_shared>>
      tpu.enqueue_dma source(%arg4 : memref<640x16xf32, #tpu.memory_space<hbm>>) target(%dma_start3A_70 : memref<640x16xf32, #tpu.memory_space<vmem_shared>>) target_semaphore(%run_scoped3A_68 : memref<!tpu.dma_semaphore, #tpu.memory_space<semaphore_mem>>)
      %dma_wait3A_71 = arith.constant 0 : i32
      %dma_wait3A_72 = tpu.memref_slice %arg8[%mul3A_0, %dma_wait3A_71] : memref<10240x16xf32, #tpu.memory_space<vmem_shared>> -> memref<640x16xf32, #tpu.memory_space<vmem_shared>>
      tpu.wait_dma2 semaphore(%run_scoped3A_68 : memref<!tpu.dma_semaphore, #tpu.memory_space<semaphore_mem>>) src(%arg4 : memref<640x16xf32, #tpu.memory_space<hbm>>) dst(%dma_wait3A_72 : memref<640x16xf32, #tpu.memory_space<vmem_shared>>)
      tpu.yield
    }) : () -> ()
    %barrier3A = arith.constant 0 : index
    tpu.barrier barrier_id(%barrier3A)
    %dma_start3A = arith.constant 0 : i32
    %dma_start3A_5 = arith.constant 0 : i32
    %dma_start3A_6 = arith.constant 0 : i32
    %dma_start3A_7 = tpu.memref_slice %arg6[%dma_start3A, %dma_start3A_6] : memref<81x128xi32, #tpu.memory_space<vmem>> -> memref<1x128xi32, #tpu.memory_space<vmem>>
    %dma_start3A_8 = tpu.memref_squeeze %dma_start3A_7 : memref<1x128xi32, #tpu.memory_space<vmem>> -> memref<128xi32, #tpu.memory_space<vmem>>
    %dma_start3A_9 = arith.constant 0 : i32
    %dma_start3A_10 = arith.constant 0 : i32
    %dma_start3A_11 = tpu.memref_slice %arg8[%dma_start3A_9, %dma_start3A_10] : memref<10240x16xf32, #tpu.memory_space<vmem_shared>> -> memref<10240x16xf32, #tpu.memory_space<vmem_shared>>
    %dma_start3A_12 = tpu.memref_slice %arg9[%dma_start3A_5] : memref<3x!tpu.dma_semaphore, #tpu.memory_space<semaphore_mem>> -> memref<1x!tpu.dma_semaphore, #tpu.memory_space<semaphore_mem>>
    %dma_start3A_13 = tpu.memref_squeeze %dma_start3A_12 : memref<1x!tpu.dma_semaphore, #tpu.memory_space<semaphore_mem>> -> memref<!tpu.dma_semaphore, #tpu.memory_space<semaphore_mem>>
    tpu.enqueue_indirect_dma source(%arg7 : memref<128x16xf32, #tpu.memory_space<vmem>>) target(%dma_start3A_11 : memref<10240x16xf32, #tpu.memory_space<vmem_shared>>) offsets(%dma_start3A_8 : memref<128xi32, #tpu.memory_space<vmem>>) semaphore(%dma_start3A_13 : memref<!tpu.dma_semaphore, #tpu.memory_space<semaphore_mem>>) {add = true}
    %dma_start3A_14 = arith.constant 1 : i32
    %dma_start3A_15 = arith.constant 1 : i32
    %dma_start3A_16 = arith.constant 0 : i32
    %dma_start3A_17 = tpu.memref_slice %arg6[%dma_start3A_14, %dma_start3A_16] : memref<81x128xi32, #tpu.memory_space<vmem>> -> memref<1x128xi32, #tpu.memory_space<vmem>>
    %dma_start3A_18 = tpu.memref_squeeze %dma_start3A_17 : memref<1x128xi32, #tpu.memory_space<vmem>> -> memref<128xi32, #tpu.memory_space<vmem>>
    %dma_start3A_19 = arith.constant 0 : i32
    %dma_start3A_20 = arith.constant 0 : i32
    %dma_start3A_21 = tpu.memref_slice %arg8[%dma_start3A_19, %dma_start3A_20] : memref<10240x16xf32, #tpu.memory_space<vmem_shared>> -> memref<10240x16xf32, #tpu.memory_space<vmem_shared>>
    %dma_start3A_22 = tpu.memref_slice %arg9[%dma_start3A_15] : memref<3x!tpu.dma_semaphore, #tpu.memory_space<semaphore_mem>> -> memref<1x!tpu.dma_semaphore, #tpu.memory_space<semaphore_mem>>
    %dma_start3A_23 = tpu.memref_squeeze %dma_start3A_22 : memref<1x!tpu.dma_semaphore, #tpu.memory_space<semaphore_mem>> -> memref<!tpu.dma_semaphore, #tpu.memory_space<semaphore_mem>>
    tpu.enqueue_indirect_dma source(%arg7 : memref<128x16xf32, #tpu.memory_space<vmem>>) target(%dma_start3A_21 : memref<10240x16xf32, #tpu.memory_space<vmem_shared>>) offsets(%dma_start3A_18 : memref<128xi32, #tpu.memory_space<vmem>>) semaphore(%dma_start3A_23 : memref<!tpu.dma_semaphore, #tpu.memory_space<semaphore_mem>>) {add = true}
    %dma_start3A_24 = arith.constant 2 : i32
    %dma_start3A_25 = arith.constant 2 : i32
    %dma_start3A_26 = arith.constant 0 : i32
    %dma_start3A_27 = tpu.memref_slice %arg6[%dma_start3A_24, %dma_start3A_26] : memref<81x128xi32, #tpu.memory_space<vmem>> -> memref<1x128xi32, #tpu.memory_space<vmem>>
    %dma_start3A_28 = tpu.memref_squeeze %dma_start3A_27 : memref<1x128xi32, #tpu.memory_space<vmem>> -> memref<128xi32, #tpu.memory_space<vmem>>
    %dma_start3A_29 = arith.constant 0 : i32
    %dma_start3A_30 = arith.constant 0 : i32
    %dma_start3A_31 = tpu.memref_slice %arg8[%dma_start3A_29, %dma_start3A_30] : memref<10240x16xf32, #tpu.memory_space<vmem_shared>> -> memref<10240x16xf32, #tpu.memory_space<vmem_shared>>
    %dma_start3A_32 = tpu.memref_slice %arg9[%dma_start3A_25] : memref<3x!tpu.dma_semaphore, #tpu.memory_space<semaphore_mem>> -> memref<1x!tpu.dma_semaphore, #tpu.memory_space<semaphore_mem>>
    %dma_start3A_33 = tpu.memref_squeeze %dma_start3A_32 : memref<1x!tpu.dma_semaphore, #tpu.memory_space<semaphore_mem>> -> memref<!tpu.dma_semaphore, #tpu.memory_space<semaphore_mem>>
    tpu.enqueue_indirect_dma source(%arg7 : memref<128x16xf32, #tpu.memory_space<vmem>>) target(%dma_start3A_31 : memref<10240x16xf32, #tpu.memory_space<vmem_shared>>) offsets(%dma_start3A_28 : memref<128xi32, #tpu.memory_space<vmem>>) semaphore(%dma_start3A_33 : memref<!tpu.dma_semaphore, #tpu.memory_space<semaphore_mem>>) {add = true}
    %scan3A = arith.constant 0 : i32
    %scan3A_34 = arith.constant 26 : i32
    %scan3A_35 = arith.addi %scan3A, %scan3A_34 : i32
    %scan3A_36 = arith.constant 1 : i32
    scf.for %scan3A_68 = %scan3A to %scan3A_35 step %scan3A_36  : i32 {
      %mul3A_69 = arith.constant 3 : i32
      %mul3A_70 = arith.muli %scan3A_68, %mul3A_69 : i32
      %add3A_71 = arith.constant 3 : i32
      %add3A_72 = arith.addi %add3A_71, %mul3A_70 : i32
      %add3A_73 = arith.constant 0 : i32
      %add3A_74 = arith.addi %add3A_72, %add3A_73 : i32
      %sub3A = arith.constant 2 : i32
      %sub3A_75 = arith.subi %add3A_74, %sub3A : i32
      %sub3A_76 = arith.constant 2 : i32
      %sub3A_77 = arith.subi %add3A_74, %sub3A_76 : i32
      %jit3A = arith.constant 3 : i32
      %eq3A = arith.constant 0 : i32
      %eq3A_78 = arith.cmpi eq, %jit3A, %eq3A : i32
      %jit3A_79 = arith.constant 1 : i32
      %select_n3A = arith.select %eq3A_78, %jit3A_79, %jit3A : i32
      %rem3A = arith.remsi %sub3A_77, %select_n3A : i32
      %ne3A = arith.constant 0 : i32
      %ne3A_80 = arith.cmpi ne, %rem3A, %ne3A : i32
      %lt3A = arith.constant 0 : i32
      %lt3A_81 = arith.cmpi slt, %rem3A, %lt3A : i32
      %lt3A_82 = arith.constant 0 : i32
      %lt3A_83 = arith.cmpi slt, %select_n3A, %lt3A_82 : i32
      %ne3A_84 = arith.xori %lt3A_81, %lt3A_83 : i1
      %and3A = arith.andi %ne3A_84, %ne3A_80 : i1
      %add3A_85 = arith.addi %rem3A, %select_n3A : i32
      %select_n3A_86 = arith.select %and3A, %add3A_85, %rem3A : i32
      %dma_wait3A_87 = arith.constant 0 : i32
      %dma_wait3A_88 = tpu.memref_slice %arg6[%sub3A_75, %dma_wait3A_87] : memref<81x128xi32, #tpu.memory_space<vmem>> -> memref<1x128xi32, #tpu.memory_space<vmem>>
      %dma_wait3A_89 = tpu.memref_squeeze %dma_wait3A_88 : memref<1x128xi32, #tpu.memory_space<vmem>> -> memref<128xi32, #tpu.memory_space<vmem>>
      %dma_wait3A_90 = arith.constant 0 : i32
      %dma_wait3A_91 = arith.constant 0 : i32
      %dma_wait3A_92 = tpu.memref_slice %arg8[%dma_wait3A_90, %dma_wait3A_91] : memref<10240x16xf32, #tpu.memory_space<vmem_shared>> -> memref<10240x16xf32, #tpu.memory_space<vmem_shared>>
      %dma_wait3A_93 = tpu.memref_slice %arg9[%select_n3A_86] : memref<3x!tpu.dma_semaphore, #tpu.memory_space<semaphore_mem>> -> memref<1x!tpu.dma_semaphore, #tpu.memory_space<semaphore_mem>>
      %dma_wait3A_94 = tpu.memref_squeeze %dma_wait3A_93 : memref<1x!tpu.dma_semaphore, #tpu.memory_space<semaphore_mem>> -> memref<!tpu.dma_semaphore, #tpu.memory_space<semaphore_mem>>
      tpu.wait_indirect_dma semaphore(%dma_wait3A_94 : memref<!tpu.dma_semaphore, #tpu.memory_space<semaphore_mem>>) src(%arg7 : memref<128x16xf32, #tpu.memory_space<vmem>>) dst(%dma_wait3A_92 : memref<10240x16xf32, #tpu.memory_space<vmem_shared>>)
      %jit3A_95 = arith.constant 3 : i32
      %eq3A_96 = arith.constant 0 : i32
      %eq3A_97 = arith.cmpi eq, %jit3A_95, %eq3A_96 : i32
      %jit3A_98 = arith.constant 1 : i32
      %select_n3A_99 = arith.select %eq3A_97, %jit3A_98, %jit3A_95 : i32
      %rem3A_100 = arith.remsi %add3A_74, %select_n3A_99 : i32
      %ne3A_101 = arith.constant 0 : i32
      %ne3A_102 = arith.cmpi ne, %rem3A_100, %ne3A_101 : i32
      %lt3A_103 = arith.constant 0 : i32
      %lt3A_104 = arith.cmpi slt, %rem3A_100, %lt3A_103 : i32
      %lt3A_105 = arith.constant 0 : i32
      %lt3A_106 = arith.cmpi slt, %select_n3A_99, %lt3A_105 : i32
      %ne3A_107 = arith.xori %lt3A_104, %lt3A_106 : i1
      %and3A_108 = arith.andi %ne3A_107, %ne3A_102 : i1
      %add3A_109 = arith.addi %rem3A_100, %select_n3A_99 : i32
      %select_n3A_110 = arith.select %and3A_108, %add3A_109, %rem3A_100 : i32
      %dma_start3A_111 = arith.constant 0 : i32
      %dma_start3A_112 = tpu.memref_slice %arg6[%add3A_74, %dma_start3A_111] : memref<81x128xi32, #tpu.memory_space<vmem>> -> memref<1x128xi32, #tpu.memory_space<vmem>>
      %dma_start3A_113 = tpu.memref_squeeze %dma_start3A_112 : memref<1x128xi32, #tpu.memory_space<vmem>> -> memref<128xi32, #tpu.memory_space<vmem>>
      %dma_start3A_114 = arith.constant 0 : i32
      %dma_start3A_115 = arith.constant 0 : i32
      %dma_start3A_116 = tpu.memref_slice %arg8[%dma_start3A_114, %dma_start3A_115] : memref<10240x16xf32, #tpu.memory_space<vmem_shared>> -> memref<10240x16xf32, #tpu.memory_space<vmem_shared>>
      %dma_start3A_117 = tpu.memref_slice %arg9[%select_n3A_110] : memref<3x!tpu.dma_semaphore, #tpu.memory_space<semaphore_mem>> -> memref<1x!tpu.dma_semaphore, #tpu.memory_space<semaphore_mem>>
      %dma_start3A_118 = tpu.memref_squeeze %dma_start3A_117 : memref<1x!tpu.dma_semaphore, #tpu.memory_space<semaphore_mem>> -> memref<!tpu.dma_semaphore, #tpu.memory_space<semaphore_mem>>
      tpu.enqueue_indirect_dma source(%arg7 : memref<128x16xf32, #tpu.memory_space<vmem>>) target(%dma_start3A_116 : memref<10240x16xf32, #tpu.memory_space<vmem_shared>>) offsets(%dma_start3A_113 : memref<128xi32, #tpu.memory_space<vmem>>) semaphore(%dma_start3A_118 : memref<!tpu.dma_semaphore, #tpu.memory_space<semaphore_mem>>) {add = true}
      %add3A_119 = arith.constant 1 : i32
      %add3A_120 = arith.addi %add3A_72, %add3A_119 : i32
      %sub3A_121 = arith.constant 2 : i32
      %sub3A_122 = arith.subi %add3A_120, %sub3A_121 : i32
      %sub3A_123 = arith.constant 2 : i32
      %sub3A_124 = arith.subi %add3A_120, %sub3A_123 : i32
      %jit3A_125 = arith.constant 3 : i32
      %eq3A_126 = arith.constant 0 : i32
      %eq3A_127 = arith.cmpi eq, %jit3A_125, %eq3A_126 : i32
      %jit3A_128 = arith.constant 1 : i32
      %select_n3A_129 = arith.select %eq3A_127, %jit3A_128, %jit3A_125 : i32
      %rem3A_130 = arith.remsi %sub3A_124, %select_n3A_129 : i32
      %ne3A_131 = arith.constant 0 : i32
      %ne3A_132 = arith.cmpi ne, %rem3A_130, %ne3A_131 : i32
      %lt3A_133 = arith.constant 0 : i32
      %lt3A_134 = arith.cmpi slt, %rem3A_130, %lt3A_133 : i32
      %lt3A_135 = arith.constant 0 : i32
      %lt3A_136 = arith.cmpi slt, %select_n3A_129, %lt3A_135 : i32
      %ne3A_137 = arith.xori %lt3A_134, %lt3A_136 : i1
      %and3A_138 = arith.andi %ne3A_137, %ne3A_132 : i1
      %add3A_139 = arith.addi %rem3A_130, %select_n3A_129 : i32
      %select_n3A_140 = arith.select %and3A_138, %add3A_139, %rem3A_130 : i32
      %dma_wait3A_141 = arith.constant 0 : i32
      %dma_wait3A_142 = tpu.memref_slice %arg6[%sub3A_122, %dma_wait3A_141] : memref<81x128xi32, #tpu.memory_space<vmem>> -> memref<1x128xi32, #tpu.memory_space<vmem>>
      %dma_wait3A_143 = tpu.memref_squeeze %dma_wait3A_142 : memref<1x128xi32, #tpu.memory_space<vmem>> -> memref<128xi32, #tpu.memory_space<vmem>>
      %dma_wait3A_144 = arith.constant 0 : i32
      %dma_wait3A_145 = arith.constant 0 : i32
      %dma_wait3A_146 = tpu.memref_slice %arg8[%dma_wait3A_144, %dma_wait3A_145] : memref<10240x16xf32, #tpu.memory_space<vmem_shared>> -> memref<10240x16xf32, #tpu.memory_space<vmem_shared>>
      %dma_wait3A_147 = tpu.memref_slice %arg9[%select_n3A_140] : memref<3x!tpu.dma_semaphore, #tpu.memory_space<semaphore_mem>> -> memref<1x!tpu.dma_semaphore, #tpu.memory_space<semaphore_mem>>
      %dma_wait3A_148 = tpu.memref_squeeze %dma_wait3A_147 : memref<1x!tpu.dma_semaphore, #tpu.memory_space<semaphore_mem>> -> memref<!tpu.dma_semaphore, #tpu.memory_space<semaphore_mem>>
      tpu.wait_indirect_dma semaphore(%dma_wait3A_148 : memref<!tpu.dma_semaphore, #tpu.memory_space<semaphore_mem>>) src(%arg7 : memref<128x16xf32, #tpu.memory_space<vmem>>) dst(%dma_wait3A_146 : memref<10240x16xf32, #tpu.memory_space<vmem_shared>>)
      %jit3A_149 = arith.constant 3 : i32
      %eq3A_150 = arith.constant 0 : i32
      %eq3A_151 = arith.cmpi eq, %jit3A_149, %eq3A_150 : i32
      %jit3A_152 = arith.constant 1 : i32
      %select_n3A_153 = arith.select %eq3A_151, %jit3A_152, %jit3A_149 : i32
      %rem3A_154 = arith.remsi %add3A_120, %select_n3A_153 : i32
      %ne3A_155 = arith.constant 0 : i32
      %ne3A_156 = arith.cmpi ne, %rem3A_154, %ne3A_155 : i32
      %lt3A_157 = arith.constant 0 : i32
      %lt3A_158 = arith.cmpi slt, %rem3A_154, %lt3A_157 : i32
      %lt3A_159 = arith.constant 0 : i32
      %lt3A_160 = arith.cmpi slt, %select_n3A_153, %lt3A_159 : i32
      %ne3A_161 = arith.xori %lt3A_158, %lt3A_160 : i1
      %and3A_162 = arith.andi %ne3A_161, %ne3A_156 : i1
      %add3A_163 = arith.addi %rem3A_154, %select_n3A_153 : i32
      %select_n3A_164 = arith.select %and3A_162, %add3A_163, %rem3A_154 : i32
      %dma_start3A_165 = arith.constant 0 : i32
      %dma_start3A_166 = tpu.memref_slice %arg6[%add3A_120, %dma_start3A_165] : memref<81x128xi32, #tpu.memory_space<vmem>> -> memref<1x128xi32, #tpu.memory_space<vmem>>
      %dma_start3A_167 = tpu.memref_squeeze %dma_start3A_166 : memref<1x128xi32, #tpu.memory_space<vmem>> -> memref<128xi32, #tpu.memory_space<vmem>>
      %dma_start3A_168 = arith.constant 0 : i32
      %dma_start3A_169 = arith.constant 0 : i32
      %dma_start3A_170 = tpu.memref_slice %arg8[%dma_start3A_168, %dma_start3A_169] : memref<10240x16xf32, #tpu.memory_space<vmem_shared>> -> memref<10240x16xf32, #tpu.memory_space<vmem_shared>>
      %dma_start3A_171 = tpu.memref_slice %arg9[%select_n3A_164] : memref<3x!tpu.dma_semaphore, #tpu.memory_space<semaphore_mem>> -> memref<1x!tpu.dma_semaphore, #tpu.memory_space<semaphore_mem>>
      %dma_start3A_172 = tpu.memref_squeeze %dma_start3A_171 : memref<1x!tpu.dma_semaphore, #tpu.memory_space<semaphore_mem>> -> memref<!tpu.dma_semaphore, #tpu.memory_space<semaphore_mem>>
      tpu.enqueue_indirect_dma source(%arg7 : memref<128x16xf32, #tpu.memory_space<vmem>>) target(%dma_start3A_170 : memref<10240x16xf32, #tpu.memory_space<vmem_shared>>) offsets(%dma_start3A_167 : memref<128xi32, #tpu.memory_space<vmem>>) semaphore(%dma_start3A_172 : memref<!tpu.dma_semaphore, #tpu.memory_space<semaphore_mem>>) {add = true}
      %add3A_173 = arith.constant 2 : i32
      %add3A_174 = arith.addi %add3A_72, %add3A_173 : i32
      %sub3A_175 = arith.constant 2 : i32
      %sub3A_176 = arith.subi %add3A_174, %sub3A_175 : i32
      %sub3A_177 = arith.constant 2 : i32
      %sub3A_178 = arith.subi %add3A_174, %sub3A_177 : i32
      %jit3A_179 = arith.constant 3 : i32
      %eq3A_180 = arith.constant 0 : i32
      %eq3A_181 = arith.cmpi eq, %jit3A_179, %eq3A_180 : i32
      %jit3A_182 = arith.constant 1 : i32
      %select_n3A_183 = arith.select %eq3A_181, %jit3A_182, %jit3A_179 : i32
      %rem3A_184 = arith.remsi %sub3A_178, %select_n3A_183 : i32
      %ne3A_185 = arith.constant 0 : i32
      %ne3A_186 = arith.cmpi ne, %rem3A_184, %ne3A_185 : i32
      %lt3A_187 = arith.constant 0 : i32
      %lt3A_188 = arith.cmpi slt, %rem3A_184, %lt3A_187 : i32
      %lt3A_189 = arith.constant 0 : i32
      %lt3A_190 = arith.cmpi slt, %select_n3A_183, %lt3A_189 : i32
      %ne3A_191 = arith.xori %lt3A_188, %lt3A_190 : i1
      %and3A_192 = arith.andi %ne3A_191, %ne3A_186 : i1
      %add3A_193 = arith.addi %rem3A_184, %select_n3A_183 : i32
      %select_n3A_194 = arith.select %and3A_192, %add3A_193, %rem3A_184 : i32
      %dma_wait3A_195 = arith.constant 0 : i32
      %dma_wait3A_196 = tpu.memref_slice %arg6[%sub3A_176, %dma_wait3A_195] : memref<81x128xi32, #tpu.memory_space<vmem>> -> memref<1x128xi32, #tpu.memory_space<vmem>>
      %dma_wait3A_197 = tpu.memref_squeeze %dma_wait3A_196 : memref<1x128xi32, #tpu.memory_space<vmem>> -> memref<128xi32, #tpu.memory_space<vmem>>
      %dma_wait3A_198 = arith.constant 0 : i32
      %dma_wait3A_199 = arith.constant 0 : i32
      %dma_wait3A_200 = tpu.memref_slice %arg8[%dma_wait3A_198, %dma_wait3A_199] : memref<10240x16xf32, #tpu.memory_space<vmem_shared>> -> memref<10240x16xf32, #tpu.memory_space<vmem_shared>>
      %dma_wait3A_201 = tpu.memref_slice %arg9[%select_n3A_194] : memref<3x!tpu.dma_semaphore, #tpu.memory_space<semaphore_mem>> -> memref<1x!tpu.dma_semaphore, #tpu.memory_space<semaphore_mem>>
      %dma_wait3A_202 = tpu.memref_squeeze %dma_wait3A_201 : memref<1x!tpu.dma_semaphore, #tpu.memory_space<semaphore_mem>> -> memref<!tpu.dma_semaphore, #tpu.memory_space<semaphore_mem>>
      tpu.wait_indirect_dma semaphore(%dma_wait3A_202 : memref<!tpu.dma_semaphore, #tpu.memory_space<semaphore_mem>>) src(%arg7 : memref<128x16xf32, #tpu.memory_space<vmem>>) dst(%dma_wait3A_200 : memref<10240x16xf32, #tpu.memory_space<vmem_shared>>)
      %jit3A_203 = arith.constant 3 : i32
      %eq3A_204 = arith.constant 0 : i32
      %eq3A_205 = arith.cmpi eq, %jit3A_203, %eq3A_204 : i32
      %jit3A_206 = arith.constant 1 : i32
      %select_n3A_207 = arith.select %eq3A_205, %jit3A_206, %jit3A_203 : i32
      %rem3A_208 = arith.remsi %add3A_174, %select_n3A_207 : i32
      %ne3A_209 = arith.constant 0 : i32
      %ne3A_210 = arith.cmpi ne, %rem3A_208, %ne3A_209 : i32
      %lt3A_211 = arith.constant 0 : i32
      %lt3A_212 = arith.cmpi slt, %rem3A_208, %lt3A_211 : i32
      %lt3A_213 = arith.constant 0 : i32
      %lt3A_214 = arith.cmpi slt, %select_n3A_207, %lt3A_213 : i32
      %ne3A_215 = arith.xori %lt3A_212, %lt3A_214 : i1
      %and3A_216 = arith.andi %ne3A_215, %ne3A_210 : i1
      %add3A_217 = arith.addi %rem3A_208, %select_n3A_207 : i32
      %select_n3A_218 = arith.select %and3A_216, %add3A_217, %rem3A_208 : i32
      %dma_start3A_219 = arith.constant 0 : i32
      %dma_start3A_220 = tpu.memref_slice %arg6[%add3A_174, %dma_start3A_219] : memref<81x128xi32, #tpu.memory_space<vmem>> -> memref<1x128xi32, #tpu.memory_space<vmem>>
      %dma_start3A_221 = tpu.memref_squeeze %dma_start3A_220 : memref<1x128xi32, #tpu.memory_space<vmem>> -> memref<128xi32, #tpu.memory_space<vmem>>
      %dma_start3A_222 = arith.constant 0 : i32
      %dma_start3A_223 = arith.constant 0 : i32
      %dma_start3A_224 = tpu.memref_slice %arg8[%dma_start3A_222, %dma_start3A_223] : memref<10240x16xf32, #tpu.memory_space<vmem_shared>> -> memref<10240x16xf32, #tpu.memory_space<vmem_shared>>
      %dma_start3A_225 = tpu.memref_slice %arg9[%select_n3A_218] : memref<3x!tpu.dma_semaphore, #tpu.memory_space<semaphore_mem>> -> memref<1x!tpu.dma_semaphore, #tpu.memory_space<semaphore_mem>>
      %dma_start3A_226 = tpu.memref_squeeze %dma_start3A_225 : memref<1x!tpu.dma_semaphore, #tpu.memory_space<semaphore_mem>> -> memref<!tpu.dma_semaphore, #tpu.memory_space<semaphore_mem>>
      tpu.enqueue_indirect_dma source(%arg7 : memref<128x16xf32, #tpu.memory_space<vmem>>) target(%dma_start3A_224 : memref<10240x16xf32, #tpu.memory_space<vmem_shared>>) offsets(%dma_start3A_221 : memref<128xi32, #tpu.memory_space<vmem>>) semaphore(%dma_start3A_226 : memref<!tpu.dma_semaphore, #tpu.memory_space<semaphore_mem>>) {add = true}
    }
    %scan3A_37 = arith.constant 26 : i32
    %dma_wait3A = arith.constant 0 : i32
    %dma_wait3A_38 = arith.constant 0 : i32
    %dma_wait3A_39 = arith.constant 0 : i32
    %dma_wait3A_40 = tpu.memref_slice %arg6[%dma_wait3A, %dma_wait3A_39] : memref<81x128xi32, #tpu.memory_space<vmem>> -> memref<1x128xi32, #tpu.memory_space<vmem>>
    %dma_wait3A_41 = tpu.memref_squeeze %dma_wait3A_40 : memref<1x128xi32, #tpu.memory_space<vmem>> -> memref<128xi32, #tpu.memory_space<vmem>>
    %dma_wait3A_42 = arith.constant 0 : i32
    %dma_wait3A_43 = arith.constant 0 : i32
    %dma_wait3A_44 = tpu.memref_slice %arg8[%dma_wait3A_42, %dma_wait3A_43] : memref<10240x16xf32, #tpu.memory_space<vmem_shared>> -> memref<10240x16xf32, #tpu.memory_space<vmem_shared>>
    %dma_wait3A_45 = tpu.memref_slice %arg9[%dma_wait3A_38] : memref<3x!tpu.dma_semaphore, #tpu.memory_space<semaphore_mem>> -> memref<1x!tpu.dma_semaphore, #tpu.memory_space<semaphore_mem>>
    %dma_wait3A_46 = tpu.memref_squeeze %dma_wait3A_45 : memref<1x!tpu.dma_semaphore, #tpu.memory_space<semaphore_mem>> -> memref<!tpu.dma_semaphore, #tpu.memory_space<semaphore_mem>>
    tpu.wait_indirect_dma semaphore(%dma_wait3A_46 : memref<!tpu.dma_semaphore, #tpu.memory_space<semaphore_mem>>) src(%arg7 : memref<128x16xf32, #tpu.memory_space<vmem>>) dst(%dma_wait3A_44 : memref<10240x16xf32, #tpu.memory_space<vmem_shared>>)
    %dma_wait3A_47 = arith.constant 79 : i32
    %dma_wait3A_48 = arith.constant 1 : i32
    %dma_wait3A_49 = arith.constant 0 : i32
    %dma_wait3A_50 = tpu.memref_slice %arg6[%dma_wait3A_47, %dma_wait3A_49] : memref<81x128xi32, #tpu.memory_space<vmem>> -> memref<1x128xi32, #tpu.memory_space<vmem>>
    %dma_wait3A_51 = tpu.memref_squeeze %dma_wait3A_50 : memref<1x128xi32, #tpu.memory_space<vmem>> -> memref<128xi32, #tpu.memory_space<vmem>>
    %dma_wait3A_52 = arith.constant 0 : i32
    %dma_wait3A_53 = arith.constant 0 : i32
    %dma_wait3A_54 = tpu.memref_slice %arg8[%dma_wait3A_52, %dma_wait3A_53] : memref<10240x16xf32, #tpu.memory_space<vmem_shared>> -> memref<10240x16xf32, #tpu.memory_space<vmem_shared>>
    %dma_wait3A_55 = tpu.memref_slice %arg9[%dma_wait3A_48] : memref<3x!tpu.dma_semaphore, #tpu.memory_space<semaphore_mem>> -> memref<1x!tpu.dma_semaphore, #tpu.memory_space<semaphore_mem>>
    %dma_wait3A_56 = tpu.memref_squeeze %dma_wait3A_55 : memref<1x!tpu.dma_semaphore, #tpu.memory_space<semaphore_mem>> -> memref<!tpu.dma_semaphore, #tpu.memory_space<semaphore_mem>>
    tpu.wait_indirect_dma semaphore(%dma_wait3A_56 : memref<!tpu.dma_semaphore, #tpu.memory_space<semaphore_mem>>) src(%arg7 : memref<128x16xf32, #tpu.memory_space<vmem>>) dst(%dma_wait3A_54 : memref<10240x16xf32, #tpu.memory_space<vmem_shared>>)
    %dma_wait3A_57 = arith.constant 80 : i32
    %dma_wait3A_58 = arith.constant 2 : i32
    %dma_wait3A_59 = arith.constant 0 : i32
    %dma_wait3A_60 = tpu.memref_slice %arg6[%dma_wait3A_57, %dma_wait3A_59] : memref<81x128xi32, #tpu.memory_space<vmem>> -> memref<1x128xi32, #tpu.memory_space<vmem>>
    %dma_wait3A_61 = tpu.memref_squeeze %dma_wait3A_60 : memref<1x128xi32, #tpu.memory_space<vmem>> -> memref<128xi32, #tpu.memory_space<vmem>>
    %dma_wait3A_62 = arith.constant 0 : i32
    %dma_wait3A_63 = arith.constant 0 : i32
    %dma_wait3A_64 = tpu.memref_slice %arg8[%dma_wait3A_62, %dma_wait3A_63] : memref<10240x16xf32, #tpu.memory_space<vmem_shared>> -> memref<10240x16xf32, #tpu.memory_space<vmem_shared>>
    %dma_wait3A_65 = tpu.memref_slice %arg9[%dma_wait3A_58] : memref<3x!tpu.dma_semaphore, #tpu.memory_space<semaphore_mem>> -> memref<1x!tpu.dma_semaphore, #tpu.memory_space<semaphore_mem>>
    %dma_wait3A_66 = tpu.memref_squeeze %dma_wait3A_65 : memref<1x!tpu.dma_semaphore, #tpu.memory_space<semaphore_mem>> -> memref<!tpu.dma_semaphore, #tpu.memory_space<semaphore_mem>>
    tpu.wait_indirect_dma semaphore(%dma_wait3A_66 : memref<!tpu.dma_semaphore, #tpu.memory_space<semaphore_mem>>) src(%arg7 : memref<128x16xf32, #tpu.memory_space<vmem>>) dst(%dma_wait3A_64 : memref<10240x16xf32, #tpu.memory_space<vmem_shared>>)
    %barrier3A_67 = arith.constant 0 : index
    tpu.barrier barrier_id(%barrier3A_67)
    "tpu.region"() ({
      %run_scoped3A_68 = tpu.sem_alloc : memref<!tpu.dma_semaphore, #tpu.memory_space<semaphore_mem>>
      %dma_start3A_69 = arith.constant 0 : i32
      %dma_start3A_70 = tpu.memref_slice %arg5[%arg0, %mul3A_0, %dma_start3A_69] : memref<2x10240x16xf32, #tpu.memory_space<hbm>> -> memref<1x640x16xf32, #tpu.memory_space<hbm>>
      %dma_start3A_71 = tpu.memref_squeeze %dma_start3A_70 : memref<1x640x16xf32, #tpu.memory_space<hbm>> -> memref<640x16xf32, #tpu.memory_space<hbm>>
      %dma_start3A_72 = arith.constant 0 : i32
      %dma_start3A_73 = tpu.memref_slice %arg8[%mul3A_0, %dma_start3A_72] : memref<10240x16xf32, #tpu.memory_space<vmem_shared>> -> memref<640x16xf32, #tpu.memory_space<vmem_shared>>
      tpu.enqueue_dma source(%dma_start3A_73 : memref<640x16xf32, #tpu.memory_space<vmem_shared>>) target(%dma_start3A_71 : memref<640x16xf32, #tpu.memory_space<hbm>>) target_semaphore(%run_scoped3A_68 : memref<!tpu.dma_semaphore, #tpu.memory_space<semaphore_mem>>)
      %dma_wait3A_74 = arith.constant 0 : i32
      %dma_wait3A_75 = tpu.memref_slice %arg5[%arg0, %mul3A_0, %dma_wait3A_74] : memref<2x10240x16xf32, #tpu.memory_space<hbm>> -> memref<1x640x16xf32, #tpu.memory_space<hbm>>
      %dma_wait3A_76 = tpu.memref_squeeze %dma_wait3A_75 : memref<1x640x16xf32, #tpu.memory_space<hbm>> -> memref<640x16xf32, #tpu.memory_space<hbm>>
      %dma_wait3A_77 = arith.constant 0 : i32
      %dma_wait3A_78 = tpu.memref_slice %arg8[%mul3A_0, %dma_wait3A_77] : memref<10240x16xf32, #tpu.memory_space<vmem_shared>> -> memref<640x16xf32, #tpu.memory_space<vmem_shared>>
      tpu.wait_dma2 semaphore(%run_scoped3A_68 : memref<!tpu.dma_semaphore, #tpu.memory_space<semaphore_mem>>) src(%dma_wait3A_78 : memref<640x16xf32, #tpu.memory_space<vmem_shared>>) dst(%dma_wait3A_76 : memref<640x16xf32, #tpu.memory_space<hbm>>)
      tpu.yield
    }) : () -> ()
    return
  }
}

module attributes {stable_mosaic.version = 14 : i64} {
  func.func @_mm_body(%arg0: i32, %arg1: memref<2000x128xf32, #tpu.memory_space<vmem>>, %arg2: memref<128x64xf32, #tpu.memory_space<vmem>>, %arg3: memref<2000x64xf32, #tpu.memory_space<vmem>>) attributes {dimension_semantics = [#tpu.dimension_semantics<arbitrary>], iteration_bounds = array<i64: 5>, scalar_prefetch = 0 : i64, scratch_operands = 0 : i64, tpu.core_type = #tpu.core_type<tc>, window_params = [{transform_indices = @transform_0, window_bounds = array<i64: 2000, 128>}, {pipeline_mode = #tpu.pipeline_mode<synchronous>, transform_indices = @transform_1, window_bounds = array<i64: 128, 64>}, {transform_indices = @transform_2, window_bounds = array<i64: 2000, 64>}]} {
    %get3A = arith.constant 0 : index
    %get3A_0 = arith.constant 0 : index
    %get3A_1 = vector.load %arg1[%get3A, %get3A_0] : memref<2000x128xf32, #tpu.memory_space<vmem>>, vector<2000x128xf32>
    %get3A_2 = arith.constant 0 : index
    %get3A_3 = arith.constant 0 : index
    %get3A_4 = vector.load %arg2[%get3A_2, %get3A_3] : memref<128x64xf32, #tpu.memory_space<vmem>>, vector<128x64xf32>
    %dot_general3A = arith.constant dense<0.000000e+00> : vector<2000x64xf32>
    %dot_general3A_5 = tpu.matmul %get3A_1, %get3A_4, %dot_general3A {dimension_numbers = #tpu.dot_dimension_numbers<[1], [0], [0], [1], [0, 0, 1, 1], [], []>, transpose_lhs_hint = false} : vector<2000x128xf32>, vector<128x64xf32>, vector<2000x64xf32> -> vector<2000x64xf32>
    %swap3A = arith.constant 0 : index
    %swap3A_6 = arith.constant 0 : index
    %swap3A_7 = vector.load %arg3[%swap3A, %swap3A_6] : memref<2000x64xf32, #tpu.memory_space<vmem>>, vector<2000x64xf32>
    tpu.vector_store %arg3[%swap3A, %swap3A_6], %dot_general3A_5 {strides = array<i32>} : memref<2000x64xf32, #tpu.memory_space<vmem>>, vector<2000x64xf32>,
    return
  }
  func.func @transform_0(%arg0: i32) -> (i32, i32) {
    %c0_i32 = arith.constant 0 : i32
    %c0_i32_0 = arith.constant 0 : i32
    return %arg0, %c0_i32 : i32, i32
  }
  func.func @transform_1(%arg0: i32) -> (i32, i32) {
    %c0_i32 = arith.constant 0 : i32
    %c0_i32_0 = arith.constant 0 : i32
    %c0_i32_1 = arith.constant 0 : i32
    return %c0_i32, %c0_i32_0 : i32, i32
  }
  func.func @transform_2(%arg0: i32) -> (i32, i32) {
    %c0_i32 = arith.constant 0 : i32
    %c0_i32_0 = arith.constant 0 : i32
    return %arg0, %c0_i32 : i32, i32
  }
}

module attributes {stable_mosaic.version = 14 : i64} {
  func.func @_prep_body(%arg0: i32, %arg1: memref<2x36864xi32, #tpu.memory_space<vmem>>, %arg2: memref<2x288x128xi32, #tpu.memory_space<vmem>>) attributes {dimension_semantics = [#tpu.dimension_semantics<arbitrary>], iteration_bounds = array<i64: 9>, scalar_prefetch = 0 : i64, scratch_operands = 0 : i64, tpu.core_type = #tpu.core_type<tc>, window_params = [{transform_indices = @transform_0, window_bounds = array<i64: 2, 36864>}, {transform_indices = @transform_1, window_bounds = array<i64: 2, 288, 128>}]} {
    %get3A = arith.constant 0 : index
    %get3A_0 = arith.constant 0 : index
    %get3A_1 = vector.load %arg1[%get3A, %get3A_0] : memref<2x36864xi32, #tpu.memory_space<vmem>>, vector<2x36864xi32>
    %slice3A = vector.extract_strided_slice %get3A_1 {offsets = [0, 0], sizes = [1, 36864], strides = [1, 1]} : vector<2x36864xi32> to vector<1x36864xi32>
    %squeeze3A = vector.shape_cast %slice3A : vector<1x36864xi32> to vector<36864xi32>
    %reshape3A = vector.shape_cast %squeeze3A : vector<36864xi32> to vector<288x128xi32>
    %slice3A_2 = vector.extract_strided_slice %get3A_1 {offsets = [1, 0], sizes = [1, 36864], strides = [1, 1]} : vector<2x36864xi32> to vector<1x36864xi32>
    %squeeze3A_3 = vector.shape_cast %slice3A_2 : vector<1x36864xi32> to vector<36864xi32>
    %reshape3A_4 = vector.shape_cast %squeeze3A_3 : vector<36864xi32> to vector<288x128xi32>
    %mul3A = arith.constant 36864 : i32
    %mul3A_5 = arith.muli %arg0, %mul3A : i32
    %iota3A = tpu.iota {dimensions = array<i32: 0>} : vector<288x128xi32>
    %mul3A_6 = arith.constant 128 : i32
    %mul3A_7 = vector.broadcast %mul3A_6 : i32 to vector<288x128xi32>
    %mul3A_8 = arith.muli %iota3A, %mul3A_7 : vector<288x128xi32>
    %add3A = vector.broadcast %mul3A_5 : i32 to vector<288x128xi32>
    %add3A_9 = arith.addi %add3A, %mul3A_8 : vector<288x128xi32>
    %iota3A_10 = tpu.iota {dimensions = array<i32: 1>} : vector<288x128xi32>
    %add3A_11 = arith.addi %add3A_9, %iota3A_10 : vector<288x128xi32>
    %swap3A = arith.constant 0 : index
    %swap3A_12 = arith.constant 0 : index
    %swap3A_13 = arith.constant 0 : index
    %swap3A_14 = vector.load %arg2[%swap3A, %swap3A_12, %swap3A_13] : memref<2x288x128xi32, #tpu.memory_space<vmem>>, vector<1x288x128xi32>
    %swap3A_15 = vector.shape_cast %swap3A_14 : vector<1x288x128xi32> to vector<288x128xi32>
    %swap3A_16 = vector.shape_cast %reshape3A : vector<288x128xi32> to vector<1x288x128xi32>
    tpu.vector_store %arg2[%swap3A, %swap3A_12, %swap3A_13], %swap3A_16 {strides = array<i32>} : memref<2x288x128xi32, #tpu.memory_space<vmem>>, vector<1x288x128xi32>,
    %ge3A = arith.constant 320000 : i32
    %ge3A_17 = vector.broadcast %ge3A : i32 to vector<288x128xi32>
    %ge3A_18 = arith.cmpi sge, %add3A_11, %ge3A_17 : vector<288x128xi32>
    %jit3A = arith.constant 10000 : i32
    %broadcast_in_dim3A = vector.broadcast %jit3A : i32 to vector<288x128xi32>
    %select_n3A = arith.select %ge3A_18, %broadcast_in_dim3A, %reshape3A_4 : vector<288x128xi1>, vector<288x128xi32>
    %swap3A_19 = arith.constant 1 : index
    %swap3A_20 = arith.constant 0 : index
    %swap3A_21 = arith.constant 0 : index
    %swap3A_22 = vector.load %arg2[%swap3A_19, %swap3A_20, %swap3A_21] : memref<2x288x128xi32, #tpu.memory_space<vmem>>, vector<1x288x128xi32>
    %swap3A_23 = vector.shape_cast %swap3A_22 : vector<1x288x128xi32> to vector<288x128xi32>
    %swap3A_24 = vector.shape_cast %select_n3A : vector<288x128xi32> to vector<1x288x128xi32>
    tpu.vector_store %arg2[%swap3A_19, %swap3A_20, %swap3A_21], %swap3A_24 {strides = array<i32>} : memref<2x288x128xi32, #tpu.memory_space<vmem>>, vector<1x288x128xi32>,
    return
  }
  func.func @transform_0(%arg0: i32) -> (i32, i32) {
    %c0_i32 = arith.constant 0 : i32
    %c0_i32_0 = arith.constant 0 : i32
    return %c0_i32, %arg0 : i32, i32
  }
  func.func @transform_1(%arg0: i32) -> (i32, i32, i32) {
    %c0_i32 = arith.constant 0 : i32
    %c0_i32_0 = arith.constant 0 : i32
    %c0_i32_1 = arith.constant 0 : i32
    return %c0_i32, %arg0, %c0_i32_0 : i32, i32, i32
  }
}

module attributes {stable_mosaic.version = 14 : i64} {
  func.func @_scale_body(%arg0: i32, %arg1: memref<2000x64xf32, #tpu.memory_space<vmem>>, %arg2: memref<2x2000x16xf32, #tpu.memory_space<vmem>>, %arg3: memref<2000x64xf32, #tpu.memory_space<vmem>>) attributes {dimension_semantics = [#tpu.dimension_semantics<arbitrary>], iteration_bounds = array<i64: 5>, scalar_prefetch = 0 : i64, scratch_operands = 0 : i64, tpu.core_type = #tpu.core_type<tc>, window_params = [{transform_indices = @transform_0, window_bounds = array<i64: 2000, 64>}, {transform_indices = @transform_1, window_bounds = array<i64: 2, 2000, 16>}, {transform_indices = @transform_2, window_bounds = array<i64: 2000, 64>}]} {
    %get3A = arith.constant 0 : index
    %get3A_0 = arith.constant 0 : index
    %get3A_1 = vector.load %arg1[%get3A, %get3A_0] : memref<2000x64xf32, #tpu.memory_space<vmem>>, vector<2000x64xf32>
    %get3A_2 = arith.constant 0 : index
    %get3A_3 = arith.constant 0 : index
    %get3A_4 = arith.constant 0 : index
    %get3A_5 = vector.load %arg2[%get3A_2, %get3A_3, %get3A_4] : memref<2x2000x16xf32, #tpu.memory_space<vmem>>, vector<2x2000x16xf32>
    %slice3A = vector.extract_strided_slice %get3A_5 {offsets = [0, 0, 0], sizes = [1, 2000, 1], strides = [1, 1, 1]} : vector<2x2000x16xf32> to vector<1x2000x1xf32>
    %squeeze3A = vector.shape_cast %slice3A : vector<1x2000x1xf32> to vector<2000x1xf32>
    %slice3A_6 = vector.extract_strided_slice %get3A_5 {offsets = [1, 0, 0], sizes = [1, 2000, 1], strides = [1, 1, 1]} : vector<2x2000x16xf32> to vector<1x2000x1xf32>
    %squeeze3A_7 = vector.shape_cast %slice3A_6 : vector<1x2000x1xf32> to vector<2000x1xf32>
    %add3A = arith.addf %squeeze3A, %squeeze3A_7 : vector<2000x1xf32>
    %add3A_8 = arith.constant 1.000000e+00 : f32
    %add3A_9 = vector.broadcast %add3A_8 : f32 to vector<2000x1xf32>
    %add3A_10 = arith.addf %add3A, %add3A_9 : vector<2000x1xf32>
    %rsqrt3A = math.rsqrt %add3A_10 : vector<2000x1xf32>
    %mul3A = vector.broadcast %rsqrt3A : vector<2000x1xf32> to vector<2000x64xf32>
    %mul3A_11 = arith.mulf %get3A_1, %mul3A : vector<2000x64xf32>
    %swap3A = arith.constant 0 : index
    %swap3A_12 = arith.constant 0 : index
    %swap3A_13 = vector.load %arg3[%swap3A, %swap3A_12] : memref<2000x64xf32, #tpu.memory_space<vmem>>, vector<2000x64xf32>
    tpu.vector_store %arg3[%swap3A, %swap3A_12], %mul3A_11 {strides = array<i32>} : memref<2000x64xf32, #tpu.memory_space<vmem>>, vector<2000x64xf32>,
    return
  }
  func.func @transform_0(%arg0: i32) -> (i32, i32) {
    %c0_i32 = arith.constant 0 : i32
    %c0_i32_0 = arith.constant 0 : i32
    return %arg0, %c0_i32 : i32, i32
  }
  func.func @transform_1(%arg0: i32) -> (i32, i32, i32) {
    %c0_i32 = arith.constant 0 : i32
    %c0_i32_0 = arith.constant 0 : i32
    %c0_i32_1 = arith.constant 0 : i32
    return %c0_i32, %arg0, %c0_i32_0 : i32, i32, i32
  }
  func.func @transform_2(%arg0: i32) -> (i32, i32) {
    %c0_i32 = arith.constant 0 : i32
    %c0_i32_0 = arith.constant 0 : i32
    return %arg0, %c0_i32 : i32, i32
  }
}

module attributes {stable_mosaic.version = 14 : i64} {
  func.func @_mid_body(%arg0: i32, %arg1: memref<2x2000x64xf32, #tpu.memory_space<vmem>>, %arg2: memref<2000x64xf32, #tpu.memory_space<vmem>>, %arg3: memref<2x2000x16xf32, #tpu.memory_space<vmem>>, %arg4: memref<1x64xf32, #tpu.memory_space<vmem>>, %arg5: memref<64x48xf32, #tpu.memory_space<vmem>>, %arg6: memref<2000x48xf32, #tpu.memory_space<vmem>>) attributes {dimension_semantics = [#tpu.dimension_semantics<arbitrary>], iteration_bounds = array<i64: 5>, scalar_prefetch = 0 : i64, scratch_operands = 0 : i64, tpu.core_type = #tpu.core_type<tc>, window_params = [{transform_indices = @transform_0, window_bounds = array<i64: 2, 2000, 64>}, {transform_indices = @transform_1, window_bounds = array<i64: 2000, 64>}, {transform_indices = @transform_2, window_bounds = array<i64: 2, 2000, 16>}, {pipeline_mode = #tpu.pipeline_mode<synchronous>, transform_indices = @transform_3, window_bounds = array<i64: 1, 64>}, {pipeline_mode = #tpu.pipeline_mode<synchronous>, transform_indices = @transform_4, window_bounds = array<i64: 64, 48>}, {transform_indices = @transform_5, window_bounds = array<i64: 2000, 48>}]} {
    %get3A = arith.constant 0 : index
    %get3A_0 = arith.constant 0 : index
    %get3A_1 = arith.constant 0 : index
    %get3A_2 = vector.load %arg3[%get3A, %get3A_0, %get3A_1] : memref<2x2000x16xf32, #tpu.memory_space<vmem>>, vector<2x2000x16xf32>
    %slice3A = vector.extract_strided_slice %get3A_2 {offsets = [0, 0, 0], sizes = [1, 2000, 1], strides = [1, 1, 1]} : vector<2x2000x16xf32> to vector<1x2000x1xf32>
    %squeeze3A = vector.shape_cast %slice3A : vector<1x2000x1xf32> to vector<2000x1xf32>
    %slice3A_3 = vector.extract_strided_slice %get3A_2 {offsets = [1, 0, 0], sizes = [1, 2000, 1], strides = [1, 1, 1]} : vector<2x2000x16xf32> to vector<1x2000x1xf32>
    %squeeze3A_4 = vector.shape_cast %slice3A_3 : vector<1x2000x1xf32> to vector<2000x1xf32>
    %add3A = arith.addf %squeeze3A, %squeeze3A_4 : vector<2000x1xf32>
    %add3A_5 = arith.constant 1.000000e+00 : f32
    %add3A_6 = vector.broadcast %add3A_5 : f32 to vector<2000x1xf32>
    %add3A_7 = arith.addf %add3A, %add3A_6 : vector<2000x1xf32>
    %rsqrt3A = math.rsqrt %add3A_7 : vector<2000x1xf32>
    %get3A_8 = arith.constant 0 : index
    %get3A_9 = arith.constant 0 : index
    %get3A_10 = arith.constant 0 : index
    %get3A_11 = vector.load %arg1[%get3A_8, %get3A_9, %get3A_10] : memref<2x2000x64xf32, #tpu.memory_space<vmem>>, vector<2x2000x64xf32>
    %slice3A_12 = vector.extract_strided_slice %get3A_11 {offsets = [0, 0, 0], sizes = [1, 2000, 64], strides = [1, 1, 1]} : vector<2x2000x64xf32> to vector<1x2000x64xf32>
    %squeeze3A_13 = vector.shape_cast %slice3A_12 : vector<1x2000x64xf32> to vector<2000x64xf32>
    %slice3A_14 = vector.extract_strided_slice %get3A_11 {offsets = [1, 0, 0], sizes = [1, 2000, 64], strides = [1, 1, 1]} : vector<2x2000x64xf32> to vector<1x2000x64xf32>
    %squeeze3A_15 = vector.shape_cast %slice3A_14 : vector<1x2000x64xf32> to vector<2000x64xf32>
    %add3A_16 = arith.addf %squeeze3A_13, %squeeze3A_15 : vector<2000x64xf32>
    %get3A_17 = arith.constant 0 : index
    %get3A_18 = arith.constant 0 : index
    %get3A_19 = vector.load %arg2[%get3A_17, %get3A_18] : memref<2000x64xf32, #tpu.memory_space<vmem>>, vector<2000x64xf32>
    %add3A_20 = arith.addf %add3A_16, %get3A_19 : vector<2000x64xf32>
    %mul3A = vector.broadcast %rsqrt3A : vector<2000x1xf32> to vector<2000x64xf32>
    %mul3A_21 = arith.mulf %mul3A, %add3A_20 : vector<2000x64xf32>
    %get3A_22 = arith.constant 0 : index
    %get3A_23 = arith.constant 0 : index
    %get3A_24 = vector.load %arg4[%get3A_22, %get3A_23] : memref<1x64xf32, #tpu.memory_space<vmem>>, vector<1x64xf32>
    %add3A_25 = vector.broadcast %get3A_24 : vector<1x64xf32> to vector<2000x64xf32>
    %add3A_26 = arith.addf %mul3A_21, %add3A_25 : vector<2000x64xf32>
    %max3A = arith.constant 0.000000e+00 : f32
    %max3A_27 = vector.broadcast %max3A : f32 to vector<2000x64xf32>
    %max3A_28 = arith.maximumf %add3A_26, %max3A_27 : vector<2000x64xf32>
    %get3A_29 = arith.constant 0 : index
    %get3A_30 = arith.constant 0 : index
    %get3A_31 = vector.load %arg5[%get3A_29, %get3A_30] : memref<64x48xf32, #tpu.memory_space<vmem>>, vector<64x48xf32>
    %dot_general3A = arith.constant dense<0.000000e+00> : vector<2000x48xf32>
    %dot_general3A_32 = tpu.matmul %max3A_28, %get3A_31, %dot_general3A {dimension_numbers = #tpu.dot_dimension_numbers<[1], [0], [0], [1], [0, 0, 1, 1], [], []>, transpose_lhs_hint = false} : vector<2000x64xf32>, vector<64x48xf32>, vector<2000x48xf32> -> vector<2000x48xf32>
    %mul3A_33 = vector.broadcast %rsqrt3A : vector<2000x1xf32> to vector<2000x48xf32>
    %mul3A_34 = arith.mulf %dot_general3A_32, %mul3A_33 : vector<2000x48xf32>
    %swap3A = arith.constant 0 : index
    %swap3A_35 = arith.constant 0 : index
    %swap3A_36 = vector.load %arg6[%swap3A, %swap3A_35] : memref<2000x48xf32, #tpu.memory_space<vmem>>, vector<2000x48xf32>
    tpu.vector_store %arg6[%swap3A, %swap3A_35], %mul3A_34 {strides = array<i32>} : memref<2000x48xf32, #tpu.memory_space<vmem>>, vector<2000x48xf32>,
    return
  }
  func.func @transform_0(%arg0: i32) -> (i32, i32, i32) {
    %c0_i32 = arith.constant 0 : i32
    %c0_i32_0 = arith.constant 0 : i32
    %c0_i32_1 = arith.constant 0 : i32
    return %c0_i32, %arg0, %c0_i32_0 : i32, i32, i32
  }
  func.func @transform_1(%arg0: i32) -> (i32, i32) {
    %c0_i32 = arith.constant 0 : i32
    %c0_i32_0 = arith.constant 0 : i32
    return %arg0, %c0_i32 : i32, i32
  }
  func.func @transform_2(%arg0: i32) -> (i32, i32, i32) {
    %c0_i32 = arith.constant 0 : i32
    %c0_i32_0 = arith.constant 0 : i32
    %c0_i32_1 = arith.constant 0 : i32
    return %c0_i32, %arg0, %c0_i32_0 : i32, i32, i32
  }
  func.func @transform_3(%arg0: i32) -> (i32, i32) {
    %c0_i32 = arith.constant 0 : i32
    %c0_i32_0 = arith.constant 0 : i32
    %c0_i32_1 = arith.constant 0 : i32
    return %c0_i32, %c0_i32_0 : i32, i32
  }
  func.func @transform_4(%arg0: i32) -> (i32, i32) {
    %c0_i32 = arith.constant 0 : i32
    %c0_i32_0 = arith.constant 0 : i32
    %c0_i32_1 = arith.constant 0 : i32
    return %c0_i32, %c0_i32_0 : i32, i32
  }
  func.func @transform_5(%arg0: i32) -> (i32, i32) {
    %c0_i32 = arith.constant 0 : i32
    %c0_i32_0 = arith.constant 0 : i32
    return %arg0, %c0_i32 : i32, i32
  }
}

module attributes {stable_mosaic.version = 14 : i64} {
  func.func @_post_body(%arg0: i32, %arg1: memref<2x2000x48xf32, #tpu.memory_space<vmem>>, %arg2: memref<2000x48xf32, #tpu.memory_space<vmem>>, %arg3: memref<2x2000x16xf32, #tpu.memory_space<vmem>>, %arg4: memref<1x48xf32, #tpu.memory_space<vmem>>, %arg5: memref<2000x40xf32, #tpu.memory_space<vmem>>) attributes {dimension_semantics = [#tpu.dimension_semantics<arbitrary>], iteration_bounds = array<i64: 5>, scalar_prefetch = 0 : i64, scratch_operands = 0 : i64, tpu.core_type = #tpu.core_type<tc>, window_params = [{transform_indices = @transform_0, window_bounds = array<i64: 2, 2000, 48>}, {transform_indices = @transform_1, window_bounds = array<i64: 2000, 48>}, {transform_indices = @transform_2, window_bounds = array<i64: 2, 2000, 16>}, {pipeline_mode = #tpu.pipeline_mode<synchronous>, transform_indices = @transform_3, window_bounds = array<i64: 1, 48>}, {transform_indices = @transform_4, window_bounds = array<i64: 2000, 40>}]} {
    %get3A = arith.constant 0 : index
    %get3A_0 = arith.constant 0 : index
    %get3A_1 = arith.constant 0 : index
    %get3A_2 = vector.load %arg3[%get3A, %get3A_0, %get3A_1] : memref<2x2000x16xf32, #tpu.memory_space<vmem>>, vector<2x2000x16xf32>
    %slice3A = vector.extract_strided_slice %get3A_2 {offsets = [0, 0, 0], sizes = [1, 2000, 1], strides = [1, 1, 1]} : vector<2x2000x16xf32> to vector<1x2000x1xf32>
    %squeeze3A = vector.shape_cast %slice3A : vector<1x2000x1xf32> to vector<2000x1xf32>
    %slice3A_3 = vector.extract_strided_slice %get3A_2 {offsets = [1, 0, 0], sizes = [1, 2000, 1], strides = [1, 1, 1]} : vector<2x2000x16xf32> to vector<1x2000x1xf32>
    %squeeze3A_4 = vector.shape_cast %slice3A_3 : vector<1x2000x1xf32> to vector<2000x1xf32>
    %add3A = arith.addf %squeeze3A, %squeeze3A_4 : vector<2000x1xf32>
    %add3A_5 = arith.constant 1.000000e+00 : f32
    %add3A_6 = vector.broadcast %add3A_5 : f32 to vector<2000x1xf32>
    %add3A_7 = arith.addf %add3A, %add3A_6 : vector<2000x1xf32>
    %rsqrt3A = math.rsqrt %add3A_7 : vector<2000x1xf32>
    %get3A_8 = arith.constant 0 : index
    %get3A_9 = arith.constant 0 : index
    %get3A_10 = arith.constant 0 : index
    %get3A_11 = vector.load %arg1[%get3A_8, %get3A_9, %get3A_10] : memref<2x2000x48xf32, #tpu.memory_space<vmem>>, vector<2x2000x48xf32>
    %slice3A_12 = vector.extract_strided_slice %get3A_11 {offsets = [0, 0, 0], sizes = [1, 2000, 48], strides = [1, 1, 1]} : vector<2x2000x48xf32> to vector<1x2000x48xf32>
    %squeeze3A_13 = vector.shape_cast %slice3A_12 : vector<1x2000x48xf32> to vector<2000x48xf32>
    %slice3A_14 = vector.extract_strided_slice %get3A_11 {offsets = [1, 0, 0], sizes = [1, 2000, 48], strides = [1, 1, 1]} : vector<2x2000x48xf32> to vector<1x2000x48xf32>
    %squeeze3A_15 = vector.shape_cast %slice3A_14 : vector<1x2000x48xf32> to vector<2000x48xf32>
    %add3A_16 = arith.addf %squeeze3A_13, %squeeze3A_15 : vector<2000x48xf32>
    %get3A_17 = arith.constant 0 : index
    %get3A_18 = arith.constant 0 : index
    %get3A_19 = vector.load %arg2[%get3A_17, %get3A_18] : memref<2000x48xf32, #tpu.memory_space<vmem>>, vector<2000x48xf32>
    %add3A_20 = arith.addf %add3A_16, %get3A_19 : vector<2000x48xf32>
    %mul3A = vector.broadcast %rsqrt3A : vector<2000x1xf32> to vector<2000x48xf32>
    %mul3A_21 = arith.mulf %mul3A, %add3A_20 : vector<2000x48xf32>
    %get3A_22 = arith.constant 0 : index
    %get3A_23 = arith.constant 0 : index
    %get3A_24 = vector.load %arg4[%get3A_22, %get3A_23] : memref<1x48xf32, #tpu.memory_space<vmem>>, vector<1x48xf32>
    %add3A_25 = vector.broadcast %get3A_24 : vector<1x48xf32> to vector<2000x48xf32>
    %add3A_26 = arith.addf %mul3A_21, %add3A_25 : vector<2000x48xf32>
    %slice3A_27 = vector.extract_strided_slice %add3A_26 {offsets = [0, 0], sizes = [2000, 40], strides = [1, 1]} : vector<2000x48xf32> to vector<2000x40xf32>
    %reduce_max3A = arith.constant dense<0xFF800000> : vector<2000xf32>
    %reduce_max3A_28 = vector.multi_reduction <maximumf>, %slice3A_27, %reduce_max3A [1] : vector<2000x40xf32> to vector<2000xf32>
    %broadcast_in_dim3A = vector.shape_cast %reduce_max3A_28 : vector<2000xf32> to vector<2000x1xf32>
    %sub3A = vector.broadcast %broadcast_in_dim3A : vector<2000x1xf32> to vector<2000x40xf32>
    %sub3A_29 = arith.subf %slice3A_27, %sub3A : vector<2000x40xf32>
    %exp3A = math.exp %sub3A_29 : vector<2000x40xf32>
    %sub3A_30 = vector.broadcast %broadcast_in_dim3A : vector<2000x1xf32> to vector<2000x40xf32>
    %sub3A_31 = arith.subf %slice3A_27, %sub3A_30 : vector<2000x40xf32>
    %reduce_sum3A = arith.constant dense<0.000000e+00> : vector<2000xf32>
    %reduce_sum3A_32 = vector.multi_reduction <add>, %exp3A, %reduce_sum3A [1] : vector<2000x40xf32> to vector<2000xf32>
    %broadcast_in_dim3A_33 = vector.shape_cast %reduce_sum3A_32 : vector<2000xf32> to vector<2000x1xf32>
    %log3A = math.log %broadcast_in_dim3A_33 : vector<2000x1xf32>
    %sub3A_34 = vector.broadcast %log3A : vector<2000x1xf32> to vector<2000x40xf32>
    %sub3A_35 = arith.subf %sub3A_31, %sub3A_34 : vector<2000x40xf32>
    %swap3A = arith.constant 0 : index
    %swap3A_36 = arith.constant 0 : index
    %swap3A_37 = vector.load %arg5[%swap3A, %swap3A_36] : memref<2000x40xf32, #tpu.memory_space<vmem>>, vector<2000x40xf32>
    tpu.vector_store %arg5[%swap3A, %swap3A_36], %sub3A_35 {strides = array<i32>} : memref<2000x40xf32, #tpu.memory_space<vmem>>, vector<2000x40xf32>,
    return
  }
  func.func @transform_0(%arg0: i32) -> (i32, i32, i32) {
    %c0_i32 = arith.constant 0 : i32
    %c0_i32_0 = arith.constant 0 : i32
    %c0_i32_1 = arith.constant 0 : i32
    return %c0_i32, %arg0, %c0_i32_0 : i32, i32, i32
  }
  func.func @transform_1(%arg0: i32) -> (i32, i32) {
    %c0_i32 = arith.constant 0 : i32
    %c0_i32_0 = arith.constant 0 : i32
    return %arg0, %c0_i32 : i32, i32
  }
  func.func @transform_2(%arg0: i32) -> (i32, i32, i32) {
    %c0_i32 = arith.constant 0 : i32
    %c0_i32_0 = arith.constant 0 : i32
    %c0_i32_1 = arith.constant 0 : i32
    return %c0_i32, %arg0, %c0_i32_0 : i32, i32, i32
  }
  func.func @transform_3(%arg0: i32) -> (i32, i32) {
    %c0_i32 = arith.constant 0 : i32
    %c0_i32_0 = arith.constant 0 : i32
    %c0_i32_1 = arith.constant 0 : i32
    return %c0_i32, %c0_i32_0 : i32, i32
  }
  func.func @transform_4(%arg0: i32) -> (i32, i32) {
    %c0_i32 = arith.constant 0 : i32
    %c0_i32_0 = arith.constant 0 : i32
    return %arg0, %c0_i32 : i32, i32
  }
}

</mosaic_0001>

<sc_bundles>
// kernel: kernel.10.cloned.1.call-start
scs
__scs_entry_jumppad:
0x0: {  	(pc) =	sbr.rel $0x88, $3  }
0x1: {  	(tag) =	ssettag $0x0;
	lr =	simm.s32 $0x1  }
0x2: {  	[smem:$0x3F9B] =	sst lr;
	_ =	strace $0xD0000000  }
0x3: {  	_ = 	snop  }
0x4: {  	_ = 	snop  }
0x5: {  	_ = 	snop  }
0x6: {  	_ = 	snop  }
0x7: {  	_ = 	snop  }
__scs_overlays_trampoline_lowered:
0x8: {  	[smem:$0x3FAA] =	sst s0  }
0x9: {  	[smem:$0x3FAB] =	sst s1  }
0xa: {  	[smem:$0x3FAC] =	sst s2  }
0xb: {  	[smem:$0x3FAD] =	sst s3  }
0xc: {  	[smem:$0x3FAE] =	sst s4  }
0xd: {  	[smem:$0x3FAF] =	sst s5  }
0xe: {  	[smem:$0x3FB0] =	sst s6  }
0xf: {  	[smem:$0x3FB1] =	sst s7  }
0x10: {  	[smem:$0x3FB2] =	sst s8  }
0x11: {  	[smem:$0x3FB3] =	sst s9;
	s0 =	simm.s32 @!p0 $0x0  }
0x12: {  	s1 =	sld [smem:$0x3F99];
	s0 =	simm.s32 @p0 $0x1  }
0x13: {  	[smem:$0x3FB4] =	sst s0;
	s0 =	simm.s32 @!p1 $0x0  }
0x14: {  	s2 =	sld [smem:$0x3F98];
	s0 =	simm.s32 @p1 $0x1  }
0x15: {  	[smem:$0x3FB5] =	sst s0;
	s0 =	simm.s32 @!p2 $0x0  }
0x16: {  	s3 =	sld [smem:$0x3FDB];
	s0 =	simm.s32 @p2 $0x1  }
0x17: {  	s4 =	simm.s32 $0x1BF5;
	[smem:$0x3FB7] =	sst s0  }
0x18: {  	s0 =	sld [smem:$0x3F9A];
	_ =	swait.ge [sflag:s4], $0x0  }
0x19: {  	s7 =	sld [smem:$0x3F9B]  }
0x1a: {  	s8 =	sadd.s32 $0xFFFFE003, lr  }
0x1b: {  	s9 =	sadd.s32 $0xFFFFFEF7, lr;
	s5 =	simm.s32 $0xFFFFFFFF;
	p2 =	slt.u32 s8, $0xFFFFF086  }
0x1c: {  	p1 =	slt.u32 s9, $0xF7A;
	s5 =	simm.s32 @!p2 $0x0  }
0x1d: {  	s5 =	simm.s32 @p1 $0x1;
	p0 =	seq.s32 s7, s2  }
0x1e: {  	s7 =	smul.u32 @!p0 $0xF7A, s2;
	p2 =	seq.s32 @!p0 s5, $0x0  }
0x1f: {  	s9 =	smul.u32 $0xF7A, s1;
	s8 =	simm.s32 @!p0 $0x1BF5;
	p2 =	por !p2, p0  }
0x20: {  	[sflag:s8] =	ssyncset.s32 @!p0 $0xFFFFF086;
	s6 =	sadd.s32 @!p0 s3, s7;
	s7 =	simm.s32 @!p0 $0x108  }
0x21: {  	s3 =	sadd.s32 s3, s9;
	s6 =	sadd.s32 @!p0 $0x88, s6;
	s7 =	simm.s32 @p2 $0x1082  }
0x22: {  	[simem:s7], [sflag:s8] =	dma.local @!p0 [hbm:s6], $0xF7A  }
0x23: {  	s9 =	sor.u32 $0xD0000000, s2;
	s6 =	simm.s32 $0x108;
	_ =	swait.ge @!p0 [sflag:s8], $0x0  }
0x24: {  	s3 =	sadd.s32 $0x88, s3;
	s6 =	simm.s32 @!p1 $0x1082;
	[sflag:s4] =	ssyncset.s32 $0xFFFFF086  }
0x25: {  	[simem:s6], [sflag:s4] =	dma.local [hbm:s3], $0xF7A  }
0x26: {  	[smem:$0x3F9B] =	sst s1;
	(tag) =	ssettag s2;
	_ =	strace s9  }
0x27: {  	s1 =	sld [smem:$0x3FAB]  }
0x28: {  	s2 =	sld [smem:$0x3FAC]  }
0x29: {  	s4 =	sld [smem:$0x3FAE]  }
0x2a: {  	p0 =	seq.s32 s5, $0x0;
	s5 =	sld [smem:$0x3FAF]  }
0x2b: {  	s6 =	sld [smem:$0x3FB0]  }
0x2c: {  	s7 =	sld [smem:$0x3FB1]  }
0x2d: {  	s3 =	simm.s32 $0x108;
	s8 =	sld [smem:$0x3FB2]  }
0x2e: {  	s3 =	simm.s32 @!p0 $0x1082;
	s9 =	sld [smem:$0x3FB3]  }
0x2f: {  	lr =	sadd.s32 s0, s3;
	s0 =	sld [smem:$0x3FAA]  }
0x30: {  	s3 =	sld [smem:$0x3FAD]  }
0x31: {  	[smem:$0x3FB6] =	sst s10  }
0x32: {  	s10 =	sld [smem:$0x3FB4];
	_ =	sdelay $0x3  }
0x33: {  	p0 =	seq.s32 s10, $0x1;
	s10 =	sld [smem:$0x3FB6];
	_ =	sdelay $0x3  }
0x34: {  	[smem:$0x3FB6] =	sst s10  }
0x35: {  	s10 =	sld [smem:$0x3FB5];
	_ =	sdelay $0x3  }
0x36: {  	p1 =	seq.s32 s10, $0x1;
	s10 =	sld [smem:$0x3FB6];
	_ =	sdelay $0x3  }
0x37: {  	[smem:$0x3FB6] =	sst s10  }
0x38: {  	s10 =	sld [smem:$0x3FB7]  }
0x39: {  	_ = 	snop;
	(pc) =	sbr.ind lr, $3  }
0x3a: {  	_ = 	snop  }
0x3b: {  	_ = 	snop  }
0x3c: {  	p2 =	seq.s32 s10, $0x1;
	s10 =	sld [smem:$0x3FB6]  }
0x3d: {  	_ =	shalt  }
0x3e: {  	_ =	shalt  }
0x3f: {  	_ =	shalt  }
0x40: {  	_ =	shalt  }
0x41: {  	_ =	shalt  }
0x42: {  	_ =	shalt  }
0x43: {  	_ =	shalt  }
0x44: {  	_ =	shalt  }
0x45: {  	_ =	shalt  }
0x46: {  	_ =	shalt  }
0x47: {  	_ =	shalt  }
0x48: {  	_ =	shalt  }
0x49: {  	_ =	shalt  }
0x4a: {  	_ =	shalt  }
0x4b: {  	_ =	shalt  }
0x4c: {  	_ =	shalt  }
0x4d: {  	_ =	shalt  }
0x4e: {  	_ =	shalt  }
0x4f: {  	_ =	shalt  }
0x50: {  	_ =	shalt  }
0x51: {  	_ =	shalt  }
0x52: {  	_ =	shalt  }
0x53: {  	_ =	shalt  }
0x54: {  	_ =	shalt  }
0x55: {  	_ =	shalt  }
0x56: {  	_ =	shalt  }
0x57: {  	_ =	shalt  }
0x58: {  	_ =	shalt  }
0x59: {  	_ =	shalt  }
0x5a: {  	_ =	shalt  }
0x5b: {  	_ =	shalt  }
0x5c: {  	_ =	shalt  }
0x5d: {  	_ =	shalt  }
0x5e: {  	_ =	shalt  }
0x5f: {  	_ =	shalt  }
0x60: {  	_ =	shalt  }
0x61: {  	_ =	shalt  }
0x62: {  	_ =	shalt  }
0x63: {  	_ =	shalt  }
0x64: {  	_ =	shalt  }
0x65: {  	_ =	shalt  }
0x66: {  	_ =	shalt  }
0x67: {  	_ =	shalt  }
0x68: {  	_ =	shalt  }
0x69: {  	_ =	shalt  }
0x6a: {  	_ =	shalt  }
0x6b: {  	_ =	shalt  }
0x6c: {  	_ =	shalt  }
0x6d: {  	_ =	shalt  }
0x6e: {  	_ =	shalt  }
0x6f: {  	_ =	shalt  }
0x70: {  	_ =	shalt  }
0x71: {  	_ =	shalt  }
0x72: {  	_ =	shalt  }
0x73: {  	_ =	shalt  }
0x74: {  	_ =	shalt  }
0x75: {  	_ =	shalt  }
0x76: {  	_ =	shalt  }
0x77: {  	_ =	shalt  }
0x78: {  	_ =	shalt  }
0x79: {  	_ =	shalt  }
0x7a: {  	_ =	shalt  }
0x7b: {  	_ =	shalt  }
0x7c: {  	_ =	shalt  }
0x7d: {  	_ =	shalt  }
0x7e: {  	_ =	shalt  }
0x7f: {  	_ =	shalt  }
0x80: {  	_ =	shalt  }
0x81: {  	_ =	shalt  }
0x82: {  	_ =	shalt  }
0x83: {  	_ =	shalt  }
0x84: {  	_ =	shalt  }
0x85: {  	_ =	shalt  }
0x86: {  	_ =	shalt  }
0x87: {  	_ =	shalt  }
.Lfunc_end0:
.L_simem_size_0:
called_computation_lowered:
.L_overlay_start_0:
0x88: {  	s2 =	sld [smem:$0x3FD9]  }
0x89: {  	s3 =	sld [smem:$0x3FFE];
	_ =	sdelay $0x1  }
0x8a: {  	s1 =	srdreg.scid  }
0x8b: {  	s0 =	sand.u32 $0x1, s1  }
0x8c: {  	s17 =	sshll.u32 s0, $0xA;
	s2 =	sadd.s32 s3, s2  }
0x8d: {  	s2 =	sadd.s32 s2, s17  }
0x8e: {  	[smem:$0x3FC2] =	sst s2  }
0x8f: {  	_ = 	snop  }
0x90: {  	s2 =	sld [smem:$0x3FD0];
	(tm) =	ssettm $0x1  }
0x91: {  	s18 =	sld [smem:$0x3FFB];
	_ =	sdelay $0x3  }
0x92: {  	_ =	strace s18  }
0x93: {  	s3 =	sld [smem:$0x3FFC];
	_ =	sdelay $0x3  }
0x94: {  	_ =	strace s3  }
0x95: {  	s3 =	sld [smem:$0x3FFD];
	_ =	sdelay $0x3  }
0x96: {  	_ =	strace s3  }
0x97: {  	_ =	strace $0x8FFFFFFF  }
0x98: {  	s19 =	sld [smem:$0x3FDB];
	_ =	sdelay $0x1  }
0x99: {  	s4 =	simm.s32 $_scs_section_size  }
0x9a: {  	s5 =	simm.s32 $_size__tile_overlayer_lowered;
	s6 =	simm.s32 $_tile_overlayer_lowered  }
0x9b: {  	s22 =	simm.s32 $0x1BFF;
	s21 =	sshll.u32 s6, $0x1;
	s3 =	sadd.s32 s4, s19  }
0x9c: {  	s7 =	simm.s32 $0x0;
	s20 =	sshll.u32 s5, $0x1;
	s5 =	sadd.s32 s21, s3  }
0x9d: {  	[timem:s7], [sflag:s22] =	dma.local [hbm:s5], s20  }
0x9e: {  	_ =	swait.ge [sflag:s22], s20  }
0x9f: {  	s4 =	ssub.s32 $0x0, s20;
	[sflag:s22] =	ssyncset.done $0x0  }
0xa0: {  	[sflag:s22] =	ssyncadd.s32 s4;
	_ =	sdelay $0x1  }
0xa1: {  	s23 =	simm.s32 $0x1B8B  }
0xa2: {  	_ =	swait.ge [sflag:s23], $0x1  }
0xa3: {  	[sflag:s23] =	ssyncset.done $0x0  }
0xa4: {  	s25 =	simm.s32 $0x1B8E;
	s24 =	sld [smem:$0x3FFE];
	[sflag:s23] =	ssyncadd.s32 $0xFFFFFFFF  }
0xa5: {  	s26 =	simm.s32 $execute0_lowered;
	[smem:$0x3FD2] =	sst s25  }
0xa6: {  	s5 =	sshll.u32 s26, $0x1;
	_ =	strace $0x80000046;
	[dreg:$0x1] =	wrdreg $0xFFFFFFFF  }
0xa7: {  	s28 =	simm.s32 $_size_execute0_lowered;
	s3 =	sadd.s32 s3, s5;
	[dreg:$0x0] =	wrdreg $0x0  }
0xa8: {  	s5 =	sshll.u32 s28, $0x1;
	[dreg:$0x2] =	wrdreg s3  }
0xa9: {  	[dreg:$0x3] =	wrdreg s5  }
0xaa: {  	[dreg:$0x4] =	wrdreg $0xC0  }
0xab: {  	_ =	task [dreg:s7], $0x5FFFF  }
0xac: {  	[dreg:$0x1] =	wrdreg $0xFFFFFFFF  }
0xad: {  	[dreg:$0x0] =	wrdreg $0x60  }
0xae: {  	[dreg:$0x2] =	wrdreg s24  }
0xaf: {  	[dreg:$0x3] =	wrdreg s2  }
0xb0: {  	[dreg:$0x4] =	wrdreg $0x30800  }
0xb1: {  	[dreg:$0x5] =	wrdreg $0x9  }
0xb2: {  	_ =	task.clear_ibuf [dreg:s7], $0x6FFFF;
	_ =	strace $0x90000046  }
0xb3: {  	s29 =	simm.s32 $0x9;
	_ =	strace $0x80000048  }
0xb4: {  	_ =	swait.ge [sflag:s29], $0x1  }
0xb5: {  	[sflag:s29] =	ssyncadd.s32 $0xFFFFFFFF  }
0xb6: {  	_ =	strace $0x90000048  }
0xb7: {  	_ =	sfence  }
0xb8: {  	s30 =	sld [smem:$0x0];
	_ =	sdelay $0x2  }
0xb9: {  	s31 =	sshll.u32 s1, $0xD;
	s1 =	sshrl.u32 s1, $0x2  }
0xba: {  	s3 =	sand.u32 $0x4000, s31;
	s1 =	sadd.s32 s1, s30  }
0xbb: {  	s0 =	sor.u32 s3, s0;
	s1 =	sshll.u32 s1, $0x11  }
0xbc: {  	s0 =	sor.u32 s1, s0  }
0xbd: {  	s0 =	sadd.s32 $0x8F2B, s0  }
0xbe: {  	[sflag:s0] =	ssyncadd.remote.s32 $0x1  }
0xbf: {  	_ =	sfence.sel $0xFFFF  }
0xc0: {  	[dreg:$0x0] =	wrdreg $0xFFFFFFFF;
	(pc) =	sbr.abs _section_cstart, $3  }
0xc1: {  	[dreg:$0x1] =	wrdreg $0xFFFFFFFF  }
0xc2: {  	_ =	task.clear_ibuf [dreg:s7], $0x2FFFF;
	_ =	strace $0x9FFFFFFF  }
0xc3: {  	(tm) =	ssettm $0x7FFFFFFF  }
tec
execute0_lowered:
.L_overlay_start_1:
0x0: {  	(tag) =	ssettag $0x1  }
0x1: {  	s6 =	rddreg [dreg:$0x0]  }
0x2: {  	s1 =	srdreg.scid;
	s7 =	rddreg [dreg:$0x1]  }
0x3: {  	s0 =	stileid.u32;
	s2 =	rddreg [dreg:$0x2]  }
0x4: {  	s3 =	simm.s32 $0x0;
	s13 =	simm.s32 $0x80;
	s14 =	simm.s32 $0x100  }
0x5: {  	s15 =	simm.s32 $0x1;
	s16 =	simm.s32 $0x2;
	s17 =	simm.s32 $0x3  }
0x6: {  	s18 =	simm.s32 $0x0;
	s8 =	sand.u32 $0x1, s1;
	s28 =	sshll.u32 s0, $0x1  }
0x7: {  	[smem:$0x7FF] =	sst s3;
	s10 =	smul.u32 $0x2800, s0;
	s5 =	sadd.s32 $0x16A00, s6  }
0x8: {  	s31 =	sshll.u32 s0, $0x6;
	s4 =	sor.u32 s8, s28;
	s11 =	smul.u32 $0x28000, s8  }
0x9: {  	_ =	strace $0x80000047;
	s8 =	ssub.s32 $0x2, s8;
	s9 =	smul.u32 $0x2880, s4  }
0xa: {  	s4 =	sadd.s32 $0x17000, s6;
	s12 =	sshrl.u32 s8, $0x1;
	s30 =	sadd.s32 s10, s2  }
0xb: {  	s11 =	sadd.s32 s10, s11;
	s8 =	ssub.s32 s8, s12;
	s10 =	simm.s32 $0x2880  }
0xc: {  	s12 =	sshrl.u32 s30, $0x3;
	s9 =	sshrl.u32 s9, $0x3;
	s29 =	sshrl.u32 s11, $0x3  }
0xd: {  	s8 =	smax.u32 s8, $0x1;
	s11 =	sor.u32 $0x1C04, s31;
	s6 =	sadd.s32 s6, s9  }
0xe: {  	s7 =	sadd.s32 s7, s29;
	s9 =	simm.s32 $0x4;
	s6 =	sadd.s32 $0xC800, s6  }
.LBB2_1:
0xf: {  	[tilespmem:s3], [sflag:$0x4] =	stream.linear.gather [hbm4b:s6+s3], $0x2880, $0x38;
	[tilespmem:$0x5880] =	vst v63  }
0x10: {  	_ =	swait.ge [sflag:s9], $0x2880  }
0x11: {  	s19 =	smul.u32 $0x3, s3;
	[sflag:s9] =	ssyncset.done $0x0  }
0x12: {  	s22 =	simm.s32 $0x280;
	s21 =	simm.s32 $0x200;
	[sflag:s9] =	ssyncadd.s32 $0xFFFFD780  }
0x13: {  	[tilespmem:s10], [sflag:$0x4] =	stream.linear.gather [hbm4b:s4+s3], $0x800, $0x38;
	[tilespmem:$0x5880] =	vst v63  }
0x14: {  	s1 =	simm.s32 $0x180;
	s23 =	sadd.s32 $0x1, s19;
	_ =	swait.ge [sflag:s9], $0x800  }
0x15: {  	s24 =	sadd.s32 $0x2, s19;
	s26 =	sand.u32 $0xFF, s23;
	[sflag:s9] =	ssyncset.done $0x0  }
0x16: {  	s20 =	sand.u32 $0xFF, s24;
	s19 =	smul.u32 $0xAB, s26;
	[sflag:s9] =	ssyncadd.s32 $0xFFFFF800  }
0x17: {  	[spmem:s12], [sflag:s11] =	dma.local [hbm:s5], $0x500  }
0x18: {  	s20 =	smul.u32 $0xAB, s20;
	s19 =	sshrl.u32 s19, $0x9;
	_ =	swait.ge [sflag:s9], $0x500  }
0x19: {  	s30 =	simm.s32 $0x2;
	s25 =	smul.u32 $0x3, s19;
	[sflag:s9] =	ssyncset.done $0x0  }
0x1a: {  	s26 =	simm.s32 $0x1;
	s31 =	sshrl.u32 s20, $0x9;
	[sflag:s9] =	ssyncadd.s32 $0xFFFFFB00  }
0x1b: {  	s28 =	smul.u32 $0x3, s31;
	s23 =	ssub.s32 s23, s25;
	[bflag:$0x0] =	sbarrier.arrive $0xFFFF  }
0x1c: {  	[spmem:s2] =	stream.indirect.scatter.add.f32 [tilespmem:s10], [sflag:$0x1], $0x10, s3, s13, $0xb8;
	[tilespmem:$0x5880] =	vst v63  }
0x1d: {  	s0 =	smul.u32 $0x3, s26;
	s24 =	ssub.s32 s24, s28;
	s23 =	sand.u32 $0xFF, s23  }
0x1e: {  	[spmem:s2] =	stream.indirect.scatter.add.f32 [tilespmem:s10], [sflag:$0x2], $0x10, s13, s13, $0xb8;
	[tilespmem:$0x5880] =	vst v63  }
0x1f: {  	s20 =	simm.s32 $0x380;
	s28 =	sand.u32 $0xFF, s24;
	s29 =	sadd.s32 $0x1, s23  }
0x20: {  	[spmem:s2] =	stream.indirect.scatter.add.f32 [tilespmem:s10], [sflag:$0x3], $0x10, s14, s13, $0xb8;
	[tilespmem:$0x5880] =	vst v63  }
0x21: {  	s24 =	sadd.s32 $0x1, s0;
	s23 =	sadd.s32 $0x2, s0;
	_ =	swait.ge [sflag:s29], $0x800  }
0x22: {  	s31 =	sand.u32 $0xFF, s24;
	s28 =	sadd.s32 $0x1, s28;
	[sflag:s29] =	ssyncset.done $0x0  }
0x23: {  	s25 =	smul.u32 $0xAB, s31;
	s31 =	sand.u32 $0xFF, s23;
	[sflag:s29] =	ssyncadd.s32 $0xFFFFF800  }
0x24: {  	[spmem:s2] =	stream.indirect.scatter.add.f32 [tilespmem:s10], [sflag:$0x1], $0x10, s1, s13, $0xb8;
	[tilespmem:$0x5880] =	vst v63  }
0x25: {  	s19 =	simm.s32 $0x400;
	s26 =	smul.u32 $0xAB, s31;
	_ =	swait.ge [sflag:s28], $0x800  }
0x26: {  	s29 =	sshrl.u32 s25, $0x9;
	s25 =	simm.s32 $0x580;
	[sflag:s28] =	ssyncset.done $0x0  }
.LBB2_2:
0x27: {  	s31 =	sadd.s32 $0xFFFFFF80, s25;
	[sflag:s28] =	ssyncadd.s32 $0xFFFFF800  }
0x28: {  	s28 =	smov.u32 s30;
	s1 =	sadd.s32 $0x1, s30;
	s0 =	smov.u32 s19  }
0x29: {  	s19 =	smov.u32 s25;
	p0 =	sne.s32 s30, $0x19;
	s29 =	smul.u32 $0x3, s29  }
0x2a: {  	[spmem:s2] =	stream.indirect.scatter.add.f32 [tilespmem:s10], [sflag:$0x2], $0x10, s21, s13, $0xb8;
	[tilespmem:$0x5880] =	vst v63  }
0x2b: {  	s21 =	smov.u32 s20;
	s20 =	sshrl.u32 s26, $0x9;
	_ =	swait.ge [sflag:s15], $0x800  }
0x2c: {  	s26 =	smul.u32 $0x3, s20;
	[sflag:s15] =	ssyncset.done $0x0  }
0x2d: {  	s20 =	smov.u32 s31;
	[sflag:s15] =	ssyncadd.s32 $0xFFFFF800  }
0x2e: {  	s24 =	ssub.s32 s24, s29;
	s23 =	ssub.s32 s23, s26;
	s26 =	smul.u32 $0x3, s28  }
0x2f: {  	s25 =	sadd.s32 $0x180, s25;
	s29 =	sadd.s32 $0xFFFFFF00, s0;
	s24 =	sand.u32 $0xFF, s24  }
0x30: {  	s30 =	sadd.s32 $0x1, s24;
	s28 =	sand.u32 $0xFF, s23;
	s24 =	sadd.s32 $0x1, s26  }
0x31: {  	[spmem:s2] =	stream.indirect.scatter.add.f32 [tilespmem:s10], [sflag:$0x3], $0x10, s22, s13, $0xb8;
	[tilespmem:$0x5880] =	vst v63  }
0x32: {  	s23 =	sadd.s32 $0x2, s26;
	s28 =	sadd.s32 $0x1, s28;
	_ =	swait.ge [sflag:s30], $0x800  }
.Ltmp0:
0x33: {  	s22 =	sand.u32 $0xFF, s24;
	[sflag:s30] =	ssyncset.done $0x0;
	(pc) =	sbr.rel @p0 .LBB2_2-.Ltmp0, $4  }
0x34: {  	s31 =	smul.u32 $0xAB, s22;
	s22 =	sand.u32 $0xFF, s23;
	[sflag:s30] =	ssyncadd.s32 $0xFFFFF800  }
0x35: {  	[spmem:s2] =	stream.indirect.scatter.add.f32 [tilespmem:s10], [sflag:$0x1], $0x10, s29, s13, $0xb8;
	[tilespmem:$0x5880] =	vst v63  }
0x36: {  	s26 =	smul.u32 $0xAB, s22;
	s22 =	smov.u32 s0;
	_ =	swait.ge [sflag:s28], $0x800  }
0x37: {  	s30 =	smov.u32 s1;
	s29 =	sshrl.u32 s31, $0x9;
	[sflag:s28] =	ssyncset.done $0x0  }
0x38: {  	[sflag:s28] =	ssyncadd.s32 $0xFFFFF800;
	s0 =	smul.u32 $0x3, s29  }
0x39: {  	[spmem:s2] =	stream.indirect.scatter.add.f32 [tilespmem:s10], [sflag:$0x2], $0x10, s21, s13, $0xb8;
	[tilespmem:$0x5880] =	vst v63  }
0x3a: {  	_ =	swait.ge [sflag:s15], $0x800;
	s0 =	ssub.s32 s24, s0  }
0x3b: {  	s1 =	sshrl.u32 s26, $0x9;
	[sflag:s15] =	ssyncset.done $0x0;
	s0 =	sand.u32 $0xFF, s0  }
0x3c: {  	s1 =	smul.u32 $0x3, s1;
	[sflag:s15] =	ssyncadd.s32 $0xFFFFF800;
	s0 =	sadd.s32 $0x1, s0  }
0x3d: {  	[spmem:s2] =	stream.indirect.scatter.add.f32 [tilespmem:s10], [sflag:$0x3], $0x10, s22, s13, $0xb8;
	[tilespmem:$0x5880] =	vst v63  }
0x3e: {  	s1 =	ssub.s32 s23, s1;
	_ =	swait.ge [sflag:s0], $0x800  }
0x3f: {  	s1 =	sand.u32 $0xFF, s1;
	[sflag:s0] =	ssyncset.done $0x0  }
0x40: {  	s31 =	sadd.s32 $0xFFFFFF00, s19;
	s1 =	sadd.s32 $0x1, s1;
	[sflag:s0] =	ssyncadd.s32 $0xFFFFF800  }
0x41: {  	[spmem:s2] =	stream.indirect.scatter.add.f32 [tilespmem:s10], [sflag:$0x1], $0x10, s31, s13, $0xb8;
	[tilespmem:$0x5880] =	vst v63  }
0x42: {  	_ =	swait.ge [sflag:s1], $0x800  }
0x43: {  	[sflag:s1] =	ssyncset.done $0x0  }
0x44: {  	[sflag:s1] =	ssyncadd.s32 $0xFFFFF800  }
0x45: {  	[spmem:s2] =	stream.indirect.scatter.add.f32 [tilespmem:s10], [sflag:$0x2], $0x10, s20, s13, $0xb8;
	[tilespmem:$0x5880] =	vst v63  }
0x46: {  	_ =	swait.ge [sflag:s15], $0x800  }
0x47: {  	[sflag:s15] =	ssyncset.done $0x0  }
0x48: {  	[sflag:s15] =	ssyncadd.s32 $0xFFFFF800  }
0x49: {  	[spmem:s2] =	stream.indirect.scatter.add.f32 [tilespmem:s10], [sflag:$0x3], $0x10, s19, s13, $0xb8;
	[tilespmem:$0x5880] =	vst v63  }
0x4a: {  	_ =	swait.ge [sflag:s15], $0x800  }
0x4b: {  	[sflag:s15] =	ssyncset.done $0x0  }
0x4c: {  	[sflag:s15] =	ssyncadd.s32 $0xFFFFF800  }
0x4d: {  	_ =	swait.ge [sflag:s16], $0x800  }
0x4e: {  	[sflag:s16] =	ssyncset.done $0x0  }
0x4f: {  	[sflag:s16] =	ssyncadd.s32 $0xFFFFF800  }
0x50: {  	_ =	swait.ge [sflag:s17], $0x800  }
0x51: {  	s18 =	sadd.s32 $0x1, s18;
	[sflag:s17] =	ssyncset.done $0x0  }
0x52: {  	p0 =	sne.s32 s18, s8;
	[sflag:s17] =	ssyncadd.s32 $0xFFFFF800  }
.Ltmp1:
0x53: {  	[bflag:$0x0] =	sbarrier.arrive $0xFFFF;
	(pc) =	sbr.rel @p0 .LBB2_1-.Ltmp1, $4  }
0x54: {  	[hbm:s7], [sflag:s11] =	dma.local [spmem:s12], $0x500  }
0x55: {  	_ =	swait.ge [sflag:s9], $0x500  }
0x56: {  	[sflag:s9] =	ssyncset.done $0x0  }
0x57: {  	[sflag:s9] =	ssyncadd.s32 $0xFFFFFB00  }
0x58: {  	_ =	sfence.sel $0x180000  }
0x59: {  	[bflag:$0x0] =	sbarrier.arrive $0xFFFF  }
0x5a: {  	_ =	strace $0x90000047  }
0x5b: {  	s0 =	stileid.u32;
	[bflag:$0x2] =	sbarrier.arrive $0xFFFF  }
0x5c: {  	p0 =	sne.s32 s0, $0x0;
	s0 =	rddreg [dreg:$0x3]  }
0x5d: {  	s0 =	sadd.s32 @!p0 $0x100000, s0  }
0x5e: {  	[sflag:s0] =	ssyncadd.tile.s32 @!p0 $0x1;
	_ =	shalt  }
.Lfunc_end2:
_tile_overlayer_lowered:
.L_overlay_start_2:
0x5f: {  	(tag) =	ssettag $0x2  }
0x60: {  	s0 =	rddreg [dreg:$0x0];
	s2 =	stileid.u32  }
0x61: {  	s1 =	rddreg [dreg:$0x1];
	p0 =	sne.s32 s2, $0x0  }
0x62: {  	s3 =	rddreg [dreg:$0x2];
	[bflag:$0x3] =	sbarrier.arrive $0xFFFF;
	s2 =	simm.s32 @!p0 $0x1C04  }
0x63: {  	[timem:s3], [sflag:s2] =	dma.local @!p0 [hbm:s0], s1  }
0x64: {  	s0 =	simm.s32 @!p0 $0x4  }
0x65: {  	_ =	swait.ge @!p0 [sflag:s0], s1  }
0x66: {  	s1 =	ssub.s32 @!p0 $0x0, s1;
	[sflag:s0] =	ssyncset.done @!p0 $0x0  }
0x67: {  	[sflag:s0] =	ssyncadd.s32 @!p0 s1  }
0x68: {  	[bflag:$0x3] =	sbarrier.arrive $0xFFFF  }
0x69: {  	_ =	shalt  }

// kernel: kernel.13.cloned.1.call-start
scs
__scs_entry_jumppad:
0x0: {  	(pc) =	sbr.rel $0x88, $3  }
0x1: {  	(tag) =	ssettag $0x0;
	lr =	simm.s32 $0x1  }
0x2: {  	[smem:$0x3F9B] =	sst lr;
	_ =	strace $0xD0000000  }
0x3: {  	_ = 	snop  }
0x4: {  	_ = 	snop  }
0x5: {  	_ = 	snop  }
0x6: {  	_ = 	snop  }
0x7: {  	_ = 	snop  }
__scs_overlays_trampoline_lowered:
0x8: {  	[smem:$0x3FAA] =	sst s0  }
0x9: {  	[smem:$0x3FAB] =	sst s1  }
0xa: {  	[smem:$0x3FAC] =	sst s2  }
0xb: {  	[smem:$0x3FAD] =	sst s3  }
0xc: {  	[smem:$0x3FAE] =	sst s4  }
0xd: {  	[smem:$0x3FAF] =	sst s5  }
0xe: {  	[smem:$0x3FB0] =	sst s6  }
0xf: {  	[smem:$0x3FB1] =	sst s7  }
0x10: {  	[smem:$0x3FB2] =	sst s8  }
0x11: {  	[smem:$0x3FB3] =	sst s9;
	s0 =	simm.s32 @!p0 $0x0  }
0x12: {  	s1 =	sld [smem:$0x3F99];
	s0 =	simm.s32 @p0 $0x1  }
0x13: {  	[smem:$0x3FB4] =	sst s0;
	s0 =	simm.s32 @!p1 $0x0  }
0x14: {  	s2 =	sld [smem:$0x3F98];
	s0 =	simm.s32 @p1 $0x1  }
0x15: {  	[smem:$0x3FB5] =	sst s0;
	s0 =	simm.s32 @!p2 $0x0  }
0x16: {  	s3 =	sld [smem:$0x3FDB];
	s0 =	simm.s32 @p2 $0x1  }
0x17: {  	s4 =	simm.s32 $0x1BF5;
	[smem:$0x3FB7] =	sst s0  }
0x18: {  	s0 =	sld [smem:$0x3F9A];
	_ =	swait.ge [sflag:s4], $0x0  }
0x19: {  	s7 =	sld [smem:$0x3F9B]  }
0x1a: {  	s8 =	sadd.s32 $0xFFFFE003, lr  }
0x1b: {  	s9 =	sadd.s32 $0xFFFFFEF7, lr;
	s5 =	simm.s32 $0xFFFFFFFF;
	p2 =	slt.u32 s8, $0xFFFFF086  }
0x1c: {  	p1 =	slt.u32 s9, $0xF7A;
	s5 =	simm.s32 @!p2 $0x0  }
0x1d: {  	s5 =	simm.s32 @p1 $0x1;
	p0 =	seq.s32 s7, s2  }
0x1e: {  	s7 =	smul.u32 @!p0 $0xF7A, s2;
	p2 =	seq.s32 @!p0 s5, $0x0  }
0x1f: {  	s9 =	smul.u32 $0xF7A, s1;
	s8 =	simm.s32 @!p0 $0x1BF5;
	p2 =	por !p2, p0  }
0x20: {  	[sflag:s8] =	ssyncset.s32 @!p0 $0xFFFFF086;
	s6 =	sadd.s32 @!p0 s3, s7;
	s7 =	simm.s32 @!p0 $0x108  }
0x21: {  	s3 =	sadd.s32 s3, s9;
	s6 =	sadd.s32 @!p0 $0x88, s6;
	s7 =	simm.s32 @p2 $0x1082  }
0x22: {  	[simem:s7], [sflag:s8] =	dma.local @!p0 [hbm:s6], $0xF7A  }
0x23: {  	s9 =	sor.u32 $0xD0000000, s2;
	s6 =	simm.s32 $0x108;
	_ =	swait.ge @!p0 [sflag:s8], $0x0  }
0x24: {  	s3 =	sadd.s32 $0x88, s3;
	s6 =	simm.s32 @!p1 $0x1082;
	[sflag:s4] =	ssyncset.s32 $0xFFFFF086  }
0x25: {  	[simem:s6], [sflag:s4] =	dma.local [hbm:s3], $0xF7A  }
0x26: {  	[smem:$0x3F9B] =	sst s1;
	(tag) =	ssettag s2;
	_ =	strace s9  }
0x27: {  	s1 =	sld [smem:$0x3FAB]  }
0x28: {  	s2 =	sld [smem:$0x3FAC]  }
0x29: {  	s4 =	sld [smem:$0x3FAE]  }
0x2a: {  	p0 =	seq.s32 s5, $0x0;
	s5 =	sld [smem:$0x3FAF]  }
0x2b: {  	s6 =	sld [smem:$0x3FB0]  }
0x2c: {  	s7 =	sld [smem:$0x3FB1]  }
0x2d: {  	s3 =	simm.s32 $0x108;
	s8 =	sld [smem:$0x3FB2]  }
0x2e: {  	s3 =	simm.s32 @!p0 $0x1082;
	s9 =	sld [smem:$0x3FB3]  }
0x2f: {  	lr =	sadd.s32 s0, s3;
	s0 =	sld [smem:$0x3FAA]  }
0x30: {  	s3 =	sld [smem:$0x3FAD]  }
0x31: {  	[smem:$0x3FB6] =	sst s10  }
0x32: {  	s10 =	sld [smem:$0x3FB4];
	_ =	sdelay $0x3  }
0x33: {  	p0 =	seq.s32 s10, $0x1;
	s10 =	sld [smem:$0x3FB6];
	_ =	sdelay $0x3  }
0x34: {  	[smem:$0x3FB6] =	sst s10  }
0x35: {  	s10 =	sld [smem:$0x3FB5];
	_ =	sdelay $0x3  }
0x36: {  	p1 =	seq.s32 s10, $0x1;
	s10 =	sld [smem:$0x3FB6];
	_ =	sdelay $0x3  }
0x37: {  	[smem:$0x3FB6] =	sst s10  }
0x38: {  	s10 =	sld [smem:$0x3FB7]  }
0x39: {  	_ = 	snop;
	(pc) =	sbr.ind lr, $3  }
0x3a: {  	_ = 	snop  }
0x3b: {  	_ = 	snop  }
0x3c: {  	p2 =	seq.s32 s10, $0x1;
	s10 =	sld [smem:$0x3FB6]  }
0x3d: {  	_ =	shalt  }
0x3e: {  	_ =	shalt  }
0x3f: {  	_ =	shalt  }
0x40: {  	_ =	shalt  }
0x41: {  	_ =	shalt  }
0x42: {  	_ =	shalt  }
0x43: {  	_ =	shalt  }
0x44: {  	_ =	shalt  }
0x45: {  	_ =	shalt  }
0x46: {  	_ =	shalt  }
0x47: {  	_ =	shalt  }
0x48: {  	_ =	shalt  }
0x49: {  	_ =	shalt  }
0x4a: {  	_ =	shalt  }
0x4b: {  	_ =	shalt  }
0x4c: {  	_ =	shalt  }
0x4d: {  	_ =	shalt  }
0x4e: {  	_ =	shalt  }
0x4f: {  	_ =	shalt  }
0x50: {  	_ =	shalt  }
0x51: {  	_ =	shalt  }
0x52: {  	_ =	shalt  }
0x53: {  	_ =	shalt  }
0x54: {  	_ =	shalt  }
0x55: {  	_ =	shalt  }
0x56: {  	_ =	shalt  }
0x57: {  	_ =	shalt  }
0x58: {  	_ =	shalt  }
0x59: {  	_ =	shalt  }
0x5a: {  	_ =	shalt  }
0x5b: {  	_ =	shalt  }
0x5c: {  	_ =	shalt  }
0x5d: {  	_ =	shalt  }
0x5e: {  	_ =	shalt  }
0x5f: {  	_ =	shalt  }
0x60: {  	_ =	shalt  }
0x61: {  	_ =	shalt  }
0x62: {  	_ =	shalt  }
0x63: {  	_ =	shalt  }
0x64: {  	_ =	shalt  }
0x65: {  	_ =	shalt  }
0x66: {  	_ =	shalt  }
0x67: {  	_ =	shalt  }
0x68: {  	_ =	shalt  }
0x69: {  	_ =	shalt  }
0x6a: {  	_ =	shalt  }
0x6b: {  	_ =	shalt  }
0x6c: {  	_ =	shalt  }
0x6d: {  	_ =	shalt  }
0x6e: {  	_ =	shalt  }
0x6f: {  	_ =	shalt  }
0x70: {  	_ =	shalt  }
0x71: {  	_ =	shalt  }
0x72: {  	_ =	shalt  }
0x73: {  	_ =	shalt  }
0x74: {  	_ =	shalt  }
0x75: {  	_ =	shalt  }
0x76: {  	_ =	shalt  }
0x77: {  	_ =	shalt  }
0x78: {  	_ =	shalt  }
0x79: {  	_ =	shalt  }
0x7a: {  	_ =	shalt  }
0x7b: {  	_ =	shalt  }
0x7c: {  	_ =	shalt  }
0x7d: {  	_ =	shalt  }
0x7e: {  	_ =	shalt  }
0x7f: {  	_ =	shalt  }
0x80: {  	_ =	shalt  }
0x81: {  	_ =	shalt  }
0x82: {  	_ =	shalt  }
0x83: {  	_ =	shalt  }
0x84: {  	_ =	shalt  }
0x85: {  	_ =	shalt  }
0x86: {  	_ =	shalt  }
0x87: {  	_ =	shalt  }
.Lfunc_end0:
.L_simem_size_0:
called_computation.1_lowered:
.L_overlay_start_0:
0x88: {  	s2 =	sld [smem:$0x3FD9]  }
0x89: {  	s3 =	sld [smem:$0x3FFE];
	_ =	sdelay $0x1  }
0x8a: {  	s1 =	srdreg.scid  }
0x8b: {  	s0 =	sand.u32 $0x1, s1  }
0x8c: {  	s17 =	sshll.u32 s0, $0xA;
	s2 =	sadd.s32 s3, s2  }
0x8d: {  	s2 =	sadd.s32 s2, s17  }
0x8e: {  	[smem:$0x3FC2] =	sst s2  }
0x8f: {  	_ = 	snop  }
0x90: {  	s2 =	sld [smem:$0x3FD0];
	(tm) =	ssettm $0x1  }
0x91: {  	s18 =	sld [smem:$0x3FFB];
	_ =	sdelay $0x3  }
0x92: {  	_ =	strace s18  }
0x93: {  	s3 =	sld [smem:$0x3FFC];
	_ =	sdelay $0x3  }
0x94: {  	_ =	strace s3  }
0x95: {  	s3 =	sld [smem:$0x3FFD];
	_ =	sdelay $0x3  }
0x96: {  	_ =	strace s3  }
0x97: {  	_ =	strace $0x8FFFFFFF  }
0x98: {  	s19 =	sld [smem:$0x3FDB];
	_ =	sdelay $0x1  }
0x99: {  	s4 =	simm.s32 $_scs_section_size  }
0x9a: {  	s5 =	simm.s32 $_size__tile_overlayer_lowered;
	s6 =	simm.s32 $_tile_overlayer_lowered  }
0x9b: {  	s22 =	simm.s32 $0x1BFF;
	s21 =	sshll.u32 s6, $0x1;
	s3 =	sadd.s32 s4, s19  }
0x9c: {  	s7 =	simm.s32 $0x0;
	s20 =	sshll.u32 s5, $0x1;
	s5 =	sadd.s32 s21, s3  }
0x9d: {  	[timem:s7], [sflag:s22] =	dma.local [hbm:s5], s20  }
0x9e: {  	_ =	swait.ge [sflag:s22], s20  }
0x9f: {  	s4 =	ssub.s32 $0x0, s20;
	[sflag:s22] =	ssyncset.done $0x0  }
0xa0: {  	[sflag:s22] =	ssyncadd.s32 s4;
	_ =	sdelay $0x1  }
0xa1: {  	s23 =	simm.s32 $0x1B8B  }
0xa2: {  	_ =	swait.ge [sflag:s23], $0x1  }
0xa3: {  	[sflag:s23] =	ssyncset.done $0x0  }
0xa4: {  	s25 =	simm.s32 $0x1B8E;
	s24 =	sld [smem:$0x3FFE];
	[sflag:s23] =	ssyncadd.s32 $0xFFFFFFFF  }
0xa5: {  	s26 =	simm.s32 $execute0_lowered;
	[smem:$0x3FD2] =	sst s25  }
0xa6: {  	s5 =	sshll.u32 s26, $0x1;
	_ =	strace $0x80000049;
	[dreg:$0x1] =	wrdreg $0xFFFFFFFF  }
0xa7: {  	s28 =	simm.s32 $_size_execute0_lowered;
	s3 =	sadd.s32 s3, s5;
	[dreg:$0x0] =	wrdreg $0x0  }
0xa8: {  	s5 =	sshll.u32 s28, $0x1;
	[dreg:$0x2] =	wrdreg s3  }
0xa9: {  	[dreg:$0x3] =	wrdreg s5  }
0xaa: {  	[dreg:$0x4] =	wrdreg $0xC0  }
0xab: {  	_ =	task [dreg:s7], $0x5FFFF  }
0xac: {  	[dreg:$0x1] =	wrdreg $0xFFFFFFFF  }
0xad: {  	[dreg:$0x0] =	wrdreg $0x60  }
0xae: {  	[dreg:$0x2] =	wrdreg s24  }
0xaf: {  	[dreg:$0x3] =	wrdreg s2  }
0xb0: {  	[dreg:$0x4] =	wrdreg $0xB1000  }
0xb1: {  	[dreg:$0x5] =	wrdreg $0x151000  }
0xb2: {  	[dreg:$0x6] =	wrdreg $0x9  }
0xb3: {  	_ =	task.clear_ibuf [dreg:s7], $0x7FFFF;
	_ =	strace $0x90000049  }
0xb4: {  	s29 =	simm.s32 $0x9;
	_ =	strace $0x8000004B  }
0xb5: {  	_ =	swait.ge [sflag:s29], $0x1  }
0xb6: {  	[sflag:s29] =	ssyncadd.s32 $0xFFFFFFFF  }
0xb7: {  	_ =	strace $0x9000004B  }
0xb8: {  	_ =	sfence  }
0xb9: {  	s30 =	sld [smem:$0x0];
	_ =	sdelay $0x2  }
0xba: {  	s31 =	sshll.u32 s1, $0xD;
	s1 =	sshrl.u32 s1, $0x2  }
0xbb: {  	s3 =	sand.u32 $0x4000, s31;
	s1 =	sadd.s32 s1, s30  }
0xbc: {  	s0 =	sor.u32 s3, s0;
	s1 =	sshll.u32 s1, $0x11  }
0xbd: {  	s0 =	sor.u32 s1, s0  }
0xbe: {  	s0 =	sadd.s32 $0x8F2B, s0  }
0xbf: {  	[sflag:s0] =	ssyncadd.remote.s32 $0x1  }
0xc0: {  	_ =	sfence.sel $0xFFFF  }
0xc1: {  	[dreg:$0x0] =	wrdreg $0xFFFFFFFF;
	(pc) =	sbr.abs _section_cstart, $3  }
0xc2: {  	[dreg:$0x1] =	wrdreg $0xFFFFFFFF  }
0xc3: {  	_ =	task.clear_ibuf [dreg:s7], $0x2FFFF;
	_ =	strace $0x9FFFFFFF  }
0xc4: {  	(tm) =	ssettm $0x7FFFFFFF  }
0xc5: {  	_ =	shalt  }
tec
execute0_lowered:
.L_overlay_start_1:
0x0: {  	(tag) =	ssettag $0x1  }
0x1: {  	s0 =	rddreg [dreg:$0x0]  }
0x2: {  	s3 =	rddreg [dreg:$0x2]  }
0x3: {  	s4 =	rddreg [dreg:$0x3];
	s12 =	stileid.u32;
	s5 =	simm.s32 $0x0  }
0x4: {  	s2 =	srdreg.scid;
	s16 =	simm.s32 $0x80;
	s17 =	simm.s32 $0x5100  }
0x5: {  	s18 =	simm.s32 $0x7100;
	s19 =	simm.s32 $0x1;
	s21 =	simm.s32 $0x9100  }
0x6: {  	s22 =	simm.s32 $0x2;
	s24 =	simm.s32 $0x4;
	s29 =	simm.s32 $0x5  }
0x7: {  	s23 =	simm.s32 $0x0;
	s1 =	smul.u32 $0x9C40, s12;
	s2 =	sand.u32 $0x1, s2  }
0x8: {  	s6 =	sshll.u32 s12, $0x1;
	s8 =	smul.u32 $0xA000, s12;
	[smem:$0x7FF] =	sst s5  }
0x9: {  	s31 =	sshll.u32 s12, $0x6;
	s6 =	sor.u32 s2, s6;
	s7 =	smul.u32 $0xA0000, s2  }
0xa: {  	_ =	strace $0x8000004A;
	s2 =	ssub.s32 $0x2, s2;
	s13 =	sor.u32 $0x1C07, s31  }
0xb: {  	s9 =	sshrl.u32 s1, $0x3;
	s6 =	smul.u32 $0x2880, s6;
	s10 =	sshrl.u32 s2, $0x1  }
0xc: {  	s14 =	sadd.s32 s8, s3;
	s1 =	sadd.s32 s1, s4;
	s9 =	sadd.s32 s9, s0  }
0xd: {  	s7 =	sadd.s32 s8, s7;
	s2 =	ssub.s32 s2, s10;
	s14 =	sshrl.u32 s14, $0x3  }
0xe: {  	s15 =	sshrl.u32 s1, $0x3;
	s6 =	sshrl.u32 s6, $0x3;
	s28 =	sadd.s32 $0x8DC00, s9  }
0xf: {  	s30 =	smax.u32 s2, $0x1;
	s11 =	sadd.s32 s6, s0;
	[dreg:$0x7] =	wrdreg s28  }
0x10: {  	s7 =	sshrl.u32 s7, $0x3;
	[dreg:$0x9] =	wrdreg s30;
	s6 =	sadd.s32 $0x2600, s11  }
0x11: {  	s0 =	sadd.s32 s7, s0;
	s26 =	sadd.s32 $0xC800, s11;
	[dreg:$0x5] =	wrdreg s6  }
0x12: {  	s0 =	sadd.s32 $0xA1600, s0;
	s11 =	simm.s32 $0x7;
	[dreg:$0x6] =	wrdreg s26  }
0x13: {  	[dreg:$0x8] =	wrdreg s0;
	s26 =	simm.s32 $0x3;
	s0 =	simm.s32 $0x6  }
.LBB2_1:
0x14: {  	s1 =	rddreg [dreg:$0x5]  }
0x15: {  	[tilespmem:s5], [sflag:$0x7] =	stream.linear.gather [hbm4b:s1+s5], $0x2880, $0x38;
	[tilespmem:$0x1ED40] =	vst v63  }
0x16: {  	_ =	swait.ge [sflag:s11], $0x2880  }
0x17: {  	[sflag:s11] =	ssyncset.done $0x0  }
0x18: {  	s2 =	simm.s32 $0x2880;
	s20 =	rddreg [dreg:$0x6];
	[sflag:s11] =	ssyncadd.s32 $0xFFFFD780  }
0x19: {  	[tilespmem:s2], [sflag:$0x7] =	stream.linear.gather [hbm4b:s20+s5], $0x2880, $0x38;
	[tilespmem:$0x1ED40] =	vst v63  }
0x1a: {  	_ =	swait.ge [sflag:s11], $0x2880  }
0x1b: {  	[sflag:s11] =	ssyncset.done $0x0  }
0x1c: {  	[sflag:s11] =	ssyncadd.s32 $0xFFFFD780  }
0x1d: {  	s25 =	rddreg [dreg:$0x1]  }
0x1e: {  	[spmem:s14], [sflag:s13] =	dma.local [hbm:s25], $0x1400  }
0x1f: {  	_ =	swait.ge [sflag:s11], $0x1400  }
0x20: {  	[sflag:s11] =	ssyncset.done $0x0  }
0x21: {  	s6 =	rddreg [dreg:$0x7];
	[sflag:s11] =	ssyncadd.s32 $0xFFFFEC00  }
0x22: {  	[spmem:s15], [sflag:s13] =	dma.local [hbm:s6], $0x1388  }
0x23: {  	_ =	swait.ge [sflag:s11], $0x1388  }
0x24: {  	[sflag:s11] =	ssyncset.done $0x0  }
0x25: {  	[sflag:s11] =	ssyncadd.s32 $0xFFFFEC78  }
0x26: {  	[bflag:$0x0] =	sbarrier.arrive $0xFFFF  }
0x27: {  	[tilespmem:s17], [sflag:$0x1] =	stream.indirect.gather [spmem:s4], $0x40, s5, s16, $0xb8;
	[tilespmem:$0x1ED40] =	vst v63  }
0x28: {  	_ = 	snop  }
0x29: {  	[tilespmem:s18], [sflag:$0x2] =	stream.indirect.gather [spmem:s4], $0x40, s16, s16, $0xb8;
	[tilespmem:$0x1ED40] =	vst v63  }
0x2a: {  	_ =	swait.ge [sflag:s19], $0x2000  }
0x2b: {  	[sflag:s19] =	ssyncset.done $0x0  }
0x2c: {  	s10 =	smul.u32 $0x3, s5;
	[sflag:s19] =	ssyncadd.s32 $0xFFFFE000  }
0x2d: {  	[spmem:s3] =	stream.indirect.scatter.add.f32 [tilespmem:s17], [sflag:$0x4], $0x40, s2, s16, $0xb8;
	[tilespmem:$0x1ED40] =	vst v63  }
0x2e: {  	s7 =	simm.s32 $0x100;
	s1 =	sadd.s32 $0x2, s10  }
0x2f: {  	[tilespmem:s21], [sflag:$0x3] =	stream.indirect.gather [spmem:s4], $0x40, s7, s16, $0xb8;
	[tilespmem:$0x1ED40] =	vst v63  }
0x30: {  	s28 =	sand.u32 $0xFF, s1;
	s20 =	sadd.s32 $0x1, s10;
	_ =	swait.ge [sflag:s22], $0x2000  }
0x31: {  	s28 =	smul.u32 $0xAB, s28;
	s25 =	sand.u32 $0xFF, s20;
	[sflag:s22] =	ssyncset.done $0x0  }
0x32: {  	s8 =	simm.s32 $0x2900;
	s25 =	smul.u32 $0xAB, s25;
	[sflag:s22] =	ssyncadd.s32 $0xFFFFE000  }
0x33: {  	[spmem:s3] =	stream.indirect.scatter.add.f32 [tilespmem:s18], [sflag:$0x5], $0x40, s8, s16, $0xb8;
	[tilespmem:$0x1ED40] =	vst v63  }
0x34: {  	s9 =	simm.s32 $0x180;
	s28 =	sshrl.u32 s28, $0x9;
	_ =	swait.ge [sflag:s24], $0x2000  }
0x35: {  	s28 =	smul.u32 $0x3, s28;
	s25 =	sshrl.u32 s25, $0x9;
	[sflag:s24] =	ssyncset.done $0x0  }
0x36: {  	s12 =	simm.s32 $0x2980;
	s25 =	smul.u32 $0x3, s25;
	[sflag:s24] =	ssyncadd.s32 $0xFFFFE000  }
0x37: {  	[tilespmem:s17], [sflag:$0x1] =	stream.indirect.gather [spmem:s4], $0x40, s9, s16, $0xb8;
	[tilespmem:$0x1ED40] =	vst v63  }
0x38: {  	s30 =	simm.s32 $0x600;
	s2 =	ssub.s32 s20, s25;
	_ =	swait.ge [sflag:s26], $0x2000  }
0x39: {  	s1 =	ssub.s32 s1, s28;
	s2 =	sor.u32 $0x4, s2;
	[sflag:s26] =	ssyncset.done $0x0  }
0x3a: {  	s28 =	simm.s32 $0x1;
	s2 =	sand.u32 $0xFF, s2;
	[sflag:s26] =	ssyncadd.s32 $0xFFFFE000  }
0x3b: {  	[spmem:s3] =	stream.indirect.scatter.add.f32 [tilespmem:s21], [sflag:$0x6], $0x40, s12, s16, $0xb8;
	[tilespmem:$0x1ED40] =	vst v63  }
0x3c: {  	s31 =	sor.u32 $0x4, s1;
	s25 =	simm.s32 $0x0;
	_ =	swait.ge [sflag:s2], $0x2000  }
.LBB2_2:
0x3d: {  	[sflag:s2] =	ssyncset.done $0x0  }
0x3e: {  	s20 =	sshra.s32 s25, $0x2;
	s25 =	smov.u32 s30;
	s1 =	sadd.s32 $0x600, s30  }
0x3f: {  	s6 =	smul.u32 $0x3, s28;
	[sflag:s2] =	ssyncadd.s32 $0xFFFFE000;
	s2 =	sadd.s32 $0x200, s20  }
0x40: {  	[tilespmem:s18], [sflag:$0x2] =	stream.indirect.gather [spmem:s4], $0x40, s2, s16, $0xb8;
	[tilespmem:$0x1ED40] =	vst v63  }
0x41: {  	s2 =	sadd.s32 $0x1, s6;
	s6 =	sadd.s32 $0x2, s6;
	_ =	swait.ge [sflag:s19], $0x2000  }
0x42: {  	s8 =	sadd.s32 $0x2A00, s20;
	s7 =	sand.u32 $0xFF, s6;
	[sflag:s19] =	ssyncset.done $0x0  }
0x43: {  	s9 =	sand.u32 $0xFF, s2;
	s7 =	smul.u32 $0xAB, s7;
	[sflag:s19] =	ssyncadd.s32 $0xFFFFE000  }
0x44: {  	s31 =	sand.u32 $0xFF, s31;
	s12 =	sadd.s32 $0x300, s20;
	s9 =	smul.u32 $0xAB, s9  }
0x45: {  	[spmem:s3] =	stream.indirect.scatter.add.f32 [tilespmem:s17], [sflag:$0x4], $0x40, s8, s16, $0xb8;
	[tilespmem:$0x1ED40] =	vst v63  }
0x46: {  	s7 =	sshrl.u32 s7, $0x9;
	s8 =	sshrl.u32 s9, $0x9;
	_ =	swait.ge [sflag:s31], $0x2000  }
0x47: {  	s7 =	smul.u32 $0x3, s7;
	s9 =	sadd.s32 $0x280, s20;
	[sflag:s31] =	ssyncset.done $0x0  }
0x48: {  	s10 =	sadd.s32 $0x2B00, s20;
	s8 =	smul.u32 $0x3, s8;
	[sflag:s31] =	ssyncadd.s32 $0xFFFFE000  }
0x49: {  	[tilespmem:s21], [sflag:$0x3] =	stream.indirect.gather [spmem:s4], $0x40, s9, s16, $0xb8;
	[tilespmem:$0x1ED40] =	vst v63  }
0x4a: {  	s6 =	ssub.s32 s6, s7;
	s2 =	ssub.s32 s2, s8;
	_ =	swait.ge [sflag:s22], $0x2000  }
0x4b: {  	s31 =	sor.u32 $0x4, s6;
	s2 =	sor.u32 $0x4, s2;
	[sflag:s22] =	ssyncset.done $0x0  }
0x4c: {  	p0 =	sne.s32 s30, $0x9000;
	s6 =	sadd.s32 $0x2A80, s20;
	[sflag:s22] =	ssyncadd.s32 $0xFFFFE000  }
0x4d: {  	[spmem:s3] =	stream.indirect.scatter.add.f32 [tilespmem:s18], [sflag:$0x5], $0x40, s6, s16, $0xb8;
	[tilespmem:$0x1ED40] =	vst v63  }
0x4e: {  	_ =	swait.ge [sflag:s24], $0x2000  }
0x4f: {  	[sflag:s24] =	ssyncset.done $0x0  }
0x50: {  	[sflag:s24] =	ssyncadd.s32 $0xFFFFE000  }
0x51: {  	[tilespmem:s17], [sflag:$0x1] =	stream.indirect.gather [spmem:s4], $0x40, s12, s16, $0xb8;
	[tilespmem:$0x1ED40] =	vst v63  }
.Ltmp0:
0x52: {  	_ =	swait.ge [sflag:s26], $0x2000;
	(pc) =	sbr.rel @p0 .LBB2_2-.Ltmp0, $4  }
0x53: {  	[sflag:s26] =	ssyncset.done $0x0  }
0x54: {  	s2 =	sand.u32 $0xFF, s2;
	[sflag:s26] =	ssyncadd.s32 $0xFFFFE000  }
0x55: {  	[spmem:s3] =	stream.indirect.scatter.add.f32 [tilespmem:s21], [sflag:$0x6], $0x40, s10, s16, $0xb8;
	[tilespmem:$0x1ED40] =	vst v63  }
0x56: {  	s28 =	sadd.s32 $0x1, s28;
	s30 =	smov.u32 s1;
	_ =	swait.ge [sflag:s2], $0x2000  }
0x57: {  	[sflag:s2] =	ssyncset.done $0x0;
	s1 =	sshra.s32 s25, $0x2  }
0x58: {  	[sflag:s2] =	ssyncadd.s32 $0xFFFFE000;
	s28 =	sadd.s32 $0x200, s1  }
0x59: {  	[tilespmem:s18], [sflag:$0x2] =	stream.indirect.gather [spmem:s4], $0x40, s28, s16, $0xb8;
	[tilespmem:$0x1ED40] =	vst v63  }
0x5a: {  	_ =	swait.ge [sflag:s19], $0x2000  }
0x5b: {  	[sflag:s19] =	ssyncset.done $0x0  }
0x5c: {  	s6 =	sand.u32 $0xFF, s31;
	s30 =	sadd.s32 $0x2A00, s1;
	[sflag:s19] =	ssyncadd.s32 $0xFFFFE000  }
0x5d: {  	[spmem:s3] =	stream.indirect.scatter.add.f32 [tilespmem:s17], [sflag:$0x4], $0x40, s30, s16, $0xb8;
	[tilespmem:$0x1ED40] =	vst v63  }
0x5e: {  	_ =	swait.ge [sflag:s6], $0x2000  }
0x5f: {  	[sflag:s6] =	ssyncset.done $0x0  }
0x60: {  	s7 =	sadd.s32 $0x280, s1;
	[sflag:s6] =	ssyncadd.s32 $0xFFFFE000  }
0x61: {  	[tilespmem:s21], [sflag:$0x3] =	stream.indirect.gather [spmem:s4], $0x40, s7, s16, $0xb8;
	[tilespmem:$0x1ED40] =	vst v63  }
0x62: {  	_ =	swait.ge [sflag:s22], $0x2000  }
0x63: {  	[sflag:s22] =	ssyncset.done $0x0  }
0x64: {  	s8 =	sadd.s32 $0x2A80, s1;
	[sflag:s22] =	ssyncadd.s32 $0xFFFFE000  }
0x65: {  	[spmem:s3] =	stream.indirect.scatter.add.f32 [tilespmem:s18], [sflag:$0x5], $0x40, s8, s16, $0xb8;
	[tilespmem:$0x1ED40] =	vst v63  }
0x66: {  	_ =	swait.ge [sflag:s24], $0x2000  }
0x67: {  	[sflag:s24] =	ssyncset.done $0x0  }
0x68: {  	s9 =	sadd.s32 $0x300, s1;
	[sflag:s24] =	ssyncadd.s32 $0xFFFFE000  }
0x69: {  	[tilespmem:s17], [sflag:$0x1] =	stream.indirect.gather [spmem:s4], $0x40, s9, s16, $0xb8;
	[tilespmem:$0x1ED40] =	vst v63  }
0x6a: {  	_ =	swait.ge [sflag:s26], $0x2000  }
0x6b: {  	[sflag:s26] =	ssyncset.done $0x0  }
0x6c: {  	s1 =	sadd.s32 $0x2B00, s1;
	[sflag:s26] =	ssyncadd.s32 $0xFFFFE000  }
0x6d: {  	[spmem:s3] =	stream.indirect.scatter.add.f32 [tilespmem:s21], [sflag:$0x6], $0x40, s1, s16, $0xb8;
	[tilespmem:$0x1ED40] =	vst v63  }
0x6e: {  	_ =	swait.ge [sflag:s29], $0x2000  }
0x6f: {  	[sflag:s29] =	ssyncset.done $0x0  }
0x70: {  	s10 =	simm.s32 $0x2780;
	[sflag:s29] =	ssyncadd.s32 $0xFFFFE000  }
0x71: {  	[tilespmem:s18], [sflag:$0x2] =	stream.indirect.gather [spmem:s4], $0x40, s10, s16, $0xb8;
	[tilespmem:$0x1ED40] =	vst v63  }
0x72: {  	_ =	swait.ge [sflag:s19], $0x2000  }
0x73: {  	[sflag:s19] =	ssyncset.done $0x0  }
0x74: {  	s12 =	simm.s32 $0x4F80;
	[sflag:s19] =	ssyncadd.s32 $0xFFFFE000  }
0x75: {  	[spmem:s3] =	stream.indirect.scatter.add.f32 [tilespmem:s17], [sflag:$0x4], $0x40, s12, s16, $0xb8;
	[tilespmem:$0x1ED40] =	vst v63  }
0x76: {  	_ =	swait.ge [sflag:s0], $0x2000  }
0x77: {  	[sflag:s0] =	ssyncset.done $0x0  }
0x78: {  	s20 =	simm.s32 $0x2800;
	[sflag:s0] =	ssyncadd.s32 $0xFFFFE000  }
0x79: {  	[tilespmem:s21], [sflag:$0x3] =	stream.indirect.gather [spmem:s4], $0x40, s20, s16, $0xb8;
	[tilespmem:$0x1ED40] =	vst v63  }
0x7a: {  	_ =	swait.ge [sflag:s22], $0x2000  }
0x7b: {  	[sflag:s22] =	ssyncset.done $0x0  }
0x7c: {  	s25 =	simm.s32 $0x5000;
	[sflag:s22] =	ssyncadd.s32 $0xFFFFE000  }
0x7d: {  	[spmem:s3] =	stream.indirect.scatter.add.f32 [tilespmem:s18], [sflag:$0x5], $0x40, s25, s16, $0xb8;
	[tilespmem:$0x1ED40] =	vst v63  }
0x7e: {  	_ =	swait.ge [sflag:s24], $0x2000  }
0x7f: {  	[sflag:s24] =	ssyncset.done $0x0  }
0x80: {  	[sflag:s24] =	ssyncadd.s32 $0xFFFFE000  }
0x81: {  	_ =	swait.ge [sflag:s26], $0x2000  }
0x82: {  	[sflag:s26] =	ssyncset.done $0x0  }
0x83: {  	s28 =	simm.s32 $0x5080;
	[sflag:s26] =	ssyncadd.s32 $0xFFFFE000  }
0x84: {  	[spmem:s3] =	stream.indirect.scatter.add.f32 [tilespmem:s21], [sflag:$0x6], $0x40, s28, s16, $0xb8;
	[tilespmem:$0x1ED40] =	vst v63  }
0x85: {  	_ =	swait.ge [sflag:s29], $0x2000  }
0x86: {  	[sflag:s29] =	ssyncset.done $0x0  }
0x87: {  	[sflag:s29] =	ssyncadd.s32 $0xFFFFE000  }
0x88: {  	_ =	swait.ge [sflag:s0], $0x2000  }
0x89: {  	[sflag:s0] =	ssyncset.done $0x0  }
0x8a: {  	[sflag:s0] =	ssyncadd.s32 $0xFFFFE000  }
0x8b: {  	[bflag:$0x0] =	sbarrier.arrive $0xFFFF  }
0x8c: {  	s30 =	rddreg [dreg:$0x8]  }
0x8d: {  	[hbm:s30], [sflag:s13] =	dma.local [spmem:s14], $0x1400  }
0x8e: {  	_ =	swait.ge [sflag:s11], $0x1400  }
0x8f: {  	s23 =	sadd.s32 $0x1, s23;
	s31 =	rddreg [dreg:$0x9]  }
0x90: {  	p0 =	sne.s32 s23, s31  }
.Ltmp1:
0x91: {  	_ = 	snop;
	(pc) =	sbr.rel @p0 .LBB2_1-.Ltmp1, $3  }
0x92: {  	_ =	sdelay $0x1  }
0x93: {  	[sflag:s11] =	ssyncset.done $0x0  }
0x94: {  	[sflag:s11] =	ssyncadd.s32 $0xFFFFEC00  }
0x95: {  	_ =	sfence.sel $0x180000  }
0x96: {  	[bflag:$0x0] =	sbarrier.arrive $0xFFFF  }
0x97: {  	_ =	strace $0x9000004A  }
0x98: {  	s0 =	stileid.u32;
	[bflag:$0x2] =	sbarrier.arrive $0xFFFF  }
0x99: {  	p0 =	sne.s32 s0, $0x0;
	s0 =	rddreg [dreg:$0x4]  }
0x9a: {  	s0 =	sadd.s32 @!p0 $0x100000, s0  }
0x9b: {  	[sflag:s0] =	ssyncadd.tile.s32 @!p0 $0x1;
	_ =	shalt  }
.Lfunc_end2:
_tile_overlayer_lowered:
.L_overlay_start_2:
0x9c: {  	(tag) =	ssettag $0x2  }
0x9d: {  	s0 =	rddreg [dreg:$0x0];
	s2 =	stileid.u32  }
0x9e: {  	s1 =	rddreg [dreg:$0x1];
	p0 =	sne.s32 s2, $0x0  }
0x9f: {  	s3 =	rddreg [dreg:$0x2];
	[bflag:$0x3] =	sbarrier.arrive $0xFFFF;
	s2 =	simm.s32 @!p0 $0x1C07  }
0xa0: {  	[timem:s3], [sflag:s2] =	dma.local @!p0 [hbm:s0], s1  }
0xa1: {  	s0 =	simm.s32 @!p0 $0x7  }
0xa2: {  	_ =	swait.ge @!p0 [sflag:s0], s1  }
0xa3: {  	s1 =	ssub.s32 @!p0 $0x0, s1;
	[sflag:s0] =	ssyncset.done @!p0 $0x0  }
0xa4: {  	[sflag:s0] =	ssyncadd.s32 @!p0 s1  }
0xa5: {  	[bflag:$0x3] =	sbarrier.arrive $0xFFFF  }
0xa6: {  	_ =	shalt  }

// kernel: kernel.16.cloned.1.call-start
scs
__scs_entry_jumppad:
0x0: {  	(pc) =	sbr.rel $0x88, $3  }
0x1: {  	(tag) =	ssettag $0x0;
	lr =	simm.s32 $0x1  }
0x2: {  	[smem:$0x3F9B] =	sst lr;
	_ =	strace $0xD0000000  }
0x3: {  	_ = 	snop  }
0x4: {  	_ = 	snop  }
0x5: {  	_ = 	snop  }
0x6: {  	_ = 	snop  }
0x7: {  	_ = 	snop  }
__scs_overlays_trampoline_lowered:
0x8: {  	[smem:$0x3FAA] =	sst s0  }
0x9: {  	[smem:$0x3FAB] =	sst s1  }
0xa: {  	[smem:$0x3FAC] =	sst s2  }
0xb: {  	[smem:$0x3FAD] =	sst s3  }
0xc: {  	[smem:$0x3FAE] =	sst s4  }
0xd: {  	[smem:$0x3FAF] =	sst s5  }
0xe: {  	[smem:$0x3FB0] =	sst s6  }
0xf: {  	[smem:$0x3FB1] =	sst s7  }
0x10: {  	[smem:$0x3FB2] =	sst s8  }
0x11: {  	[smem:$0x3FB3] =	sst s9;
	s0 =	simm.s32 @!p0 $0x0  }
0x12: {  	s1 =	sld [smem:$0x3F99];
	s0 =	simm.s32 @p0 $0x1  }
0x13: {  	[smem:$0x3FB4] =	sst s0;
	s0 =	simm.s32 @!p1 $0x0  }
0x14: {  	s2 =	sld [smem:$0x3F98];
	s0 =	simm.s32 @p1 $0x1  }
0x15: {  	[smem:$0x3FB5] =	sst s0;
	s0 =	simm.s32 @!p2 $0x0  }
0x16: {  	s3 =	sld [smem:$0x3FDB];
	s0 =	simm.s32 @p2 $0x1  }
0x17: {  	s4 =	simm.s32 $0x1BF5;
	[smem:$0x3FB7] =	sst s0  }
0x18: {  	s0 =	sld [smem:$0x3F9A];
	_ =	swait.ge [sflag:s4], $0x0  }
0x19: {  	s7 =	sld [smem:$0x3F9B]  }
0x1a: {  	s8 =	sadd.s32 $0xFFFFE003, lr  }
0x1b: {  	s9 =	sadd.s32 $0xFFFFFEF7, lr;
	s5 =	simm.s32 $0xFFFFFFFF;
	p2 =	slt.u32 s8, $0xFFFFF086  }
0x1c: {  	p1 =	slt.u32 s9, $0xF7A;
	s5 =	simm.s32 @!p2 $0x0  }
0x1d: {  	s5 =	simm.s32 @p1 $0x1;
	p0 =	seq.s32 s7, s2  }
0x1e: {  	s7 =	smul.u32 @!p0 $0xF7A, s2;
	p2 =	seq.s32 @!p0 s5, $0x0  }
0x1f: {  	s9 =	smul.u32 $0xF7A, s1;
	s8 =	simm.s32 @!p0 $0x1BF5;
	p2 =	por !p2, p0  }
0x20: {  	[sflag:s8] =	ssyncset.s32 @!p0 $0xFFFFF086;
	s6 =	sadd.s32 @!p0 s3, s7;
	s7 =	simm.s32 @!p0 $0x108  }
0x21: {  	s3 =	sadd.s32 s3, s9;
	s6 =	sadd.s32 @!p0 $0x88, s6;
	s7 =	simm.s32 @p2 $0x1082  }
0x22: {  	[simem:s7], [sflag:s8] =	dma.local @!p0 [hbm:s6], $0xF7A  }
0x23: {  	s9 =	sor.u32 $0xD0000000, s2;
	s6 =	simm.s32 $0x108;
	_ =	swait.ge @!p0 [sflag:s8], $0x0  }
0x24: {  	s3 =	sadd.s32 $0x88, s3;
	s6 =	simm.s32 @!p1 $0x1082;
	[sflag:s4] =	ssyncset.s32 $0xFFFFF086  }
0x25: {  	[simem:s6], [sflag:s4] =	dma.local [hbm:s3], $0xF7A  }
0x26: {  	[smem:$0x3F9B] =	sst s1;
	(tag) =	ssettag s2;
	_ =	strace s9  }
0x27: {  	s1 =	sld [smem:$0x3FAB]  }
0x28: {  	s2 =	sld [smem:$0x3FAC]  }
0x29: {  	s4 =	sld [smem:$0x3FAE]  }
0x2a: {  	p0 =	seq.s32 s5, $0x0;
	s5 =	sld [smem:$0x3FAF]  }
0x2b: {  	s6 =	sld [smem:$0x3FB0]  }
0x2c: {  	s7 =	sld [smem:$0x3FB1]  }
0x2d: {  	s3 =	simm.s32 $0x108;
	s8 =	sld [smem:$0x3FB2]  }
0x2e: {  	s3 =	simm.s32 @!p0 $0x1082;
	s9 =	sld [smem:$0x3FB3]  }
0x2f: {  	lr =	sadd.s32 s0, s3;
	s0 =	sld [smem:$0x3FAA]  }
0x30: {  	s3 =	sld [smem:$0x3FAD]  }
0x31: {  	[smem:$0x3FB6] =	sst s10  }
0x32: {  	s10 =	sld [smem:$0x3FB4];
	_ =	sdelay $0x3  }
0x33: {  	p0 =	seq.s32 s10, $0x1;
	s10 =	sld [smem:$0x3FB6];
	_ =	sdelay $0x3  }
0x34: {  	[smem:$0x3FB6] =	sst s10  }
0x35: {  	s10 =	sld [smem:$0x3FB5];
	_ =	sdelay $0x3  }
0x36: {  	p1 =	seq.s32 s10, $0x1;
	s10 =	sld [smem:$0x3FB6];
	_ =	sdelay $0x3  }
0x37: {  	[smem:$0x3FB6] =	sst s10  }
0x38: {  	s10 =	sld [smem:$0x3FB7]  }
0x39: {  	_ = 	snop;
	(pc) =	sbr.ind lr, $3  }
0x3a: {  	_ = 	snop  }
0x3b: {  	_ = 	snop  }
0x3c: {  	p2 =	seq.s32 s10, $0x1;
	s10 =	sld [smem:$0x3FB6]  }
0x3d: {  	_ =	shalt  }
0x3e: {  	_ =	shalt  }
0x3f: {  	_ =	shalt  }
0x40: {  	_ =	shalt  }
0x41: {  	_ =	shalt  }
0x42: {  	_ =	shalt  }
0x43: {  	_ =	shalt  }
0x44: {  	_ =	shalt  }
0x45: {  	_ =	shalt  }
0x46: {  	_ =	shalt  }
0x47: {  	_ =	shalt  }
0x48: {  	_ =	shalt  }
0x49: {  	_ =	shalt  }
0x4a: {  	_ =	shalt  }
0x4b: {  	_ =	shalt  }
0x4c: {  	_ =	shalt  }
0x4d: {  	_ =	shalt  }
0x4e: {  	_ =	shalt  }
0x4f: {  	_ =	shalt  }
0x50: {  	_ =	shalt  }
0x51: {  	_ =	shalt  }
0x52: {  	_ =	shalt  }
0x53: {  	_ =	shalt  }
0x54: {  	_ =	shalt  }
0x55: {  	_ =	shalt  }
0x56: {  	_ =	shalt  }
0x57: {  	_ =	shalt  }
0x58: {  	_ =	shalt  }
0x59: {  	_ =	shalt  }
0x5a: {  	_ =	shalt  }
0x5b: {  	_ =	shalt  }
0x5c: {  	_ =	shalt  }
0x5d: {  	_ =	shalt  }
0x5e: {  	_ =	shalt  }
0x5f: {  	_ =	shalt  }
0x60: {  	_ =	shalt  }
0x61: {  	_ =	shalt  }
0x62: {  	_ =	shalt  }
0x63: {  	_ =	shalt  }
0x64: {  	_ =	shalt  }
0x65: {  	_ =	shalt  }
0x66: {  	_ =	shalt  }
0x67: {  	_ =	shalt  }
0x68: {  	_ =	shalt  }
0x69: {  	_ =	shalt  }
0x6a: {  	_ =	shalt  }
0x6b: {  	_ =	shalt  }
0x6c: {  	_ =	shalt  }
0x6d: {  	_ =	shalt  }
0x6e: {  	_ =	shalt  }
0x6f: {  	_ =	shalt  }
0x70: {  	_ =	shalt  }
0x71: {  	_ =	shalt  }
0x72: {  	_ =	shalt  }
0x73: {  	_ =	shalt  }
0x74: {  	_ =	shalt  }
0x75: {  	_ =	shalt  }
0x76: {  	_ =	shalt  }
0x77: {  	_ =	shalt  }
0x78: {  	_ =	shalt  }
0x79: {  	_ =	shalt  }
0x7a: {  	_ =	shalt  }
0x7b: {  	_ =	shalt  }
0x7c: {  	_ =	shalt  }
0x7d: {  	_ =	shalt  }
0x7e: {  	_ =	shalt  }
0x7f: {  	_ =	shalt  }
0x80: {  	_ =	shalt  }
0x81: {  	_ =	shalt  }
0x82: {  	_ =	shalt  }
0x83: {  	_ =	shalt  }
0x84: {  	_ =	shalt  }
0x85: {  	_ =	shalt  }
0x86: {  	_ =	shalt  }
0x87: {  	_ =	shalt  }
.Lfunc_end0:
.L_simem_size_0:
called_computation.2_lowered:
.L_overlay_start_0:
0x88: {  	s2 =	sld [smem:$0x3FD9]  }
0x89: {  	s3 =	sld [smem:$0x3FFE];
	_ =	sdelay $0x1  }
0x8a: {  	s1 =	srdreg.scid  }
0x8b: {  	s0 =	sand.u32 $0x1, s1  }
0x8c: {  	s17 =	sshll.u32 s0, $0xA;
	s2 =	sadd.s32 s3, s2  }
0x8d: {  	s2 =	sadd.s32 s2, s17  }
0x8e: {  	[smem:$0x3FC2] =	sst s2  }
0x8f: {  	_ = 	snop  }
0x90: {  	s2 =	sld [smem:$0x3FD0];
	(tm) =	ssettm $0x1  }
0x91: {  	s18 =	sld [smem:$0x3FFB];
	_ =	sdelay $0x3  }
0x92: {  	_ =	strace s18  }
0x93: {  	s3 =	sld [smem:$0x3FFC];
	_ =	sdelay $0x3  }
0x94: {  	_ =	strace s3  }
0x95: {  	s3 =	sld [smem:$0x3FFD];
	_ =	sdelay $0x3  }
0x96: {  	_ =	strace s3  }
0x97: {  	_ =	strace $0x8FFFFFFF  }
0x98: {  	s19 =	sld [smem:$0x3FDB];
	_ =	sdelay $0x1  }
0x99: {  	s4 =	simm.s32 $_scs_section_size  }
0x9a: {  	s5 =	simm.s32 $_size__tile_overlayer_lowered;
	s6 =	simm.s32 $_tile_overlayer_lowered  }
0x9b: {  	s22 =	simm.s32 $0x1BFF;
	s21 =	sshll.u32 s6, $0x1;
	s3 =	sadd.s32 s4, s19  }
0x9c: {  	s7 =	simm.s32 $0x0;
	s20 =	sshll.u32 s5, $0x1;
	s5 =	sadd.s32 s21, s3  }
0x9d: {  	[timem:s7], [sflag:s22] =	dma.local [hbm:s5], s20  }
0x9e: {  	_ =	swait.ge [sflag:s22], s20  }
0x9f: {  	s4 =	ssub.s32 $0x0, s20;
	[sflag:s22] =	ssyncset.done $0x0  }
0xa0: {  	[sflag:s22] =	ssyncadd.s32 s4;
	_ =	sdelay $0x1  }
0xa1: {  	s23 =	simm.s32 $0x1B8B  }
0xa2: {  	_ =	swait.ge [sflag:s23], $0x1  }
0xa3: {  	[sflag:s23] =	ssyncset.done $0x0  }
0xa4: {  	s25 =	simm.s32 $0x1B8E;
	s24 =	sld [smem:$0x3FFE];
	[sflag:s23] =	ssyncadd.s32 $0xFFFFFFFF  }
0xa5: {  	s26 =	simm.s32 $execute0_lowered;
	[smem:$0x3FD2] =	sst s25  }
0xa6: {  	s5 =	sshll.u32 s26, $0x1;
	_ =	strace $0x8000004C;
	[dreg:$0x1] =	wrdreg $0xFFFFFFFF  }
0xa7: {  	s28 =	simm.s32 $_size_execute0_lowered;
	s3 =	sadd.s32 s3, s5;
	[dreg:$0x0] =	wrdreg $0x0  }
0xa8: {  	s5 =	sshll.u32 s28, $0x1;
	[dreg:$0x2] =	wrdreg s3  }
0xa9: {  	[dreg:$0x3] =	wrdreg s5  }
0xaa: {  	[dreg:$0x4] =	wrdreg $0xC0  }
0xab: {  	_ =	task [dreg:s7], $0x5FFFF  }
0xac: {  	[dreg:$0x1] =	wrdreg $0xFFFFFFFF  }
0xad: {  	[dreg:$0x0] =	wrdreg $0x60  }
0xae: {  	[dreg:$0x2] =	wrdreg s24  }
0xaf: {  	[dreg:$0x3] =	wrdreg s2  }
0xb0: {  	[dreg:$0x4] =	wrdreg $0x99000  }
0xb1: {  	[dreg:$0x5] =	wrdreg $0x111000  }
0xb2: {  	[dreg:$0x6] =	wrdreg $0x9  }
0xb3: {  	_ =	task.clear_ibuf [dreg:s7], $0x7FFFF;
	_ =	strace $0x9000004C  }
0xb4: {  	s29 =	simm.s32 $0x9;
	_ =	strace $0x8000004E  }
0xb5: {  	_ =	swait.ge [sflag:s29], $0x1  }
0xb6: {  	[sflag:s29] =	ssyncadd.s32 $0xFFFFFFFF  }
0xb7: {  	_ =	strace $0x9000004E  }
0xb8: {  	_ =	sfence  }
0xb9: {  	s30 =	sld [smem:$0x0];
	_ =	sdelay $0x2  }
0xba: {  	s31 =	sshll.u32 s1, $0xD;
	s1 =	sshrl.u32 s1, $0x2  }
0xbb: {  	s3 =	sand.u32 $0x4000, s31;
	s1 =	sadd.s32 s1, s30  }
0xbc: {  	s0 =	sor.u32 s3, s0;
	s1 =	sshll.u32 s1, $0x11  }
0xbd: {  	s0 =	sor.u32 s1, s0  }
0xbe: {  	s0 =	sadd.s32 $0x8F2B, s0  }
0xbf: {  	[sflag:s0] =	ssyncadd.remote.s32 $0x1  }
0xc0: {  	_ =	sfence.sel $0xFFFF  }
0xc1: {  	[dreg:$0x0] =	wrdreg $0xFFFFFFFF;
	(pc) =	sbr.abs _section_cstart, $3  }
0xc2: {  	[dreg:$0x1] =	wrdreg $0xFFFFFFFF  }
0xc3: {  	_ =	task.clear_ibuf [dreg:s7], $0x2FFFF;
	_ =	strace $0x9FFFFFFF  }
0xc4: {  	(tm) =	ssettm $0x7FFFFFFF  }
0xc5: {  	_ =	shalt  }
tec
execute0_lowered:
.L_overlay_start_1:
0x0: {  	(tag) =	ssettag $0x1  }
0x1: {  	s0 =	rddreg [dreg:$0x0]  }
0x2: {  	s3 =	rddreg [dreg:$0x2]  }
0x3: {  	s4 =	rddreg [dreg:$0x3];
	s12 =	stileid.u32;
	s5 =	simm.s32 $0x0  }
0x4: {  	s2 =	srdreg.scid;
	s16 =	simm.s32 $0x80;
	s17 =	simm.s32 $0x5100  }
0x5: {  	s18 =	simm.s32 $0x6900;
	s19 =	simm.s32 $0x1;
	s21 =	simm.s32 $0x8100  }
0x6: {  	s22 =	simm.s32 $0x2;
	s24 =	simm.s32 $0x4;
	s29 =	simm.s32 $0x5  }
0x7: {  	s23 =	simm.s32 $0x0;
	s1 =	smul.u32 $0x7530, s12;
	s2 =	sand.u32 $0x1, s2  }
0x8: {  	s6 =	sshll.u32 s12, $0x1;
	s8 =	smul.u32 $0x7800, s12;
	[smem:$0x7FF] =	sst s5  }
0x9: {  	s31 =	sshll.u32 s12, $0x6;
	s6 =	sor.u32 s2, s6;
	s7 =	smul.u32 $0x78000, s2  }
0xa: {  	_ =	strace $0x8000004D;
	s2 =	ssub.s32 $0x2, s2;
	s13 =	sor.u32 $0x1C07, s31  }
0xb: {  	s9 =	sshrl.u32 s1, $0x3;
	s6 =	smul.u32 $0x2880, s6;
	s10 =	sshrl.u32 s2, $0x1  }
0xc: {  	s14 =	sadd.s32 s8, s3;
	s1 =	sadd.s32 s1, s4;
	s9 =	sadd.s32 s9, s0  }
0xd: {  	s7 =	sadd.s32 s8, s7;
	s2 =	ssub.s32 s2, s10;
	s14 =	sshrl.u32 s14, $0x3  }
0xe: {  	s15 =	sshrl.u32 s1, $0x3;
	s6 =	sshrl.u32 s6, $0x3;
	s28 =	sadd.s32 $0x66A00, s9  }
0xf: {  	s30 =	smax.u32 s2, $0x1;
	s11 =	sadd.s32 s6, s0;
	[dreg:$0x7] =	wrdreg s28  }
0x10: {  	s7 =	sshrl.u32 s7, $0x3;
	[dreg:$0x9] =	wrdreg s30;
	s6 =	sadd.s32 $0x2600, s11  }
0x11: {  	s0 =	sadd.s32 s7, s0;
	s26 =	sadd.s32 $0xC800, s11;
	[dreg:$0x5] =	wrdreg s6  }
0x12: {  	s0 =	sadd.s32 $0x75600, s0;
	s11 =	simm.s32 $0x7;
	[dreg:$0x6] =	wrdreg s26  }
0x13: {  	[dreg:$0x8] =	wrdreg s0;
	s26 =	simm.s32 $0x3;
	s0 =	simm.s32 $0x6  }
.LBB2_1:
0x14: {  	s1 =	rddreg [dreg:$0x5]  }
0x15: {  	[tilespmem:s5], [sflag:$0x7] =	stream.linear.gather [hbm4b:s1+s5], $0x2880, $0x38;
	[tilespmem:$0x18630] =	vst v63  }
0x16: {  	_ =	swait.ge [sflag:s11], $0x2880  }
0x17: {  	[sflag:s11] =	ssyncset.done $0x0  }
0x18: {  	s2 =	simm.s32 $0x2880;
	s20 =	rddreg [dreg:$0x6];
	[sflag:s11] =	ssyncadd.s32 $0xFFFFD780  }
0x19: {  	[tilespmem:s2], [sflag:$0x7] =	stream.linear.gather [hbm4b:s20+s5], $0x2880, $0x38;
	[tilespmem:$0x18630] =	vst v63  }
0x1a: {  	_ =	swait.ge [sflag:s11], $0x2880  }
0x1b: {  	[sflag:s11] =	ssyncset.done $0x0  }
0x1c: {  	[sflag:s11] =	ssyncadd.s32 $0xFFFFD780  }
0x1d: {  	s25 =	rddreg [dreg:$0x1]  }
0x1e: {  	[spmem:s14], [sflag:s13] =	dma.local [hbm:s25], $0xF00  }
0x1f: {  	_ =	swait.ge [sflag:s11], $0xF00  }
0x20: {  	[sflag:s11] =	ssyncset.done $0x0  }
0x21: {  	s6 =	rddreg [dreg:$0x7];
	[sflag:s11] =	ssyncadd.s32 $0xFFFFF100  }
0x22: {  	[spmem:s15], [sflag:s13] =	dma.local [hbm:s6], $0xEA6  }
0x23: {  	_ =	swait.ge [sflag:s11], $0xEA6  }
0x24: {  	[sflag:s11] =	ssyncset.done $0x0  }
0x25: {  	[sflag:s11] =	ssyncadd.s32 $0xFFFFF15A  }
0x26: {  	[bflag:$0x0] =	sbarrier.arrive $0xFFFF  }
0x27: {  	[tilespmem:s17], [sflag:$0x1] =	stream.indirect.gather [spmem:s4], $0x30, s5, s16, $0xb8;
	[tilespmem:$0x18630] =	vst v63  }
0x28: {  	_ = 	snop  }
0x29: {  	[tilespmem:s18], [sflag:$0x2] =	stream.indirect.gather [spmem:s4], $0x30, s16, s16, $0xb8;
	[tilespmem:$0x18630] =	vst v63  }
0x2a: {  	_ =	swait.ge [sflag:s19], $0x1800  }
0x2b: {  	[sflag:s19] =	ssyncset.done $0x0  }
0x2c: {  	s10 =	smul.u32 $0x3, s5;
	[sflag:s19] =	ssyncadd.s32 $0xFFFFE800  }
0x2d: {  	[spmem:s3] =	stream.indirect.scatter.add.f32 [tilespmem:s17], [sflag:$0x4], $0x30, s2, s16, $0xb8;
	[tilespmem:$0x18630] =	vst v63  }
0x2e: {  	s7 =	simm.s32 $0x100;
	s1 =	sadd.s32 $0x2, s10  }
0x2f: {  	[tilespmem:s21], [sflag:$0x3] =	stream.indirect.gather [spmem:s4], $0x30, s7, s16, $0xb8;
	[tilespmem:$0x18630] =	vst v63  }
0x30: {  	s28 =	sand.u32 $0xFF, s1;
	s20 =	sadd.s32 $0x1, s10;
	_ =	swait.ge [sflag:s22], $0x1800  }
0x31: {  	s28 =	smul.u32 $0xAB, s28;
	s25 =	sand.u32 $0xFF, s20;
	[sflag:s22] =	ssyncset.done $0x0  }
0x32: {  	s8 =	simm.s32 $0x2900;
	s25 =	smul.u32 $0xAB, s25;
	[sflag:s22] =	ssyncadd.s32 $0xFFFFE800  }
0x33: {  	[spmem:s3] =	stream.indirect.scatter.add.f32 [tilespmem:s18], [sflag:$0x5], $0x30, s8, s16, $0xb8;
	[tilespmem:$0x18630] =	vst v63  }
0x34: {  	s9 =	simm.s32 $0x180;
	s28 =	sshrl.u32 s28, $0x9;
	_ =	swait.ge [sflag:s24], $0x1800  }
0x35: {  	s28 =	smul.u32 $0x3, s28;
	s25 =	sshrl.u32 s25, $0x9;
	[sflag:s24] =	ssyncset.done $0x0  }
0x36: {  	s12 =	simm.s32 $0x2980;
	s25 =	smul.u32 $0x3, s25;
	[sflag:s24] =	ssyncadd.s32 $0xFFFFE800  }
0x37: {  	[tilespmem:s17], [sflag:$0x1] =	stream.indirect.gather [spmem:s4], $0x30, s9, s16, $0xb8;
	[tilespmem:$0x18630] =	vst v63  }
0x38: {  	s30 =	simm.s32 $0x600;
	s2 =	ssub.s32 s20, s25;
	_ =	swait.ge [sflag:s26], $0x1800  }
0x39: {  	s1 =	ssub.s32 s1, s28;
	s2 =	sor.u32 $0x4, s2;
	[sflag:s26] =	ssyncset.done $0x0  }
0x3a: {  	s28 =	simm.s32 $0x1;
	s2 =	sand.u32 $0xFF, s2;
	[sflag:s26] =	ssyncadd.s32 $0xFFFFE800  }
0x3b: {  	[spmem:s3] =	stream.indirect.scatter.add.f32 [tilespmem:s21], [sflag:$0x6], $0x30, s12, s16, $0xb8;
	[tilespmem:$0x18630] =	vst v63  }
0x3c: {  	s31 =	sor.u32 $0x4, s1;
	s25 =	simm.s32 $0x0;
	_ =	swait.ge [sflag:s2], $0x1800  }
.LBB2_2:
0x3d: {  	[sflag:s2] =	ssyncset.done $0x0  }
0x3e: {  	s20 =	sshra.s32 s25, $0x2;
	s25 =	smov.u32 s30;
	s1 =	sadd.s32 $0x600, s30  }
0x3f: {  	s6 =	smul.u32 $0x3, s28;
	[sflag:s2] =	ssyncadd.s32 $0xFFFFE800;
	s2 =	sadd.s32 $0x200, s20  }
0x40: {  	[tilespmem:s18], [sflag:$0x2] =	stream.indirect.gather [spmem:s4], $0x30, s2, s16, $0xb8;
	[tilespmem:$0x18630] =	vst v63  }
0x41: {  	s2 =	sadd.s32 $0x1, s6;
	s6 =	sadd.s32 $0x2, s6;
	_ =	swait.ge [sflag:s19], $0x1800  }
0x42: {  	s8 =	sadd.s32 $0x2A00, s20;
	s7 =	sand.u32 $0xFF, s6;
	[sflag:s19] =	ssyncset.done $0x0  }
0x43: {  	s9 =	sand.u32 $0xFF, s2;
	s7 =	smul.u32 $0xAB, s7;
	[sflag:s19] =	ssyncadd.s32 $0xFFFFE800  }
0x44: {  	s31 =	sand.u32 $0xFF, s31;
	s12 =	sadd.s32 $0x300, s20;
	s9 =	smul.u32 $0xAB, s9  }
0x45: {  	[spmem:s3] =	stream.indirect.scatter.add.f32 [tilespmem:s17], [sflag:$0x4], $0x30, s8, s16, $0xb8;
	[tilespmem:$0x18630] =	vst v63  }
0x46: {  	s7 =	sshrl.u32 s7, $0x9;
	s8 =	sshrl.u32 s9, $0x9;
	_ =	swait.ge [sflag:s31], $0x1800  }
0x47: {  	s7 =	smul.u32 $0x3, s7;
	s9 =	sadd.s32 $0x280, s20;
	[sflag:s31] =	ssyncset.done $0x0  }
0x48: {  	s10 =	sadd.s32 $0x2B00, s20;
	s8 =	smul.u32 $0x3, s8;
	[sflag:s31] =	ssyncadd.s32 $0xFFFFE800  }
0x49: {  	[tilespmem:s21], [sflag:$0x3] =	stream.indirect.gather [spmem:s4], $0x30, s9, s16, $0xb8;
	[tilespmem:$0x18630] =	vst v63  }
0x4a: {  	s6 =	ssub.s32 s6, s7;
	s2 =	ssub.s32 s2, s8;
	_ =	swait.ge [sflag:s22], $0x1800  }
0x4b: {  	s31 =	sor.u32 $0x4, s6;
	s2 =	sor.u32 $0x4, s2;
	[sflag:s22] =	ssyncset.done $0x0  }
0x4c: {  	p0 =	sne.s32 s30, $0x9000;
	s6 =	sadd.s32 $0x2A80, s20;
	[sflag:s22] =	ssyncadd.s32 $0xFFFFE800  }
0x4d: {  	[spmem:s3] =	stream.indirect.scatter.add.f32 [tilespmem:s18], [sflag:$0x5], $0x30, s6, s16, $0xb8;
	[tilespmem:$0x18630] =	vst v63  }
0x4e: {  	_ =	swait.ge [sflag:s24], $0x1800  }
0x4f: {  	[sflag:s24] =	ssyncset.done $0x0  }
0x50: {  	[sflag:s24] =	ssyncadd.s32 $0xFFFFE800  }
0x51: {  	[tilespmem:s17], [sflag:$0x1] =	stream.indirect.gather [spmem:s4], $0x30, s12, s16, $0xb8;
	[tilespmem:$0x18630] =	vst v63  }
.Ltmp0:
0x52: {  	_ =	swait.ge [sflag:s26], $0x1800;
	(pc) =	sbr.rel @p0 .LBB2_2-.Ltmp0, $4  }
0x53: {  	[sflag:s26] =	ssyncset.done $0x0  }
0x54: {  	s2 =	sand.u32 $0xFF, s2;
	[sflag:s26] =	ssyncadd.s32 $0xFFFFE800  }
0x55: {  	[spmem:s3] =	stream.indirect.scatter.add.f32 [tilespmem:s21], [sflag:$0x6], $0x30, s10, s16, $0xb8;
	[tilespmem:$0x18630] =	vst v63  }
0x56: {  	s28 =	sadd.s32 $0x1, s28;
	s30 =	smov.u32 s1;
	_ =	swait.ge [sflag:s2], $0x1800  }
0x57: {  	[sflag:s2] =	ssyncset.done $0x0;
	s1 =	sshra.s32 s25, $0x2  }
0x58: {  	[sflag:s2] =	ssyncadd.s32 $0xFFFFE800;
	s28 =	sadd.s32 $0x200, s1  }
0x59: {  	[tilespmem:s18], [sflag:$0x2] =	stream.indirect.gather [spmem:s4], $0x30, s28, s16, $0xb8;
	[tilespmem:$0x18630] =	vst v63  }
0x5a: {  	_ =	swait.ge [sflag:s19], $0x1800  }
0x5b: {  	[sflag:s19] =	ssyncset.done $0x0  }
0x5c: {  	s6 =	sand.u32 $0xFF, s31;
	s30 =	sadd.s32 $0x2A00, s1;
	[sflag:s19] =	ssyncadd.s32 $0xFFFFE800  }
0x5d: {  	[spmem:s3] =	stream.indirect.scatter.add.f32 [tilespmem:s17], [sflag:$0x4], $0x30, s30, s16, $0xb8;
	[tilespmem:$0x18630] =	vst v63  }
0x5e: {  	_ =	swait.ge [sflag:s6], $0x1800  }
0x5f: {  	[sflag:s6] =	ssyncset.done $0x0  }
0x60: {  	s7 =	sadd.s32 $0x280, s1;
	[sflag:s6] =	ssyncadd.s32 $0xFFFFE800  }
0x61: {  	[tilespmem:s21], [sflag:$0x3] =	stream.indirect.gather [spmem:s4], $0x30, s7, s16, $0xb8;
	[tilespmem:$0x18630] =	vst v63  }
0x62: {  	_ =	swait.ge [sflag:s22], $0x1800  }
0x63: {  	[sflag:s22] =	ssyncset.done $0x0  }
0x64: {  	s8 =	sadd.s32 $0x2A80, s1;
	[sflag:s22] =	ssyncadd.s32 $0xFFFFE800  }
0x65: {  	[spmem:s3] =	stream.indirect.scatter.add.f32 [tilespmem:s18], [sflag:$0x5], $0x30, s8, s16, $0xb8;
	[tilespmem:$0x18630] =	vst v63  }
0x66: {  	_ =	swait.ge [sflag:s24], $0x1800  }
0x67: {  	[sflag:s24] =	ssyncset.done $0x0  }
0x68: {  	s9 =	sadd.s32 $0x300, s1;
	[sflag:s24] =	ssyncadd.s32 $0xFFFFE800  }
0x69: {  	[tilespmem:s17], [sflag:$0x1] =	stream.indirect.gather [spmem:s4], $0x30, s9, s16, $0xb8;
	[tilespmem:$0x18630] =	vst v63  }
0x6a: {  	_ =	swait.ge [sflag:s26], $0x1800  }
0x6b: {  	[sflag:s26] =	ssyncset.done $0x0  }
0x6c: {  	s1 =	sadd.s32 $0x2B00, s1;
	[sflag:s26] =	ssyncadd.s32 $0xFFFFE800  }
0x6d: {  	[spmem:s3] =	stream.indirect.scatter.add.f32 [tilespmem:s21], [sflag:$0x6], $0x30, s1, s16, $0xb8;
	[tilespmem:$0x18630] =	vst v63  }
0x6e: {  	_ =	swait.ge [sflag:s29], $0x1800  }
0x6f: {  	[sflag:s29] =	ssyncset.done $0x0  }
0x70: {  	s10 =	simm.s32 $0x2780;
	[sflag:s29] =	ssyncadd.s32 $0xFFFFE800  }
0x71: {  	[tilespmem:s18], [sflag:$0x2] =	stream.indirect.gather [spmem:s4], $0x30, s10, s16, $0xb8;
	[tilespmem:$0x18630] =	vst v63  }
0x72: {  	_ =	swait.ge [sflag:s19], $0x1800  }
0x73: {  	[sflag:s19] =	ssyncset.done $0x0  }
0x74: {  	s12 =	simm.s32 $0x4F80;
	[sflag:s19] =	ssyncadd.s32 $0xFFFFE800  }
0x75: {  	[spmem:s3] =	stream.indirect.scatter.add.f32 [tilespmem:s17], [sflag:$0x4], $0x30, s12, s16, $0xb8;
	[tilespmem:$0x18630] =	vst v63  }
0x76: {  	_ =	swait.ge [sflag:s0], $0x1800  }
0x77: {  	[sflag:s0] =	ssyncset.done $0x0  }
0x78: {  	s20 =	simm.s32 $0x2800;
	[sflag:s0] =	ssyncadd.s32 $0xFFFFE800  }
0x79: {  	[tilespmem:s21], [sflag:$0x3] =	stream.indirect.gather [spmem:s4], $0x30, s20, s16, $0xb8;
	[tilespmem:$0x18630] =	vst v63  }
0x7a: {  	_ =	swait.ge [sflag:s22], $0x1800  }
0x7b: {  	[sflag:s22] =	ssyncset.done $0x0  }
0x7c: {  	s25 =	simm.s32 $0x5000;
	[sflag:s22] =	ssyncadd.s32 $0xFFFFE800  }
0x7d: {  	[spmem:s3] =	stream.indirect.scatter.add.f32 [tilespmem:s18], [sflag:$0x5], $0x30, s25, s16, $0xb8;
	[tilespmem:$0x18630] =	vst v63  }
0x7e: {  	_ =	swait.ge [sflag:s24], $0x1800  }
0x7f: {  	[sflag:s24] =	ssyncset.done $0x0  }
0x80: {  	[sflag:s24] =	ssyncadd.s32 $0xFFFFE800  }
0x81: {  	_ =	swait.ge [sflag:s26], $0x1800  }
0x82: {  	[sflag:s26] =	ssyncset.done $0x0  }
0x83: {  	s28 =	simm.s32 $0x5080;
	[sflag:s26] =	ssyncadd.s32 $0xFFFFE800  }
0x84: {  	[spmem:s3] =	stream.indirect.scatter.add.f32 [tilespmem:s21], [sflag:$0x6], $0x30, s28, s16, $0xb8;
	[tilespmem:$0x18630] =	vst v63  }
0x85: {  	_ =	swait.ge [sflag:s29], $0x1800  }
0x86: {  	[sflag:s29] =	ssyncset.done $0x0  }
0x87: {  	[sflag:s29] =	ssyncadd.s32 $0xFFFFE800  }
0x88: {  	_ =	swait.ge [sflag:s0], $0x1800  }
0x89: {  	[sflag:s0] =	ssyncset.done $0x0  }
0x8a: {  	[sflag:s0] =	ssyncadd.s32 $0xFFFFE800  }
0x8b: {  	[bflag:$0x0] =	sbarrier.arrive $0xFFFF  }
0x8c: {  	s30 =	rddreg [dreg:$0x8]  }
0x8d: {  	[hbm:s30], [sflag:s13] =	dma.local [spmem:s14], $0xF00  }
0x8e: {  	_ =	swait.ge [sflag:s11], $0xF00  }
0x8f: {  	s23 =	sadd.s32 $0x1, s23;
	s31 =	rddreg [dreg:$0x9]  }
0x90: {  	p0 =	sne.s32 s23, s31  }
.Ltmp1:
0x91: {  	_ = 	snop;
	(pc) =	sbr.rel @p0 .LBB2_1-.Ltmp1, $3  }
0x92: {  	_ =	sdelay $0x1  }
0x93: {  	[sflag:s11] =	ssyncset.done $0x0  }
0x94: {  	[sflag:s11] =	ssyncadd.s32 $0xFFFFF100  }
0x95: {  	_ =	sfence.sel $0x180000  }
0x96: {  	[bflag:$0x0] =	sbarrier.arrive $0xFFFF  }
0x97: {  	_ =	strace $0x9000004D  }
0x98: {  	s0 =	stileid.u32;
	[bflag:$0x2] =	sbarrier.arrive $0xFFFF  }
0x99: {  	p0 =	sne.s32 s0, $0x0;
	s0 =	rddreg [dreg:$0x4]  }
0x9a: {  	s0 =	sadd.s32 @!p0 $0x100000, s0  }
0x9b: {  	[sflag:s0] =	ssyncadd.tile.s32 @!p0 $0x1;
	_ =	shalt  }
.Lfunc_end2:
_tile_overlayer_lowered:
.L_overlay_start_2:
0x9c: {  	(tag) =	ssettag $0x2  }
0x9d: {  	s0 =	rddreg [dreg:$0x0];
	s2 =	stileid.u32  }
0x9e: {  	s1 =	rddreg [dreg:$0x1];
	p0 =	sne.s32 s2, $0x0  }
0x9f: {  	s3 =	rddreg [dreg:$0x2];
	[bflag:$0x3] =	sbarrier.arrive $0xFFFF;
	s2 =	simm.s32 @!p0 $0x1C07  }
0xa0: {  	[timem:s3], [sflag:s2] =	dma.local @!p0 [hbm:s0], s1  }
0xa1: {  	s0 =	simm.s32 @!p0 $0x7  }
0xa2: {  	_ =	swait.ge @!p0 [sflag:s0], s1  }
0xa3: {  	s1 =	ssub.s32 @!p0 $0x0, s1;
	[sflag:s0] =	ssyncset.done @!p0 $0x0  }
0xa4: {  	[sflag:s0] =	ssyncadd.s32 @!p0 s1  }
0xa5: {  	[bflag:$0x3] =	sbarrier.arrive $0xFFFF  }
0xa6: {  	_ =	shalt  }

</sc_bundles>
